<compile_context>
chip_gen: v7x
topology: tpu7x:2x2x1
jax: 0.10.2.dev20260603
libtpu: 0.0.44.dev20260713+nightly
codegen_flags: <defaults>
</compile_context>

<pallas_src>
import functools

import jax
import jax.numpy as jnp
import numpy as np
from jax import lax
from jax.experimental import pallas as pl
from jax.experimental.pallas import tpu as pltpu
from jax.experimental.pallas import tpu_sc as plsc

N = 10000
E = 320000
C = 128
NC = 2
NS = 16
L = 16

CH = 128
NCH = 80
NBLK = 16
NB = NCH // NBLK
EPW = CH * NCH
NCHT = NCH * NC * NS
EPAD = CH * NCHT
DEG_NCH = 2 * NCH
DEG_NB = DEG_NCH // NBLK

ROWS_PT = N // NS
DSL = 632


def _rsqrt_newton(x):
    i = lax.bitcast_convert_type(x, jnp.int32)
    i = jnp.int32(0x5F3759DF) - lax.shift_right_arithmetic(i, jnp.int32(1))
    y = lax.bitcast_convert_type(i, jnp.float32)
    for _ in range(3):
        y = y * (1.5 - 0.5 * x * y * y)
    return y


def _sc_spmm(xm, rowp, colp, ewp):
    mesh = plsc.VectorSubcoreMesh(
        core_axis_name="c", subcore_axis_name="s", num_cores=NC,
        num_subcores=NS)

    @functools.partial(
        pl.kernel,
        out_type=jax.ShapeDtypeStruct((NC, N, C), jnp.float32),
        mesh=mesh,
        compiler_params=pltpu.CompilerParams(needs_layout_passes=False),
        scratch_types=[
            pltpu.VMEM_SHARED((N,), jnp.float32),
            pltpu.VMEM_SHARED((N, C), jnp.float32),
            pltpu.VMEM((N,), jnp.float32),
            pltpu.VMEM((NBLK, CH), jnp.int32),
            pltpu.VMEM((NBLK, CH), jnp.int32),
            pltpu.VMEM((NBLK, CH), jnp.float32),
            pltpu.VMEM((CH, C), jnp.float32),
            pltpu.VMEM((CH, C), jnp.float32),
            pltpu.VMEM((CH,), jnp.float32),
            pltpu.VMEM((640,), jnp.float32),
            pltpu.SemaphoreType.DMA,
            pltpu.SemaphoreType.DMA,
            pltpu.SemaphoreType.DMA,
            pltpu.SemaphoreType.DMA,
        ],
    )
    def k(x_hbm, row_hbm, col_hbm, ew_hbm, m_out,
          deg_sp, m_sp, dinv_v, rowm_v, colm_v, cm_v, buf0_v, buf1_v,
          cc_v, zz_v, semA0, semA1, semS0, semS1):
        cid = lax.axis_index("c")
        sid = lax.axis_index("s")
        wid = sid * NC + cid
        zero16 = jnp.zeros((L,), jnp.float32)

        for t in range(640 // L):
            zz_v[pl.ds(t * L, L)] = zero16

        def _zrow(i, _):
            for j in range(C // L):
                buf0_v[i, pl.ds(j * L, L)] = zero16
            return 0
        lax.fori_loop(0, CH, _zrow, 0)

        base_r = sid * DSL

        @pl.when(sid < NS - 1)
        def _zero_main():
            pltpu.sync_copy(zz_v.at[pl.ds(0, DSL)],
                            deg_sp.at[pl.ds(base_r, DSL)])
            for t in range(4):
                pltpu.sync_copy(buf0_v, m_sp.at[pl.ds(base_r + t * CH, CH)])
            pltpu.sync_copy(buf0_v.at[pl.ds(0, DSL - 4 * CH)],
                            m_sp.at[pl.ds(base_r + 4 * CH, DSL - 4 * CH)])

        @pl.when(sid == NS - 1)
        def _zero_last():
            rem = N - (NS - 1) * DSL
            pltpu.sync_copy(zz_v.at[pl.ds(0, rem)],
                            deg_sp.at[pl.ds(base_r, rem)])
            for t in range(4):
                pltpu.sync_copy(buf0_v, m_sp.at[pl.ds(base_r + t * CH, CH)])
            pltpu.sync_copy(buf0_v.at[pl.ds(0, rem - 4 * CH)],
                            m_sp.at[pl.ds(base_r + 4 * CH, rem - 4 * CH)])

        plsc.subcore_barrier()

        HB = NBLK // 2
        dchunk0 = sid * DEG_NCH
        NHB = DEG_NCH // HB

        def _dload(b, half, sem):
            bc0 = dchunk0 + b * HB
            hr = pltpu.async_copy(row_hbm.at[pl.ds(bc0, HB)],
                                  rowm_v.at[pl.ds(half * HB, HB)], sem)
            he = pltpu.async_copy(ew_hbm.at[pl.ds(bc0, HB)],
                                  cm_v.at[pl.ds(half * HB, HB)], sem)
            return hr, he

        def _dscatter(half, sem):
            hs = []
            for g in range(HB):
                hs.append(pltpu.async_copy(
                    cm_v.at[half * HB + g],
                    deg_sp.at[rowm_v.at[half * HB + g]], sem, add=True))
            for h in hs:
                h.wait()

        pr, pe = _dload(0, 0, semA0)
        pr.wait()
        pe.wait()

        def _degpair(p, _):
            b1 = 2 * p + 1
            r1, e1 = _dload(b1, 1, semA1)
            _dscatter(0, semS0)
            r1.wait()
            e1.wait()
            bn = jnp.minimum(2 * p + 2, NHB - 1)
            r0, e0 = _dload(bn, 0, semA0)
            _dscatter(1, semS1)
            r0.wait()
            e0.wait()
            return 0
        lax.fori_loop(0, NHB // 2, _degpair, 0)
        plsc.subcore_barrier()

        pltpu.sync_copy(deg_sp, dinv_v)

        def _dinv(t, _):
            d = dinv_v[pl.ds(t * L, L)]
            y = _rsqrt_newton(d)
            dinv_v[pl.ds(t * L, L)] = jnp.where(d > 0.0, y, 0.0)
            return 0
        lax.fori_loop(0, N // L, _dinv, 0)

        def _scale(buf, g):
            for j in range(CH // L):
                sl = pl.ds(j * L, L)
                cc_v[sl] = cm_v[g, sl]

            def _rows(i8, _):
                for u in range(8):
                    i = i8 * 8 + u
                    cv = plsc.load_gather(
                        cc_v, [jnp.full((L,), i, jnp.int32)])
                    for j in range(C // L):
                        sl = pl.ds(j * L, L)
                        buf[i, sl] = buf[i, sl] * cv
                return 0
            lax.fori_loop(0, CH // 8, _rows, 0)

        wc0 = wid * NCH

        def _blk(b, _):
            bc0 = wc0 + b * NBLK
            pltpu.sync_copy(row_hbm.at[pl.ds(bc0, NBLK)], rowm_v)
            pltpu.sync_copy(col_hbm.at[pl.ds(bc0, NBLK)], colm_v)
            pltpu.sync_copy(ew_hbm.at[pl.ds(bc0, NBLK)], cm_v)

            def _coef(g, _):
                for j in range(CH // L):
                    sl = pl.ds(j * L, L)
                    dr = plsc.load_gather(dinv_v, [rowm_v[g, sl]])
                    dc = plsc.load_gather(dinv_v, [colm_v[g, sl]])
                    cm_v[g, sl] = jnp.float32(-2.0) * dr * cm_v[g, sl] * dc
                return 0
            lax.fori_loop(0, NBLK, _coef, 0)

            h0 = pltpu.async_copy(x_hbm.at[colm_v.at[0]], buf0_v, semA0)
            h0.wait()

            def _pair(h, _):
                c0 = 2 * h
                c1 = 2 * h + 1
                a1 = pltpu.async_copy(x_hbm.at[colm_v.at[c1]], buf1_v,
                                      semA1)
                _scale(buf0_v, c0)
                s0 = pltpu.async_copy(buf0_v, m_sp.at[rowm_v.at[c0]],
                                      semS0, add=True)
                a1.wait()
                _scale(buf1_v, c1)
                s0.wait()
                cn = jnp.minimum(c1 + 1, NBLK - 1)
                a0 = pltpu.async_copy(x_hbm.at[colm_v.at[cn]], buf0_v,
                                      semA0)
                s1 = pltpu.async_copy(buf1_v, m_sp.at[rowm_v.at[c1]],
                                      semS1, add=True)
                a0.wait()
                s1.wait()
                return 0
            lax.fori_loop(0, NBLK // 2, _pair, 0)
            return 0
        lax.fori_loop(0, NB, _blk, 0)
        plsc.subcore_barrier()

        @pl.when(sid < NS - 1)
        def _out_main():
            pltpu.sync_copy(m_sp.at[pl.ds(base_r, DSL)],
                            m_out.at[cid, pl.ds(base_r, DSL)])

        @pl.when(sid == NS - 1)
        def _out_last():
            rem = N - (NS - 1) * DSL
            pltpu.sync_copy(m_sp.at[pl.ds(base_r, rem)],
                            m_out.at[cid, pl.ds(base_r, rem)])

    return k(xm, rowp, colp, ewp)


def _tc_combine_kernel(x_ref, m_ref, w_ref, b_ref, o_ref):
    wb = w_ref[1] + 2.0 * w_ref[2] + w_ref[3]
    wa = w_ref[0] - w_ref[2] - 0.1 * wb
    m = m_ref[0] + m_ref[1]
    o_ref[...] = (
        jnp.dot(x_ref[...], wa, preferred_element_type=jnp.float32)
        + jnp.dot(m, wb, preferred_element_type=jnp.float32)
        + b_ref[...])


def _tc_combine(xm, mparts, weight, bias):
    R = 2000
    return pl.pallas_call(
        _tc_combine_kernel,
        grid=(N // R,),
        in_specs=[
            pl.BlockSpec((R, C), lambda i: (i, 0)),
            pl.BlockSpec((NC, R, C), lambda i: (0, i, 0)),
            pl.BlockSpec((4, C, C), lambda i: (0, 0, 0)),
            pl.BlockSpec((1, C), lambda i: (0, 0)),
        ],
        out_specs=pl.BlockSpec((R, C), lambda i: (i, 0)),
        out_shape=jax.ShapeDtypeStruct((N, C), jnp.float32),
    )(xm, mparts, weight, bias)


_PAD_IDX = np.arange(EPAD - E, dtype=np.int32) % N


def kernel(x, edge_index, edge_weight, weight, bias):
    xm = x.reshape(N, C)
    row = edge_index[0].astype(jnp.int32)
    col = edge_index[1].astype(jnp.int32)
    ew = edge_weight.astype(jnp.float32)
    rowp = jnp.concatenate([row, _PAD_IDX]).reshape(NCHT, CH)
    colp = jnp.concatenate([col, _PAD_IDX]).reshape(NCHT, CH)
    ewp = jnp.concatenate(
        [ew, jnp.zeros((EPAD - E,), jnp.float32)]).reshape(NCHT, CH)
    mparts = _sc_spmm(xm, rowp, colp, ewp)
    out = _tc_combine(xm, mparts, weight, bias.reshape(1, C))
    return out.reshape(1, N, C)

# --- scband reference (transcript-rebuilt; emitter-appended) ---
"""Pipeline reference for scband-cheb-conv-11046655885865 (READ-ONLY COPY).

The authoritative reference and input builder live on the scoring server;
editing this copy changes nothing except your own understanding.
"""

import jax, jax.numpy as jnp
import numpy as np

N_NODES = 10000
N_EDGES = 320000
IN_CH = 128
OUT_CH = 128
K_INIT = 3  # weight has K_INIT+1 = 4 slices
BATCH = 1


def setup_inputs(seed: int = 0) -> dict:
    key = jax.random.key(seed)
    k1, k2, k3, k4 = jax.random.split(key, 4)
    x = jax.random.normal(k1, (BATCH, N_NODES, IN_CH), dtype=jnp.float32)
    edge_index = jax.random.randint(k2, (2, N_EDGES), 0, N_NODES, dtype=jnp.int64)
    edge_weight = jax.random.uniform(k3, (N_EDGES,), dtype=jnp.float32)
    # kaiming_normal fan_in on [K+1, in, out]: fan_in computed over last two dims -> in*out? torch uses
    # fan_in = in_channels for 3D here (size(1)); gain for a=0 relu-like: sqrt(2/fan_in)
    std = float(np.sqrt(2.0 / IN_CH))
    weight = jax.random.normal(k4, (K_INIT + 1, IN_CH, OUT_CH), dtype=jnp.float32) * std
    bias = jnp.zeros((OUT_CH,), dtype=jnp.float32)
    return {"x": x, "edge_index": edge_index, "edge_weight": edge_weight, "weight": weight, "bias": bias}


def reference(x, edge_index, edge_weight, weight, bias):
    row, col = edge_index[0], edge_index[1]
    batch, num_nodes = x.shape[0], x.shape[1]
    K = weight.shape[0]
    ew = edge_weight.reshape(-1)
    deg = jax.ops.segment_sum(ew, row, num_segments=num_nodes)
    # deg^{-0.5} with inf -> 0 (safe form to avoid nan grads)
    safe = jnp.where(deg > 0, deg, 1.0)
    deg_inv_sqrt = jnp.where(deg > 0, safe ** -0.5, 0.0)
    lap = -deg_inv_sqrt[row] * ew * deg_inv_sqrt[col]
    # add self loops with fill_value = -0.05
    loop = jnp.arange(num_nodes, dtype=row.dtype)
    row2 = jnp.concatenate([row, loop])
    col2 = jnp.concatenate([col, loop])
    lap2 = jnp.concatenate([lap, jnp.full((num_nodes,), -0.05, dtype=lap.dtype)])
    lap2 = lap2 * 2.0

    def spmm(mat):  # mat: [num_nodes, d*batch]; out[i] = sum_{e:(i,j)} lap2_e * mat[j]
        return jax.ops.segment_sum(lap2[:, None] * mat[col2], row2, num_segments=num_nodes)

    Tx_0 = x
    out = jnp.matmul(Tx_0, weight[0])
    if K > 1:
        xm = jnp.transpose(x, (1, 2, 0)).reshape(num_nodes, -1)
        Tx_1 = spmm(xm).reshape(num_nodes, -1, batch).transpose(2, 0, 1)
        out = out + jnp.matmul(Tx_1, weight[1])
    for k in range(2, K):
        # NOTE: faithful to original torch code, which recomputes spmm on x (not Tx_1)
        xm = jnp.transpose(x, (1, 2, 0)).reshape(num_nodes, -1)
        Tx_2 = 2.0 * spmm(xm).reshape(num_nodes, -1, batch).transpose(2, 0, 1) - Tx_0
        out = out + jnp.matmul(Tx_2, weight[k])
        Tx_0, Tx_1 = Tx_1, Tx_2
    out = out + bias
    return out


if False:  # reference __main__ guard neutralized (emitter)
    inp = setup_inputs()
    y = reference(**inp)
    print(y.shape, y.dtype)

if __name__ == "__main__":
    import jax
    _d = setup_inputs()
    print(jax.jit(kernel)(*tuple(_d.values())))

</pallas_src>

<mosaic_0001>
#map = affine_map<(d0, d1) -> (0, 0)>
#map1 = affine_map<(d0, d1) -> (0, 0, 0)>
module attributes {stable_mosaic.version = 14 : i64} {
  func.func @k(%arg0: i32, %arg1: i32, %arg2: memref<10000x128xf32, #tpu.memory_space<hbm>>, %arg3: memref<2560x128xi32, #tpu.memory_space<hbm>>, %arg4: memref<2560x128xi32, #tpu.memory_space<hbm>>, %arg5: memref<2560x128xf32, #tpu.memory_space<hbm>>, %arg6: memref<2x10000x128xf32, #tpu.memory_space<hbm>>, %arg7: memref<10000xf32, #tpu.memory_space<vmem_shared>>, %arg8: memref<10000x128xf32, #tpu.memory_space<vmem_shared>>, %arg9: memref<10000xf32, #tpu.memory_space<vmem>>, %arg10: memref<16x128xi32, #tpu.memory_space<vmem>>, %arg11: memref<16x128xi32, #tpu.memory_space<vmem>>, %arg12: memref<16x128xf32, #tpu.memory_space<vmem>>, %arg13: memref<128x128xf32, #tpu.memory_space<vmem>>, %arg14: memref<128x128xf32, #tpu.memory_space<vmem>>, %arg15: memref<128xf32, #tpu.memory_space<vmem>>, %arg16: memref<640xf32, #tpu.memory_space<vmem>>, %arg17: memref<!tpu.dma_semaphore, #tpu.memory_space<semaphore_mem>>, %arg18: memref<!tpu.dma_semaphore, #tpu.memory_space<semaphore_mem>>, %arg19: memref<!tpu.dma_semaphore, #tpu.memory_space<semaphore_mem>>, %arg20: memref<!tpu.dma_semaphore, #tpu.memory_space<semaphore_mem>>) attributes {dimension_semantics = [#tpu.dimension_semantics<core_parallel>, #tpu.dimension_semantics<subcore_parallel>], iteration_bounds = array<i64: 2, 16>, scalar_prefetch = 0 : i64, scratch_operands = 14 : i64, tpu.core_type = #tpu.core_type<sc_vector_subcore>, window_params = [{transform_indices = #map}, {transform_indices = #map}, {transform_indices = #map}, {transform_indices = #map}, {transform_indices = #map1}]} {
    %mul3A = arith.constant 2 : i32
    %mul3A_0 = arith.muli %arg1, %mul3A : i32
    %add3A = arith.addi %mul3A_0, %arg0 : i32
    %broadcast_in_dim3A = arith.constant 0.000000e+00 : f32
    %broadcast_in_dim3A_1 = vector.broadcast %broadcast_in_dim3A : f32 to vector<16xf32>
    %swap3A = arith.constant 0 : index
    %swap3A_2 = tpu.vector_load %arg16[%swap3A] {strides = array<i32>} : memref<640xf32, #tpu.memory_space<vmem>>, vector<16xf32>,
    tpu.vector_store %arg16[%swap3A], %broadcast_in_dim3A_1 {strides = array<i32>} : memref<640xf32, #tpu.memory_space<vmem>>, vector<16xf32>,
    %swap3A_3 = arith.constant 16 : index
    %swap3A_4 = tpu.vector_load %arg16[%swap3A_3] {strides = array<i32>} : memref<640xf32, #tpu.memory_space<vmem>>, vector<16xf32>,
    tpu.vector_store %arg16[%swap3A_3], %broadcast_in_dim3A_1 {strides = array<i32>} : memref<640xf32, #tpu.memory_space<vmem>>, vector<16xf32>,
    %swap3A_5 = arith.constant 32 : index
    %swap3A_6 = tpu.vector_load %arg16[%swap3A_5] {strides = array<i32>} : memref<640xf32, #tpu.memory_space<vmem>>, vector<16xf32>,
    tpu.vector_store %arg16[%swap3A_5], %broadcast_in_dim3A_1 {strides = array<i32>} : memref<640xf32, #tpu.memory_space<vmem>>, vector<16xf32>,
    %swap3A_7 = arith.constant 48 : index
    %swap3A_8 = tpu.vector_load %arg16[%swap3A_7] {strides = array<i32>} : memref<640xf32, #tpu.memory_space<vmem>>, vector<16xf32>,
    tpu.vector_store %arg16[%swap3A_7], %broadcast_in_dim3A_1 {strides = array<i32>} : memref<640xf32, #tpu.memory_space<vmem>>, vector<16xf32>,
    %swap3A_9 = arith.constant 64 : index
    %swap3A_10 = tpu.vector_load %arg16[%swap3A_9] {strides = array<i32>} : memref<640xf32, #tpu.memory_space<vmem>>, vector<16xf32>,
    tpu.vector_store %arg16[%swap3A_9], %broadcast_in_dim3A_1 {strides = array<i32>} : memref<640xf32, #tpu.memory_space<vmem>>, vector<16xf32>,
    %swap3A_11 = arith.constant 80 : index
    %swap3A_12 = tpu.vector_load %arg16[%swap3A_11] {strides = array<i32>} : memref<640xf32, #tpu.memory_space<vmem>>, vector<16xf32>,
    tpu.vector_store %arg16[%swap3A_11], %broadcast_in_dim3A_1 {strides = array<i32>} : memref<640xf32, #tpu.memory_space<vmem>>, vector<16xf32>,
    %swap3A_13 = arith.constant 96 : index
    %swap3A_14 = tpu.vector_load %arg16[%swap3A_13] {strides = array<i32>} : memref<640xf32, #tpu.memory_space<vmem>>, vector<16xf32>,
    tpu.vector_store %arg16[%swap3A_13], %broadcast_in_dim3A_1 {strides = array<i32>} : memref<640xf32, #tpu.memory_space<vmem>>, vector<16xf32>,
    %swap3A_15 = arith.constant 112 : index
    %swap3A_16 = tpu.vector_load %arg16[%swap3A_15] {strides = array<i32>} : memref<640xf32, #tpu.memory_space<vmem>>, vector<16xf32>,
    tpu.vector_store %arg16[%swap3A_15], %broadcast_in_dim3A_1 {strides = array<i32>} : memref<640xf32, #tpu.memory_space<vmem>>, vector<16xf32>,
    %swap3A_17 = arith.constant 128 : index
    %swap3A_18 = tpu.vector_load %arg16[%swap3A_17] {strides = array<i32>} : memref<640xf32, #tpu.memory_space<vmem>>, vector<16xf32>,
    tpu.vector_store %arg16[%swap3A_17], %broadcast_in_dim3A_1 {strides = array<i32>} : memref<640xf32, #tpu.memory_space<vmem>>, vector<16xf32>,
    %swap3A_19 = arith.constant 144 : index
    %swap3A_20 = tpu.vector_load %arg16[%swap3A_19] {strides = array<i32>} : memref<640xf32, #tpu.memory_space<vmem>>, vector<16xf32>,
    tpu.vector_store %arg16[%swap3A_19], %broadcast_in_dim3A_1 {strides = array<i32>} : memref<640xf32, #tpu.memory_space<vmem>>, vector<16xf32>,
    %swap3A_21 = arith.constant 160 : index
    %swap3A_22 = tpu.vector_load %arg16[%swap3A_21] {strides = array<i32>} : memref<640xf32, #tpu.memory_space<vmem>>, vector<16xf32>,
    tpu.vector_store %arg16[%swap3A_21], %broadcast_in_dim3A_1 {strides = array<i32>} : memref<640xf32, #tpu.memory_space<vmem>>, vector<16xf32>,
    %swap3A_23 = arith.constant 176 : index
    %swap3A_24 = tpu.vector_load %arg16[%swap3A_23] {strides = array<i32>} : memref<640xf32, #tpu.memory_space<vmem>>, vector<16xf32>,
    tpu.vector_store %arg16[%swap3A_23], %broadcast_in_dim3A_1 {strides = array<i32>} : memref<640xf32, #tpu.memory_space<vmem>>, vector<16xf32>,
    %swap3A_25 = arith.constant 192 : index
    %swap3A_26 = tpu.vector_load %arg16[%swap3A_25] {strides = array<i32>} : memref<640xf32, #tpu.memory_space<vmem>>, vector<16xf32>,
    tpu.vector_store %arg16[%swap3A_25], %broadcast_in_dim3A_1 {strides = array<i32>} : memref<640xf32, #tpu.memory_space<vmem>>, vector<16xf32>,
    %swap3A_27 = arith.constant 208 : index
    %swap3A_28 = tpu.vector_load %arg16[%swap3A_27] {strides = array<i32>} : memref<640xf32, #tpu.memory_space<vmem>>, vector<16xf32>,
    tpu.vector_store %arg16[%swap3A_27], %broadcast_in_dim3A_1 {strides = array<i32>} : memref<640xf32, #tpu.memory_space<vmem>>, vector<16xf32>,
    %swap3A_29 = arith.constant 224 : index
    %swap3A_30 = tpu.vector_load %arg16[%swap3A_29] {strides = array<i32>} : memref<640xf32, #tpu.memory_space<vmem>>, vector<16xf32>,
    tpu.vector_store %arg16[%swap3A_29], %broadcast_in_dim3A_1 {strides = array<i32>} : memref<640xf32, #tpu.memory_space<vmem>>, vector<16xf32>,
    %swap3A_31 = arith.constant 240 : index
    %swap3A_32 = tpu.vector_load %arg16[%swap3A_31] {strides = array<i32>} : memref<640xf32, #tpu.memory_space<vmem>>, vector<16xf32>,
    tpu.vector_store %arg16[%swap3A_31], %broadcast_in_dim3A_1 {strides = array<i32>} : memref<640xf32, #tpu.memory_space<vmem>>, vector<16xf32>,
    %swap3A_33 = arith.constant 256 : index
    %swap3A_34 = tpu.vector_load %arg16[%swap3A_33] {strides = array<i32>} : memref<640xf32, #tpu.memory_space<vmem>>, vector<16xf32>,
    tpu.vector_store %arg16[%swap3A_33], %broadcast_in_dim3A_1 {strides = array<i32>} : memref<640xf32, #tpu.memory_space<vmem>>, vector<16xf32>,
    %swap3A_35 = arith.constant 272 : index
    %swap3A_36 = tpu.vector_load %arg16[%swap3A_35] {strides = array<i32>} : memref<640xf32, #tpu.memory_space<vmem>>, vector<16xf32>,
    tpu.vector_store %arg16[%swap3A_35], %broadcast_in_dim3A_1 {strides = array<i32>} : memref<640xf32, #tpu.memory_space<vmem>>, vector<16xf32>,
    %swap3A_37 = arith.constant 288 : index
    %swap3A_38 = tpu.vector_load %arg16[%swap3A_37] {strides = array<i32>} : memref<640xf32, #tpu.memory_space<vmem>>, vector<16xf32>,
    tpu.vector_store %arg16[%swap3A_37], %broadcast_in_dim3A_1 {strides = array<i32>} : memref<640xf32, #tpu.memory_space<vmem>>, vector<16xf32>,
    %swap3A_39 = arith.constant 304 : index
    %swap3A_40 = tpu.vector_load %arg16[%swap3A_39] {strides = array<i32>} : memref<640xf32, #tpu.memory_space<vmem>>, vector<16xf32>,
    tpu.vector_store %arg16[%swap3A_39], %broadcast_in_dim3A_1 {strides = array<i32>} : memref<640xf32, #tpu.memory_space<vmem>>, vector<16xf32>,
    %swap3A_41 = arith.constant 320 : index
    %swap3A_42 = tpu.vector_load %arg16[%swap3A_41] {strides = array<i32>} : memref<640xf32, #tpu.memory_space<vmem>>, vector<16xf32>,
    tpu.vector_store %arg16[%swap3A_41], %broadcast_in_dim3A_1 {strides = array<i32>} : memref<640xf32, #tpu.memory_space<vmem>>, vector<16xf32>,
    %swap3A_43 = arith.constant 336 : index
    %swap3A_44 = tpu.vector_load %arg16[%swap3A_43] {strides = array<i32>} : memref<640xf32, #tpu.memory_space<vmem>>, vector<16xf32>,
    tpu.vector_store %arg16[%swap3A_43], %broadcast_in_dim3A_1 {strides = array<i32>} : memref<640xf32, #tpu.memory_space<vmem>>, vector<16xf32>,
    %swap3A_45 = arith.constant 352 : index
    %swap3A_46 = tpu.vector_load %arg16[%swap3A_45] {strides = array<i32>} : memref<640xf32, #tpu.memory_space<vmem>>, vector<16xf32>,
    tpu.vector_store %arg16[%swap3A_45], %broadcast_in_dim3A_1 {strides = array<i32>} : memref<640xf32, #tpu.memory_space<vmem>>, vector<16xf32>,
    %swap3A_47 = arith.constant 368 : index
    %swap3A_48 = tpu.vector_load %arg16[%swap3A_47] {strides = array<i32>} : memref<640xf32, #tpu.memory_space<vmem>>, vector<16xf32>,
    tpu.vector_store %arg16[%swap3A_47], %broadcast_in_dim3A_1 {strides = array<i32>} : memref<640xf32, #tpu.memory_space<vmem>>, vector<16xf32>,
    %swap3A_49 = arith.constant 384 : index
    %swap3A_50 = tpu.vector_load %arg16[%swap3A_49] {strides = array<i32>} : memref<640xf32, #tpu.memory_space<vmem>>, vector<16xf32>,
    tpu.vector_store %arg16[%swap3A_49], %broadcast_in_dim3A_1 {strides = array<i32>} : memref<640xf32, #tpu.memory_space<vmem>>, vector<16xf32>,
    %swap3A_51 = arith.constant 400 : index
    %swap3A_52 = tpu.vector_load %arg16[%swap3A_51] {strides = array<i32>} : memref<640xf32, #tpu.memory_space<vmem>>, vector<16xf32>,
    tpu.vector_store %arg16[%swap3A_51], %broadcast_in_dim3A_1 {strides = array<i32>} : memref<640xf32, #tpu.memory_space<vmem>>, vector<16xf32>,
    %swap3A_53 = arith.constant 416 : index
    %swap3A_54 = tpu.vector_load %arg16[%swap3A_53] {strides = array<i32>} : memref<640xf32, #tpu.memory_space<vmem>>, vector<16xf32>,
    tpu.vector_store %arg16[%swap3A_53], %broadcast_in_dim3A_1 {strides = array<i32>} : memref<640xf32, #tpu.memory_space<vmem>>, vector<16xf32>,
    %swap3A_55 = arith.constant 432 : index
    %swap3A_56 = tpu.vector_load %arg16[%swap3A_55] {strides = array<i32>} : memref<640xf32, #tpu.memory_space<vmem>>, vector<16xf32>,
    tpu.vector_store %arg16[%swap3A_55], %broadcast_in_dim3A_1 {strides = array<i32>} : memref<640xf32, #tpu.memory_space<vmem>>, vector<16xf32>,
    %swap3A_57 = arith.constant 448 : index
    %swap3A_58 = tpu.vector_load %arg16[%swap3A_57] {strides = array<i32>} : memref<640xf32, #tpu.memory_space<vmem>>, vector<16xf32>,
    tpu.vector_store %arg16[%swap3A_57], %broadcast_in_dim3A_1 {strides = array<i32>} : memref<640xf32, #tpu.memory_space<vmem>>, vector<16xf32>,
    %swap3A_59 = arith.constant 464 : index
    %swap3A_60 = tpu.vector_load %arg16[%swap3A_59] {strides = array<i32>} : memref<640xf32, #tpu.memory_space<vmem>>, vector<16xf32>,
    tpu.vector_store %arg16[%swap3A_59], %broadcast_in_dim3A_1 {strides = array<i32>} : memref<640xf32, #tpu.memory_space<vmem>>, vector<16xf32>,
    %swap3A_61 = arith.constant 480 : index
    %swap3A_62 = tpu.vector_load %arg16[%swap3A_61] {strides = array<i32>} : memref<640xf32, #tpu.memory_space<vmem>>, vector<16xf32>,
    tpu.vector_store %arg16[%swap3A_61], %broadcast_in_dim3A_1 {strides = array<i32>} : memref<640xf32, #tpu.memory_space<vmem>>, vector<16xf32>,
    %swap3A_63 = arith.constant 496 : index
    %swap3A_64 = tpu.vector_load %arg16[%swap3A_63] {strides = array<i32>} : memref<640xf32, #tpu.memory_space<vmem>>, vector<16xf32>,
    tpu.vector_store %arg16[%swap3A_63], %broadcast_in_dim3A_1 {strides = array<i32>} : memref<640xf32, #tpu.memory_space<vmem>>, vector<16xf32>,
    %swap3A_65 = arith.constant 512 : index
    %swap3A_66 = tpu.vector_load %arg16[%swap3A_65] {strides = array<i32>} : memref<640xf32, #tpu.memory_space<vmem>>, vector<16xf32>,
    tpu.vector_store %arg16[%swap3A_65], %broadcast_in_dim3A_1 {strides = array<i32>} : memref<640xf32, #tpu.memory_space<vmem>>, vector<16xf32>,
    %swap3A_67 = arith.constant 528 : index
    %swap3A_68 = tpu.vector_load %arg16[%swap3A_67] {strides = array<i32>} : memref<640xf32, #tpu.memory_space<vmem>>, vector<16xf32>,
    tpu.vector_store %arg16[%swap3A_67], %broadcast_in_dim3A_1 {strides = array<i32>} : memref<640xf32, #tpu.memory_space<vmem>>, vector<16xf32>,
    %swap3A_69 = arith.constant 544 : index
    %swap3A_70 = tpu.vector_load %arg16[%swap3A_69] {strides = array<i32>} : memref<640xf32, #tpu.memory_space<vmem>>, vector<16xf32>,
    tpu.vector_store %arg16[%swap3A_69], %broadcast_in_dim3A_1 {strides = array<i32>} : memref<640xf32, #tpu.memory_space<vmem>>, vector<16xf32>,
    %swap3A_71 = arith.constant 560 : index
    %swap3A_72 = tpu.vector_load %arg16[%swap3A_71] {strides = array<i32>} : memref<640xf32, #tpu.memory_space<vmem>>, vector<16xf32>,
    tpu.vector_store %arg16[%swap3A_71], %broadcast_in_dim3A_1 {strides = array<i32>} : memref<640xf32, #tpu.memory_space<vmem>>, vector<16xf32>,
    %swap3A_73 = arith.constant 576 : index
    %swap3A_74 = tpu.vector_load %arg16[%swap3A_73] {strides = array<i32>} : memref<640xf32, #tpu.memory_space<vmem>>, vector<16xf32>,
    tpu.vector_store %arg16[%swap3A_73], %broadcast_in_dim3A_1 {strides = array<i32>} : memref<640xf32, #tpu.memory_space<vmem>>, vector<16xf32>,
    %swap3A_75 = arith.constant 592 : index
    %swap3A_76 = tpu.vector_load %arg16[%swap3A_75] {strides = array<i32>} : memref<640xf32, #tpu.memory_space<vmem>>, vector<16xf32>,
    tpu.vector_store %arg16[%swap3A_75], %broadcast_in_dim3A_1 {strides = array<i32>} : memref<640xf32, #tpu.memory_space<vmem>>, vector<16xf32>,
    %swap3A_77 = arith.constant 608 : index
    %swap3A_78 = tpu.vector_load %arg16[%swap3A_77] {strides = array<i32>} : memref<640xf32, #tpu.memory_space<vmem>>, vector<16xf32>,
    tpu.vector_store %arg16[%swap3A_77], %broadcast_in_dim3A_1 {strides = array<i32>} : memref<640xf32, #tpu.memory_space<vmem>>, vector<16xf32>,
    %swap3A_79 = arith.constant 624 : index
    %swap3A_80 = tpu.vector_load %arg16[%swap3A_79] {strides = array<i32>} : memref<640xf32, #tpu.memory_space<vmem>>, vector<16xf32>,
    tpu.vector_store %arg16[%swap3A_79], %broadcast_in_dim3A_1 {strides = array<i32>} : memref<640xf32, #tpu.memory_space<vmem>>, vector<16xf32>,
    %scan3A = arith.constant 0 : i32
    %scan3A_81 = arith.constant 0 : i32
    %scan3A_82 = arith.constant 128 : i32
    %scan3A_83 = arith.addi %scan3A_81, %scan3A_82 : i32
    %scan3A_84 = arith.constant 1 : i32
    %scan3A_85 = scf.for %scan3A_172 = %scan3A_81 to %scan3A_83 step %scan3A_84 iter_args(%scan3A_173 = %scan3A) -> (i32)  : i32 {
      %swap3A_174 = arith.index_cast %scan3A_172 : i32 to index
      %swap3A_175 = arith.constant 0 : index
      %swap3A_176 = tpu.vector_load %arg13[%swap3A_174, %swap3A_175] {strides = array<i32>} : memref<128x128xf32, #tpu.memory_space<vmem>>, vector<16xf32>,
      tpu.vector_store %arg13[%swap3A_174, %swap3A_175], %broadcast_in_dim3A_1 {strides = array<i32>} : memref<128x128xf32, #tpu.memory_space<vmem>>, vector<16xf32>,
      %swap3A_177 = arith.index_cast %scan3A_172 : i32 to index
      %swap3A_178 = arith.constant 16 : index
      %swap3A_179 = tpu.vector_load %arg13[%swap3A_177, %swap3A_178] {strides = array<i32>} : memref<128x128xf32, #tpu.memory_space<vmem>>, vector<16xf32>,
      tpu.vector_store %arg13[%swap3A_177, %swap3A_178], %broadcast_in_dim3A_1 {strides = array<i32>} : memref<128x128xf32, #tpu.memory_space<vmem>>, vector<16xf32>,
      %swap3A_180 = arith.index_cast %scan3A_172 : i32 to index
      %swap3A_181 = arith.constant 32 : index
      %swap3A_182 = tpu.vector_load %arg13[%swap3A_180, %swap3A_181] {strides = array<i32>} : memref<128x128xf32, #tpu.memory_space<vmem>>, vector<16xf32>,
      tpu.vector_store %arg13[%swap3A_180, %swap3A_181], %broadcast_in_dim3A_1 {strides = array<i32>} : memref<128x128xf32, #tpu.memory_space<vmem>>, vector<16xf32>,
      %swap3A_183 = arith.index_cast %scan3A_172 : i32 to index
      %swap3A_184 = arith.constant 48 : index
      %swap3A_185 = tpu.vector_load %arg13[%swap3A_183, %swap3A_184] {strides = array<i32>} : memref<128x128xf32, #tpu.memory_space<vmem>>, vector<16xf32>,
      tpu.vector_store %arg13[%swap3A_183, %swap3A_184], %broadcast_in_dim3A_1 {strides = array<i32>} : memref<128x128xf32, #tpu.memory_space<vmem>>, vector<16xf32>,
      %swap3A_186 = arith.index_cast %scan3A_172 : i32 to index
      %swap3A_187 = arith.constant 64 : index
      %swap3A_188 = tpu.vector_load %arg13[%swap3A_186, %swap3A_187] {strides = array<i32>} : memref<128x128xf32, #tpu.memory_space<vmem>>, vector<16xf32>,
      tpu.vector_store %arg13[%swap3A_186, %swap3A_187], %broadcast_in_dim3A_1 {strides = array<i32>} : memref<128x128xf32, #tpu.memory_space<vmem>>, vector<16xf32>,
      %swap3A_189 = arith.index_cast %scan3A_172 : i32 to index
      %swap3A_190 = arith.constant 80 : index
      %swap3A_191 = tpu.vector_load %arg13[%swap3A_189, %swap3A_190] {strides = array<i32>} : memref<128x128xf32, #tpu.memory_space<vmem>>, vector<16xf32>,
      tpu.vector_store %arg13[%swap3A_189, %swap3A_190], %broadcast_in_dim3A_1 {strides = array<i32>} : memref<128x128xf32, #tpu.memory_space<vmem>>, vector<16xf32>,
      %swap3A_192 = arith.index_cast %scan3A_172 : i32 to index
      %swap3A_193 = arith.constant 96 : index
      %swap3A_194 = tpu.vector_load %arg13[%swap3A_192, %swap3A_193] {strides = array<i32>} : memref<128x128xf32, #tpu.memory_space<vmem>>, vector<16xf32>,
      tpu.vector_store %arg13[%swap3A_192, %swap3A_193], %broadcast_in_dim3A_1 {strides = array<i32>} : memref<128x128xf32, #tpu.memory_space<vmem>>, vector<16xf32>,
      %swap3A_195 = arith.index_cast %scan3A_172 : i32 to index
      %swap3A_196 = arith.constant 112 : index
      %swap3A_197 = tpu.vector_load %arg13[%swap3A_195, %swap3A_196] {strides = array<i32>} : memref<128x128xf32, #tpu.memory_space<vmem>>, vector<16xf32>,
      tpu.vector_store %arg13[%swap3A_195, %swap3A_196], %broadcast_in_dim3A_1 {strides = array<i32>} : memref<128x128xf32, #tpu.memory_space<vmem>>, vector<16xf32>,
      %scan3A_198 = arith.constant 0 : i32
      scf.yield %scan3A_198 : i32
    }
    %scan3A_86 = arith.constant 128 : i32
    %mul3A_87 = arith.constant 632 : i32
    %mul3A_88 = arith.muli %arg1, %mul3A_87 : i32
    %lt3A = arith.constant 15 : i32
    %lt3A_89 = arith.cmpi slt, %arg1, %lt3A : i32
    %convert_element_type3A = arith.extui %lt3A_89 : i1 to i32
    %cond3A = arith.constant 0 : i32
    %cond3A_90 = arith.cmpi ne, %convert_element_type3A, %cond3A : i32
    scf.if %cond3A_90 {
      "tpu.region"() ({
        %run_scoped3A = tpu.sem_alloc : memref<!tpu.dma_semaphore, #tpu.memory_space<semaphore_mem>>
        %dma_start3A_182 = arith.constant 0 : i32
        %dma_start3A_183 = tpu.memref_slice %arg16[%dma_start3A_182] : memref<640xf32, #tpu.memory_space<vmem>> -> memref<632xf32, #tpu.memory_space<vmem>>
        %dma_start3A_184 = tpu.memref_slice %arg7[%mul3A_88] : memref<10000xf32, #tpu.memory_space<vmem_shared>> -> memref<632xf32, #tpu.memory_space<vmem_shared>>
        %dma_start3A_185 = tpu.memref_slice %arg7[%mul3A_88] : memref<10000xf32, #tpu.memory_space<vmem_shared>> -> memref<632xf32, #tpu.memory_space<vmem_shared>>
        %dma_start3A_186 = arith.constant 0 : i32
        %dma_start3A_187 = tpu.memref_slice %arg16[%dma_start3A_186] : memref<640xf32, #tpu.memory_space<vmem>> -> memref<632xf32, #tpu.memory_space<vmem>>
        tpu.enqueue_dma source(%dma_start3A_187 : memref<632xf32, #tpu.memory_space<vmem>>) target(%dma_start3A_185 : memref<632xf32, #tpu.memory_space<vmem_shared>>) target_semaphore(%run_scoped3A : memref<!tpu.dma_semaphore, #tpu.memory_space<semaphore_mem>>)
        %dma_wait3A_188 = arith.constant 0 : i32
        %dma_wait3A_189 = tpu.memref_slice %arg16[%dma_wait3A_188] : memref<640xf32, #tpu.memory_space<vmem>> -> memref<632xf32, #tpu.memory_space<vmem>>
        %dma_wait3A_190 = tpu.memref_slice %arg7[%mul3A_88] : memref<10000xf32, #tpu.memory_space<vmem_shared>> -> memref<632xf32, #tpu.memory_space<vmem_shared>>
        %dma_wait3A_191 = tpu.memref_slice %arg7[%mul3A_88] : memref<10000xf32, #tpu.memory_space<vmem_shared>> -> memref<632xf32, #tpu.memory_space<vmem_shared>>
        %dma_wait3A_192 = arith.constant 0 : i32
        %dma_wait3A_193 = tpu.memref_slice %arg16[%dma_wait3A_192] : memref<640xf32, #tpu.memory_space<vmem>> -> memref<632xf32, #tpu.memory_space<vmem>>
        tpu.wait_dma2 semaphore(%run_scoped3A : memref<!tpu.dma_semaphore, #tpu.memory_space<semaphore_mem>>) src(%dma_wait3A_193 : memref<632xf32, #tpu.memory_space<vmem>>) dst(%dma_wait3A_191 : memref<632xf32, #tpu.memory_space<vmem_shared>>)
        tpu.yield
      }) : () -> ()
      %add3A_172 = arith.constant 0 : i32
      %add3A_173 = arith.addi %mul3A_88, %add3A_172 : i32
      "tpu.region"() ({
        %run_scoped3A = tpu.sem_alloc : memref<!tpu.dma_semaphore, #tpu.memory_space<semaphore_mem>>
        %dma_start3A_182 = arith.constant 0 : i32
        %dma_start3A_183 = tpu.memref_slice %arg8[%add3A_173, %dma_start3A_182] : memref<10000x128xf32, #tpu.memory_space<vmem_shared>> -> memref<128x128xf32, #tpu.memory_space<vmem_shared>>
        %dma_start3A_184 = arith.constant 0 : i32
        %dma_start3A_185 = tpu.memref_slice %arg8[%add3A_173, %dma_start3A_184] : memref<10000x128xf32, #tpu.memory_space<vmem_shared>> -> memref<128x128xf32, #tpu.memory_space<vmem_shared>>
        tpu.enqueue_dma source(%arg13 : memref<128x128xf32, #tpu.memory_space<vmem>>) target(%dma_start3A_185 : memref<128x128xf32, #tpu.memory_space<vmem_shared>>) target_semaphore(%run_scoped3A : memref<!tpu.dma_semaphore, #tpu.memory_space<semaphore_mem>>)
        %dma_wait3A_186 = arith.constant 0 : i32
        %dma_wait3A_187 = tpu.memref_slice %arg8[%add3A_173, %dma_wait3A_186] : memref<10000x128xf32, #tpu.memory_space<vmem_shared>> -> memref<128x128xf32, #tpu.memory_space<vmem_shared>>
        %dma_wait3A_188 = arith.constant 0 : i32
        %dma_wait3A_189 = tpu.memref_slice %arg8[%add3A_173, %dma_wait3A_188] : memref<10000x128xf32, #tpu.memory_space<vmem_shared>> -> memref<128x128xf32, #tpu.memory_space<vmem_shared>>
        tpu.wait_dma2 semaphore(%run_scoped3A : memref<!tpu.dma_semaphore, #tpu.memory_space<semaphore_mem>>) src(%arg13 : memref<128x128xf32, #tpu.memory_space<vmem>>) dst(%dma_wait3A_189 : memref<128x128xf32, #tpu.memory_space<vmem_shared>>)
        tpu.yield
      }) : () -> ()
      %add3A_174 = arith.constant 128 : i32
      %add3A_175 = arith.addi %mul3A_88, %add3A_174 : i32
      "tpu.region"() ({
        %run_scoped3A = tpu.sem_alloc : memref<!tpu.dma_semaphore, #tpu.memory_space<semaphore_mem>>
        %dma_start3A_182 = arith.constant 0 : i32
        %dma_start3A_183 = tpu.memref_slice %arg8[%add3A_175, %dma_start3A_182] : memref<10000x128xf32, #tpu.memory_space<vmem_shared>> -> memref<128x128xf32, #tpu.memory_space<vmem_shared>>
        %dma_start3A_184 = arith.constant 0 : i32
        %dma_start3A_185 = tpu.memref_slice %arg8[%add3A_175, %dma_start3A_184] : memref<10000x128xf32, #tpu.memory_space<vmem_shared>> -> memref<128x128xf32, #tpu.memory_space<vmem_shared>>
        tpu.enqueue_dma source(%arg13 : memref<128x128xf32, #tpu.memory_space<vmem>>) target(%dma_start3A_185 : memref<128x128xf32, #tpu.memory_space<vmem_shared>>) target_semaphore(%run_scoped3A : memref<!tpu.dma_semaphore, #tpu.memory_space<semaphore_mem>>)
        %dma_wait3A_186 = arith.constant 0 : i32
        %dma_wait3A_187 = tpu.memref_slice %arg8[%add3A_175, %dma_wait3A_186] : memref<10000x128xf32, #tpu.memory_space<vmem_shared>> -> memref<128x128xf32, #tpu.memory_space<vmem_shared>>
        %dma_wait3A_188 = arith.constant 0 : i32
        %dma_wait3A_189 = tpu.memref_slice %arg8[%add3A_175, %dma_wait3A_188] : memref<10000x128xf32, #tpu.memory_space<vmem_shared>> -> memref<128x128xf32, #tpu.memory_space<vmem_shared>>
        tpu.wait_dma2 semaphore(%run_scoped3A : memref<!tpu.dma_semaphore, #tpu.memory_space<semaphore_mem>>) src(%arg13 : memref<128x128xf32, #tpu.memory_space<vmem>>) dst(%dma_wait3A_189 : memref<128x128xf32, #tpu.memory_space<vmem_shared>>)
        tpu.yield
      }) : () -> ()
      %add3A_176 = arith.constant 256 : i32
      %add3A_177 = arith.addi %mul3A_88, %add3A_176 : i32
      "tpu.region"() ({
        %run_scoped3A = tpu.sem_alloc : memref<!tpu.dma_semaphore, #tpu.memory_space<semaphore_mem>>
        %dma_start3A_182 = arith.constant 0 : i32
        %dma_start3A_183 = tpu.memref_slice %arg8[%add3A_177, %dma_start3A_182] : memref<10000x128xf32, #tpu.memory_space<vmem_shared>> -> memref<128x128xf32, #tpu.memory_space<vmem_shared>>
        %dma_start3A_184 = arith.constant 0 : i32
        %dma_start3A_185 = tpu.memref_slice %arg8[%add3A_177, %dma_start3A_184] : memref<10000x128xf32, #tpu.memory_space<vmem_shared>> -> memref<128x128xf32, #tpu.memory_space<vmem_shared>>
        tpu.enqueue_dma source(%arg13 : memref<128x128xf32, #tpu.memory_space<vmem>>) target(%dma_start3A_185 : memref<128x128xf32, #tpu.memory_space<vmem_shared>>) target_semaphore(%run_scoped3A : memref<!tpu.dma_semaphore, #tpu.memory_space<semaphore_mem>>)
        %dma_wait3A_186 = arith.constant 0 : i32
        %dma_wait3A_187 = tpu.memref_slice %arg8[%add3A_177, %dma_wait3A_186] : memref<10000x128xf32, #tpu.memory_space<vmem_shared>> -> memref<128x128xf32, #tpu.memory_space<vmem_shared>>
        %dma_wait3A_188 = arith.constant 0 : i32
        %dma_wait3A_189 = tpu.memref_slice %arg8[%add3A_177, %dma_wait3A_188] : memref<10000x128xf32, #tpu.memory_space<vmem_shared>> -> memref<128x128xf32, #tpu.memory_space<vmem_shared>>
        tpu.wait_dma2 semaphore(%run_scoped3A : memref<!tpu.dma_semaphore, #tpu.memory_space<semaphore_mem>>) src(%arg13 : memref<128x128xf32, #tpu.memory_space<vmem>>) dst(%dma_wait3A_189 : memref<128x128xf32, #tpu.memory_space<vmem_shared>>)
        tpu.yield
      }) : () -> ()
      %add3A_178 = arith.constant 384 : i32
      %add3A_179 = arith.addi %mul3A_88, %add3A_178 : i32
      "tpu.region"() ({
        %run_scoped3A = tpu.sem_alloc : memref<!tpu.dma_semaphore, #tpu.memory_space<semaphore_mem>>
        %dma_start3A_182 = arith.constant 0 : i32
        %dma_start3A_183 = tpu.memref_slice %arg8[%add3A_179, %dma_start3A_182] : memref<10000x128xf32, #tpu.memory_space<vmem_shared>> -> memref<128x128xf32, #tpu.memory_space<vmem_shared>>
        %dma_start3A_184 = arith.constant 0 : i32
        %dma_start3A_185 = tpu.memref_slice %arg8[%add3A_179, %dma_start3A_184] : memref<10000x128xf32, #tpu.memory_space<vmem_shared>> -> memref<128x128xf32, #tpu.memory_space<vmem_shared>>
        tpu.enqueue_dma source(%arg13 : memref<128x128xf32, #tpu.memory_space<vmem>>) target(%dma_start3A_185 : memref<128x128xf32, #tpu.memory_space<vmem_shared>>) target_semaphore(%run_scoped3A : memref<!tpu.dma_semaphore, #tpu.memory_space<semaphore_mem>>)
        %dma_wait3A_186 = arith.constant 0 : i32
        %dma_wait3A_187 = tpu.memref_slice %arg8[%add3A_179, %dma_wait3A_186] : memref<10000x128xf32, #tpu.memory_space<vmem_shared>> -> memref<128x128xf32, #tpu.memory_space<vmem_shared>>
        %dma_wait3A_188 = arith.constant 0 : i32
        %dma_wait3A_189 = tpu.memref_slice %arg8[%add3A_179, %dma_wait3A_188] : memref<10000x128xf32, #tpu.memory_space<vmem_shared>> -> memref<128x128xf32, #tpu.memory_space<vmem_shared>>
        tpu.wait_dma2 semaphore(%run_scoped3A : memref<!tpu.dma_semaphore, #tpu.memory_space<semaphore_mem>>) src(%arg13 : memref<128x128xf32, #tpu.memory_space<vmem>>) dst(%dma_wait3A_189 : memref<128x128xf32, #tpu.memory_space<vmem_shared>>)
        tpu.yield
      }) : () -> ()
      %add3A_180 = arith.constant 512 : i32
      %add3A_181 = arith.addi %mul3A_88, %add3A_180 : i32
      "tpu.region"() ({
        %run_scoped3A = tpu.sem_alloc : memref<!tpu.dma_semaphore, #tpu.memory_space<semaphore_mem>>
        %dma_start3A_182 = arith.constant 0 : i32
        %dma_start3A_183 = arith.constant 0 : i32
        %dma_start3A_184 = tpu.memref_slice %arg13[%dma_start3A_182, %dma_start3A_183] : memref<128x128xf32, #tpu.memory_space<vmem>> -> memref<120x128xf32, #tpu.memory_space<vmem>>
        %dma_start3A_185 = arith.constant 0 : i32
        %dma_start3A_186 = tpu.memref_slice %arg8[%add3A_181, %dma_start3A_185] : memref<10000x128xf32, #tpu.memory_space<vmem_shared>> -> memref<120x128xf32, #tpu.memory_space<vmem_shared>>
        %dma_start3A_187 = arith.constant 0 : i32
        %dma_start3A_188 = tpu.memref_slice %arg8[%add3A_181, %dma_start3A_187] : memref<10000x128xf32, #tpu.memory_space<vmem_shared>> -> memref<120x128xf32, #tpu.memory_space<vmem_shared>>
        %dma_start3A_189 = arith.constant 0 : i32
        %dma_start3A_190 = arith.constant 0 : i32
        %dma_start3A_191 = tpu.memref_slice %arg13[%dma_start3A_189, %dma_start3A_190] : memref<128x128xf32, #tpu.memory_space<vmem>> -> memref<120x128xf32, #tpu.memory_space<vmem>>
        tpu.enqueue_dma source(%dma_start3A_191 : memref<120x128xf32, #tpu.memory_space<vmem>>) target(%dma_start3A_188 : memref<120x128xf32, #tpu.memory_space<vmem_shared>>) target_semaphore(%run_scoped3A : memref<!tpu.dma_semaphore, #tpu.memory_space<semaphore_mem>>)
        %dma_wait3A_192 = arith.constant 0 : i32
        %dma_wait3A_193 = arith.constant 0 : i32
        %dma_wait3A_194 = tpu.memref_slice %arg13[%dma_wait3A_192, %dma_wait3A_193] : memref<128x128xf32, #tpu.memory_space<vmem>> -> memref<120x128xf32, #tpu.memory_space<vmem>>
        %dma_wait3A_195 = arith.constant 0 : i32
        %dma_wait3A_196 = tpu.memref_slice %arg8[%add3A_181, %dma_wait3A_195] : memref<10000x128xf32, #tpu.memory_space<vmem_shared>> -> memref<120x128xf32, #tpu.memory_space<vmem_shared>>
        %dma_wait3A_197 = arith.constant 0 : i32
        %dma_wait3A_198 = tpu.memref_slice %arg8[%add3A_181, %dma_wait3A_197] : memref<10000x128xf32, #tpu.memory_space<vmem_shared>> -> memref<120x128xf32, #tpu.memory_space<vmem_shared>>
        %dma_wait3A_199 = arith.constant 0 : i32
        %dma_wait3A_200 = arith.constant 0 : i32
        %dma_wait3A_201 = tpu.memref_slice %arg13[%dma_wait3A_199, %dma_wait3A_200] : memref<128x128xf32, #tpu.memory_space<vmem>> -> memref<120x128xf32, #tpu.memory_space<vmem>>
        tpu.wait_dma2 semaphore(%run_scoped3A : memref<!tpu.dma_semaphore, #tpu.memory_space<semaphore_mem>>) src(%dma_wait3A_201 : memref<120x128xf32, #tpu.memory_space<vmem>>) dst(%dma_wait3A_198 : memref<120x128xf32, #tpu.memory_space<vmem_shared>>)
        tpu.yield
      }) : () -> ()
    } else {
    }
    %eq3A = arith.constant 15 : i32
    %eq3A_91 = arith.cmpi eq, %arg1, %eq3A : i32
    %convert_element_type3A_92 = arith.extui %eq3A_91 : i1 to i32
    %cond3A_93 = arith.constant 0 : i32
    %cond3A_94 = arith.cmpi ne, %convert_element_type3A_92, %cond3A_93 : i32
    scf.if %cond3A_94 {
      "tpu.region"() ({
        %run_scoped3A = tpu.sem_alloc : memref<!tpu.dma_semaphore, #tpu.memory_space<semaphore_mem>>
        %dma_start3A_182 = arith.constant 0 : i32
        %dma_start3A_183 = tpu.memref_slice %arg16[%dma_start3A_182] : memref<640xf32, #tpu.memory_space<vmem>> -> memref<520xf32, #tpu.memory_space<vmem>>
        %dma_start3A_184 = tpu.memref_slice %arg7[%mul3A_88] : memref<10000xf32, #tpu.memory_space<vmem_shared>> -> memref<520xf32, #tpu.memory_space<vmem_shared>>
        %dma_start3A_185 = tpu.memref_slice %arg7[%mul3A_88] : memref<10000xf32, #tpu.memory_space<vmem_shared>> -> memref<520xf32, #tpu.memory_space<vmem_shared>>
        %dma_start3A_186 = arith.constant 0 : i32
        %dma_start3A_187 = tpu.memref_slice %arg16[%dma_start3A_186] : memref<640xf32, #tpu.memory_space<vmem>> -> memref<520xf32, #tpu.memory_space<vmem>>
        tpu.enqueue_dma source(%dma_start3A_187 : memref<520xf32, #tpu.memory_space<vmem>>) target(%dma_start3A_185 : memref<520xf32, #tpu.memory_space<vmem_shared>>) target_semaphore(%run_scoped3A : memref<!tpu.dma_semaphore, #tpu.memory_space<semaphore_mem>>)
        %dma_wait3A_188 = arith.constant 0 : i32
        %dma_wait3A_189 = tpu.memref_slice %arg16[%dma_wait3A_188] : memref<640xf32, #tpu.memory_space<vmem>> -> memref<520xf32, #tpu.memory_space<vmem>>
        %dma_wait3A_190 = tpu.memref_slice %arg7[%mul3A_88] : memref<10000xf32, #tpu.memory_space<vmem_shared>> -> memref<520xf32, #tpu.memory_space<vmem_shared>>
        %dma_wait3A_191 = tpu.memref_slice %arg7[%mul3A_88] : memref<10000xf32, #tpu.memory_space<vmem_shared>> -> memref<520xf32, #tpu.memory_space<vmem_shared>>
        %dma_wait3A_192 = arith.constant 0 : i32
        %dma_wait3A_193 = tpu.memref_slice %arg16[%dma_wait3A_192] : memref<640xf32, #tpu.memory_space<vmem>> -> memref<520xf32, #tpu.memory_space<vmem>>
        tpu.wait_dma2 semaphore(%run_scoped3A : memref<!tpu.dma_semaphore, #tpu.memory_space<semaphore_mem>>) src(%dma_wait3A_193 : memref<520xf32, #tpu.memory_space<vmem>>) dst(%dma_wait3A_191 : memref<520xf32, #tpu.memory_space<vmem_shared>>)
        tpu.yield
      }) : () -> ()
      %add3A_172 = arith.constant 0 : i32
      %add3A_173 = arith.addi %mul3A_88, %add3A_172 : i32
      "tpu.region"() ({
        %run_scoped3A = tpu.sem_alloc : memref<!tpu.dma_semaphore, #tpu.memory_space<semaphore_mem>>
        %dma_start3A_182 = arith.constant 0 : i32
        %dma_start3A_183 = tpu.memref_slice %arg8[%add3A_173, %dma_start3A_182] : memref<10000x128xf32, #tpu.memory_space<vmem_shared>> -> memref<128x128xf32, #tpu.memory_space<vmem_shared>>
        %dma_start3A_184 = arith.constant 0 : i32
        %dma_start3A_185 = tpu.memref_slice %arg8[%add3A_173, %dma_start3A_184] : memref<10000x128xf32, #tpu.memory_space<vmem_shared>> -> memref<128x128xf32, #tpu.memory_space<vmem_shared>>
        tpu.enqueue_dma source(%arg13 : memref<128x128xf32, #tpu.memory_space<vmem>>) target(%dma_start3A_185 : memref<128x128xf32, #tpu.memory_space<vmem_shared>>) target_semaphore(%run_scoped3A : memref<!tpu.dma_semaphore, #tpu.memory_space<semaphore_mem>>)
        %dma_wait3A_186 = arith.constant 0 : i32
        %dma_wait3A_187 = tpu.memref_slice %arg8[%add3A_173, %dma_wait3A_186] : memref<10000x128xf32, #tpu.memory_space<vmem_shared>> -> memref<128x128xf32, #tpu.memory_space<vmem_shared>>
        %dma_wait3A_188 = arith.constant 0 : i32
        %dma_wait3A_189 = tpu.memref_slice %arg8[%add3A_173, %dma_wait3A_188] : memref<10000x128xf32, #tpu.memory_space<vmem_shared>> -> memref<128x128xf32, #tpu.memory_space<vmem_shared>>
        tpu.wait_dma2 semaphore(%run_scoped3A : memref<!tpu.dma_semaphore, #tpu.memory_space<semaphore_mem>>) src(%arg13 : memref<128x128xf32, #tpu.memory_space<vmem>>) dst(%dma_wait3A_189 : memref<128x128xf32, #tpu.memory_space<vmem_shared>>)
        tpu.yield
      }) : () -> ()
      %add3A_174 = arith.constant 128 : i32
      %add3A_175 = arith.addi %mul3A_88, %add3A_174 : i32
      "tpu.region"() ({
        %run_scoped3A = tpu.sem_alloc : memref<!tpu.dma_semaphore, #tpu.memory_space<semaphore_mem>>
        %dma_start3A_182 = arith.constant 0 : i32
        %dma_start3A_183 = tpu.memref_slice %arg8[%add3A_175, %dma_start3A_182] : memref<10000x128xf32, #tpu.memory_space<vmem_shared>> -> memref<128x128xf32, #tpu.memory_space<vmem_shared>>
        %dma_start3A_184 = arith.constant 0 : i32
        %dma_start3A_185 = tpu.memref_slice %arg8[%add3A_175, %dma_start3A_184] : memref<10000x128xf32, #tpu.memory_space<vmem_shared>> -> memref<128x128xf32, #tpu.memory_space<vmem_shared>>
        tpu.enqueue_dma source(%arg13 : memref<128x128xf32, #tpu.memory_space<vmem>>) target(%dma_start3A_185 : memref<128x128xf32, #tpu.memory_space<vmem_shared>>) target_semaphore(%run_scoped3A : memref<!tpu.dma_semaphore, #tpu.memory_space<semaphore_mem>>)
        %dma_wait3A_186 = arith.constant 0 : i32
        %dma_wait3A_187 = tpu.memref_slice %arg8[%add3A_175, %dma_wait3A_186] : memref<10000x128xf32, #tpu.memory_space<vmem_shared>> -> memref<128x128xf32, #tpu.memory_space<vmem_shared>>
        %dma_wait3A_188 = arith.constant 0 : i32
        %dma_wait3A_189 = tpu.memref_slice %arg8[%add3A_175, %dma_wait3A_188] : memref<10000x128xf32, #tpu.memory_space<vmem_shared>> -> memref<128x128xf32, #tpu.memory_space<vmem_shared>>
        tpu.wait_dma2 semaphore(%run_scoped3A : memref<!tpu.dma_semaphore, #tpu.memory_space<semaphore_mem>>) src(%arg13 : memref<128x128xf32, #tpu.memory_space<vmem>>) dst(%dma_wait3A_189 : memref<128x128xf32, #tpu.memory_space<vmem_shared>>)
        tpu.yield
      }) : () -> ()
      %add3A_176 = arith.constant 256 : i32
      %add3A_177 = arith.addi %mul3A_88, %add3A_176 : i32
      "tpu.region"() ({
        %run_scoped3A = tpu.sem_alloc : memref<!tpu.dma_semaphore, #tpu.memory_space<semaphore_mem>>
        %dma_start3A_182 = arith.constant 0 : i32
        %dma_start3A_183 = tpu.memref_slice %arg8[%add3A_177, %dma_start3A_182] : memref<10000x128xf32, #tpu.memory_space<vmem_shared>> -> memref<128x128xf32, #tpu.memory_space<vmem_shared>>
        %dma_start3A_184 = arith.constant 0 : i32
        %dma_start3A_185 = tpu.memref_slice %arg8[%add3A_177, %dma_start3A_184] : memref<10000x128xf32, #tpu.memory_space<vmem_shared>> -> memref<128x128xf32, #tpu.memory_space<vmem_shared>>
        tpu.enqueue_dma source(%arg13 : memref<128x128xf32, #tpu.memory_space<vmem>>) target(%dma_start3A_185 : memref<128x128xf32, #tpu.memory_space<vmem_shared>>) target_semaphore(%run_scoped3A : memref<!tpu.dma_semaphore, #tpu.memory_space<semaphore_mem>>)
        %dma_wait3A_186 = arith.constant 0 : i32
        %dma_wait3A_187 = tpu.memref_slice %arg8[%add3A_177, %dma_wait3A_186] : memref<10000x128xf32, #tpu.memory_space<vmem_shared>> -> memref<128x128xf32, #tpu.memory_space<vmem_shared>>
        %dma_wait3A_188 = arith.constant 0 : i32
        %dma_wait3A_189 = tpu.memref_slice %arg8[%add3A_177, %dma_wait3A_188] : memref<10000x128xf32, #tpu.memory_space<vmem_shared>> -> memref<128x128xf32, #tpu.memory_space<vmem_shared>>
        tpu.wait_dma2 semaphore(%run_scoped3A : memref<!tpu.dma_semaphore, #tpu.memory_space<semaphore_mem>>) src(%arg13 : memref<128x128xf32, #tpu.memory_space<vmem>>) dst(%dma_wait3A_189 : memref<128x128xf32, #tpu.memory_space<vmem_shared>>)
        tpu.yield
      }) : () -> ()
      %add3A_178 = arith.constant 384 : i32
      %add3A_179 = arith.addi %mul3A_88, %add3A_178 : i32
      "tpu.region"() ({
        %run_scoped3A = tpu.sem_alloc : memref<!tpu.dma_semaphore, #tpu.memory_space<semaphore_mem>>
        %dma_start3A_182 = arith.constant 0 : i32
        %dma_start3A_183 = tpu.memref_slice %arg8[%add3A_179, %dma_start3A_182] : memref<10000x128xf32, #tpu.memory_space<vmem_shared>> -> memref<128x128xf32, #tpu.memory_space<vmem_shared>>
        %dma_start3A_184 = arith.constant 0 : i32
        %dma_start3A_185 = tpu.memref_slice %arg8[%add3A_179, %dma_start3A_184] : memref<10000x128xf32, #tpu.memory_space<vmem_shared>> -> memref<128x128xf32, #tpu.memory_space<vmem_shared>>
        tpu.enqueue_dma source(%arg13 : memref<128x128xf32, #tpu.memory_space<vmem>>) target(%dma_start3A_185 : memref<128x128xf32, #tpu.memory_space<vmem_shared>>) target_semaphore(%run_scoped3A : memref<!tpu.dma_semaphore, #tpu.memory_space<semaphore_mem>>)
        %dma_wait3A_186 = arith.constant 0 : i32
        %dma_wait3A_187 = tpu.memref_slice %arg8[%add3A_179, %dma_wait3A_186] : memref<10000x128xf32, #tpu.memory_space<vmem_shared>> -> memref<128x128xf32, #tpu.memory_space<vmem_shared>>
        %dma_wait3A_188 = arith.constant 0 : i32
        %dma_wait3A_189 = tpu.memref_slice %arg8[%add3A_179, %dma_wait3A_188] : memref<10000x128xf32, #tpu.memory_space<vmem_shared>> -> memref<128x128xf32, #tpu.memory_space<vmem_shared>>
        tpu.wait_dma2 semaphore(%run_scoped3A : memref<!tpu.dma_semaphore, #tpu.memory_space<semaphore_mem>>) src(%arg13 : memref<128x128xf32, #tpu.memory_space<vmem>>) dst(%dma_wait3A_189 : memref<128x128xf32, #tpu.memory_space<vmem_shared>>)
        tpu.yield
      }) : () -> ()
      %add3A_180 = arith.constant 512 : i32
      %add3A_181 = arith.addi %mul3A_88, %add3A_180 : i32
      "tpu.region"() ({
        %run_scoped3A = tpu.sem_alloc : memref<!tpu.dma_semaphore, #tpu.memory_space<semaphore_mem>>
        %dma_start3A_182 = arith.constant 0 : i32
        %dma_start3A_183 = arith.constant 0 : i32
        %dma_start3A_184 = tpu.memref_slice %arg13[%dma_start3A_182, %dma_start3A_183] : memref<128x128xf32, #tpu.memory_space<vmem>> -> memref<8x128xf32, #tpu.memory_space<vmem>>
        %dma_start3A_185 = arith.constant 0 : i32
        %dma_start3A_186 = tpu.memref_slice %arg8[%add3A_181, %dma_start3A_185] : memref<10000x128xf32, #tpu.memory_space<vmem_shared>> -> memref<8x128xf32, #tpu.memory_space<vmem_shared>>
        %dma_start3A_187 = arith.constant 0 : i32
        %dma_start3A_188 = tpu.memref_slice %arg8[%add3A_181, %dma_start3A_187] : memref<10000x128xf32, #tpu.memory_space<vmem_shared>> -> memref<8x128xf32, #tpu.memory_space<vmem_shared>>
        %dma_start3A_189 = arith.constant 0 : i32
        %dma_start3A_190 = arith.constant 0 : i32
        %dma_start3A_191 = tpu.memref_slice %arg13[%dma_start3A_189, %dma_start3A_190] : memref<128x128xf32, #tpu.memory_space<vmem>> -> memref<8x128xf32, #tpu.memory_space<vmem>>
        tpu.enqueue_dma source(%dma_start3A_191 : memref<8x128xf32, #tpu.memory_space<vmem>>) target(%dma_start3A_188 : memref<8x128xf32, #tpu.memory_space<vmem_shared>>) target_semaphore(%run_scoped3A : memref<!tpu.dma_semaphore, #tpu.memory_space<semaphore_mem>>)
        %dma_wait3A_192 = arith.constant 0 : i32
        %dma_wait3A_193 = arith.constant 0 : i32
        %dma_wait3A_194 = tpu.memref_slice %arg13[%dma_wait3A_192, %dma_wait3A_193] : memref<128x128xf32, #tpu.memory_space<vmem>> -> memref<8x128xf32, #tpu.memory_space<vmem>>
        %dma_wait3A_195 = arith.constant 0 : i32
        %dma_wait3A_196 = tpu.memref_slice %arg8[%add3A_181, %dma_wait3A_195] : memref<10000x128xf32, #tpu.memory_space<vmem_shared>> -> memref<8x128xf32, #tpu.memory_space<vmem_shared>>
        %dma_wait3A_197 = arith.constant 0 : i32
        %dma_wait3A_198 = tpu.memref_slice %arg8[%add3A_181, %dma_wait3A_197] : memref<10000x128xf32, #tpu.memory_space<vmem_shared>> -> memref<8x128xf32, #tpu.memory_space<vmem_shared>>
        %dma_wait3A_199 = arith.constant 0 : i32
        %dma_wait3A_200 = arith.constant 0 : i32
        %dma_wait3A_201 = tpu.memref_slice %arg13[%dma_wait3A_199, %dma_wait3A_200] : memref<128x128xf32, #tpu.memory_space<vmem>> -> memref<8x128xf32, #tpu.memory_space<vmem>>
        tpu.wait_dma2 semaphore(%run_scoped3A : memref<!tpu.dma_semaphore, #tpu.memory_space<semaphore_mem>>) src(%dma_wait3A_201 : memref<8x128xf32, #tpu.memory_space<vmem>>) dst(%dma_wait3A_198 : memref<8x128xf32, #tpu.memory_space<vmem_shared>>)
        tpu.yield
      }) : () -> ()
    } else {
    }
    %barrier3A = arith.constant 0 : index
    tpu.barrier barrier_id(%barrier3A)
    %mul3A_95 = arith.constant 160 : i32
    %mul3A_96 = arith.muli %arg1, %mul3A_95 : i32
    %add3A_97 = arith.constant 0 : i32
    %add3A_98 = arith.addi %mul3A_96, %add3A_97 : i32
    %dma_start3A = arith.constant 0 : i32
    %dma_start3A_99 = arith.constant 0 : i32
    %dma_start3A_100 = tpu.memref_slice %arg10[%dma_start3A, %dma_start3A_99] : memref<16x128xi32, #tpu.memory_space<vmem>> -> memref<8x128xi32, #tpu.memory_space<vmem>>
    %dma_start3A_101 = arith.constant 0 : i32
    %dma_start3A_102 = tpu.memref_slice %arg3[%add3A_98, %dma_start3A_101] : memref<2560x128xi32, #tpu.memory_space<hbm>> -> memref<8x128xi32, #tpu.memory_space<hbm>>
    %dma_start3A_103 = arith.constant 0 : i32
    %dma_start3A_104 = arith.constant 0 : i32
    %dma_start3A_105 = tpu.memref_slice %arg10[%dma_start3A_103, %dma_start3A_104] : memref<16x128xi32, #tpu.memory_space<vmem>> -> memref<8x128xi32, #tpu.memory_space<vmem>>
    %dma_start3A_106 = arith.constant 0 : i32
    %dma_start3A_107 = tpu.memref_slice %arg3[%add3A_98, %dma_start3A_106] : memref<2560x128xi32, #tpu.memory_space<hbm>> -> memref<8x128xi32, #tpu.memory_space<hbm>>
    tpu.enqueue_dma source(%dma_start3A_107 : memref<8x128xi32, #tpu.memory_space<hbm>>) target(%dma_start3A_105 : memref<8x128xi32, #tpu.memory_space<vmem>>) target_semaphore(%arg17 : memref<!tpu.dma_semaphore, #tpu.memory_space<semaphore_mem>>)
    %dma_start3A_108 = arith.constant 0 : i32
    %dma_start3A_109 = arith.constant 0 : i32
    %dma_start3A_110 = tpu.memref_slice %arg12[%dma_start3A_108, %dma_start3A_109] : memref<16x128xf32, #tpu.memory_space<vmem>> -> memref<8x128xf32, #tpu.memory_space<vmem>>
    %dma_start3A_111 = arith.constant 0 : i32
    %dma_start3A_112 = tpu.memref_slice %arg5[%add3A_98, %dma_start3A_111] : memref<2560x128xf32, #tpu.memory_space<hbm>> -> memref<8x128xf32, #tpu.memory_space<hbm>>
    %dma_start3A_113 = arith.constant 0 : i32
    %dma_start3A_114 = arith.constant 0 : i32
    %dma_start3A_115 = tpu.memref_slice %arg12[%dma_start3A_113, %dma_start3A_114] : memref<16x128xf32, #tpu.memory_space<vmem>> -> memref<8x128xf32, #tpu.memory_space<vmem>>
    %dma_start3A_116 = arith.constant 0 : i32
    %dma_start3A_117 = tpu.memref_slice %arg5[%add3A_98, %dma_start3A_116] : memref<2560x128xf32, #tpu.memory_space<hbm>> -> memref<8x128xf32, #tpu.memory_space<hbm>>
    tpu.enqueue_dma source(%dma_start3A_117 : memref<8x128xf32, #tpu.memory_space<hbm>>) target(%dma_start3A_115 : memref<8x128xf32, #tpu.memory_space<vmem>>) target_semaphore(%arg17 : memref<!tpu.dma_semaphore, #tpu.memory_space<semaphore_mem>>)
    %dma_wait3A = arith.constant 0 : i32
    %dma_wait3A_118 = arith.constant 0 : i32
    %dma_wait3A_119 = tpu.memref_slice %arg10[%dma_wait3A, %dma_wait3A_118] : memref<16x128xi32, #tpu.memory_space<vmem>> -> memref<8x128xi32, #tpu.memory_space<vmem>>
    %dma_wait3A_120 = arith.constant 0 : i32
    %dma_wait3A_121 = tpu.memref_slice %arg3[%add3A_98, %dma_wait3A_120] : memref<2560x128xi32, #tpu.memory_space<hbm>> -> memref<8x128xi32, #tpu.memory_space<hbm>>
    %dma_wait3A_122 = arith.constant 0 : i32
    %dma_wait3A_123 = arith.constant 0 : i32
    %dma_wait3A_124 = tpu.memref_slice %arg10[%dma_wait3A_122, %dma_wait3A_123] : memref<16x128xi32, #tpu.memory_space<vmem>> -> memref<8x128xi32, #tpu.memory_space<vmem>>
    %dma_wait3A_125 = arith.constant 0 : i32
    %dma_wait3A_126 = tpu.memref_slice %arg3[%add3A_98, %dma_wait3A_125] : memref<2560x128xi32, #tpu.memory_space<hbm>> -> memref<8x128xi32, #tpu.memory_space<hbm>>
    tpu.wait_dma2 semaphore(%arg17 : memref<!tpu.dma_semaphore, #tpu.memory_space<semaphore_mem>>) src(%dma_wait3A_126 : memref<8x128xi32, #tpu.memory_space<hbm>>) dst(%dma_wait3A_124 : memref<8x128xi32, #tpu.memory_space<vmem>>)
    %dma_wait3A_127 = arith.constant 0 : i32
    %dma_wait3A_128 = arith.constant 0 : i32
    %dma_wait3A_129 = tpu.memref_slice %arg12[%dma_wait3A_127, %dma_wait3A_128] : memref<16x128xf32, #tpu.memory_space<vmem>> -> memref<8x128xf32, #tpu.memory_space<vmem>>
    %dma_wait3A_130 = arith.constant 0 : i32
    %dma_wait3A_131 = tpu.memref_slice %arg5[%add3A_98, %dma_wait3A_130] : memref<2560x128xf32, #tpu.memory_space<hbm>> -> memref<8x128xf32, #tpu.memory_space<hbm>>
    %dma_wait3A_132 = arith.constant 0 : i32
    %dma_wait3A_133 = arith.constant 0 : i32
    %dma_wait3A_134 = tpu.memref_slice %arg12[%dma_wait3A_132, %dma_wait3A_133] : memref<16x128xf32, #tpu.memory_space<vmem>> -> memref<8x128xf32, #tpu.memory_space<vmem>>
    %dma_wait3A_135 = arith.constant 0 : i32
    %dma_wait3A_136 = tpu.memref_slice %arg5[%add3A_98, %dma_wait3A_135] : memref<2560x128xf32, #tpu.memory_space<hbm>> -> memref<8x128xf32, #tpu.memory_space<hbm>>
    tpu.wait_dma2 semaphore(%arg17 : memref<!tpu.dma_semaphore, #tpu.memory_space<semaphore_mem>>) src(%dma_wait3A_136 : memref<8x128xf32, #tpu.memory_space<hbm>>) dst(%dma_wait3A_134 : memref<8x128xf32, #tpu.memory_space<vmem>>)
    %scan3A_137 = arith.constant 0 : i32
    %scan3A_138 = arith.constant 0 : i32
    %scan3A_139 = arith.constant 10 : i32
    %scan3A_140 = arith.addi %scan3A_138, %scan3A_139 : i32
    %scan3A_141 = arith.constant 1 : i32
    %scan3A_142 = scf.for %scan3A_172 = %scan3A_138 to %scan3A_140 step %scan3A_141 iter_args(%scan3A_173 = %scan3A_137) -> (i32)  : i32 {
      %mul3A_174 = arith.constant 2 : i32
      %mul3A_175 = arith.muli %mul3A_174, %scan3A_172 : i32
      %add3A_176 = arith.constant 1 : i32
      %add3A_177 = arith.addi %mul3A_175, %add3A_176 : i32
      %mul3A_178 = arith.constant 8 : i32
      %mul3A_179 = arith.muli %add3A_177, %mul3A_178 : i32
      %add3A_180 = arith.addi %mul3A_96, %mul3A_179 : i32
      %dma_start3A_181 = arith.constant 8 : i32
      %dma_start3A_182 = arith.constant 0 : i32
      %dma_start3A_183 = tpu.memref_slice %arg10[%dma_start3A_181, %dma_start3A_182] : memref<16x128xi32, #tpu.memory_space<vmem>> -> memref<8x128xi32, #tpu.memory_space<vmem>>
      %dma_start3A_184 = arith.constant 0 : i32
      %dma_start3A_185 = tpu.memref_slice %arg3[%add3A_180, %dma_start3A_184] : memref<2560x128xi32, #tpu.memory_space<hbm>> -> memref<8x128xi32, #tpu.memory_space<hbm>>
      %dma_start3A_186 = arith.constant 8 : i32
      %dma_start3A_187 = arith.constant 0 : i32
      %dma_start3A_188 = tpu.memref_slice %arg10[%dma_start3A_186, %dma_start3A_187] : memref<16x128xi32, #tpu.memory_space<vmem>> -> memref<8x128xi32, #tpu.memory_space<vmem>>
      %dma_start3A_189 = arith.constant 0 : i32
      %dma_start3A_190 = tpu.memref_slice %arg3[%add3A_180, %dma_start3A_189] : memref<2560x128xi32, #tpu.memory_space<hbm>> -> memref<8x128xi32, #tpu.memory_space<hbm>>
      tpu.enqueue_dma source(%dma_start3A_190 : memref<8x128xi32, #tpu.memory_space<hbm>>) target(%dma_start3A_188 : memref<8x128xi32, #tpu.memory_space<vmem>>) target_semaphore(%arg18 : memref<!tpu.dma_semaphore, #tpu.memory_space<semaphore_mem>>)
      %dma_start3A_191 = arith.constant 8 : i32
      %dma_start3A_192 = arith.constant 0 : i32
      %dma_start3A_193 = tpu.memref_slice %arg12[%dma_start3A_191, %dma_start3A_192] : memref<16x128xf32, #tpu.memory_space<vmem>> -> memref<8x128xf32, #tpu.memory_space<vmem>>
      %dma_start3A_194 = arith.constant 0 : i32
      %dma_start3A_195 = tpu.memref_slice %arg5[%add3A_180, %dma_start3A_194] : memref<2560x128xf32, #tpu.memory_space<hbm>> -> memref<8x128xf32, #tpu.memory_space<hbm>>
      %dma_start3A_196 = arith.constant 8 : i32
      %dma_start3A_197 = arith.constant 0 : i32
      %dma_start3A_198 = tpu.memref_slice %arg12[%dma_start3A_196, %dma_start3A_197] : memref<16x128xf32, #tpu.memory_space<vmem>> -> memref<8x128xf32, #tpu.memory_space<vmem>>
      %dma_start3A_199 = arith.constant 0 : i32
      %dma_start3A_200 = tpu.memref_slice %arg5[%add3A_180, %dma_start3A_199] : memref<2560x128xf32, #tpu.memory_space<hbm>> -> memref<8x128xf32, #tpu.memory_space<hbm>>
      tpu.enqueue_dma source(%dma_start3A_200 : memref<8x128xf32, #tpu.memory_space<hbm>>) target(%dma_start3A_198 : memref<8x128xf32, #tpu.memory_space<vmem>>) target_semaphore(%arg18 : memref<!tpu.dma_semaphore, #tpu.memory_space<semaphore_mem>>)
      %dma_start3A_201 = arith.constant 0 : i32
      %dma_start3A_202 = arith.constant 0 : i32
      %dma_start3A_203 = arith.constant 0 : i32
      %dma_start3A_204 = tpu.memref_slice %arg12[%dma_start3A_201, %dma_start3A_203] : memref<16x128xf32, #tpu.memory_space<vmem>> -> memref<1x128xf32, #tpu.memory_space<vmem>>
      %dma_start3A_205 = tpu.memref_squeeze %dma_start3A_204 : memref<1x128xf32, #tpu.memory_space<vmem>> -> memref<128xf32, #tpu.memory_space<vmem>>
      %dma_start3A_206 = arith.constant 0 : i32
      %dma_start3A_207 = tpu.memref_slice %arg10[%dma_start3A_202, %dma_start3A_206] : memref<16x128xi32, #tpu.memory_space<vmem>> -> memref<1x128xi32, #tpu.memory_space<vmem>>
      %dma_start3A_208 = tpu.memref_squeeze %dma_start3A_207 : memref<1x128xi32, #tpu.memory_space<vmem>> -> memref<128xi32, #tpu.memory_space<vmem>>
      %dma_start3A_209 = arith.constant 0 : i32
      %dma_start3A_210 = tpu.memref_slice %arg7[%dma_start3A_209] : memref<10000xf32, #tpu.memory_space<vmem_shared>> -> memref<10000xf32, #tpu.memory_space<vmem_shared>>
      tpu.enqueue_indirect_dma source(%dma_start3A_205 : memref<128xf32, #tpu.memory_space<vmem>>) target(%dma_start3A_210 : memref<10000xf32, #tpu.memory_space<vmem_shared>>) offsets(%dma_start3A_208 : memref<128xi32, #tpu.memory_space<vmem>>) semaphore(%arg19 : memref<!tpu.dma_semaphore, #tpu.memory_space<semaphore_mem>>) {add = true}
      %dma_start3A_211 = arith.constant 1 : i32
      %dma_start3A_212 = arith.constant 1 : i32
      %dma_start3A_213 = arith.constant 0 : i32
      %dma_start3A_214 = tpu.memref_slice %arg12[%dma_start3A_211, %dma_start3A_213] : memref<16x128xf32, #tpu.memory_space<vmem>> -> memref<1x128xf32, #tpu.memory_space<vmem>>
      %dma_start3A_215 = tpu.memref_squeeze %dma_start3A_214 : memref<1x128xf32, #tpu.memory_space<vmem>> -> memref<128xf32, #tpu.memory_space<vmem>>
      %dma_start3A_216 = arith.constant 0 : i32
      %dma_start3A_217 = tpu.memref_slice %arg10[%dma_start3A_212, %dma_start3A_216] : memref<16x128xi32, #tpu.memory_space<vmem>> -> memref<1x128xi32, #tpu.memory_space<vmem>>
      %dma_start3A_218 = tpu.memref_squeeze %dma_start3A_217 : memref<1x128xi32, #tpu.memory_space<vmem>> -> memref<128xi32, #tpu.memory_space<vmem>>
      %dma_start3A_219 = arith.constant 0 : i32
      %dma_start3A_220 = tpu.memref_slice %arg7[%dma_start3A_219] : memref<10000xf32, #tpu.memory_space<vmem_shared>> -> memref<10000xf32, #tpu.memory_space<vmem_shared>>
      tpu.enqueue_indirect_dma source(%dma_start3A_215 : memref<128xf32, #tpu.memory_space<vmem>>) target(%dma_start3A_220 : memref<10000xf32, #tpu.memory_space<vmem_shared>>) offsets(%dma_start3A_218 : memref<128xi32, #tpu.memory_space<vmem>>) semaphore(%arg19 : memref<!tpu.dma_semaphore, #tpu.memory_space<semaphore_mem>>) {add = true}
      %dma_start3A_221 = arith.constant 2 : i32
      %dma_start3A_222 = arith.constant 2 : i32
      %dma_start3A_223 = arith.constant 0 : i32
      %dma_start3A_224 = tpu.memref_slice %arg12[%dma_start3A_221, %dma_start3A_223] : memref<16x128xf32, #tpu.memory_space<vmem>> -> memref<1x128xf32, #tpu.memory_space<vmem>>
      %dma_start3A_225 = tpu.memref_squeeze %dma_start3A_224 : memref<1x128xf32, #tpu.memory_space<vmem>> -> memref<128xf32, #tpu.memory_space<vmem>>
      %dma_start3A_226 = arith.constant 0 : i32
      %dma_start3A_227 = tpu.memref_slice %arg10[%dma_start3A_222, %dma_start3A_226] : memref<16x128xi32, #tpu.memory_space<vmem>> -> memref<1x128xi32, #tpu.memory_space<vmem>>
      %dma_start3A_228 = tpu.memref_squeeze %dma_start3A_227 : memref<1x128xi32, #tpu.memory_space<vmem>> -> memref<128xi32, #tpu.memory_space<vmem>>
      %dma_start3A_229 = arith.constant 0 : i32
      %dma_start3A_230 = tpu.memref_slice %arg7[%dma_start3A_229] : memref<10000xf32, #tpu.memory_space<vmem_shared>> -> memref<10000xf32, #tpu.memory_space<vmem_shared>>
      tpu.enqueue_indirect_dma source(%dma_start3A_225 : memref<128xf32, #tpu.memory_space<vmem>>) target(%dma_start3A_230 : memref<10000xf32, #tpu.memory_space<vmem_shared>>) offsets(%dma_start3A_228 : memref<128xi32, #tpu.memory_space<vmem>>) semaphore(%arg19 : memref<!tpu.dma_semaphore, #tpu.memory_space<semaphore_mem>>) {add = true}
      %dma_start3A_231 = arith.constant 3 : i32
      %dma_start3A_232 = arith.constant 3 : i32
      %dma_start3A_233 = arith.constant 0 : i32
      %dma_start3A_234 = tpu.memref_slice %arg12[%dma_start3A_231, %dma_start3A_233] : memref<16x128xf32, #tpu.memory_space<vmem>> -> memref<1x128xf32, #tpu.memory_space<vmem>>
      %dma_start3A_235 = tpu.memref_squeeze %dma_start3A_234 : memref<1x128xf32, #tpu.memory_space<vmem>> -> memref<128xf32, #tpu.memory_space<vmem>>
      %dma_start3A_236 = arith.constant 0 : i32
      %dma_start3A_237 = tpu.memref_slice %arg10[%dma_start3A_232, %dma_start3A_236] : memref<16x128xi32, #tpu.memory_space<vmem>> -> memref<1x128xi32, #tpu.memory_space<vmem>>
      %dma_start3A_238 = tpu.memref_squeeze %dma_start3A_237 : memref<1x128xi32, #tpu.memory_space<vmem>> -> memref<128xi32, #tpu.memory_space<vmem>>
      %dma_start3A_239 = arith.constant 0 : i32
      %dma_start3A_240 = tpu.memref_slice %arg7[%dma_start3A_239] : memref<10000xf32, #tpu.memory_space<vmem_shared>> -> memref<10000xf32, #tpu.memory_space<vmem_shared>>
      tpu.enqueue_indirect_dma source(%dma_start3A_235 : memref<128xf32, #tpu.memory_space<vmem>>) target(%dma_start3A_240 : memref<10000xf32, #tpu.memory_space<vmem_shared>>) offsets(%dma_start3A_238 : memref<128xi32, #tpu.memory_space<vmem>>) semaphore(%arg19 : memref<!tpu.dma_semaphore, #tpu.memory_space<semaphore_mem>>) {add = true}
      %dma_start3A_241 = arith.constant 4 : i32
      %dma_start3A_242 = arith.constant 4 : i32
      %dma_start3A_243 = arith.constant 0 : i32
      %dma_start3A_244 = tpu.memref_slice %arg12[%dma_start3A_241, %dma_start3A_243] : memref<16x128xf32, #tpu.memory_space<vmem>> -> memref<1x128xf32, #tpu.memory_space<vmem>>
      %dma_start3A_245 = tpu.memref_squeeze %dma_start3A_244 : memref<1x128xf32, #tpu.memory_space<vmem>> -> memref<128xf32, #tpu.memory_space<vmem>>
      %dma_start3A_246 = arith.constant 0 : i32
      %dma_start3A_247 = tpu.memref_slice %arg10[%dma_start3A_242, %dma_start3A_246] : memref<16x128xi32, #tpu.memory_space<vmem>> -> memref<1x128xi32, #tpu.memory_space<vmem>>
      %dma_start3A_248 = tpu.memref_squeeze %dma_start3A_247 : memref<1x128xi32, #tpu.memory_space<vmem>> -> memref<128xi32, #tpu.memory_space<vmem>>
      %dma_start3A_249 = arith.constant 0 : i32
      %dma_start3A_250 = tpu.memref_slice %arg7[%dma_start3A_249] : memref<10000xf32, #tpu.memory_space<vmem_shared>> -> memref<10000xf32, #tpu.memory_space<vmem_shared>>
      tpu.enqueue_indirect_dma source(%dma_start3A_245 : memref<128xf32, #tpu.memory_space<vmem>>) target(%dma_start3A_250 : memref<10000xf32, #tpu.memory_space<vmem_shared>>) offsets(%dma_start3A_248 : memref<128xi32, #tpu.memory_space<vmem>>) semaphore(%arg19 : memref<!tpu.dma_semaphore, #tpu.memory_space<semaphore_mem>>) {add = true}
      %dma_start3A_251 = arith.constant 5 : i32
      %dma_start3A_252 = arith.constant 5 : i32
      %dma_start3A_253 = arith.constant 0 : i32
      %dma_start3A_254 = tpu.memref_slice %arg12[%dma_start3A_251, %dma_start3A_253] : memref<16x128xf32, #tpu.memory_space<vmem>> -> memref<1x128xf32, #tpu.memory_space<vmem>>
      %dma_start3A_255 = tpu.memref_squeeze %dma_start3A_254 : memref<1x128xf32, #tpu.memory_space<vmem>> -> memref<128xf32, #tpu.memory_space<vmem>>
      %dma_start3A_256 = arith.constant 0 : i32
      %dma_start3A_257 = tpu.memref_slice %arg10[%dma_start3A_252, %dma_start3A_256] : memref<16x128xi32, #tpu.memory_space<vmem>> -> memref<1x128xi32, #tpu.memory_space<vmem>>
      %dma_start3A_258 = tpu.memref_squeeze %dma_start3A_257 : memref<1x128xi32, #tpu.memory_space<vmem>> -> memref<128xi32, #tpu.memory_space<vmem>>
      %dma_start3A_259 = arith.constant 0 : i32
      %dma_start3A_260 = tpu.memref_slice %arg7[%dma_start3A_259] : memref<10000xf32, #tpu.memory_space<vmem_shared>> -> memref<10000xf32, #tpu.memory_space<vmem_shared>>
      tpu.enqueue_indirect_dma source(%dma_start3A_255 : memref<128xf32, #tpu.memory_space<vmem>>) target(%dma_start3A_260 : memref<10000xf32, #tpu.memory_space<vmem_shared>>) offsets(%dma_start3A_258 : memref<128xi32, #tpu.memory_space<vmem>>) semaphore(%arg19 : memref<!tpu.dma_semaphore, #tpu.memory_space<semaphore_mem>>) {add = true}
      %dma_start3A_261 = arith.constant 6 : i32
      %dma_start3A_262 = arith.constant 6 : i32
      %dma_start3A_263 = arith.constant 0 : i32
      %dma_start3A_264 = tpu.memref_slice %arg12[%dma_start3A_261, %dma_start3A_263] : memref<16x128xf32, #tpu.memory_space<vmem>> -> memref<1x128xf32, #tpu.memory_space<vmem>>
      %dma_start3A_265 = tpu.memref_squeeze %dma_start3A_264 : memref<1x128xf32, #tpu.memory_space<vmem>> -> memref<128xf32, #tpu.memory_space<vmem>>
      %dma_start3A_266 = arith.constant 0 : i32
      %dma_start3A_267 = tpu.memref_slice %arg10[%dma_start3A_262, %dma_start3A_266] : memref<16x128xi32, #tpu.memory_space<vmem>> -> memref<1x128xi32, #tpu.memory_space<vmem>>
      %dma_start3A_268 = tpu.memref_squeeze %dma_start3A_267 : memref<1x128xi32, #tpu.memory_space<vmem>> -> memref<128xi32, #tpu.memory_space<vmem>>
      %dma_start3A_269 = arith.constant 0 : i32
      %dma_start3A_270 = tpu.memref_slice %arg7[%dma_start3A_269] : memref<10000xf32, #tpu.memory_space<vmem_shared>> -> memref<10000xf32, #tpu.memory_space<vmem_shared>>
      tpu.enqueue_indirect_dma source(%dma_start3A_265 : memref<128xf32, #tpu.memory_space<vmem>>) target(%dma_start3A_270 : memref<10000xf32, #tpu.memory_space<vmem_shared>>) offsets(%dma_start3A_268 : memref<128xi32, #tpu.memory_space<vmem>>) semaphore(%arg19 : memref<!tpu.dma_semaphore, #tpu.memory_space<semaphore_mem>>) {add = true}
      %dma_start3A_271 = arith.constant 7 : i32
      %dma_start3A_272 = arith.constant 7 : i32
      %dma_start3A_273 = arith.constant 0 : i32
      %dma_start3A_274 = tpu.memref_slice %arg12[%dma_start3A_271, %dma_start3A_273] : memref<16x128xf32, #tpu.memory_space<vmem>> -> memref<1x128xf32, #tpu.memory_space<vmem>>
      %dma_start3A_275 = tpu.memref_squeeze %dma_start3A_274 : memref<1x128xf32, #tpu.memory_space<vmem>> -> memref<128xf32, #tpu.memory_space<vmem>>
      %dma_start3A_276 = arith.constant 0 : i32
      %dma_start3A_277 = tpu.memref_slice %arg10[%dma_start3A_272, %dma_start3A_276] : memref<16x128xi32, #tpu.memory_space<vmem>> -> memref<1x128xi32, #tpu.memory_space<vmem>>
      %dma_start3A_278 = tpu.memref_squeeze %dma_start3A_277 : memref<1x128xi32, #tpu.memory_space<vmem>> -> memref<128xi32, #tpu.memory_space<vmem>>
      %dma_start3A_279 = arith.constant 0 : i32
      %dma_start3A_280 = tpu.memref_slice %arg7[%dma_start3A_279] : memref<10000xf32, #tpu.memory_space<vmem_shared>> -> memref<10000xf32, #tpu.memory_space<vmem_shared>>
      tpu.enqueue_indirect_dma source(%dma_start3A_275 : memref<128xf32, #tpu.memory_space<vmem>>) target(%dma_start3A_280 : memref<10000xf32, #tpu.memory_space<vmem_shared>>) offsets(%dma_start3A_278 : memref<128xi32, #tpu.memory_space<vmem>>) semaphore(%arg19 : memref<!tpu.dma_semaphore, #tpu.memory_space<semaphore_mem>>) {add = true}
      %dma_wait3A_281 = arith.constant 0 : i32
      %dma_wait3A_282 = arith.constant 0 : i32
      %dma_wait3A_283 = arith.constant 0 : i32
      %dma_wait3A_284 = tpu.memref_slice %arg12[%dma_wait3A_281, %dma_wait3A_283] : memref<16x128xf32, #tpu.memory_space<vmem>> -> memref<1x128xf32, #tpu.memory_space<vmem>>
      %dma_wait3A_285 = tpu.memref_squeeze %dma_wait3A_284 : memref<1x128xf32, #tpu.memory_space<vmem>> -> memref<128xf32, #tpu.memory_space<vmem>>
      %dma_wait3A_286 = arith.constant 0 : i32
      %dma_wait3A_287 = tpu.memref_slice %arg10[%dma_wait3A_282, %dma_wait3A_286] : memref<16x128xi32, #tpu.memory_space<vmem>> -> memref<1x128xi32, #tpu.memory_space<vmem>>
      %dma_wait3A_288 = tpu.memref_squeeze %dma_wait3A_287 : memref<1x128xi32, #tpu.memory_space<vmem>> -> memref<128xi32, #tpu.memory_space<vmem>>
      %dma_wait3A_289 = arith.constant 0 : i32
      %dma_wait3A_290 = tpu.memref_slice %arg7[%dma_wait3A_289] : memref<10000xf32, #tpu.memory_space<vmem_shared>> -> memref<10000xf32, #tpu.memory_space<vmem_shared>>
      tpu.wait_indirect_dma semaphore(%arg19 : memref<!tpu.dma_semaphore, #tpu.memory_space<semaphore_mem>>) src(%dma_wait3A_285 : memref<128xf32, #tpu.memory_space<vmem>>) dst(%dma_wait3A_290 : memref<10000xf32, #tpu.memory_space<vmem_shared>>)
      %dma_wait3A_291 = arith.constant 1 : i32
      %dma_wait3A_292 = arith.constant 1 : i32
      %dma_wait3A_293 = arith.constant 0 : i32
      %dma_wait3A_294 = tpu.memref_slice %arg12[%dma_wait3A_291, %dma_wait3A_293] : memref<16x128xf32, #tpu.memory_space<vmem>> -> memref<1x128xf32, #tpu.memory_space<vmem>>
      %dma_wait3A_295 = tpu.memref_squeeze %dma_wait3A_294 : memref<1x128xf32, #tpu.memory_space<vmem>> -> memref<128xf32, #tpu.memory_space<vmem>>
      %dma_wait3A_296 = arith.constant 0 : i32
      %dma_wait3A_297 = tpu.memref_slice %arg10[%dma_wait3A_292, %dma_wait3A_296] : memref<16x128xi32, #tpu.memory_space<vmem>> -> memref<1x128xi32, #tpu.memory_space<vmem>>
      %dma_wait3A_298 = tpu.memref_squeeze %dma_wait3A_297 : memref<1x128xi32, #tpu.memory_space<vmem>> -> memref<128xi32, #tpu.memory_space<vmem>>
      %dma_wait3A_299 = arith.constant 0 : i32
      %dma_wait3A_300 = tpu.memref_slice %arg7[%dma_wait3A_299] : memref<10000xf32, #tpu.memory_space<vmem_shared>> -> memref<10000xf32, #tpu.memory_space<vmem_shared>>
      tpu.wait_indirect_dma semaphore(%arg19 : memref<!tpu.dma_semaphore, #tpu.memory_space<semaphore_mem>>) src(%dma_wait3A_295 : memref<128xf32, #tpu.memory_space<vmem>>) dst(%dma_wait3A_300 : memref<10000xf32, #tpu.memory_space<vmem_shared>>)
      %dma_wait3A_301 = arith.constant 2 : i32
      %dma_wait3A_302 = arith.constant 2 : i32
      %dma_wait3A_303 = arith.constant 0 : i32
      %dma_wait3A_304 = tpu.memref_slice %arg12[%dma_wait3A_301, %dma_wait3A_303] : memref<16x128xf32, #tpu.memory_space<vmem>> -> memref<1x128xf32, #tpu.memory_space<vmem>>
      %dma_wait3A_305 = tpu.memref_squeeze %dma_wait3A_304 : memref<1x128xf32, #tpu.memory_space<vmem>> -> memref<128xf32, #tpu.memory_space<vmem>>
      %dma_wait3A_306 = arith.constant 0 : i32
      %dma_wait3A_307 = tpu.memref_slice %arg10[%dma_wait3A_302, %dma_wait3A_306] : memref<16x128xi32, #tpu.memory_space<vmem>> -> memref<1x128xi32, #tpu.memory_space<vmem>>
      %dma_wait3A_308 = tpu.memref_squeeze %dma_wait3A_307 : memref<1x128xi32, #tpu.memory_space<vmem>> -> memref<128xi32, #tpu.memory_space<vmem>>
      %dma_wait3A_309 = arith.constant 0 : i32
      %dma_wait3A_310 = tpu.memref_slice %arg7[%dma_wait3A_309] : memref<10000xf32, #tpu.memory_space<vmem_shared>> -> memref<10000xf32, #tpu.memory_space<vmem_shared>>
      tpu.wait_indirect_dma semaphore(%arg19 : memref<!tpu.dma_semaphore, #tpu.memory_space<semaphore_mem>>) src(%dma_wait3A_305 : memref<128xf32, #tpu.memory_space<vmem>>) dst(%dma_wait3A_310 : memref<10000xf32, #tpu.memory_space<vmem_shared>>)
      %dma_wait3A_311 = arith.constant 3 : i32
      %dma_wait3A_312 = arith.constant 3 : i32
      %dma_wait3A_313 = arith.constant 0 : i32
      %dma_wait3A_314 = tpu.memref_slice %arg12[%dma_wait3A_311, %dma_wait3A_313] : memref<16x128xf32, #tpu.memory_space<vmem>> -> memref<1x128xf32, #tpu.memory_space<vmem>>
      %dma_wait3A_315 = tpu.memref_squeeze %dma_wait3A_314 : memref<1x128xf32, #tpu.memory_space<vmem>> -> memref<128xf32, #tpu.memory_space<vmem>>
      %dma_wait3A_316 = arith.constant 0 : i32
      %dma_wait3A_317 = tpu.memref_slice %arg10[%dma_wait3A_312, %dma_wait3A_316] : memref<16x128xi32, #tpu.memory_space<vmem>> -> memref<1x128xi32, #tpu.memory_space<vmem>>
      %dma_wait3A_318 = tpu.memref_squeeze %dma_wait3A_317 : memref<1x128xi32, #tpu.memory_space<vmem>> -> memref<128xi32, #tpu.memory_space<vmem>>
      %dma_wait3A_319 = arith.constant 0 : i32
      %dma_wait3A_320 = tpu.memref_slice %arg7[%dma_wait3A_319] : memref<10000xf32, #tpu.memory_space<vmem_shared>> -> memref<10000xf32, #tpu.memory_space<vmem_shared>>
      tpu.wait_indirect_dma semaphore(%arg19 : memref<!tpu.dma_semaphore, #tpu.memory_space<semaphore_mem>>) src(%dma_wait3A_315 : memref<128xf32, #tpu.memory_space<vmem>>) dst(%dma_wait3A_320 : memref<10000xf32, #tpu.memory_space<vmem_shared>>)
      %dma_wait3A_321 = arith.constant 4 : i32
      %dma_wait3A_322 = arith.constant 4 : i32
      %dma_wait3A_323 = arith.constant 0 : i32
      %dma_wait3A_324 = tpu.memref_slice %arg12[%dma_wait3A_321, %dma_wait3A_323] : memref<16x128xf32, #tpu.memory_space<vmem>> -> memref<1x128xf32, #tpu.memory_space<vmem>>
      %dma_wait3A_325 = tpu.memref_squeeze %dma_wait3A_324 : memref<1x128xf32, #tpu.memory_space<vmem>> -> memref<128xf32, #tpu.memory_space<vmem>>
      %dma_wait3A_326 = arith.constant 0 : i32
      %dma_wait3A_327 = tpu.memref_slice %arg10[%dma_wait3A_322, %dma_wait3A_326] : memref<16x128xi32, #tpu.memory_space<vmem>> -> memref<1x128xi32, #tpu.memory_space<vmem>>
      %dma_wait3A_328 = tpu.memref_squeeze %dma_wait3A_327 : memref<1x128xi32, #tpu.memory_space<vmem>> -> memref<128xi32, #tpu.memory_space<vmem>>
      %dma_wait3A_329 = arith.constant 0 : i32
      %dma_wait3A_330 = tpu.memref_slice %arg7[%dma_wait3A_329] : memref<10000xf32, #tpu.memory_space<vmem_shared>> -> memref<10000xf32, #tpu.memory_space<vmem_shared>>
      tpu.wait_indirect_dma semaphore(%arg19 : memref<!tpu.dma_semaphore, #tpu.memory_space<semaphore_mem>>) src(%dma_wait3A_325 : memref<128xf32, #tpu.memory_space<vmem>>) dst(%dma_wait3A_330 : memref<10000xf32, #tpu.memory_space<vmem_shared>>)
      %dma_wait3A_331 = arith.constant 5 : i32
      %dma_wait3A_332 = arith.constant 5 : i32
      %dma_wait3A_333 = arith.constant 0 : i32
      %dma_wait3A_334 = tpu.memref_slice %arg12[%dma_wait3A_331, %dma_wait3A_333] : memref<16x128xf32, #tpu.memory_space<vmem>> -> memref<1x128xf32, #tpu.memory_space<vmem>>
      %dma_wait3A_335 = tpu.memref_squeeze %dma_wait3A_334 : memref<1x128xf32, #tpu.memory_space<vmem>> -> memref<128xf32, #tpu.memory_space<vmem>>
      %dma_wait3A_336 = arith.constant 0 : i32
      %dma_wait3A_337 = tpu.memref_slice %arg10[%dma_wait3A_332, %dma_wait3A_336] : memref<16x128xi32, #tpu.memory_space<vmem>> -> memref<1x128xi32, #tpu.memory_space<vmem>>
      %dma_wait3A_338 = tpu.memref_squeeze %dma_wait3A_337 : memref<1x128xi32, #tpu.memory_space<vmem>> -> memref<128xi32, #tpu.memory_space<vmem>>
      %dma_wait3A_339 = arith.constant 0 : i32
      %dma_wait3A_340 = tpu.memref_slice %arg7[%dma_wait3A_339] : memref<10000xf32, #tpu.memory_space<vmem_shared>> -> memref<10000xf32, #tpu.memory_space<vmem_shared>>
      tpu.wait_indirect_dma semaphore(%arg19 : memref<!tpu.dma_semaphore, #tpu.memory_space<semaphore_mem>>) src(%dma_wait3A_335 : memref<128xf32, #tpu.memory_space<vmem>>) dst(%dma_wait3A_340 : memref<10000xf32, #tpu.memory_space<vmem_shared>>)
      %dma_wait3A_341 = arith.constant 6 : i32
      %dma_wait3A_342 = arith.constant 6 : i32
      %dma_wait3A_343 = arith.constant 0 : i32
      %dma_wait3A_344 = tpu.memref_slice %arg12[%dma_wait3A_341, %dma_wait3A_343] : memref<16x128xf32, #tpu.memory_space<vmem>> -> memref<1x128xf32, #tpu.memory_space<vmem>>
      %dma_wait3A_345 = tpu.memref_squeeze %dma_wait3A_344 : memref<1x128xf32, #tpu.memory_space<vmem>> -> memref<128xf32, #tpu.memory_space<vmem>>
      %dma_wait3A_346 = arith.constant 0 : i32
      %dma_wait3A_347 = tpu.memref_slice %arg10[%dma_wait3A_342, %dma_wait3A_346] : memref<16x128xi32, #tpu.memory_space<vmem>> -> memref<1x128xi32, #tpu.memory_space<vmem>>
      %dma_wait3A_348 = tpu.memref_squeeze %dma_wait3A_347 : memref<1x128xi32, #tpu.memory_space<vmem>> -> memref<128xi32, #tpu.memory_space<vmem>>
      %dma_wait3A_349 = arith.constant 0 : i32
      %dma_wait3A_350 = tpu.memref_slice %arg7[%dma_wait3A_349] : memref<10000xf32, #tpu.memory_space<vmem_shared>> -> memref<10000xf32, #tpu.memory_space<vmem_shared>>
      tpu.wait_indirect_dma semaphore(%arg19 : memref<!tpu.dma_semaphore, #tpu.memory_space<semaphore_mem>>) src(%dma_wait3A_345 : memref<128xf32, #tpu.memory_space<vmem>>) dst(%dma_wait3A_350 : memref<10000xf32, #tpu.memory_space<vmem_shared>>)
      %dma_wait3A_351 = arith.constant 7 : i32
      %dma_wait3A_352 = arith.constant 7 : i32
      %dma_wait3A_353 = arith.constant 0 : i32
      %dma_wait3A_354 = tpu.memref_slice %arg12[%dma_wait3A_351, %dma_wait3A_353] : memref<16x128xf32, #tpu.memory_space<vmem>> -> memref<1x128xf32, #tpu.memory_space<vmem>>
      %dma_wait3A_355 = tpu.memref_squeeze %dma_wait3A_354 : memref<1x128xf32, #tpu.memory_space<vmem>> -> memref<128xf32, #tpu.memory_space<vmem>>
      %dma_wait3A_356 = arith.constant 0 : i32
      %dma_wait3A_357 = tpu.memref_slice %arg10[%dma_wait3A_352, %dma_wait3A_356] : memref<16x128xi32, #tpu.memory_space<vmem>> -> memref<1x128xi32, #tpu.memory_space<vmem>>
      %dma_wait3A_358 = tpu.memref_squeeze %dma_wait3A_357 : memref<1x128xi32, #tpu.memory_space<vmem>> -> memref<128xi32, #tpu.memory_space<vmem>>
      %dma_wait3A_359 = arith.constant 0 : i32
      %dma_wait3A_360 = tpu.memref_slice %arg7[%dma_wait3A_359] : memref<10000xf32, #tpu.memory_space<vmem_shared>> -> memref<10000xf32, #tpu.memory_space<vmem_shared>>
      tpu.wait_indirect_dma semaphore(%arg19 : memref<!tpu.dma_semaphore, #tpu.memory_space<semaphore_mem>>) src(%dma_wait3A_355 : memref<128xf32, #tpu.memory_space<vmem>>) dst(%dma_wait3A_360 : memref<10000xf32, #tpu.memory_space<vmem_shared>>)
      %dma_wait3A_361 = arith.constant 8 : i32
      %dma_wait3A_362 = arith.constant 0 : i32
      %dma_wait3A_363 = tpu.memref_slice %arg10[%dma_wait3A_361, %dma_wait3A_362] : memref<16x128xi32, #tpu.memory_space<vmem>> -> memref<8x128xi32, #tpu.memory_space<vmem>>
      %dma_wait3A_364 = arith.constant 0 : i32
      %dma_wait3A_365 = tpu.memref_slice %arg3[%add3A_180, %dma_wait3A_364] : memref<2560x128xi32, #tpu.memory_space<hbm>> -> memref<8x128xi32, #tpu.memory_space<hbm>>
      %dma_wait3A_366 = arith.constant 8 : i32
      %dma_wait3A_367 = arith.constant 0 : i32
      %dma_wait3A_368 = tpu.memref_slice %arg10[%dma_wait3A_366, %dma_wait3A_367] : memref<16x128xi32, #tpu.memory_space<vmem>> -> memref<8x128xi32, #tpu.memory_space<vmem>>
      %dma_wait3A_369 = arith.constant 0 : i32
      %dma_wait3A_370 = tpu.memref_slice %arg3[%add3A_180, %dma_wait3A_369] : memref<2560x128xi32, #tpu.memory_space<hbm>> -> memref<8x128xi32, #tpu.memory_space<hbm>>
      tpu.wait_dma2 semaphore(%arg18 : memref<!tpu.dma_semaphore, #tpu.memory_space<semaphore_mem>>) src(%dma_wait3A_370 : memref<8x128xi32, #tpu.memory_space<hbm>>) dst(%dma_wait3A_368 : memref<8x128xi32, #tpu.memory_space<vmem>>)
      %dma_wait3A_371 = arith.constant 8 : i32
      %dma_wait3A_372 = arith.constant 0 : i32
      %dma_wait3A_373 = tpu.memref_slice %arg12[%dma_wait3A_371, %dma_wait3A_372] : memref<16x128xf32, #tpu.memory_space<vmem>> -> memref<8x128xf32, #tpu.memory_space<vmem>>
      %dma_wait3A_374 = arith.constant 0 : i32
      %dma_wait3A_375 = tpu.memref_slice %arg5[%add3A_180, %dma_wait3A_374] : memref<2560x128xf32, #tpu.memory_space<hbm>> -> memref<8x128xf32, #tpu.memory_space<hbm>>
      %dma_wait3A_376 = arith.constant 8 : i32
      %dma_wait3A_377 = arith.constant 0 : i32
      %dma_wait3A_378 = tpu.memref_slice %arg12[%dma_wait3A_376, %dma_wait3A_377] : memref<16x128xf32, #tpu.memory_space<vmem>> -> memref<8x128xf32, #tpu.memory_space<vmem>>
      %dma_wait3A_379 = arith.constant 0 : i32
      %dma_wait3A_380 = tpu.memref_slice %arg5[%add3A_180, %dma_wait3A_379] : memref<2560x128xf32, #tpu.memory_space<hbm>> -> memref<8x128xf32, #tpu.memory_space<hbm>>
      tpu.wait_dma2 semaphore(%arg18 : memref<!tpu.dma_semaphore, #tpu.memory_space<semaphore_mem>>) src(%dma_wait3A_380 : memref<8x128xf32, #tpu.memory_space<hbm>>) dst(%dma_wait3A_378 : memref<8x128xf32, #tpu.memory_space<vmem>>)
      %mul3A_381 = arith.constant 2 : i32
      %mul3A_382 = arith.muli %mul3A_381, %scan3A_172 : i32
      %add3A_383 = arith.constant 2 : i32
      %add3A_384 = arith.addi %mul3A_382, %add3A_383 : i32
      %min3A = arith.constant 19 : i32
      %min3A_385 = arith.minsi %add3A_384, %min3A : i32
      %mul3A_386 = arith.constant 8 : i32
      %mul3A_387 = arith.muli %min3A_385, %mul3A_386 : i32
      %add3A_388 = arith.addi %mul3A_96, %mul3A_387 : i32
      %dma_start3A_389 = arith.constant 0 : i32
      %dma_start3A_390 = arith.constant 0 : i32
      %dma_start3A_391 = tpu.memref_slice %arg10[%dma_start3A_389, %dma_start3A_390] : memref<16x128xi32, #tpu.memory_space<vmem>> -> memref<8x128xi32, #tpu.memory_space<vmem>>
      %dma_start3A_392 = arith.constant 0 : i32
      %dma_start3A_393 = tpu.memref_slice %arg3[%add3A_388, %dma_start3A_392] : memref<2560x128xi32, #tpu.memory_space<hbm>> -> memref<8x128xi32, #tpu.memory_space<hbm>>
      %dma_start3A_394 = arith.constant 0 : i32
      %dma_start3A_395 = arith.constant 0 : i32
      %dma_start3A_396 = tpu.memref_slice %arg10[%dma_start3A_394, %dma_start3A_395] : memref<16x128xi32, #tpu.memory_space<vmem>> -> memref<8x128xi32, #tpu.memory_space<vmem>>
      %dma_start3A_397 = arith.constant 0 : i32
      %dma_start3A_398 = tpu.memref_slice %arg3[%add3A_388, %dma_start3A_397] : memref<2560x128xi32, #tpu.memory_space<hbm>> -> memref<8x128xi32, #tpu.memory_space<hbm>>
      tpu.enqueue_dma source(%dma_start3A_398 : memref<8x128xi32, #tpu.memory_space<hbm>>) target(%dma_start3A_396 : memref<8x128xi32, #tpu.memory_space<vmem>>) target_semaphore(%arg17 : memref<!tpu.dma_semaphore, #tpu.memory_space<semaphore_mem>>)
      %dma_start3A_399 = arith.constant 0 : i32
      %dma_start3A_400 = arith.constant 0 : i32
      %dma_start3A_401 = tpu.memref_slice %arg12[%dma_start3A_399, %dma_start3A_400] : memref<16x128xf32, #tpu.memory_space<vmem>> -> memref<8x128xf32, #tpu.memory_space<vmem>>
      %dma_start3A_402 = arith.constant 0 : i32
      %dma_start3A_403 = tpu.memref_slice %arg5[%add3A_388, %dma_start3A_402] : memref<2560x128xf32, #tpu.memory_space<hbm>> -> memref<8x128xf32, #tpu.memory_space<hbm>>
      %dma_start3A_404 = arith.constant 0 : i32
      %dma_start3A_405 = arith.constant 0 : i32
      %dma_start3A_406 = tpu.memref_slice %arg12[%dma_start3A_404, %dma_start3A_405] : memref<16x128xf32, #tpu.memory_space<vmem>> -> memref<8x128xf32, #tpu.memory_space<vmem>>
      %dma_start3A_407 = arith.constant 0 : i32
      %dma_start3A_408 = tpu.memref_slice %arg5[%add3A_388, %dma_start3A_407] : memref<2560x128xf32, #tpu.memory_space<hbm>> -> memref<8x128xf32, #tpu.memory_space<hbm>>
      tpu.enqueue_dma source(%dma_start3A_408 : memref<8x128xf32, #tpu.memory_space<hbm>>) target(%dma_start3A_406 : memref<8x128xf32, #tpu.memory_space<vmem>>) target_semaphore(%arg17 : memref<!tpu.dma_semaphore, #tpu.memory_space<semaphore_mem>>)
      %dma_start3A_409 = arith.constant 8 : i32
      %dma_start3A_410 = arith.constant 8 : i32
      %dma_start3A_411 = arith.constant 0 : i32
      %dma_start3A_412 = tpu.memref_slice %arg12[%dma_start3A_409, %dma_start3A_411] : memref<16x128xf32, #tpu.memory_space<vmem>> -> memref<1x128xf32, #tpu.memory_space<vmem>>
      %dma_start3A_413 = tpu.memref_squeeze %dma_start3A_412 : memref<1x128xf32, #tpu.memory_space<vmem>> -> memref<128xf32, #tpu.memory_space<vmem>>
      %dma_start3A_414 = arith.constant 0 : i32
      %dma_start3A_415 = tpu.memref_slice %arg10[%dma_start3A_410, %dma_start3A_414] : memref<16x128xi32, #tpu.memory_space<vmem>> -> memref<1x128xi32, #tpu.memory_space<vmem>>
      %dma_start3A_416 = tpu.memref_squeeze %dma_start3A_415 : memref<1x128xi32, #tpu.memory_space<vmem>> -> memref<128xi32, #tpu.memory_space<vmem>>
      %dma_start3A_417 = arith.constant 0 : i32
      %dma_start3A_418 = tpu.memref_slice %arg7[%dma_start3A_417] : memref<10000xf32, #tpu.memory_space<vmem_shared>> -> memref<10000xf32, #tpu.memory_space<vmem_shared>>
      tpu.enqueue_indirect_dma source(%dma_start3A_413 : memref<128xf32, #tpu.memory_space<vmem>>) target(%dma_start3A_418 : memref<10000xf32, #tpu.memory_space<vmem_shared>>) offsets(%dma_start3A_416 : memref<128xi32, #tpu.memory_space<vmem>>) semaphore(%arg20 : memref<!tpu.dma_semaphore, #tpu.memory_space<semaphore_mem>>) {add = true}
      %dma_start3A_419 = arith.constant 9 : i32
      %dma_start3A_420 = arith.constant 9 : i32
      %dma_start3A_421 = arith.constant 0 : i32
      %dma_start3A_422 = tpu.memref_slice %arg12[%dma_start3A_419, %dma_start3A_421] : memref<16x128xf32, #tpu.memory_space<vmem>> -> memref<1x128xf32, #tpu.memory_space<vmem>>
      %dma_start3A_423 = tpu.memref_squeeze %dma_start3A_422 : memref<1x128xf32, #tpu.memory_space<vmem>> -> memref<128xf32, #tpu.memory_space<vmem>>
      %dma_start3A_424 = arith.constant 0 : i32
      %dma_start3A_425 = tpu.memref_slice %arg10[%dma_start3A_420, %dma_start3A_424] : memref<16x128xi32, #tpu.memory_space<vmem>> -> memref<1x128xi32, #tpu.memory_space<vmem>>
      %dma_start3A_426 = tpu.memref_squeeze %dma_start3A_425 : memref<1x128xi32, #tpu.memory_space<vmem>> -> memref<128xi32, #tpu.memory_space<vmem>>
      %dma_start3A_427 = arith.constant 0 : i32
      %dma_start3A_428 = tpu.memref_slice %arg7[%dma_start3A_427] : memref<10000xf32, #tpu.memory_space<vmem_shared>> -> memref<10000xf32, #tpu.memory_space<vmem_shared>>
      tpu.enqueue_indirect_dma source(%dma_start3A_423 : memref<128xf32, #tpu.memory_space<vmem>>) target(%dma_start3A_428 : memref<10000xf32, #tpu.memory_space<vmem_shared>>) offsets(%dma_start3A_426 : memref<128xi32, #tpu.memory_space<vmem>>) semaphore(%arg20 : memref<!tpu.dma_semaphore, #tpu.memory_space<semaphore_mem>>) {add = true}
      %dma_start3A_429 = arith.constant 10 : i32
      %dma_start3A_430 = arith.constant 10 : i32
      %dma_start3A_431 = arith.constant 0 : i32
      %dma_start3A_432 = tpu.memref_slice %arg12[%dma_start3A_429, %dma_start3A_431] : memref<16x128xf32, #tpu.memory_space<vmem>> -> memref<1x128xf32, #tpu.memory_space<vmem>>
      %dma_start3A_433 = tpu.memref_squeeze %dma_start3A_432 : memref<1x128xf32, #tpu.memory_space<vmem>> -> memref<128xf32, #tpu.memory_space<vmem>>
      %dma_start3A_434 = arith.constant 0 : i32
      %dma_start3A_435 = tpu.memref_slice %arg10[%dma_start3A_430, %dma_start3A_434] : memref<16x128xi32, #tpu.memory_space<vmem>> -> memref<1x128xi32, #tpu.memory_space<vmem>>
      %dma_start3A_436 = tpu.memref_squeeze %dma_start3A_435 : memref<1x128xi32, #tpu.memory_space<vmem>> -> memref<128xi32, #tpu.memory_space<vmem>>
      %dma_start3A_437 = arith.constant 0 : i32
      %dma_start3A_438 = tpu.memref_slice %arg7[%dma_start3A_437] : memref<10000xf32, #tpu.memory_space<vmem_shared>> -> memref<10000xf32, #tpu.memory_space<vmem_shared>>
      tpu.enqueue_indirect_dma source(%dma_start3A_433 : memref<128xf32, #tpu.memory_space<vmem>>) target(%dma_start3A_438 : memref<10000xf32, #tpu.memory_space<vmem_shared>>) offsets(%dma_start3A_436 : memref<128xi32, #tpu.memory_space<vmem>>) semaphore(%arg20 : memref<!tpu.dma_semaphore, #tpu.memory_space<semaphore_mem>>) {add = true}
      %dma_start3A_439 = arith.constant 11 : i32
      %dma_start3A_440 = arith.constant 11 : i32
      %dma_start3A_441 = arith.constant 0 : i32
      %dma_start3A_442 = tpu.memref_slice %arg12[%dma_start3A_439, %dma_start3A_441] : memref<16x128xf32, #tpu.memory_space<vmem>> -> memref<1x128xf32, #tpu.memory_space<vmem>>
      %dma_start3A_443 = tpu.memref_squeeze %dma_start3A_442 : memref<1x128xf32, #tpu.memory_space<vmem>> -> memref<128xf32, #tpu.memory_space<vmem>>
      %dma_start3A_444 = arith.constant 0 : i32
      %dma_start3A_445 = tpu.memref_slice %arg10[%dma_start3A_440, %dma_start3A_444] : memref<16x128xi32, #tpu.memory_space<vmem>> -> memref<1x128xi32, #tpu.memory_space<vmem>>
      %dma_start3A_446 = tpu.memref_squeeze %dma_start3A_445 : memref<1x128xi32, #tpu.memory_space<vmem>> -> memref<128xi32, #tpu.memory_space<vmem>>
      %dma_start3A_447 = arith.constant 0 : i32
      %dma_start3A_448 = tpu.memref_slice %arg7[%dma_start3A_447] : memref<10000xf32, #tpu.memory_space<vmem_shared>> -> memref<10000xf32, #tpu.memory_space<vmem_shared>>
      tpu.enqueue_indirect_dma source(%dma_start3A_443 : memref<128xf32, #tpu.memory_space<vmem>>) target(%dma_start3A_448 : memref<10000xf32, #tpu.memory_space<vmem_shared>>) offsets(%dma_start3A_446 : memref<128xi32, #tpu.memory_space<vmem>>) semaphore(%arg20 : memref<!tpu.dma_semaphore, #tpu.memory_space<semaphore_mem>>) {add = true}
      %dma_start3A_449 = arith.constant 12 : i32
      %dma_start3A_450 = arith.constant 12 : i32
      %dma_start3A_451 = arith.constant 0 : i32
      %dma_start3A_452 = tpu.memref_slice %arg12[%dma_start3A_449, %dma_start3A_451] : memref<16x128xf32, #tpu.memory_space<vmem>> -> memref<1x128xf32, #tpu.memory_space<vmem>>
      %dma_start3A_453 = tpu.memref_squeeze %dma_start3A_452 : memref<1x128xf32, #tpu.memory_space<vmem>> -> memref<128xf32, #tpu.memory_space<vmem>>
      %dma_start3A_454 = arith.constant 0 : i32
      %dma_start3A_455 = tpu.memref_slice %arg10[%dma_start3A_450, %dma_start3A_454] : memref<16x128xi32, #tpu.memory_space<vmem>> -> memref<1x128xi32, #tpu.memory_space<vmem>>
      %dma_start3A_456 = tpu.memref_squeeze %dma_start3A_455 : memref<1x128xi32, #tpu.memory_space<vmem>> -> memref<128xi32, #tpu.memory_space<vmem>>
      %dma_start3A_457 = arith.constant 0 : i32
      %dma_start3A_458 = tpu.memref_slice %arg7[%dma_start3A_457] : memref<10000xf32, #tpu.memory_space<vmem_shared>> -> memref<10000xf32, #tpu.memory_space<vmem_shared>>
      tpu.enqueue_indirect_dma source(%dma_start3A_453 : memref<128xf32, #tpu.memory_space<vmem>>) target(%dma_start3A_458 : memref<10000xf32, #tpu.memory_space<vmem_shared>>) offsets(%dma_start3A_456 : memref<128xi32, #tpu.memory_space<vmem>>) semaphore(%arg20 : memref<!tpu.dma_semaphore, #tpu.memory_space<semaphore_mem>>) {add = true}
      %dma_start3A_459 = arith.constant 13 : i32
      %dma_start3A_460 = arith.constant 13 : i32
      %dma_start3A_461 = arith.constant 0 : i32
      %dma_start3A_462 = tpu.memref_slice %arg12[%dma_start3A_459, %dma_start3A_461] : memref<16x128xf32, #tpu.memory_space<vmem>> -> memref<1x128xf32, #tpu.memory_space<vmem>>
      %dma_start3A_463 = tpu.memref_squeeze %dma_start3A_462 : memref<1x128xf32, #tpu.memory_space<vmem>> -> memref<128xf32, #tpu.memory_space<vmem>>
      %dma_start3A_464 = arith.constant 0 : i32
      %dma_start3A_465 = tpu.memref_slice %arg10[%dma_start3A_460, %dma_start3A_464] : memref<16x128xi32, #tpu.memory_space<vmem>> -> memref<1x128xi32, #tpu.memory_space<vmem>>
      %dma_start3A_466 = tpu.memref_squeeze %dma_start3A_465 : memref<1x128xi32, #tpu.memory_space<vmem>> -> memref<128xi32, #tpu.memory_space<vmem>>
      %dma_start3A_467 = arith.constant 0 : i32
      %dma_start3A_468 = tpu.memref_slice %arg7[%dma_start3A_467] : memref<10000xf32, #tpu.memory_space<vmem_shared>> -> memref<10000xf32, #tpu.memory_space<vmem_shared>>
      tpu.enqueue_indirect_dma source(%dma_start3A_463 : memref<128xf32, #tpu.memory_space<vmem>>) target(%dma_start3A_468 : memref<10000xf32, #tpu.memory_space<vmem_shared>>) offsets(%dma_start3A_466 : memref<128xi32, #tpu.memory_space<vmem>>) semaphore(%arg20 : memref<!tpu.dma_semaphore, #tpu.memory_space<semaphore_mem>>) {add = true}
      %dma_start3A_469 = arith.constant 14 : i32
      %dma_start3A_470 = arith.constant 14 : i32
      %dma_start3A_471 = arith.constant 0 : i32
      %dma_start3A_472 = tpu.memref_slice %arg12[%dma_start3A_469, %dma_start3A_471] : memref<16x128xf32, #tpu.memory_space<vmem>> -> memref<1x128xf32, #tpu.memory_space<vmem>>
      %dma_start3A_473 = tpu.memref_squeeze %dma_start3A_472 : memref<1x128xf32, #tpu.memory_space<vmem>> -> memref<128xf32, #tpu.memory_space<vmem>>
      %dma_start3A_474 = arith.constant 0 : i32
      %dma_start3A_475 = tpu.memref_slice %arg10[%dma_start3A_470, %dma_start3A_474] : memref<16x128xi32, #tpu.memory_space<vmem>> -> memref<1x128xi32, #tpu.memory_space<vmem>>
      %dma_start3A_476 = tpu.memref_squeeze %dma_start3A_475 : memref<1x128xi32, #tpu.memory_space<vmem>> -> memref<128xi32, #tpu.memory_space<vmem>>
      %dma_start3A_477 = arith.constant 0 : i32
      %dma_start3A_478 = tpu.memref_slice %arg7[%dma_start3A_477] : memref<10000xf32, #tpu.memory_space<vmem_shared>> -> memref<10000xf32, #tpu.memory_space<vmem_shared>>
      tpu.enqueue_indirect_dma source(%dma_start3A_473 : memref<128xf32, #tpu.memory_space<vmem>>) target(%dma_start3A_478 : memref<10000xf32, #tpu.memory_space<vmem_shared>>) offsets(%dma_start3A_476 : memref<128xi32, #tpu.memory_space<vmem>>) semaphore(%arg20 : memref<!tpu.dma_semaphore, #tpu.memory_space<semaphore_mem>>) {add = true}
      %dma_start3A_479 = arith.constant 15 : i32
      %dma_start3A_480 = arith.constant 15 : i32
      %dma_start3A_481 = arith.constant 0 : i32
      %dma_start3A_482 = tpu.memref_slice %arg12[%dma_start3A_479, %dma_start3A_481] : memref<16x128xf32, #tpu.memory_space<vmem>> -> memref<1x128xf32, #tpu.memory_space<vmem>>
      %dma_start3A_483 = tpu.memref_squeeze %dma_start3A_482 : memref<1x128xf32, #tpu.memory_space<vmem>> -> memref<128xf32, #tpu.memory_space<vmem>>
      %dma_start3A_484 = arith.constant 0 : i32
      %dma_start3A_485 = tpu.memref_slice %arg10[%dma_start3A_480, %dma_start3A_484] : memref<16x128xi32, #tpu.memory_space<vmem>> -> memref<1x128xi32, #tpu.memory_space<vmem>>
      %dma_start3A_486 = tpu.memref_squeeze %dma_start3A_485 : memref<1x128xi32, #tpu.memory_space<vmem>> -> memref<128xi32, #tpu.memory_space<vmem>>
      %dma_start3A_487 = arith.constant 0 : i32
      %dma_start3A_488 = tpu.memref_slice %arg7[%dma_start3A_487] : memref<10000xf32, #tpu.memory_space<vmem_shared>> -> memref<10000xf32, #tpu.memory_space<vmem_shared>>
      tpu.enqueue_indirect_dma source(%dma_start3A_483 : memref<128xf32, #tpu.memory_space<vmem>>) target(%dma_start3A_488 : memref<10000xf32, #tpu.memory_space<vmem_shared>>) offsets(%dma_start3A_486 : memref<128xi32, #tpu.memory_space<vmem>>) semaphore(%arg20 : memref<!tpu.dma_semaphore, #tpu.memory_space<semaphore_mem>>) {add = true}
      %dma_wait3A_489 = arith.constant 8 : i32
      %dma_wait3A_490 = arith.constant 8 : i32
      %dma_wait3A_491 = arith.constant 0 : i32
      %dma_wait3A_492 = tpu.memref_slice %arg12[%dma_wait3A_489, %dma_wait3A_491] : memref<16x128xf32, #tpu.memory_space<vmem>> -> memref<1x128xf32, #tpu.memory_space<vmem>>
      %dma_wait3A_493 = tpu.memref_squeeze %dma_wait3A_492 : memref<1x128xf32, #tpu.memory_space<vmem>> -> memref<128xf32, #tpu.memory_space<vmem>>
      %dma_wait3A_494 = arith.constant 0 : i32
      %dma_wait3A_495 = tpu.memref_slice %arg10[%dma_wait3A_490, %dma_wait3A_494] : memref<16x128xi32, #tpu.memory_space<vmem>> -> memref<1x128xi32, #tpu.memory_space<vmem>>
      %dma_wait3A_496 = tpu.memref_squeeze %dma_wait3A_495 : memref<1x128xi32, #tpu.memory_space<vmem>> -> memref<128xi32, #tpu.memory_space<vmem>>
      %dma_wait3A_497 = arith.constant 0 : i32
      %dma_wait3A_498 = tpu.memref_slice %arg7[%dma_wait3A_497] : memref<10000xf32, #tpu.memory_space<vmem_shared>> -> memref<10000xf32, #tpu.memory_space<vmem_shared>>
      tpu.wait_indirect_dma semaphore(%arg20 : memref<!tpu.dma_semaphore, #tpu.memory_space<semaphore_mem>>) src(%dma_wait3A_493 : memref<128xf32, #tpu.memory_space<vmem>>) dst(%dma_wait3A_498 : memref<10000xf32, #tpu.memory_space<vmem_shared>>)
      %dma_wait3A_499 = arith.constant 9 : i32
      %dma_wait3A_500 = arith.constant 9 : i32
      %dma_wait3A_501 = arith.constant 0 : i32
      %dma_wait3A_502 = tpu.memref_slice %arg12[%dma_wait3A_499, %dma_wait3A_501] : memref<16x128xf32, #tpu.memory_space<vmem>> -> memref<1x128xf32, #tpu.memory_space<vmem>>
      %dma_wait3A_503 = tpu.memref_squeeze %dma_wait3A_502 : memref<1x128xf32, #tpu.memory_space<vmem>> -> memref<128xf32, #tpu.memory_space<vmem>>
      %dma_wait3A_504 = arith.constant 0 : i32
      %dma_wait3A_505 = tpu.memref_slice %arg10[%dma_wait3A_500, %dma_wait3A_504] : memref<16x128xi32, #tpu.memory_space<vmem>> -> memref<1x128xi32, #tpu.memory_space<vmem>>
      %dma_wait3A_506 = tpu.memref_squeeze %dma_wait3A_505 : memref<1x128xi32, #tpu.memory_space<vmem>> -> memref<128xi32, #tpu.memory_space<vmem>>
      %dma_wait3A_507 = arith.constant 0 : i32
      %dma_wait3A_508 = tpu.memref_slice %arg7[%dma_wait3A_507] : memref<10000xf32, #tpu.memory_space<vmem_shared>> -> memref<10000xf32, #tpu.memory_space<vmem_shared>>
      tpu.wait_indirect_dma semaphore(%arg20 : memref<!tpu.dma_semaphore, #tpu.memory_space<semaphore_mem>>) src(%dma_wait3A_503 : memref<128xf32, #tpu.memory_space<vmem>>) dst(%dma_wait3A_508 : memref<10000xf32, #tpu.memory_space<vmem_shared>>)
      %dma_wait3A_509 = arith.constant 10 : i32
      %dma_wait3A_510 = arith.constant 10 : i32
      %dma_wait3A_511 = arith.constant 0 : i32
      %dma_wait3A_512 = tpu.memref_slice %arg12[%dma_wait3A_509, %dma_wait3A_511] : memref<16x128xf32, #tpu.memory_space<vmem>> -> memref<1x128xf32, #tpu.memory_space<vmem>>
      %dma_wait3A_513 = tpu.memref_squeeze %dma_wait3A_512 : memref<1x128xf32, #tpu.memory_space<vmem>> -> memref<128xf32, #tpu.memory_space<vmem>>
      %dma_wait3A_514 = arith.constant 0 : i32
      %dma_wait3A_515 = tpu.memref_slice %arg10[%dma_wait3A_510, %dma_wait3A_514] : memref<16x128xi32, #tpu.memory_space<vmem>> -> memref<1x128xi32, #tpu.memory_space<vmem>>
      %dma_wait3A_516 = tpu.memref_squeeze %dma_wait3A_515 : memref<1x128xi32, #tpu.memory_space<vmem>> -> memref<128xi32, #tpu.memory_space<vmem>>
      %dma_wait3A_517 = arith.constant 0 : i32
      %dma_wait3A_518 = tpu.memref_slice %arg7[%dma_wait3A_517] : memref<10000xf32, #tpu.memory_space<vmem_shared>> -> memref<10000xf32, #tpu.memory_space<vmem_shared>>
      tpu.wait_indirect_dma semaphore(%arg20 : memref<!tpu.dma_semaphore, #tpu.memory_space<semaphore_mem>>) src(%dma_wait3A_513 : memref<128xf32, #tpu.memory_space<vmem>>) dst(%dma_wait3A_518 : memref<10000xf32, #tpu.memory_space<vmem_shared>>)
      %dma_wait3A_519 = arith.constant 11 : i32
      %dma_wait3A_520 = arith.constant 11 : i32
      %dma_wait3A_521 = arith.constant 0 : i32
      %dma_wait3A_522 = tpu.memref_slice %arg12[%dma_wait3A_519, %dma_wait3A_521] : memref<16x128xf32, #tpu.memory_space<vmem>> -> memref<1x128xf32, #tpu.memory_space<vmem>>
      %dma_wait3A_523 = tpu.memref_squeeze %dma_wait3A_522 : memref<1x128xf32, #tpu.memory_space<vmem>> -> memref<128xf32, #tpu.memory_space<vmem>>
      %dma_wait3A_524 = arith.constant 0 : i32
      %dma_wait3A_525 = tpu.memref_slice %arg10[%dma_wait3A_520, %dma_wait3A_524] : memref<16x128xi32, #tpu.memory_space<vmem>> -> memref<1x128xi32, #tpu.memory_space<vmem>>
      %dma_wait3A_526 = tpu.memref_squeeze %dma_wait3A_525 : memref<1x128xi32, #tpu.memory_space<vmem>> -> memref<128xi32, #tpu.memory_space<vmem>>
      %dma_wait3A_527 = arith.constant 0 : i32
      %dma_wait3A_528 = tpu.memref_slice %arg7[%dma_wait3A_527] : memref<10000xf32, #tpu.memory_space<vmem_shared>> -> memref<10000xf32, #tpu.memory_space<vmem_shared>>
      tpu.wait_indirect_dma semaphore(%arg20 : memref<!tpu.dma_semaphore, #tpu.memory_space<semaphore_mem>>) src(%dma_wait3A_523 : memref<128xf32, #tpu.memory_space<vmem>>) dst(%dma_wait3A_528 : memref<10000xf32, #tpu.memory_space<vmem_shared>>)
      %dma_wait3A_529 = arith.constant 12 : i32
      %dma_wait3A_530 = arith.constant 12 : i32
      %dma_wait3A_531 = arith.constant 0 : i32
      %dma_wait3A_532 = tpu.memref_slice %arg12[%dma_wait3A_529, %dma_wait3A_531] : memref<16x128xf32, #tpu.memory_space<vmem>> -> memref<1x128xf32, #tpu.memory_space<vmem>>
      %dma_wait3A_533 = tpu.memref_squeeze %dma_wait3A_532 : memref<1x128xf32, #tpu.memory_space<vmem>> -> memref<128xf32, #tpu.memory_space<vmem>>
      %dma_wait3A_534 = arith.constant 0 : i32
      %dma_wait3A_535 = tpu.memref_slice %arg10[%dma_wait3A_530, %dma_wait3A_534] : memref<16x128xi32, #tpu.memory_space<vmem>> -> memref<1x128xi32, #tpu.memory_space<vmem>>
      %dma_wait3A_536 = tpu.memref_squeeze %dma_wait3A_535 : memref<1x128xi32, #tpu.memory_space<vmem>> -> memref<128xi32, #tpu.memory_space<vmem>>
      %dma_wait3A_537 = arith.constant 0 : i32
      %dma_wait3A_538 = tpu.memref_slice %arg7[%dma_wait3A_537] : memref<10000xf32, #tpu.memory_space<vmem_shared>> -> memref<10000xf32, #tpu.memory_space<vmem_shared>>
      tpu.wait_indirect_dma semaphore(%arg20 : memref<!tpu.dma_semaphore, #tpu.memory_space<semaphore_mem>>) src(%dma_wait3A_533 : memref<128xf32, #tpu.memory_space<vmem>>) dst(%dma_wait3A_538 : memref<10000xf32, #tpu.memory_space<vmem_shared>>)
      %dma_wait3A_539 = arith.constant 13 : i32
      %dma_wait3A_540 = arith.constant 13 : i32
      %dma_wait3A_541 = arith.constant 0 : i32
      %dma_wait3A_542 = tpu.memref_slice %arg12[%dma_wait3A_539, %dma_wait3A_541] : memref<16x128xf32, #tpu.memory_space<vmem>> -> memref<1x128xf32, #tpu.memory_space<vmem>>
      %dma_wait3A_543 = tpu.memref_squeeze %dma_wait3A_542 : memref<1x128xf32, #tpu.memory_space<vmem>> -> memref<128xf32, #tpu.memory_space<vmem>>
      %dma_wait3A_544 = arith.constant 0 : i32
      %dma_wait3A_545 = tpu.memref_slice %arg10[%dma_wait3A_540, %dma_wait3A_544] : memref<16x128xi32, #tpu.memory_space<vmem>> -> memref<1x128xi32, #tpu.memory_space<vmem>>
      %dma_wait3A_546 = tpu.memref_squeeze %dma_wait3A_545 : memref<1x128xi32, #tpu.memory_space<vmem>> -> memref<128xi32, #tpu.memory_space<vmem>>
      %dma_wait3A_547 = arith.constant 0 : i32
      %dma_wait3A_548 = tpu.memref_slice %arg7[%dma_wait3A_547] : memref<10000xf32, #tpu.memory_space<vmem_shared>> -> memref<10000xf32, #tpu.memory_space<vmem_shared>>
      tpu.wait_indirect_dma semaphore(%arg20 : memref<!tpu.dma_semaphore, #tpu.memory_space<semaphore_mem>>) src(%dma_wait3A_543 : memref<128xf32, #tpu.memory_space<vmem>>) dst(%dma_wait3A_548 : memref<10000xf32, #tpu.memory_space<vmem_shared>>)
      %dma_wait3A_549 = arith.constant 14 : i32
      %dma_wait3A_550 = arith.constant 14 : i32
      %dma_wait3A_551 = arith.constant 0 : i32
      %dma_wait3A_552 = tpu.memref_slice %arg12[%dma_wait3A_549, %dma_wait3A_551] : memref<16x128xf32, #tpu.memory_space<vmem>> -> memref<1x128xf32, #tpu.memory_space<vmem>>
      %dma_wait3A_553 = tpu.memref_squeeze %dma_wait3A_552 : memref<1x128xf32, #tpu.memory_space<vmem>> -> memref<128xf32, #tpu.memory_space<vmem>>
      %dma_wait3A_554 = arith.constant 0 : i32
      %dma_wait3A_555 = tpu.memref_slice %arg10[%dma_wait3A_550, %dma_wait3A_554] : memref<16x128xi32, #tpu.memory_space<vmem>> -> memref<1x128xi32, #tpu.memory_space<vmem>>
      %dma_wait3A_556 = tpu.memref_squeeze %dma_wait3A_555 : memref<1x128xi32, #tpu.memory_space<vmem>> -> memref<128xi32, #tpu.memory_space<vmem>>
      %dma_wait3A_557 = arith.constant 0 : i32
      %dma_wait3A_558 = tpu.memref_slice %arg7[%dma_wait3A_557] : memref<10000xf32, #tpu.memory_space<vmem_shared>> -> memref<10000xf32, #tpu.memory_space<vmem_shared>>
      tpu.wait_indirect_dma semaphore(%arg20 : memref<!tpu.dma_semaphore, #tpu.memory_space<semaphore_mem>>) src(%dma_wait3A_553 : memref<128xf32, #tpu.memory_space<vmem>>) dst(%dma_wait3A_558 : memref<10000xf32, #tpu.memory_space<vmem_shared>>)
      %dma_wait3A_559 = arith.constant 15 : i32
      %dma_wait3A_560 = arith.constant 15 : i32
      %dma_wait3A_561 = arith.constant 0 : i32
      %dma_wait3A_562 = tpu.memref_slice %arg12[%dma_wait3A_559, %dma_wait3A_561] : memref<16x128xf32, #tpu.memory_space<vmem>> -> memref<1x128xf32, #tpu.memory_space<vmem>>
      %dma_wait3A_563 = tpu.memref_squeeze %dma_wait3A_562 : memref<1x128xf32, #tpu.memory_space<vmem>> -> memref<128xf32, #tpu.memory_space<vmem>>
      %dma_wait3A_564 = arith.constant 0 : i32
      %dma_wait3A_565 = tpu.memref_slice %arg10[%dma_wait3A_560, %dma_wait3A_564] : memref<16x128xi32, #tpu.memory_space<vmem>> -> memref<1x128xi32, #tpu.memory_space<vmem>>
      %dma_wait3A_566 = tpu.memref_squeeze %dma_wait3A_565 : memref<1x128xi32, #tpu.memory_space<vmem>> -> memref<128xi32, #tpu.memory_space<vmem>>
      %dma_wait3A_567 = arith.constant 0 : i32
      %dma_wait3A_568 = tpu.memref_slice %arg7[%dma_wait3A_567] : memref<10000xf32, #tpu.memory_space<vmem_shared>> -> memref<10000xf32, #tpu.memory_space<vmem_shared>>
      tpu.wait_indirect_dma semaphore(%arg20 : memref<!tpu.dma_semaphore, #tpu.memory_space<semaphore_mem>>) src(%dma_wait3A_563 : memref<128xf32, #tpu.memory_space<vmem>>) dst(%dma_wait3A_568 : memref<10000xf32, #tpu.memory_space<vmem_shared>>)
      %dma_wait3A_569 = arith.constant 0 : i32
      %dma_wait3A_570 = arith.constant 0 : i32
      %dma_wait3A_571 = tpu.memref_slice %arg10[%dma_wait3A_569, %dma_wait3A_570] : memref<16x128xi32, #tpu.memory_space<vmem>> -> memref<8x128xi32, #tpu.memory_space<vmem>>
      %dma_wait3A_572 = arith.constant 0 : i32
      %dma_wait3A_573 = tpu.memref_slice %arg3[%add3A_388, %dma_wait3A_572] : memref<2560x128xi32, #tpu.memory_space<hbm>> -> memref<8x128xi32, #tpu.memory_space<hbm>>
      %dma_wait3A_574 = arith.constant 0 : i32
      %dma_wait3A_575 = arith.constant 0 : i32
      %dma_wait3A_576 = tpu.memref_slice %arg10[%dma_wait3A_574, %dma_wait3A_575] : memref<16x128xi32, #tpu.memory_space<vmem>> -> memref<8x128xi32, #tpu.memory_space<vmem>>
      %dma_wait3A_577 = arith.constant 0 : i32
      %dma_wait3A_578 = tpu.memref_slice %arg3[%add3A_388, %dma_wait3A_577] : memref<2560x128xi32, #tpu.memory_space<hbm>> -> memref<8x128xi32, #tpu.memory_space<hbm>>
      tpu.wait_dma2 semaphore(%arg17 : memref<!tpu.dma_semaphore, #tpu.memory_space<semaphore_mem>>) src(%dma_wait3A_578 : memref<8x128xi32, #tpu.memory_space<hbm>>) dst(%dma_wait3A_576 : memref<8x128xi32, #tpu.memory_space<vmem>>)
      %dma_wait3A_579 = arith.constant 0 : i32
      %dma_wait3A_580 = arith.constant 0 : i32
      %dma_wait3A_581 = tpu.memref_slice %arg12[%dma_wait3A_579, %dma_wait3A_580] : memref<16x128xf32, #tpu.memory_space<vmem>> -> memref<8x128xf32, #tpu.memory_space<vmem>>
      %dma_wait3A_582 = arith.constant 0 : i32
      %dma_wait3A_583 = tpu.memref_slice %arg5[%add3A_388, %dma_wait3A_582] : memref<2560x128xf32, #tpu.memory_space<hbm>> -> memref<8x128xf32, #tpu.memory_space<hbm>>
      %dma_wait3A_584 = arith.constant 0 : i32
      %dma_wait3A_585 = arith.constant 0 : i32
      %dma_wait3A_586 = tpu.memref_slice %arg12[%dma_wait3A_584, %dma_wait3A_585] : memref<16x128xf32, #tpu.memory_space<vmem>> -> memref<8x128xf32, #tpu.memory_space<vmem>>
      %dma_wait3A_587 = arith.constant 0 : i32
      %dma_wait3A_588 = tpu.memref_slice %arg5[%add3A_388, %dma_wait3A_587] : memref<2560x128xf32, #tpu.memory_space<hbm>> -> memref<8x128xf32, #tpu.memory_space<hbm>>
      tpu.wait_dma2 semaphore(%arg17 : memref<!tpu.dma_semaphore, #tpu.memory_space<semaphore_mem>>) src(%dma_wait3A_588 : memref<8x128xf32, #tpu.memory_space<hbm>>) dst(%dma_wait3A_586 : memref<8x128xf32, #tpu.memory_space<vmem>>)
      %scan3A_589 = arith.constant 0 : i32
      scf.yield %scan3A_589 : i32
    }
    %scan3A_143 = arith.constant 10 : i32
    %barrier3A_144 = arith.constant 0 : index
    tpu.barrier barrier_id(%barrier3A_144)
    "tpu.region"() ({
      %run_scoped3A = tpu.sem_alloc : memref<!tpu.dma_semaphore, #tpu.memory_space<semaphore_mem>>
      tpu.enqueue_dma source(%arg7 : memref<10000xf32, #tpu.memory_space<vmem_shared>>) target(%arg9 : memref<10000xf32, #tpu.memory_space<vmem>>) target_semaphore(%run_scoped3A : memref<!tpu.dma_semaphore, #tpu.memory_space<semaphore_mem>>)
      tpu.wait_dma2 semaphore(%run_scoped3A : memref<!tpu.dma_semaphore, #tpu.memory_space<semaphore_mem>>) src(%arg7 : memref<10000xf32, #tpu.memory_space<vmem_shared>>) dst(%arg9 : memref<10000xf32, #tpu.memory_space<vmem>>)
      tpu.yield
    }) : () -> ()
    %scan3A_145 = arith.constant 0 : i32
    %scan3A_146 = arith.constant 0 : i32
    %scan3A_147 = arith.constant 625 : i32
    %scan3A_148 = arith.addi %scan3A_146, %scan3A_147 : i32
    %scan3A_149 = arith.constant 1 : i32
    %scan3A_150 = scf.for %scan3A_172 = %scan3A_146 to %scan3A_148 step %scan3A_149 iter_args(%scan3A_173 = %scan3A_145) -> (i32)  : i32 {
      %mul3A_174 = arith.constant 16 : i32
      %mul3A_175 = arith.muli %scan3A_172, %mul3A_174 : i32
      %get3A = arith.index_cast %mul3A_175 : i32 to index
      %get3A_176 = tpu.vector_load %arg9[%get3A] {strides = array<i32>} : memref<10000xf32, #tpu.memory_space<vmem>>, vector<16xf32>,
      %bitcast_convert_type3A = tpu.bitcast %get3A_176 : vector<16xf32> -> vector<16xi32>
      %shift_right_arithmetic3A = arith.constant 1 : i32
      %shift_right_arithmetic3A_177 = vector.broadcast %shift_right_arithmetic3A : i32 to vector<16xi32>
      %shift_right_arithmetic3A_178 = arith.shrsi %bitcast_convert_type3A, %shift_right_arithmetic3A_177 : vector<16xi32>
      %sub3A = arith.constant 1597463007 : i32
      %sub3A_179 = vector.broadcast %sub3A : i32 to vector<16xi32>
      %sub3A_180 = arith.subi %sub3A_179, %shift_right_arithmetic3A_178 : vector<16xi32>
      %bitcast_convert_type3A_181 = tpu.bitcast %sub3A_180 : vector<16xi32> -> vector<16xf32>
      %mul3A_182 = arith.constant 5.000000e-01 : f32
      %mul3A_183 = vector.broadcast %mul3A_182 : f32 to vector<16xf32>
      %mul3A_184 = arith.mulf %mul3A_183, %get3A_176 : vector<16xf32>
      %mul3A_185 = arith.mulf %mul3A_184, %bitcast_convert_type3A_181 : vector<16xf32>
      %mul3A_186 = arith.mulf %mul3A_185, %bitcast_convert_type3A_181 : vector<16xf32>
      %sub3A_187 = arith.constant 1.500000e+00 : f32
      %sub3A_188 = vector.broadcast %sub3A_187 : f32 to vector<16xf32>
      %sub3A_189 = arith.subf %sub3A_188, %mul3A_186 : vector<16xf32>
      %mul3A_190 = arith.mulf %bitcast_convert_type3A_181, %sub3A_189 : vector<16xf32>
      %mul3A_191 = arith.constant 5.000000e-01 : f32
      %mul3A_192 = vector.broadcast %mul3A_191 : f32 to vector<16xf32>
      %mul3A_193 = arith.mulf %mul3A_192, %get3A_176 : vector<16xf32>
      %mul3A_194 = arith.mulf %mul3A_193, %mul3A_190 : vector<16xf32>
      %mul3A_195 = arith.mulf %mul3A_194, %mul3A_190 : vector<16xf32>
      %sub3A_196 = arith.constant 1.500000e+00 : f32
      %sub3A_197 = vector.broadcast %sub3A_196 : f32 to vector<16xf32>
      %sub3A_198 = arith.subf %sub3A_197, %mul3A_195 : vector<16xf32>
      %mul3A_199 = arith.mulf %mul3A_190, %sub3A_198 : vector<16xf32>
      %mul3A_200 = arith.constant 5.000000e-01 : f32
      %mul3A_201 = vector.broadcast %mul3A_200 : f32 to vector<16xf32>
      %mul3A_202 = arith.mulf %mul3A_201, %get3A_176 : vector<16xf32>
      %mul3A_203 = arith.mulf %mul3A_202, %mul3A_199 : vector<16xf32>
      %mul3A_204 = arith.mulf %mul3A_203, %mul3A_199 : vector<16xf32>
      %sub3A_205 = arith.constant 1.500000e+00 : f32
      %sub3A_206 = vector.broadcast %sub3A_205 : f32 to vector<16xf32>
      %sub3A_207 = arith.subf %sub3A_206, %mul3A_204 : vector<16xf32>
      %mul3A_208 = arith.mulf %mul3A_199, %sub3A_207 : vector<16xf32>
      %gt3A = arith.constant 0.000000e+00 : f32
      %gt3A_209 = vector.broadcast %gt3A : f32 to vector<16xf32>
      %gt3A_210 = arith.cmpf ogt, %get3A_176, %gt3A_209 : vector<16xf32>
      %jit3A = arith.constant 0.000000e+00 : f32
      %broadcast_in_dim3A_211 = vector.broadcast %jit3A : f32 to vector<16xf32>
      %select_n3A = arith.select %gt3A_210, %mul3A_208, %broadcast_in_dim3A_211 : vector<16xi1>, vector<16xf32>
      %mul3A_212 = arith.constant 16 : i32
      %mul3A_213 = arith.muli %scan3A_172, %mul3A_212 : i32
      %swap3A_214 = arith.index_cast %mul3A_213 : i32 to index
      %swap3A_215 = tpu.vector_load %arg9[%swap3A_214] {strides = array<i32>} : memref<10000xf32, #tpu.memory_space<vmem>>, vector<16xf32>,
      tpu.vector_store %arg9[%swap3A_214], %select_n3A {strides = array<i32>} : memref<10000xf32, #tpu.memory_space<vmem>>, vector<16xf32>,
      %scan3A_216 = arith.constant 0 : i32
      scf.yield %scan3A_216 : i32
    }
    %scan3A_151 = arith.constant 625 : i32
    %mul3A_152 = arith.constant 80 : i32
    %mul3A_153 = arith.muli %add3A, %mul3A_152 : i32
    %scan3A_154 = arith.constant 0 : i32
    %scan3A_155 = arith.constant 0 : i32
    %scan3A_156 = arith.constant 5 : i32
    %scan3A_157 = arith.addi %scan3A_155, %scan3A_156 : i32
    %scan3A_158 = arith.constant 1 : i32
    %scan3A_159 = scf.for %scan3A_172 = %scan3A_155 to %scan3A_157 step %scan3A_158 iter_args(%scan3A_173 = %scan3A_154) -> (i32)  : i32 {
      %mul3A_174 = arith.constant 16 : i32
      %mul3A_175 = arith.muli %scan3A_172, %mul3A_174 : i32
      %add3A_176 = arith.addi %mul3A_153, %mul3A_175 : i32
      "tpu.region"() ({
        %run_scoped3A = tpu.sem_alloc : memref<!tpu.dma_semaphore, #tpu.memory_space<semaphore_mem>>
        %dma_start3A_206 = arith.constant 0 : i32
        %dma_start3A_207 = tpu.memref_slice %arg3[%add3A_176, %dma_start3A_206] : memref<2560x128xi32, #tpu.memory_space<hbm>> -> memref<16x128xi32, #tpu.memory_space<hbm>>
        %dma_start3A_208 = arith.constant 0 : i32
        %dma_start3A_209 = tpu.memref_slice %arg3[%add3A_176, %dma_start3A_208] : memref<2560x128xi32, #tpu.memory_space<hbm>> -> memref<16x128xi32, #tpu.memory_space<hbm>>
        tpu.enqueue_dma source(%dma_start3A_209 : memref<16x128xi32, #tpu.memory_space<hbm>>) target(%arg10 : memref<16x128xi32, #tpu.memory_space<vmem>>) target_semaphore(%run_scoped3A : memref<!tpu.dma_semaphore, #tpu.memory_space<semaphore_mem>>)
        %dma_wait3A_210 = arith.constant 0 : i32
        %dma_wait3A_211 = tpu.memref_slice %arg3[%add3A_176, %dma_wait3A_210] : memref<2560x128xi32, #tpu.memory_space<hbm>> -> memref<16x128xi32, #tpu.memory_space<hbm>>
        %dma_wait3A_212 = arith.constant 0 : i32
        %dma_wait3A_213 = tpu.memref_slice %arg3[%add3A_176, %dma_wait3A_212] : memref<2560x128xi32, #tpu.memory_space<hbm>> -> memref<16x128xi32, #tpu.memory_space<hbm>>
        tpu.wait_dma2 semaphore(%run_scoped3A : memref<!tpu.dma_semaphore, #tpu.memory_space<semaphore_mem>>) src(%dma_wait3A_213 : memref<16x128xi32, #tpu.memory_space<hbm>>) dst(%arg10 : memref<16x128xi32, #tpu.memory_space<vmem>>)
        tpu.yield
      }) : () -> ()
      "tpu.region"() ({
        %run_scoped3A = tpu.sem_alloc : memref<!tpu.dma_semaphore, #tpu.memory_space<semaphore_mem>>
        %dma_start3A_206 = arith.constant 0 : i32
        %dma_start3A_207 = tpu.memref_slice %arg4[%add3A_176, %dma_start3A_206] : memref<2560x128xi32, #tpu.memory_space<hbm>> -> memref<16x128xi32, #tpu.memory_space<hbm>>
        %dma_start3A_208 = arith.constant 0 : i32
        %dma_start3A_209 = tpu.memref_slice %arg4[%add3A_176, %dma_start3A_208] : memref<2560x128xi32, #tpu.memory_space<hbm>> -> memref<16x128xi32, #tpu.memory_space<hbm>>
        tpu.enqueue_dma source(%dma_start3A_209 : memref<16x128xi32, #tpu.memory_space<hbm>>) target(%arg11 : memref<16x128xi32, #tpu.memory_space<vmem>>) target_semaphore(%run_scoped3A : memref<!tpu.dma_semaphore, #tpu.memory_space<semaphore_mem>>)
        %dma_wait3A_210 = arith.constant 0 : i32
        %dma_wait3A_211 = tpu.memref_slice %arg4[%add3A_176, %dma_wait3A_210] : memref<2560x128xi32, #tpu.memory_space<hbm>> -> memref<16x128xi32, #tpu.memory_space<hbm>>
        %dma_wait3A_212 = arith.constant 0 : i32
        %dma_wait3A_213 = tpu.memref_slice %arg4[%add3A_176, %dma_wait3A_212] : memref<2560x128xi32, #tpu.memory_space<hbm>> -> memref<16x128xi32, #tpu.memory_space<hbm>>
        tpu.wait_dma2 semaphore(%run_scoped3A : memref<!tpu.dma_semaphore, #tpu.memory_space<semaphore_mem>>) src(%dma_wait3A_213 : memref<16x128xi32, #tpu.memory_space<hbm>>) dst(%arg11 : memref<16x128xi32, #tpu.memory_space<vmem>>)
        tpu.yield
      }) : () -> ()
      "tpu.region"() ({
        %run_scoped3A = tpu.sem_alloc : memref<!tpu.dma_semaphore, #tpu.memory_space<semaphore_mem>>
        %dma_start3A_206 = arith.constant 0 : i32
        %dma_start3A_207 = tpu.memref_slice %arg5[%add3A_176, %dma_start3A_206] : memref<2560x128xf32, #tpu.memory_space<hbm>> -> memref<16x128xf32, #tpu.memory_space<hbm>>
        %dma_start3A_208 = arith.constant 0 : i32
        %dma_start3A_209 = tpu.memref_slice %arg5[%add3A_176, %dma_start3A_208] : memref<2560x128xf32, #tpu.memory_space<hbm>> -> memref<16x128xf32, #tpu.memory_space<hbm>>
        tpu.enqueue_dma source(%dma_start3A_209 : memref<16x128xf32, #tpu.memory_space<hbm>>) target(%arg12 : memref<16x128xf32, #tpu.memory_space<vmem>>) target_semaphore(%run_scoped3A : memref<!tpu.dma_semaphore, #tpu.memory_space<semaphore_mem>>)
        %dma_wait3A_210 = arith.constant 0 : i32
        %dma_wait3A_211 = tpu.memref_slice %arg5[%add3A_176, %dma_wait3A_210] : memref<2560x128xf32, #tpu.memory_space<hbm>> -> memref<16x128xf32, #tpu.memory_space<hbm>>
        %dma_wait3A_212 = arith.constant 0 : i32
        %dma_wait3A_213 = tpu.memref_slice %arg5[%add3A_176, %dma_wait3A_212] : memref<2560x128xf32, #tpu.memory_space<hbm>> -> memref<16x128xf32, #tpu.memory_space<hbm>>
        tpu.wait_dma2 semaphore(%run_scoped3A : memref<!tpu.dma_semaphore, #tpu.memory_space<semaphore_mem>>) src(%dma_wait3A_213 : memref<16x128xf32, #tpu.memory_space<hbm>>) dst(%arg12 : memref<16x128xf32, #tpu.memory_space<vmem>>)
        tpu.yield
      }) : () -> ()
      %scan3A_177 = arith.constant 0 : i32
      %scan3A_178 = arith.constant 0 : i32
      %scan3A_179 = arith.constant 16 : i32
      %scan3A_180 = arith.addi %scan3A_178, %scan3A_179 : i32
      %scan3A_181 = arith.constant 1 : i32
      %scan3A_182 = scf.for %scan3A_206 = %scan3A_178 to %scan3A_180 step %scan3A_181 iter_args(%scan3A_207 = %scan3A_177) -> (i32)  : i32 {
        %get3A = arith.index_cast %scan3A_206 : i32 to index
        %get3A_208 = arith.constant 0 : index
        %get3A_209 = tpu.vector_load %arg10[%get3A, %get3A_208] {strides = array<i32>} : memref<16x128xi32, #tpu.memory_space<vmem>>, vector<16xi32>,
        %gather3A = tpu.vector_load_idx %arg9[%get3A_209] : memref<10000xf32, #tpu.memory_space<vmem>>[vector<16xi32>], vector<16xf32>,
        %get3A_210 = arith.index_cast %scan3A_206 : i32 to index
        %get3A_211 = arith.constant 0 : index
        %get3A_212 = tpu.vector_load %arg11[%get3A_210, %get3A_211] {strides = array<i32>} : memref<16x128xi32, #tpu.memory_space<vmem>>, vector<16xi32>,
        %gather3A_213 = tpu.vector_load_idx %arg9[%get3A_212] : memref<10000xf32, #tpu.memory_space<vmem>>[vector<16xi32>], vector<16xf32>,
        %mul3A_214 = arith.constant -2.000000e+00 : f32
        %mul3A_215 = vector.broadcast %mul3A_214 : f32 to vector<16xf32>
        %mul3A_216 = arith.mulf %mul3A_215, %gather3A : vector<16xf32>
        %get3A_217 = arith.index_cast %scan3A_206 : i32 to index
        %get3A_218 = arith.constant 0 : index
        %get3A_219 = tpu.vector_load %arg12[%get3A_217, %get3A_218] {strides = array<i32>} : memref<16x128xf32, #tpu.memory_space<vmem>>, vector<16xf32>,
        %mul3A_220 = arith.mulf %mul3A_216, %get3A_219 : vector<16xf32>
        %mul3A_221 = arith.mulf %mul3A_220, %gather3A_213 : vector<16xf32>
        %swap3A_222 = arith.index_cast %scan3A_206 : i32 to index
        %swap3A_223 = arith.constant 0 : index
        %swap3A_224 = tpu.vector_load %arg12[%swap3A_222, %swap3A_223] {strides = array<i32>} : memref<16x128xf32, #tpu.memory_space<vmem>>, vector<16xf32>,
        tpu.vector_store %arg12[%swap3A_222, %swap3A_223], %mul3A_221 {strides = array<i32>} : memref<16x128xf32, #tpu.memory_space<vmem>>, vector<16xf32>,
        %get3A_225 = arith.index_cast %scan3A_206 : i32 to index
        %get3A_226 = arith.constant 16 : index
        %get3A_227 = tpu.vector_load %arg10[%get3A_225, %get3A_226] {strides = array<i32>} : memref<16x128xi32, #tpu.memory_space<vmem>>, vector<16xi32>,
        %gather3A_228 = tpu.vector_load_idx %arg9[%get3A_227] : memref<10000xf32, #tpu.memory_space<vmem>>[vector<16xi32>], vector<16xf32>,
        %get3A_229 = arith.index_cast %scan3A_206 : i32 to index
        %get3A_230 = arith.constant 16 : index
        %get3A_231 = tpu.vector_load %arg11[%get3A_229, %get3A_230] {strides = array<i32>} : memref<16x128xi32, #tpu.memory_space<vmem>>, vector<16xi32>,
        %gather3A_232 = tpu.vector_load_idx %arg9[%get3A_231] : memref<10000xf32, #tpu.memory_space<vmem>>[vector<16xi32>], vector<16xf32>,
        %mul3A_233 = arith.constant -2.000000e+00 : f32
        %mul3A_234 = vector.broadcast %mul3A_233 : f32 to vector<16xf32>
        %mul3A_235 = arith.mulf %mul3A_234, %gather3A_228 : vector<16xf32>
        %get3A_236 = arith.index_cast %scan3A_206 : i32 to index
        %get3A_237 = arith.constant 16 : index
        %get3A_238 = tpu.vector_load %arg12[%get3A_236, %get3A_237] {strides = array<i32>} : memref<16x128xf32, #tpu.memory_space<vmem>>, vector<16xf32>,
        %mul3A_239 = arith.mulf %mul3A_235, %get3A_238 : vector<16xf32>
        %mul3A_240 = arith.mulf %mul3A_239, %gather3A_232 : vector<16xf32>
        %swap3A_241 = arith.index_cast %scan3A_206 : i32 to index
        %swap3A_242 = arith.constant 16 : index
        %swap3A_243 = tpu.vector_load %arg12[%swap3A_241, %swap3A_242] {strides = array<i32>} : memref<16x128xf32, #tpu.memory_space<vmem>>, vector<16xf32>,
        tpu.vector_store %arg12[%swap3A_241, %swap3A_242], %mul3A_240 {strides = array<i32>} : memref<16x128xf32, #tpu.memory_space<vmem>>, vector<16xf32>,
        %get3A_244 = arith.index_cast %scan3A_206 : i32 to index
        %get3A_245 = arith.constant 32 : index
        %get3A_246 = tpu.vector_load %arg10[%get3A_244, %get3A_245] {strides = array<i32>} : memref<16x128xi32, #tpu.memory_space<vmem>>, vector<16xi32>,
        %gather3A_247 = tpu.vector_load_idx %arg9[%get3A_246] : memref<10000xf32, #tpu.memory_space<vmem>>[vector<16xi32>], vector<16xf32>,
        %get3A_248 = arith.index_cast %scan3A_206 : i32 to index
        %get3A_249 = arith.constant 32 : index
        %get3A_250 = tpu.vector_load %arg11[%get3A_248, %get3A_249] {strides = array<i32>} : memref<16x128xi32, #tpu.memory_space<vmem>>, vector<16xi32>,
        %gather3A_251 = tpu.vector_load_idx %arg9[%get3A_250] : memref<10000xf32, #tpu.memory_space<vmem>>[vector<16xi32>], vector<16xf32>,
        %mul3A_252 = arith.constant -2.000000e+00 : f32
        %mul3A_253 = vector.broadcast %mul3A_252 : f32 to vector<16xf32>
        %mul3A_254 = arith.mulf %mul3A_253, %gather3A_247 : vector<16xf32>
        %get3A_255 = arith.index_cast %scan3A_206 : i32 to index
        %get3A_256 = arith.constant 32 : index
        %get3A_257 = tpu.vector_load %arg12[%get3A_255, %get3A_256] {strides = array<i32>} : memref<16x128xf32, #tpu.memory_space<vmem>>, vector<16xf32>,
        %mul3A_258 = arith.mulf %mul3A_254, %get3A_257 : vector<16xf32>
        %mul3A_259 = arith.mulf %mul3A_258, %gather3A_251 : vector<16xf32>
        %swap3A_260 = arith.index_cast %scan3A_206 : i32 to index
        %swap3A_261 = arith.constant 32 : index
        %swap3A_262 = tpu.vector_load %arg12[%swap3A_260, %swap3A_261] {strides = array<i32>} : memref<16x128xf32, #tpu.memory_space<vmem>>, vector<16xf32>,
        tpu.vector_store %arg12[%swap3A_260, %swap3A_261], %mul3A_259 {strides = array<i32>} : memref<16x128xf32, #tpu.memory_space<vmem>>, vector<16xf32>,
        %get3A_263 = arith.index_cast %scan3A_206 : i32 to index
        %get3A_264 = arith.constant 48 : index
        %get3A_265 = tpu.vector_load %arg10[%get3A_263, %get3A_264] {strides = array<i32>} : memref<16x128xi32, #tpu.memory_space<vmem>>, vector<16xi32>,
        %gather3A_266 = tpu.vector_load_idx %arg9[%get3A_265] : memref<10000xf32, #tpu.memory_space<vmem>>[vector<16xi32>], vector<16xf32>,
        %get3A_267 = arith.index_cast %scan3A_206 : i32 to index
        %get3A_268 = arith.constant 48 : index
        %get3A_269 = tpu.vector_load %arg11[%get3A_267, %get3A_268] {strides = array<i32>} : memref<16x128xi32, #tpu.memory_space<vmem>>, vector<16xi32>,
        %gather3A_270 = tpu.vector_load_idx %arg9[%get3A_269] : memref<10000xf32, #tpu.memory_space<vmem>>[vector<16xi32>], vector<16xf32>,
        %mul3A_271 = arith.constant -2.000000e+00 : f32
        %mul3A_272 = vector.broadcast %mul3A_271 : f32 to vector<16xf32>
        %mul3A_273 = arith.mulf %mul3A_272, %gather3A_266 : vector<16xf32>
        %get3A_274 = arith.index_cast %scan3A_206 : i32 to index
        %get3A_275 = arith.constant 48 : index
        %get3A_276 = tpu.vector_load %arg12[%get3A_274, %get3A_275] {strides = array<i32>} : memref<16x128xf32, #tpu.memory_space<vmem>>, vector<16xf32>,
        %mul3A_277 = arith.mulf %mul3A_273, %get3A_276 : vector<16xf32>
        %mul3A_278 = arith.mulf %mul3A_277, %gather3A_270 : vector<16xf32>
        %swap3A_279 = arith.index_cast %scan3A_206 : i32 to index
        %swap3A_280 = arith.constant 48 : index
        %swap3A_281 = tpu.vector_load %arg12[%swap3A_279, %swap3A_280] {strides = array<i32>} : memref<16x128xf32, #tpu.memory_space<vmem>>, vector<16xf32>,
        tpu.vector_store %arg12[%swap3A_279, %swap3A_280], %mul3A_278 {strides = array<i32>} : memref<16x128xf32, #tpu.memory_space<vmem>>, vector<16xf32>,
        %get3A_282 = arith.index_cast %scan3A_206 : i32 to index
        %get3A_283 = arith.constant 64 : index
        %get3A_284 = tpu.vector_load %arg10[%get3A_282, %get3A_283] {strides = array<i32>} : memref<16x128xi32, #tpu.memory_space<vmem>>, vector<16xi32>,
        %gather3A_285 = tpu.vector_load_idx %arg9[%get3A_284] : memref<10000xf32, #tpu.memory_space<vmem>>[vector<16xi32>], vector<16xf32>,
        %get3A_286 = arith.index_cast %scan3A_206 : i32 to index
        %get3A_287 = arith.constant 64 : index
        %get3A_288 = tpu.vector_load %arg11[%get3A_286, %get3A_287] {strides = array<i32>} : memref<16x128xi32, #tpu.memory_space<vmem>>, vector<16xi32>,
        %gather3A_289 = tpu.vector_load_idx %arg9[%get3A_288] : memref<10000xf32, #tpu.memory_space<vmem>>[vector<16xi32>], vector<16xf32>,
        %mul3A_290 = arith.constant -2.000000e+00 : f32
        %mul3A_291 = vector.broadcast %mul3A_290 : f32 to vector<16xf32>
        %mul3A_292 = arith.mulf %mul3A_291, %gather3A_285 : vector<16xf32>
        %get3A_293 = arith.index_cast %scan3A_206 : i32 to index
        %get3A_294 = arith.constant 64 : index
        %get3A_295 = tpu.vector_load %arg12[%get3A_293, %get3A_294] {strides = array<i32>} : memref<16x128xf32, #tpu.memory_space<vmem>>, vector<16xf32>,
        %mul3A_296 = arith.mulf %mul3A_292, %get3A_295 : vector<16xf32>
        %mul3A_297 = arith.mulf %mul3A_296, %gather3A_289 : vector<16xf32>
        %swap3A_298 = arith.index_cast %scan3A_206 : i32 to index
        %swap3A_299 = arith.constant 64 : index
        %swap3A_300 = tpu.vector_load %arg12[%swap3A_298, %swap3A_299] {strides = array<i32>} : memref<16x128xf32, #tpu.memory_space<vmem>>, vector<16xf32>,
        tpu.vector_store %arg12[%swap3A_298, %swap3A_299], %mul3A_297 {strides = array<i32>} : memref<16x128xf32, #tpu.memory_space<vmem>>, vector<16xf32>,
        %get3A_301 = arith.index_cast %scan3A_206 : i32 to index
        %get3A_302 = arith.constant 80 : index
        %get3A_303 = tpu.vector_load %arg10[%get3A_301, %get3A_302] {strides = array<i32>} : memref<16x128xi32, #tpu.memory_space<vmem>>, vector<16xi32>,
        %gather3A_304 = tpu.vector_load_idx %arg9[%get3A_303] : memref<10000xf32, #tpu.memory_space<vmem>>[vector<16xi32>], vector<16xf32>,
        %get3A_305 = arith.index_cast %scan3A_206 : i32 to index
        %get3A_306 = arith.constant 80 : index
        %get3A_307 = tpu.vector_load %arg11[%get3A_305, %get3A_306] {strides = array<i32>} : memref<16x128xi32, #tpu.memory_space<vmem>>, vector<16xi32>,
        %gather3A_308 = tpu.vector_load_idx %arg9[%get3A_307] : memref<10000xf32, #tpu.memory_space<vmem>>[vector<16xi32>], vector<16xf32>,
        %mul3A_309 = arith.constant -2.000000e+00 : f32
        %mul3A_310 = vector.broadcast %mul3A_309 : f32 to vector<16xf32>
        %mul3A_311 = arith.mulf %mul3A_310, %gather3A_304 : vector<16xf32>
        %get3A_312 = arith.index_cast %scan3A_206 : i32 to index
        %get3A_313 = arith.constant 80 : index
        %get3A_314 = tpu.vector_load %arg12[%get3A_312, %get3A_313] {strides = array<i32>} : memref<16x128xf32, #tpu.memory_space<vmem>>, vector<16xf32>,
        %mul3A_315 = arith.mulf %mul3A_311, %get3A_314 : vector<16xf32>
        %mul3A_316 = arith.mulf %mul3A_315, %gather3A_308 : vector<16xf32>
        %swap3A_317 = arith.index_cast %scan3A_206 : i32 to index
        %swap3A_318 = arith.constant 80 : index
        %swap3A_319 = tpu.vector_load %arg12[%swap3A_317, %swap3A_318] {strides = array<i32>} : memref<16x128xf32, #tpu.memory_space<vmem>>, vector<16xf32>,
        tpu.vector_store %arg12[%swap3A_317, %swap3A_318], %mul3A_316 {strides = array<i32>} : memref<16x128xf32, #tpu.memory_space<vmem>>, vector<16xf32>,
        %get3A_320 = arith.index_cast %scan3A_206 : i32 to index
        %get3A_321 = arith.constant 96 : index
        %get3A_322 = tpu.vector_load %arg10[%get3A_320, %get3A_321] {strides = array<i32>} : memref<16x128xi32, #tpu.memory_space<vmem>>, vector<16xi32>,
        %gather3A_323 = tpu.vector_load_idx %arg9[%get3A_322] : memref<10000xf32, #tpu.memory_space<vmem>>[vector<16xi32>], vector<16xf32>,
        %get3A_324 = arith.index_cast %scan3A_206 : i32 to index
        %get3A_325 = arith.constant 96 : index
        %get3A_326 = tpu.vector_load %arg11[%get3A_324, %get3A_325] {strides = array<i32>} : memref<16x128xi32, #tpu.memory_space<vmem>>, vector<16xi32>,
        %gather3A_327 = tpu.vector_load_idx %arg9[%get3A_326] : memref<10000xf32, #tpu.memory_space<vmem>>[vector<16xi32>], vector<16xf32>,
        %mul3A_328 = arith.constant -2.000000e+00 : f32
        %mul3A_329 = vector.broadcast %mul3A_328 : f32 to vector<16xf32>
        %mul3A_330 = arith.mulf %mul3A_329, %gather3A_323 : vector<16xf32>
        %get3A_331 = arith.index_cast %scan3A_206 : i32 to index
        %get3A_332 = arith.constant 96 : index
        %get3A_333 = tpu.vector_load %arg12[%get3A_331, %get3A_332] {strides = array<i32>} : memref<16x128xf32, #tpu.memory_space<vmem>>, vector<16xf32>,
        %mul3A_334 = arith.mulf %mul3A_330, %get3A_333 : vector<16xf32>
        %mul3A_335 = arith.mulf %mul3A_334, %gather3A_327 : vector<16xf32>
        %swap3A_336 = arith.index_cast %scan3A_206 : i32 to index
        %swap3A_337 = arith.constant 96 : index
        %swap3A_338 = tpu.vector_load %arg12[%swap3A_336, %swap3A_337] {strides = array<i32>} : memref<16x128xf32, #tpu.memory_space<vmem>>, vector<16xf32>,
        tpu.vector_store %arg12[%swap3A_336, %swap3A_337], %mul3A_335 {strides = array<i32>} : memref<16x128xf32, #tpu.memory_space<vmem>>, vector<16xf32>,
        %get3A_339 = arith.index_cast %scan3A_206 : i32 to index
        %get3A_340 = arith.constant 112 : index
        %get3A_341 = tpu.vector_load %arg10[%get3A_339, %get3A_340] {strides = array<i32>} : memref<16x128xi32, #tpu.memory_space<vmem>>, vector<16xi32>,
        %gather3A_342 = tpu.vector_load_idx %arg9[%get3A_341] : memref<10000xf32, #tpu.memory_space<vmem>>[vector<16xi32>], vector<16xf32>,
        %get3A_343 = arith.index_cast %scan3A_206 : i32 to index
        %get3A_344 = arith.constant 112 : index
        %get3A_345 = tpu.vector_load %arg11[%get3A_343, %get3A_344] {strides = array<i32>} : memref<16x128xi32, #tpu.memory_space<vmem>>, vector<16xi32>,
        %gather3A_346 = tpu.vector_load_idx %arg9[%get3A_345] : memref<10000xf32, #tpu.memory_space<vmem>>[vector<16xi32>], vector<16xf32>,
        %mul3A_347 = arith.constant -2.000000e+00 : f32
        %mul3A_348 = vector.broadcast %mul3A_347 : f32 to vector<16xf32>
        %mul3A_349 = arith.mulf %mul3A_348, %gather3A_342 : vector<16xf32>
        %get3A_350 = arith.index_cast %scan3A_206 : i32 to index
        %get3A_351 = arith.constant 112 : index
        %get3A_352 = tpu.vector_load %arg12[%get3A_350, %get3A_351] {strides = array<i32>} : memref<16x128xf32, #tpu.memory_space<vmem>>, vector<16xf32>,
        %mul3A_353 = arith.mulf %mul3A_349, %get3A_352 : vector<16xf32>
        %mul3A_354 = arith.mulf %mul3A_353, %gather3A_346 : vector<16xf32>
        %swap3A_355 = arith.index_cast %scan3A_206 : i32 to index
        %swap3A_356 = arith.constant 112 : index
        %swap3A_357 = tpu.vector_load %arg12[%swap3A_355, %swap3A_356] {strides = array<i32>} : memref<16x128xf32, #tpu.memory_space<vmem>>, vector<16xf32>,
        tpu.vector_store %arg12[%swap3A_355, %swap3A_356], %mul3A_354 {strides = array<i32>} : memref<16x128xf32, #tpu.memory_space<vmem>>, vector<16xf32>,
        %scan3A_358 = arith.constant 0 : i32
        scf.yield %scan3A_358 : i32
      }
      %scan3A_183 = arith.constant 16 : i32
      %dma_start3A_184 = arith.constant 0 : i32
      %dma_start3A_185 = arith.constant 0 : i32
      %dma_start3A_186 = tpu.memref_slice %arg11[%dma_start3A_184, %dma_start3A_185] : memref<16x128xi32, #tpu.memory_space<vmem>> -> memref<1x128xi32, #tpu.memory_space<vmem>>
      %dma_start3A_187 = tpu.memref_squeeze %dma_start3A_186 : memref<1x128xi32, #tpu.memory_space<vmem>> -> memref<128xi32, #tpu.memory_space<vmem>>
      %dma_start3A_188 = arith.constant 0 : i32
      %dma_start3A_189 = arith.constant 0 : i32
      %dma_start3A_190 = tpu.memref_slice %arg2[%dma_start3A_188, %dma_start3A_189] : memref<10000x128xf32, #tpu.memory_space<hbm>> -> memref<10000x128xf32, #tpu.memory_space<hbm>>
      tpu.enqueue_indirect_dma source(%dma_start3A_190 : memref<10000x128xf32, #tpu.memory_space<hbm>>) target(%arg13 : memref<128x128xf32, #tpu.memory_space<vmem>>) offsets(%dma_start3A_187 : memref<128xi32, #tpu.memory_space<vmem>>) semaphore(%arg17 : memref<!tpu.dma_semaphore, #tpu.memory_space<semaphore_mem>>)
      %dma_wait3A_191 = arith.constant 0 : i32
      %dma_wait3A_192 = arith.constant 0 : i32
      %dma_wait3A_193 = tpu.memref_slice %arg11[%dma_wait3A_191, %dma_wait3A_192] : memref<16x128xi32, #tpu.memory_space<vmem>> -> memref<1x128xi32, #tpu.memory_space<vmem>>
      %dma_wait3A_194 = tpu.memref_squeeze %dma_wait3A_193 : memref<1x128xi32, #tpu.memory_space<vmem>> -> memref<128xi32, #tpu.memory_space<vmem>>
      %dma_wait3A_195 = arith.constant 0 : i32
      %dma_wait3A_196 = arith.constant 0 : i32
      %dma_wait3A_197 = tpu.memref_slice %arg2[%dma_wait3A_195, %dma_wait3A_196] : memref<10000x128xf32, #tpu.memory_space<hbm>> -> memref<10000x128xf32, #tpu.memory_space<hbm>>
      tpu.wait_indirect_dma semaphore(%arg17 : memref<!tpu.dma_semaphore, #tpu.memory_space<semaphore_mem>>) src(%dma_wait3A_197 : memref<10000x128xf32, #tpu.memory_space<hbm>>) dst(%arg13 : memref<128x128xf32, #tpu.memory_space<vmem>>)
      %scan3A_198 = arith.constant 0 : i32
      %scan3A_199 = arith.constant 0 : i32
      %scan3A_200 = arith.constant 8 : i32
      %scan3A_201 = arith.addi %scan3A_199, %scan3A_200 : i32
      %scan3A_202 = arith.constant 1 : i32
      %scan3A_203 = scf.for %scan3A_206 = %scan3A_199 to %scan3A_201 step %scan3A_202 iter_args(%scan3A_207 = %scan3A_198) -> (i32)  : i32 {
        %mul3A_208 = arith.constant 2 : i32
        %mul3A_209 = arith.muli %mul3A_208, %scan3A_206 : i32
        %mul3A_210 = arith.constant 2 : i32
        %mul3A_211 = arith.muli %mul3A_210, %scan3A_206 : i32
        %add3A_212 = arith.constant 1 : i32
        %add3A_213 = arith.addi %mul3A_211, %add3A_212 : i32
        %dma_start3A_214 = arith.constant 0 : i32
        %dma_start3A_215 = tpu.memref_slice %arg11[%add3A_213, %dma_start3A_214] : memref<16x128xi32, #tpu.memory_space<vmem>> -> memref<1x128xi32, #tpu.memory_space<vmem>>
        %dma_start3A_216 = tpu.memref_squeeze %dma_start3A_215 : memref<1x128xi32, #tpu.memory_space<vmem>> -> memref<128xi32, #tpu.memory_space<vmem>>
        %dma_start3A_217 = arith.constant 0 : i32
        %dma_start3A_218 = arith.constant 0 : i32
        %dma_start3A_219 = tpu.memref_slice %arg2[%dma_start3A_217, %dma_start3A_218] : memref<10000x128xf32, #tpu.memory_space<hbm>> -> memref<10000x128xf32, #tpu.memory_space<hbm>>
        tpu.enqueue_indirect_dma source(%dma_start3A_219 : memref<10000x128xf32, #tpu.memory_space<hbm>>) target(%arg14 : memref<128x128xf32, #tpu.memory_space<vmem>>) offsets(%dma_start3A_216 : memref<128xi32, #tpu.memory_space<vmem>>) semaphore(%arg18 : memref<!tpu.dma_semaphore, #tpu.memory_space<semaphore_mem>>)
        %get3A = arith.index_cast %mul3A_209 : i32 to index
        %get3A_220 = arith.constant 0 : index
        %get3A_221 = tpu.vector_load %arg12[%get3A, %get3A_220] {strides = array<i32>} : memref<16x128xf32, #tpu.memory_space<vmem>>, vector<16xf32>,
        %swap3A_222 = arith.constant 0 : index
        %swap3A_223 = tpu.vector_load %arg15[%swap3A_222] {strides = array<i32>} : memref<128xf32, #tpu.memory_space<vmem>>, vector<16xf32>,
        tpu.vector_store %arg15[%swap3A_222], %get3A_221 {strides = array<i32>} : memref<128xf32, #tpu.memory_space<vmem>>, vector<16xf32>,
        %get3A_224 = arith.index_cast %mul3A_209 : i32 to index
        %get3A_225 = arith.constant 16 : index
        %get3A_226 = tpu.vector_load %arg12[%get3A_224, %get3A_225] {strides = array<i32>} : memref<16x128xf32, #tpu.memory_space<vmem>>, vector<16xf32>,
        %swap3A_227 = arith.constant 16 : index
        %swap3A_228 = tpu.vector_load %arg15[%swap3A_227] {strides = array<i32>} : memref<128xf32, #tpu.memory_space<vmem>>, vector<16xf32>,
        tpu.vector_store %arg15[%swap3A_227], %get3A_226 {strides = array<i32>} : memref<128xf32, #tpu.memory_space<vmem>>, vector<16xf32>,
        %get3A_229 = arith.index_cast %mul3A_209 : i32 to index
        %get3A_230 = arith.constant 32 : index
        %get3A_231 = tpu.vector_load %arg12[%get3A_229, %get3A_230] {strides = array<i32>} : memref<16x128xf32, #tpu.memory_space<vmem>>, vector<16xf32>,
        %swap3A_232 = arith.constant 32 : index
        %swap3A_233 = tpu.vector_load %arg15[%swap3A_232] {strides = array<i32>} : memref<128xf32, #tpu.memory_space<vmem>>, vector<16xf32>,
        tpu.vector_store %arg15[%swap3A_232], %get3A_231 {strides = array<i32>} : memref<128xf32, #tpu.memory_space<vmem>>, vector<16xf32>,
        %get3A_234 = arith.index_cast %mul3A_209 : i32 to index
        %get3A_235 = arith.constant 48 : index
        %get3A_236 = tpu.vector_load %arg12[%get3A_234, %get3A_235] {strides = array<i32>} : memref<16x128xf32, #tpu.memory_space<vmem>>, vector<16xf32>,
        %swap3A_237 = arith.constant 48 : index
        %swap3A_238 = tpu.vector_load %arg15[%swap3A_237] {strides = array<i32>} : memref<128xf32, #tpu.memory_space<vmem>>, vector<16xf32>,
        tpu.vector_store %arg15[%swap3A_237], %get3A_236 {strides = array<i32>} : memref<128xf32, #tpu.memory_space<vmem>>, vector<16xf32>,
        %get3A_239 = arith.index_cast %mul3A_209 : i32 to index
        %get3A_240 = arith.constant 64 : index
        %get3A_241 = tpu.vector_load %arg12[%get3A_239, %get3A_240] {strides = array<i32>} : memref<16x128xf32, #tpu.memory_space<vmem>>, vector<16xf32>,
        %swap3A_242 = arith.constant 64 : index
        %swap3A_243 = tpu.vector_load %arg15[%swap3A_242] {strides = array<i32>} : memref<128xf32, #tpu.memory_space<vmem>>, vector<16xf32>,
        tpu.vector_store %arg15[%swap3A_242], %get3A_241 {strides = array<i32>} : memref<128xf32, #tpu.memory_space<vmem>>, vector<16xf32>,
        %get3A_244 = arith.index_cast %mul3A_209 : i32 to index
        %get3A_245 = arith.constant 80 : index
        %get3A_246 = tpu.vector_load %arg12[%get3A_244, %get3A_245] {strides = array<i32>} : memref<16x128xf32, #tpu.memory_space<vmem>>, vector<16xf32>,
        %swap3A_247 = arith.constant 80 : index
        %swap3A_248 = tpu.vector_load %arg15[%swap3A_247] {strides = array<i32>} : memref<128xf32, #tpu.memory_space<vmem>>, vector<16xf32>,
        tpu.vector_store %arg15[%swap3A_247], %get3A_246 {strides = array<i32>} : memref<128xf32, #tpu.memory_space<vmem>>, vector<16xf32>,
        %get3A_249 = arith.index_cast %mul3A_209 : i32 to index
        %get3A_250 = arith.constant 96 : index
        %get3A_251 = tpu.vector_load %arg12[%get3A_249, %get3A_250] {strides = array<i32>} : memref<16x128xf32, #tpu.memory_space<vmem>>, vector<16xf32>,
        %swap3A_252 = arith.constant 96 : index
        %swap3A_253 = tpu.vector_load %arg15[%swap3A_252] {strides = array<i32>} : memref<128xf32, #tpu.memory_space<vmem>>, vector<16xf32>,
        tpu.vector_store %arg15[%swap3A_252], %get3A_251 {strides = array<i32>} : memref<128xf32, #tpu.memory_space<vmem>>, vector<16xf32>,
        %get3A_254 = arith.index_cast %mul3A_209 : i32 to index
        %get3A_255 = arith.constant 112 : index
        %get3A_256 = tpu.vector_load %arg12[%get3A_254, %get3A_255] {strides = array<i32>} : memref<16x128xf32, #tpu.memory_space<vmem>>, vector<16xf32>,
        %swap3A_257 = arith.constant 112 : index
        %swap3A_258 = tpu.vector_load %arg15[%swap3A_257] {strides = array<i32>} : memref<128xf32, #tpu.memory_space<vmem>>, vector<16xf32>,
        tpu.vector_store %arg15[%swap3A_257], %get3A_256 {strides = array<i32>} : memref<128xf32, #tpu.memory_space<vmem>>, vector<16xf32>,
        %scan3A_259 = arith.constant 0 : i32
        %scan3A_260 = arith.constant 0 : i32
        %scan3A_261 = arith.constant 16 : i32
        %scan3A_262 = arith.addi %scan3A_260, %scan3A_261 : i32
        %scan3A_263 = arith.constant 1 : i32
        %scan3A_264 = scf.for %scan3A_359 = %scan3A_260 to %scan3A_262 step %scan3A_263 iter_args(%scan3A_360 = %scan3A_259) -> (i32)  : i32 {
          %mul3A_361 = arith.constant 8 : i32
          %mul3A_362 = arith.muli %scan3A_359, %mul3A_361 : i32
          %add3A_363 = arith.constant 0 : i32
          %add3A_364 = arith.addi %mul3A_362, %add3A_363 : i32
          %broadcast_in_dim3A_365 = vector.broadcast %add3A_364 : i32 to vector<16xi32>
          %gather3A = tpu.vector_load_idx %arg15[%broadcast_in_dim3A_365] : memref<128xf32, #tpu.memory_space<vmem>>[vector<16xi32>], vector<16xf32>,
          %get3A_366 = arith.index_cast %add3A_364 : i32 to index
          %get3A_367 = arith.constant 0 : index
          %get3A_368 = tpu.vector_load %arg13[%get3A_366, %get3A_367] {strides = array<i32>} : memref<128x128xf32, #tpu.memory_space<vmem>>, vector<16xf32>,
          %mul3A_369 = arith.mulf %get3A_368, %gather3A : vector<16xf32>
          %swap3A_370 = arith.index_cast %add3A_364 : i32 to index
          %swap3A_371 = arith.constant 0 : index
          %swap3A_372 = tpu.vector_load %arg13[%swap3A_370, %swap3A_371] {strides = array<i32>} : memref<128x128xf32, #tpu.memory_space<vmem>>, vector<16xf32>,
          tpu.vector_store %arg13[%swap3A_370, %swap3A_371], %mul3A_369 {strides = array<i32>} : memref<128x128xf32, #tpu.memory_space<vmem>>, vector<16xf32>,
          %get3A_373 = arith.index_cast %add3A_364 : i32 to index
          %get3A_374 = arith.constant 16 : index
          %get3A_375 = tpu.vector_load %arg13[%get3A_373, %get3A_374] {strides = array<i32>} : memref<128x128xf32, #tpu.memory_space<vmem>>, vector<16xf32>,
          %mul3A_376 = arith.mulf %get3A_375, %gather3A : vector<16xf32>
          %swap3A_377 = arith.index_cast %add3A_364 : i32 to index
          %swap3A_378 = arith.constant 16 : index
          %swap3A_379 = tpu.vector_load %arg13[%swap3A_377, %swap3A_378] {strides = array<i32>} : memref<128x128xf32, #tpu.memory_space<vmem>>, vector<16xf32>,
          tpu.vector_store %arg13[%swap3A_377, %swap3A_378], %mul3A_376 {strides = array<i32>} : memref<128x128xf32, #tpu.memory_space<vmem>>, vector<16xf32>,
          %get3A_380 = arith.index_cast %add3A_364 : i32 to index
          %get3A_381 = arith.constant 32 : index
          %get3A_382 = tpu.vector_load %arg13[%get3A_380, %get3A_381] {strides = array<i32>} : memref<128x128xf32, #tpu.memory_space<vmem>>, vector<16xf32>,
          %mul3A_383 = arith.mulf %get3A_382, %gather3A : vector<16xf32>
          %swap3A_384 = arith.index_cast %add3A_364 : i32 to index
          %swap3A_385 = arith.constant 32 : index
          %swap3A_386 = tpu.vector_load %arg13[%swap3A_384, %swap3A_385] {strides = array<i32>} : memref<128x128xf32, #tpu.memory_space<vmem>>, vector<16xf32>,
          tpu.vector_store %arg13[%swap3A_384, %swap3A_385], %mul3A_383 {strides = array<i32>} : memref<128x128xf32, #tpu.memory_space<vmem>>, vector<16xf32>,
          %get3A_387 = arith.index_cast %add3A_364 : i32 to index
          %get3A_388 = arith.constant 48 : index
          %get3A_389 = tpu.vector_load %arg13[%get3A_387, %get3A_388] {strides = array<i32>} : memref<128x128xf32, #tpu.memory_space<vmem>>, vector<16xf32>,
          %mul3A_390 = arith.mulf %get3A_389, %gather3A : vector<16xf32>
          %swap3A_391 = arith.index_cast %add3A_364 : i32 to index
          %swap3A_392 = arith.constant 48 : index
          %swap3A_393 = tpu.vector_load %arg13[%swap3A_391, %swap3A_392] {strides = array<i32>} : memref<128x128xf32, #tpu.memory_space<vmem>>, vector<16xf32>,
          tpu.vector_store %arg13[%swap3A_391, %swap3A_392], %mul3A_390 {strides = array<i32>} : memref<128x128xf32, #tpu.memory_space<vmem>>, vector<16xf32>,
          %get3A_394 = arith.index_cast %add3A_364 : i32 to index
          %get3A_395 = arith.constant 64 : index
          %get3A_396 = tpu.vector_load %arg13[%get3A_394, %get3A_395] {strides = array<i32>} : memref<128x128xf32, #tpu.memory_space<vmem>>, vector<16xf32>,
          %mul3A_397 = arith.mulf %get3A_396, %gather3A : vector<16xf32>
          %swap3A_398 = arith.index_cast %add3A_364 : i32 to index
          %swap3A_399 = arith.constant 64 : index
          %swap3A_400 = tpu.vector_load %arg13[%swap3A_398, %swap3A_399] {strides = array<i32>} : memref<128x128xf32, #tpu.memory_space<vmem>>, vector<16xf32>,
          tpu.vector_store %arg13[%swap3A_398, %swap3A_399], %mul3A_397 {strides = array<i32>} : memref<128x128xf32, #tpu.memory_space<vmem>>, vector<16xf32>,
          %get3A_401 = arith.index_cast %add3A_364 : i32 to index
          %get3A_402 = arith.constant 80 : index
          %get3A_403 = tpu.vector_load %arg13[%get3A_401, %get3A_402] {strides = array<i32>} : memref<128x128xf32, #tpu.memory_space<vmem>>, vector<16xf32>,
          %mul3A_404 = arith.mulf %get3A_403, %gather3A : vector<16xf32>
          %swap3A_405 = arith.index_cast %add3A_364 : i32 to index
          %swap3A_406 = arith.constant 80 : index
          %swap3A_407 = tpu.vector_load %arg13[%swap3A_405, %swap3A_406] {strides = array<i32>} : memref<128x128xf32, #tpu.memory_space<vmem>>, vector<16xf32>,
          tpu.vector_store %arg13[%swap3A_405, %swap3A_406], %mul3A_404 {strides = array<i32>} : memref<128x128xf32, #tpu.memory_space<vmem>>, vector<16xf32>,
          %get3A_408 = arith.index_cast %add3A_364 : i32 to index
          %get3A_409 = arith.constant 96 : index
          %get3A_410 = tpu.vector_load %arg13[%get3A_408, %get3A_409] {strides = array<i32>} : memref<128x128xf32, #tpu.memory_space<vmem>>, vector<16xf32>,
          %mul3A_411 = arith.mulf %get3A_410, %gather3A : vector<16xf32>
          %swap3A_412 = arith.index_cast %add3A_364 : i32 to index
          %swap3A_413 = arith.constant 96 : index
          %swap3A_414 = tpu.vector_load %arg13[%swap3A_412, %swap3A_413] {strides = array<i32>} : memref<128x128xf32, #tpu.memory_space<vmem>>, vector<16xf32>,
          tpu.vector_store %arg13[%swap3A_412, %swap3A_413], %mul3A_411 {strides = array<i32>} : memref<128x128xf32, #tpu.memory_space<vmem>>, vector<16xf32>,
          %get3A_415 = arith.index_cast %add3A_364 : i32 to index
          %get3A_416 = arith.constant 112 : index
          %get3A_417 = tpu.vector_load %arg13[%get3A_415, %get3A_416] {strides = array<i32>} : memref<128x128xf32, #tpu.memory_space<vmem>>, vector<16xf32>,
          %mul3A_418 = arith.mulf %get3A_417, %gather3A : vector<16xf32>
          %swap3A_419 = arith.index_cast %add3A_364 : i32 to index
          %swap3A_420 = arith.constant 112 : index
          %swap3A_421 = tpu.vector_load %arg13[%swap3A_419, %swap3A_420] {strides = array<i32>} : memref<128x128xf32, #tpu.memory_space<vmem>>, vector<16xf32>,
          tpu.vector_store %arg13[%swap3A_419, %swap3A_420], %mul3A_418 {strides = array<i32>} : memref<128x128xf32, #tpu.memory_space<vmem>>, vector<16xf32>,
          %mul3A_422 = arith.constant 8 : i32
          %mul3A_423 = arith.muli %scan3A_359, %mul3A_422 : i32
          %add3A_424 = arith.constant 1 : i32
          %add3A_425 = arith.addi %mul3A_423, %add3A_424 : i32
          %broadcast_in_dim3A_426 = vector.broadcast %add3A_425 : i32 to vector<16xi32>
          %gather3A_427 = tpu.vector_load_idx %arg15[%broadcast_in_dim3A_426] : memref<128xf32, #tpu.memory_space<vmem>>[vector<16xi32>], vector<16xf32>,
          %get3A_428 = arith.index_cast %add3A_425 : i32 to index
          %get3A_429 = arith.constant 0 : index
          %get3A_430 = tpu.vector_load %arg13[%get3A_428, %get3A_429] {strides = array<i32>} : memref<128x128xf32, #tpu.memory_space<vmem>>, vector<16xf32>,
          %mul3A_431 = arith.mulf %get3A_430, %gather3A_427 : vector<16xf32>
          %swap3A_432 = arith.index_cast %add3A_425 : i32 to index
          %swap3A_433 = arith.constant 0 : index
          %swap3A_434 = tpu.vector_load %arg13[%swap3A_432, %swap3A_433] {strides = array<i32>} : memref<128x128xf32, #tpu.memory_space<vmem>>, vector<16xf32>,
          tpu.vector_store %arg13[%swap3A_432, %swap3A_433], %mul3A_431 {strides = array<i32>} : memref<128x128xf32, #tpu.memory_space<vmem>>, vector<16xf32>,
          %get3A_435 = arith.index_cast %add3A_425 : i32 to index
          %get3A_436 = arith.constant 16 : index
          %get3A_437 = tpu.vector_load %arg13[%get3A_435, %get3A_436] {strides = array<i32>} : memref<128x128xf32, #tpu.memory_space<vmem>>, vector<16xf32>,
          %mul3A_438 = arith.mulf %get3A_437, %gather3A_427 : vector<16xf32>
          %swap3A_439 = arith.index_cast %add3A_425 : i32 to index
          %swap3A_440 = arith.constant 16 : index
          %swap3A_441 = tpu.vector_load %arg13[%swap3A_439, %swap3A_440] {strides = array<i32>} : memref<128x128xf32, #tpu.memory_space<vmem>>, vector<16xf32>,
          tpu.vector_store %arg13[%swap3A_439, %swap3A_440], %mul3A_438 {strides = array<i32>} : memref<128x128xf32, #tpu.memory_space<vmem>>, vector<16xf32>,
          %get3A_442 = arith.index_cast %add3A_425 : i32 to index
          %get3A_443 = arith.constant 32 : index
          %get3A_444 = tpu.vector_load %arg13[%get3A_442, %get3A_443] {strides = array<i32>} : memref<128x128xf32, #tpu.memory_space<vmem>>, vector<16xf32>,
          %mul3A_445 = arith.mulf %get3A_444, %gather3A_427 : vector<16xf32>
          %swap3A_446 = arith.index_cast %add3A_425 : i32 to index
          %swap3A_447 = arith.constant 32 : index
          %swap3A_448 = tpu.vector_load %arg13[%swap3A_446, %swap3A_447] {strides = array<i32>} : memref<128x128xf32, #tpu.memory_space<vmem>>, vector<16xf32>,
          tpu.vector_store %arg13[%swap3A_446, %swap3A_447], %mul3A_445 {strides = array<i32>} : memref<128x128xf32, #tpu.memory_space<vmem>>, vector<16xf32>,
          %get3A_449 = arith.index_cast %add3A_425 : i32 to index
          %get3A_450 = arith.constant 48 : index
          %get3A_451 = tpu.vector_load %arg13[%get3A_449, %get3A_450] {strides = array<i32>} : memref<128x128xf32, #tpu.memory_space<vmem>>, vector<16xf32>,
          %mul3A_452 = arith.mulf %get3A_451, %gather3A_427 : vector<16xf32>
          %swap3A_453 = arith.index_cast %add3A_425 : i32 to index
          %swap3A_454 = arith.constant 48 : index
          %swap3A_455 = tpu.vector_load %arg13[%swap3A_453, %swap3A_454] {strides = array<i32>} : memref<128x128xf32, #tpu.memory_space<vmem>>, vector<16xf32>,
          tpu.vector_store %arg13[%swap3A_453, %swap3A_454], %mul3A_452 {strides = array<i32>} : memref<128x128xf32, #tpu.memory_space<vmem>>, vector<16xf32>,
          %get3A_456 = arith.index_cast %add3A_425 : i32 to index
          %get3A_457 = arith.constant 64 : index
          %get3A_458 = tpu.vector_load %arg13[%get3A_456, %get3A_457] {strides = array<i32>} : memref<128x128xf32, #tpu.memory_space<vmem>>, vector<16xf32>,
          %mul3A_459 = arith.mulf %get3A_458, %gather3A_427 : vector<16xf32>
          %swap3A_460 = arith.index_cast %add3A_425 : i32 to index
          %swap3A_461 = arith.constant 64 : index
          %swap3A_462 = tpu.vector_load %arg13[%swap3A_460, %swap3A_461] {strides = array<i32>} : memref<128x128xf32, #tpu.memory_space<vmem>>, vector<16xf32>,
          tpu.vector_store %arg13[%swap3A_460, %swap3A_461], %mul3A_459 {strides = array<i32>} : memref<128x128xf32, #tpu.memory_space<vmem>>, vector<16xf32>,
          %get3A_463 = arith.index_cast %add3A_425 : i32 to index
          %get3A_464 = arith.constant 80 : index
          %get3A_465 = tpu.vector_load %arg13[%get3A_463, %get3A_464] {strides = array<i32>} : memref<128x128xf32, #tpu.memory_space<vmem>>, vector<16xf32>,
          %mul3A_466 = arith.mulf %get3A_465, %gather3A_427 : vector<16xf32>
          %swap3A_467 = arith.index_cast %add3A_425 : i32 to index
          %swap3A_468 = arith.constant 80 : index
          %swap3A_469 = tpu.vector_load %arg13[%swap3A_467, %swap3A_468] {strides = array<i32>} : memref<128x128xf32, #tpu.memory_space<vmem>>, vector<16xf32>,
          tpu.vector_store %arg13[%swap3A_467, %swap3A_468], %mul3A_466 {strides = array<i32>} : memref<128x128xf32, #tpu.memory_space<vmem>>, vector<16xf32>,
          %get3A_470 = arith.index_cast %add3A_425 : i32 to index
          %get3A_471 = arith.constant 96 : index
          %get3A_472 = tpu.vector_load %arg13[%get3A_470, %get3A_471] {strides = array<i32>} : memref<128x128xf32, #tpu.memory_space<vmem>>, vector<16xf32>,
          %mul3A_473 = arith.mulf %get3A_472, %gather3A_427 : vector<16xf32>
          %swap3A_474 = arith.index_cast %add3A_425 : i32 to index
          %swap3A_475 = arith.constant 96 : index
          %swap3A_476 = tpu.vector_load %arg13[%swap3A_474, %swap3A_475] {strides = array<i32>} : memref<128x128xf32, #tpu.memory_space<vmem>>, vector<16xf32>,
          tpu.vector_store %arg13[%swap3A_474, %swap3A_475], %mul3A_473 {strides = array<i32>} : memref<128x128xf32, #tpu.memory_space<vmem>>, vector<16xf32>,
          %get3A_477 = arith.index_cast %add3A_425 : i32 to index
          %get3A_478 = arith.constant 112 : index
          %get3A_479 = tpu.vector_load %arg13[%get3A_477, %get3A_478] {strides = array<i32>} : memref<128x128xf32, #tpu.memory_space<vmem>>, vector<16xf32>,
          %mul3A_480 = arith.mulf %get3A_479, %gather3A_427 : vector<16xf32>
          %swap3A_481 = arith.index_cast %add3A_425 : i32 to index
          %swap3A_482 = arith.constant 112 : index
          %swap3A_483 = tpu.vector_load %arg13[%swap3A_481, %swap3A_482] {strides = array<i32>} : memref<128x128xf32, #tpu.memory_space<vmem>>, vector<16xf32>,
          tpu.vector_store %arg13[%swap3A_481, %swap3A_482], %mul3A_480 {strides = array<i32>} : memref<128x128xf32, #tpu.memory_space<vmem>>, vector<16xf32>,
          %mul3A_484 = arith.constant 8 : i32
          %mul3A_485 = arith.muli %scan3A_359, %mul3A_484 : i32
          %add3A_486 = arith.constant 2 : i32
          %add3A_487 = arith.addi %mul3A_485, %add3A_486 : i32
          %broadcast_in_dim3A_488 = vector.broadcast %add3A_487 : i32 to vector<16xi32>
          %gather3A_489 = tpu.vector_load_idx %arg15[%broadcast_in_dim3A_488] : memref<128xf32, #tpu.memory_space<vmem>>[vector<16xi32>], vector<16xf32>,
          %get3A_490 = arith.index_cast %add3A_487 : i32 to index
          %get3A_491 = arith.constant 0 : index
          %get3A_492 = tpu.vector_load %arg13[%get3A_490, %get3A_491] {strides = array<i32>} : memref<128x128xf32, #tpu.memory_space<vmem>>, vector<16xf32>,
          %mul3A_493 = arith.mulf %get3A_492, %gather3A_489 : vector<16xf32>
          %swap3A_494 = arith.index_cast %add3A_487 : i32 to index
          %swap3A_495 = arith.constant 0 : index
          %swap3A_496 = tpu.vector_load %arg13[%swap3A_494, %swap3A_495] {strides = array<i32>} : memref<128x128xf32, #tpu.memory_space<vmem>>, vector<16xf32>,
          tpu.vector_store %arg13[%swap3A_494, %swap3A_495], %mul3A_493 {strides = array<i32>} : memref<128x128xf32, #tpu.memory_space<vmem>>, vector<16xf32>,
          %get3A_497 = arith.index_cast %add3A_487 : i32 to index
          %get3A_498 = arith.constant 16 : index
          %get3A_499 = tpu.vector_load %arg13[%get3A_497, %get3A_498] {strides = array<i32>} : memref<128x128xf32, #tpu.memory_space<vmem>>, vector<16xf32>,
          %mul3A_500 = arith.mulf %get3A_499, %gather3A_489 : vector<16xf32>
          %swap3A_501 = arith.index_cast %add3A_487 : i32 to index
          %swap3A_502 = arith.constant 16 : index
          %swap3A_503 = tpu.vector_load %arg13[%swap3A_501, %swap3A_502] {strides = array<i32>} : memref<128x128xf32, #tpu.memory_space<vmem>>, vector<16xf32>,
          tpu.vector_store %arg13[%swap3A_501, %swap3A_502], %mul3A_500 {strides = array<i32>} : memref<128x128xf32, #tpu.memory_space<vmem>>, vector<16xf32>,
          %get3A_504 = arith.index_cast %add3A_487 : i32 to index
          %get3A_505 = arith.constant 32 : index
          %get3A_506 = tpu.vector_load %arg13[%get3A_504, %get3A_505] {strides = array<i32>} : memref<128x128xf32, #tpu.memory_space<vmem>>, vector<16xf32>,
          %mul3A_507 = arith.mulf %get3A_506, %gather3A_489 : vector<16xf32>
          %swap3A_508 = arith.index_cast %add3A_487 : i32 to index
          %swap3A_509 = arith.constant 32 : index
          %swap3A_510 = tpu.vector_load %arg13[%swap3A_508, %swap3A_509] {strides = array<i32>} : memref<128x128xf32, #tpu.memory_space<vmem>>, vector<16xf32>,
          tpu.vector_store %arg13[%swap3A_508, %swap3A_509], %mul3A_507 {strides = array<i32>} : memref<128x128xf32, #tpu.memory_space<vmem>>, vector<16xf32>,
          %get3A_511 = arith.index_cast %add3A_487 : i32 to index
          %get3A_512 = arith.constant 48 : index
          %get3A_513 = tpu.vector_load %arg13[%get3A_511, %get3A_512] {strides = array<i32>} : memref<128x128xf32, #tpu.memory_space<vmem>>, vector<16xf32>,
          %mul3A_514 = arith.mulf %get3A_513, %gather3A_489 : vector<16xf32>
          %swap3A_515 = arith.index_cast %add3A_487 : i32 to index
          %swap3A_516 = arith.constant 48 : index
          %swap3A_517 = tpu.vector_load %arg13[%swap3A_515, %swap3A_516] {strides = array<i32>} : memref<128x128xf32, #tpu.memory_space<vmem>>, vector<16xf32>,
          tpu.vector_store %arg13[%swap3A_515, %swap3A_516], %mul3A_514 {strides = array<i32>} : memref<128x128xf32, #tpu.memory_space<vmem>>, vector<16xf32>,
          %get3A_518 = arith.index_cast %add3A_487 : i32 to index
          %get3A_519 = arith.constant 64 : index
          %get3A_520 = tpu.vector_load %arg13[%get3A_518, %get3A_519] {strides = array<i32>} : memref<128x128xf32, #tpu.memory_space<vmem>>, vector<16xf32>,
          %mul3A_521 = arith.mulf %get3A_520, %gather3A_489 : vector<16xf32>
          %swap3A_522 = arith.index_cast %add3A_487 : i32 to index
          %swap3A_523 = arith.constant 64 : index
          %swap3A_524 = tpu.vector_load %arg13[%swap3A_522, %swap3A_523] {strides = array<i32>} : memref<128x128xf32, #tpu.memory_space<vmem>>, vector<16xf32>,
          tpu.vector_store %arg13[%swap3A_522, %swap3A_523], %mul3A_521 {strides = array<i32>} : memref<128x128xf32, #tpu.memory_space<vmem>>, vector<16xf32>,
          %get3A_525 = arith.index_cast %add3A_487 : i32 to index
          %get3A_526 = arith.constant 80 : index
          %get3A_527 = tpu.vector_load %arg13[%get3A_525, %get3A_526] {strides = array<i32>} : memref<128x128xf32, #tpu.memory_space<vmem>>, vector<16xf32>,
          %mul3A_528 = arith.mulf %get3A_527, %gather3A_489 : vector<16xf32>
          %swap3A_529 = arith.index_cast %add3A_487 : i32 to index
          %swap3A_530 = arith.constant 80 : index
          %swap3A_531 = tpu.vector_load %arg13[%swap3A_529, %swap3A_530] {strides = array<i32>} : memref<128x128xf32, #tpu.memory_space<vmem>>, vector<16xf32>,
          tpu.vector_store %arg13[%swap3A_529, %swap3A_530], %mul3A_528 {strides = array<i32>} : memref<128x128xf32, #tpu.memory_space<vmem>>, vector<16xf32>,
          %get3A_532 = arith.index_cast %add3A_487 : i32 to index
          %get3A_533 = arith.constant 96 : index
          %get3A_534 = tpu.vector_load %arg13[%get3A_532, %get3A_533] {strides = array<i32>} : memref<128x128xf32, #tpu.memory_space<vmem>>, vector<16xf32>,
          %mul3A_535 = arith.mulf %get3A_534, %gather3A_489 : vector<16xf32>
          %swap3A_536 = arith.index_cast %add3A_487 : i32 to index
          %swap3A_537 = arith.constant 96 : index
          %swap3A_538 = tpu.vector_load %arg13[%swap3A_536, %swap3A_537] {strides = array<i32>} : memref<128x128xf32, #tpu.memory_space<vmem>>, vector<16xf32>,
          tpu.vector_store %arg13[%swap3A_536, %swap3A_537], %mul3A_535 {strides = array<i32>} : memref<128x128xf32, #tpu.memory_space<vmem>>, vector<16xf32>,
          %get3A_539 = arith.index_cast %add3A_487 : i32 to index
          %get3A_540 = arith.constant 112 : index
          %get3A_541 = tpu.vector_load %arg13[%get3A_539, %get3A_540] {strides = array<i32>} : memref<128x128xf32, #tpu.memory_space<vmem>>, vector<16xf32>,
          %mul3A_542 = arith.mulf %get3A_541, %gather3A_489 : vector<16xf32>
          %swap3A_543 = arith.index_cast %add3A_487 : i32 to index
          %swap3A_544 = arith.constant 112 : index
          %swap3A_545 = tpu.vector_load %arg13[%swap3A_543, %swap3A_544] {strides = array<i32>} : memref<128x128xf32, #tpu.memory_space<vmem>>, vector<16xf32>,
          tpu.vector_store %arg13[%swap3A_543, %swap3A_544], %mul3A_542 {strides = array<i32>} : memref<128x128xf32, #tpu.memory_space<vmem>>, vector<16xf32>,
          %mul3A_546 = arith.constant 8 : i32
          %mul3A_547 = arith.muli %scan3A_359, %mul3A_546 : i32
          %add3A_548 = arith.constant 3 : i32
          %add3A_549 = arith.addi %mul3A_547, %add3A_548 : i32
          %broadcast_in_dim3A_550 = vector.broadcast %add3A_549 : i32 to vector<16xi32>
          %gather3A_551 = tpu.vector_load_idx %arg15[%broadcast_in_dim3A_550] : memref<128xf32, #tpu.memory_space<vmem>>[vector<16xi32>], vector<16xf32>,
          %get3A_552 = arith.index_cast %add3A_549 : i32 to index
          %get3A_553 = arith.constant 0 : index
          %get3A_554 = tpu.vector_load %arg13[%get3A_552, %get3A_553] {strides = array<i32>} : memref<128x128xf32, #tpu.memory_space<vmem>>, vector<16xf32>,
          %mul3A_555 = arith.mulf %get3A_554, %gather3A_551 : vector<16xf32>
          %swap3A_556 = arith.index_cast %add3A_549 : i32 to index
          %swap3A_557 = arith.constant 0 : index
          %swap3A_558 = tpu.vector_load %arg13[%swap3A_556, %swap3A_557] {strides = array<i32>} : memref<128x128xf32, #tpu.memory_space<vmem>>, vector<16xf32>,
          tpu.vector_store %arg13[%swap3A_556, %swap3A_557], %mul3A_555 {strides = array<i32>} : memref<128x128xf32, #tpu.memory_space<vmem>>, vector<16xf32>,
          %get3A_559 = arith.index_cast %add3A_549 : i32 to index
          %get3A_560 = arith.constant 16 : index
          %get3A_561 = tpu.vector_load %arg13[%get3A_559, %get3A_560] {strides = array<i32>} : memref<128x128xf32, #tpu.memory_space<vmem>>, vector<16xf32>,
          %mul3A_562 = arith.mulf %get3A_561, %gather3A_551 : vector<16xf32>
          %swap3A_563 = arith.index_cast %add3A_549 : i32 to index
          %swap3A_564 = arith.constant 16 : index
          %swap3A_565 = tpu.vector_load %arg13[%swap3A_563, %swap3A_564] {strides = array<i32>} : memref<128x128xf32, #tpu.memory_space<vmem>>, vector<16xf32>,
          tpu.vector_store %arg13[%swap3A_563, %swap3A_564], %mul3A_562 {strides = array<i32>} : memref<128x128xf32, #tpu.memory_space<vmem>>, vector<16xf32>,
          %get3A_566 = arith.index_cast %add3A_549 : i32 to index
          %get3A_567 = arith.constant 32 : index
          %get3A_568 = tpu.vector_load %arg13[%get3A_566, %get3A_567] {strides = array<i32>} : memref<128x128xf32, #tpu.memory_space<vmem>>, vector<16xf32>,
          %mul3A_569 = arith.mulf %get3A_568, %gather3A_551 : vector<16xf32>
          %swap3A_570 = arith.index_cast %add3A_549 : i32 to index
          %swap3A_571 = arith.constant 32 : index
          %swap3A_572 = tpu.vector_load %arg13[%swap3A_570, %swap3A_571] {strides = array<i32>} : memref<128x128xf32, #tpu.memory_space<vmem>>, vector<16xf32>,
          tpu.vector_store %arg13[%swap3A_570, %swap3A_571], %mul3A_569 {strides = array<i32>} : memref<128x128xf32, #tpu.memory_space<vmem>>, vector<16xf32>,
          %get3A_573 = arith.index_cast %add3A_549 : i32 to index
          %get3A_574 = arith.constant 48 : index
          %get3A_575 = tpu.vector_load %arg13[%get3A_573, %get3A_574] {strides = array<i32>} : memref<128x128xf32, #tpu.memory_space<vmem>>, vector<16xf32>,
          %mul3A_576 = arith.mulf %get3A_575, %gather3A_551 : vector<16xf32>
          %swap3A_577 = arith.index_cast %add3A_549 : i32 to index
          %swap3A_578 = arith.constant 48 : index
          %swap3A_579 = tpu.vector_load %arg13[%swap3A_577, %swap3A_578] {strides = array<i32>} : memref<128x128xf32, #tpu.memory_space<vmem>>, vector<16xf32>,
          tpu.vector_store %arg13[%swap3A_577, %swap3A_578], %mul3A_576 {strides = array<i32>} : memref<128x128xf32, #tpu.memory_space<vmem>>, vector<16xf32>,
          %get3A_580 = arith.index_cast %add3A_549 : i32 to index
          %get3A_581 = arith.constant 64 : index
          %get3A_582 = tpu.vector_load %arg13[%get3A_580, %get3A_581] {strides = array<i32>} : memref<128x128xf32, #tpu.memory_space<vmem>>, vector<16xf32>,
          %mul3A_583 = arith.mulf %get3A_582, %gather3A_551 : vector<16xf32>
          %swap3A_584 = arith.index_cast %add3A_549 : i32 to index
          %swap3A_585 = arith.constant 64 : index
          %swap3A_586 = tpu.vector_load %arg13[%swap3A_584, %swap3A_585] {strides = array<i32>} : memref<128x128xf32, #tpu.memory_space<vmem>>, vector<16xf32>,
          tpu.vector_store %arg13[%swap3A_584, %swap3A_585], %mul3A_583 {strides = array<i32>} : memref<128x128xf32, #tpu.memory_space<vmem>>, vector<16xf32>,
          %get3A_587 = arith.index_cast %add3A_549 : i32 to index
          %get3A_588 = arith.constant 80 : index
          %get3A_589 = tpu.vector_load %arg13[%get3A_587, %get3A_588] {strides = array<i32>} : memref<128x128xf32, #tpu.memory_space<vmem>>, vector<16xf32>,
          %mul3A_590 = arith.mulf %get3A_589, %gather3A_551 : vector<16xf32>
          %swap3A_591 = arith.index_cast %add3A_549 : i32 to index
          %swap3A_592 = arith.constant 80 : index
          %swap3A_593 = tpu.vector_load %arg13[%swap3A_591, %swap3A_592] {strides = array<i32>} : memref<128x128xf32, #tpu.memory_space<vmem>>, vector<16xf32>,
          tpu.vector_store %arg13[%swap3A_591, %swap3A_592], %mul3A_590 {strides = array<i32>} : memref<128x128xf32, #tpu.memory_space<vmem>>, vector<16xf32>,
          %get3A_594 = arith.index_cast %add3A_549 : i32 to index
          %get3A_595 = arith.constant 96 : index
          %get3A_596 = tpu.vector_load %arg13[%get3A_594, %get3A_595] {strides = array<i32>} : memref<128x128xf32, #tpu.memory_space<vmem>>, vector<16xf32>,
          %mul3A_597 = arith.mulf %get3A_596, %gather3A_551 : vector<16xf32>
          %swap3A_598 = arith.index_cast %add3A_549 : i32 to index
          %swap3A_599 = arith.constant 96 : index
          %swap3A_600 = tpu.vector_load %arg13[%swap3A_598, %swap3A_599] {strides = array<i32>} : memref<128x128xf32, #tpu.memory_space<vmem>>, vector<16xf32>,
          tpu.vector_store %arg13[%swap3A_598, %swap3A_599], %mul3A_597 {strides = array<i32>} : memref<128x128xf32, #tpu.memory_space<vmem>>, vector<16xf32>,
          %get3A_601 = arith.index_cast %add3A_549 : i32 to index
          %get3A_602 = arith.constant 112 : index
          %get3A_603 = tpu.vector_load %arg13[%get3A_601, %get3A_602] {strides = array<i32>} : memref<128x128xf32, #tpu.memory_space<vmem>>, vector<16xf32>,
          %mul3A_604 = arith.mulf %get3A_603, %gather3A_551 : vector<16xf32>
          %swap3A_605 = arith.index_cast %add3A_549 : i32 to index
          %swap3A_606 = arith.constant 112 : index
          %swap3A_607 = tpu.vector_load %arg13[%swap3A_605, %swap3A_606] {strides = array<i32>} : memref<128x128xf32, #tpu.memory_space<vmem>>, vector<16xf32>,
          tpu.vector_store %arg13[%swap3A_605, %swap3A_606], %mul3A_604 {strides = array<i32>} : memref<128x128xf32, #tpu.memory_space<vmem>>, vector<16xf32>,
          %mul3A_608 = arith.constant 8 : i32
          %mul3A_609 = arith.muli %scan3A_359, %mul3A_608 : i32
          %add3A_610 = arith.constant 4 : i32
          %add3A_611 = arith.addi %mul3A_609, %add3A_610 : i32
          %broadcast_in_dim3A_612 = vector.broadcast %add3A_611 : i32 to vector<16xi32>
          %gather3A_613 = tpu.vector_load_idx %arg15[%broadcast_in_dim3A_612] : memref<128xf32, #tpu.memory_space<vmem>>[vector<16xi32>], vector<16xf32>,
          %get3A_614 = arith.index_cast %add3A_611 : i32 to index
          %get3A_615 = arith.constant 0 : index
          %get3A_616 = tpu.vector_load %arg13[%get3A_614, %get3A_615] {strides = array<i32>} : memref<128x128xf32, #tpu.memory_space<vmem>>, vector<16xf32>,
          %mul3A_617 = arith.mulf %get3A_616, %gather3A_613 : vector<16xf32>
          %swap3A_618 = arith.index_cast %add3A_611 : i32 to index
          %swap3A_619 = arith.constant 0 : index
          %swap3A_620 = tpu.vector_load %arg13[%swap3A_618, %swap3A_619] {strides = array<i32>} : memref<128x128xf32, #tpu.memory_space<vmem>>, vector<16xf32>,
          tpu.vector_store %arg13[%swap3A_618, %swap3A_619], %mul3A_617 {strides = array<i32>} : memref<128x128xf32, #tpu.memory_space<vmem>>, vector<16xf32>,
          %get3A_621 = arith.index_cast %add3A_611 : i32 to index
          %get3A_622 = arith.constant 16 : index
          %get3A_623 = tpu.vector_load %arg13[%get3A_621, %get3A_622] {strides = array<i32>} : memref<128x128xf32, #tpu.memory_space<vmem>>, vector<16xf32>,
          %mul3A_624 = arith.mulf %get3A_623, %gather3A_613 : vector<16xf32>
          %swap3A_625 = arith.index_cast %add3A_611 : i32 to index
          %swap3A_626 = arith.constant 16 : index
          %swap3A_627 = tpu.vector_load %arg13[%swap3A_625, %swap3A_626] {strides = array<i32>} : memref<128x128xf32, #tpu.memory_space<vmem>>, vector<16xf32>,
          tpu.vector_store %arg13[%swap3A_625, %swap3A_626], %mul3A_624 {strides = array<i32>} : memref<128x128xf32, #tpu.memory_space<vmem>>, vector<16xf32>,
          %get3A_628 = arith.index_cast %add3A_611 : i32 to index
          %get3A_629 = arith.constant 32 : index
          %get3A_630 = tpu.vector_load %arg13[%get3A_628, %get3A_629] {strides = array<i32>} : memref<128x128xf32, #tpu.memory_space<vmem>>, vector<16xf32>,
          %mul3A_631 = arith.mulf %get3A_630, %gather3A_613 : vector<16xf32>
          %swap3A_632 = arith.index_cast %add3A_611 : i32 to index
          %swap3A_633 = arith.constant 32 : index
          %swap3A_634 = tpu.vector_load %arg13[%swap3A_632, %swap3A_633] {strides = array<i32>} : memref<128x128xf32, #tpu.memory_space<vmem>>, vector<16xf32>,
          tpu.vector_store %arg13[%swap3A_632, %swap3A_633], %mul3A_631 {strides = array<i32>} : memref<128x128xf32, #tpu.memory_space<vmem>>, vector<16xf32>,
          %get3A_635 = arith.index_cast %add3A_611 : i32 to index
          %get3A_636 = arith.constant 48 : index
          %get3A_637 = tpu.vector_load %arg13[%get3A_635, %get3A_636] {strides = array<i32>} : memref<128x128xf32, #tpu.memory_space<vmem>>, vector<16xf32>,
          %mul3A_638 = arith.mulf %get3A_637, %gather3A_613 : vector<16xf32>
          %swap3A_639 = arith.index_cast %add3A_611 : i32 to index
          %swap3A_640 = arith.constant 48 : index
          %swap3A_641 = tpu.vector_load %arg13[%swap3A_639, %swap3A_640] {strides = array<i32>} : memref<128x128xf32, #tpu.memory_space<vmem>>, vector<16xf32>,
          tpu.vector_store %arg13[%swap3A_639, %swap3A_640], %mul3A_638 {strides = array<i32>} : memref<128x128xf32, #tpu.memory_space<vmem>>, vector<16xf32>,
          %get3A_642 = arith.index_cast %add3A_611 : i32 to index
          %get3A_643 = arith.constant 64 : index
          %get3A_644 = tpu.vector_load %arg13[%get3A_642, %get3A_643] {strides = array<i32>} : memref<128x128xf32, #tpu.memory_space<vmem>>, vector<16xf32>,
          %mul3A_645 = arith.mulf %get3A_644, %gather3A_613 : vector<16xf32>
          %swap3A_646 = arith.index_cast %add3A_611 : i32 to index
          %swap3A_647 = arith.constant 64 : index
          %swap3A_648 = tpu.vector_load %arg13[%swap3A_646, %swap3A_647] {strides = array<i32>} : memref<128x128xf32, #tpu.memory_space<vmem>>, vector<16xf32>,
          tpu.vector_store %arg13[%swap3A_646, %swap3A_647], %mul3A_645 {strides = array<i32>} : memref<128x128xf32, #tpu.memory_space<vmem>>, vector<16xf32>,
          %get3A_649 = arith.index_cast %add3A_611 : i32 to index
          %get3A_650 = arith.constant 80 : index
          %get3A_651 = tpu.vector_load %arg13[%get3A_649, %get3A_650] {strides = array<i32>} : memref<128x128xf32, #tpu.memory_space<vmem>>, vector<16xf32>,
          %mul3A_652 = arith.mulf %get3A_651, %gather3A_613 : vector<16xf32>
          %swap3A_653 = arith.index_cast %add3A_611 : i32 to index
          %swap3A_654 = arith.constant 80 : index
          %swap3A_655 = tpu.vector_load %arg13[%swap3A_653, %swap3A_654] {strides = array<i32>} : memref<128x128xf32, #tpu.memory_space<vmem>>, vector<16xf32>,
          tpu.vector_store %arg13[%swap3A_653, %swap3A_654], %mul3A_652 {strides = array<i32>} : memref<128x128xf32, #tpu.memory_space<vmem>>, vector<16xf32>,
          %get3A_656 = arith.index_cast %add3A_611 : i32 to index
          %get3A_657 = arith.constant 96 : index
          %get3A_658 = tpu.vector_load %arg13[%get3A_656, %get3A_657] {strides = array<i32>} : memref<128x128xf32, #tpu.memory_space<vmem>>, vector<16xf32>,
          %mul3A_659 = arith.mulf %get3A_658, %gather3A_613 : vector<16xf32>
          %swap3A_660 = arith.index_cast %add3A_611 : i32 to index
          %swap3A_661 = arith.constant 96 : index
          %swap3A_662 = tpu.vector_load %arg13[%swap3A_660, %swap3A_661] {strides = array<i32>} : memref<128x128xf32, #tpu.memory_space<vmem>>, vector<16xf32>,
          tpu.vector_store %arg13[%swap3A_660, %swap3A_661], %mul3A_659 {strides = array<i32>} : memref<128x128xf32, #tpu.memory_space<vmem>>, vector<16xf32>,
          %get3A_663 = arith.index_cast %add3A_611 : i32 to index
          %get3A_664 = arith.constant 112 : index
          %get3A_665 = tpu.vector_load %arg13[%get3A_663, %get3A_664] {strides = array<i32>} : memref<128x128xf32, #tpu.memory_space<vmem>>, vector<16xf32>,
          %mul3A_666 = arith.mulf %get3A_665, %gather3A_613 : vector<16xf32>
          %swap3A_667 = arith.index_cast %add3A_611 : i32 to index
          %swap3A_668 = arith.constant 112 : index
          %swap3A_669 = tpu.vector_load %arg13[%swap3A_667, %swap3A_668] {strides = array<i32>} : memref<128x128xf32, #tpu.memory_space<vmem>>, vector<16xf32>,
          tpu.vector_store %arg13[%swap3A_667, %swap3A_668], %mul3A_666 {strides = array<i32>} : memref<128x128xf32, #tpu.memory_space<vmem>>, vector<16xf32>,
          %mul3A_670 = arith.constant 8 : i32
          %mul3A_671 = arith.muli %scan3A_359, %mul3A_670 : i32
          %add3A_672 = arith.constant 5 : i32
          %add3A_673 = arith.addi %mul3A_671, %add3A_672 : i32
          %broadcast_in_dim3A_674 = vector.broadcast %add3A_673 : i32 to vector<16xi32>
          %gather3A_675 = tpu.vector_load_idx %arg15[%broadcast_in_dim3A_674] : memref<128xf32, #tpu.memory_space<vmem>>[vector<16xi32>], vector<16xf32>,
          %get3A_676 = arith.index_cast %add3A_673 : i32 to index
          %get3A_677 = arith.constant 0 : index
          %get3A_678 = tpu.vector_load %arg13[%get3A_676, %get3A_677] {strides = array<i32>} : memref<128x128xf32, #tpu.memory_space<vmem>>, vector<16xf32>,
          %mul3A_679 = arith.mulf %get3A_678, %gather3A_675 : vector<16xf32>
          %swap3A_680 = arith.index_cast %add3A_673 : i32 to index
          %swap3A_681 = arith.constant 0 : index
          %swap3A_682 = tpu.vector_load %arg13[%swap3A_680, %swap3A_681] {strides = array<i32>} : memref<128x128xf32, #tpu.memory_space<vmem>>, vector<16xf32>,
          tpu.vector_store %arg13[%swap3A_680, %swap3A_681], %mul3A_679 {strides = array<i32>} : memref<128x128xf32, #tpu.memory_space<vmem>>, vector<16xf32>,
          %get3A_683 = arith.index_cast %add3A_673 : i32 to index
          %get3A_684 = arith.constant 16 : index
          %get3A_685 = tpu.vector_load %arg13[%get3A_683, %get3A_684] {strides = array<i32>} : memref<128x128xf32, #tpu.memory_space<vmem>>, vector<16xf32>,
          %mul3A_686 = arith.mulf %get3A_685, %gather3A_675 : vector<16xf32>
          %swap3A_687 = arith.index_cast %add3A_673 : i32 to index
          %swap3A_688 = arith.constant 16 : index
          %swap3A_689 = tpu.vector_load %arg13[%swap3A_687, %swap3A_688] {strides = array<i32>} : memref<128x128xf32, #tpu.memory_space<vmem>>, vector<16xf32>,
          tpu.vector_store %arg13[%swap3A_687, %swap3A_688], %mul3A_686 {strides = array<i32>} : memref<128x128xf32, #tpu.memory_space<vmem>>, vector<16xf32>,
          %get3A_690 = arith.index_cast %add3A_673 : i32 to index
          %get3A_691 = arith.constant 32 : index
          %get3A_692 = tpu.vector_load %arg13[%get3A_690, %get3A_691] {strides = array<i32>} : memref<128x128xf32, #tpu.memory_space<vmem>>, vector<16xf32>,
          %mul3A_693 = arith.mulf %get3A_692, %gather3A_675 : vector<16xf32>
          %swap3A_694 = arith.index_cast %add3A_673 : i32 to index
          %swap3A_695 = arith.constant 32 : index
          %swap3A_696 = tpu.vector_load %arg13[%swap3A_694, %swap3A_695] {strides = array<i32>} : memref<128x128xf32, #tpu.memory_space<vmem>>, vector<16xf32>,
          tpu.vector_store %arg13[%swap3A_694, %swap3A_695], %mul3A_693 {strides = array<i32>} : memref<128x128xf32, #tpu.memory_space<vmem>>, vector<16xf32>,
          %get3A_697 = arith.index_cast %add3A_673 : i32 to index
          %get3A_698 = arith.constant 48 : index
          %get3A_699 = tpu.vector_load %arg13[%get3A_697, %get3A_698] {strides = array<i32>} : memref<128x128xf32, #tpu.memory_space<vmem>>, vector<16xf32>,
          %mul3A_700 = arith.mulf %get3A_699, %gather3A_675 : vector<16xf32>
          %swap3A_701 = arith.index_cast %add3A_673 : i32 to index
          %swap3A_702 = arith.constant 48 : index
          %swap3A_703 = tpu.vector_load %arg13[%swap3A_701, %swap3A_702] {strides = array<i32>} : memref<128x128xf32, #tpu.memory_space<vmem>>, vector<16xf32>,
          tpu.vector_store %arg13[%swap3A_701, %swap3A_702], %mul3A_700 {strides = array<i32>} : memref<128x128xf32, #tpu.memory_space<vmem>>, vector<16xf32>,
          %get3A_704 = arith.index_cast %add3A_673 : i32 to index
          %get3A_705 = arith.constant 64 : index
          %get3A_706 = tpu.vector_load %arg13[%get3A_704, %get3A_705] {strides = array<i32>} : memref<128x128xf32, #tpu.memory_space<vmem>>, vector<16xf32>,
          %mul3A_707 = arith.mulf %get3A_706, %gather3A_675 : vector<16xf32>
          %swap3A_708 = arith.index_cast %add3A_673 : i32 to index
          %swap3A_709 = arith.constant 64 : index
          %swap3A_710 = tpu.vector_load %arg13[%swap3A_708, %swap3A_709] {strides = array<i32>} : memref<128x128xf32, #tpu.memory_space<vmem>>, vector<16xf32>,
          tpu.vector_store %arg13[%swap3A_708, %swap3A_709], %mul3A_707 {strides = array<i32>} : memref<128x128xf32, #tpu.memory_space<vmem>>, vector<16xf32>,
          %get3A_711 = arith.index_cast %add3A_673 : i32 to index
          %get3A_712 = arith.constant 80 : index
          %get3A_713 = tpu.vector_load %arg13[%get3A_711, %get3A_712] {strides = array<i32>} : memref<128x128xf32, #tpu.memory_space<vmem>>, vector<16xf32>,
          %mul3A_714 = arith.mulf %get3A_713, %gather3A_675 : vector<16xf32>
          %swap3A_715 = arith.index_cast %add3A_673 : i32 to index
          %swap3A_716 = arith.constant 80 : index
          %swap3A_717 = tpu.vector_load %arg13[%swap3A_715, %swap3A_716] {strides = array<i32>} : memref<128x128xf32, #tpu.memory_space<vmem>>, vector<16xf32>,
          tpu.vector_store %arg13[%swap3A_715, %swap3A_716], %mul3A_714 {strides = array<i32>} : memref<128x128xf32, #tpu.memory_space<vmem>>, vector<16xf32>,
          %get3A_718 = arith.index_cast %add3A_673 : i32 to index
          %get3A_719 = arith.constant 96 : index
          %get3A_720 = tpu.vector_load %arg13[%get3A_718, %get3A_719] {strides = array<i32>} : memref<128x128xf32, #tpu.memory_space<vmem>>, vector<16xf32>,
          %mul3A_721 = arith.mulf %get3A_720, %gather3A_675 : vector<16xf32>
          %swap3A_722 = arith.index_cast %add3A_673 : i32 to index
          %swap3A_723 = arith.constant 96 : index
          %swap3A_724 = tpu.vector_load %arg13[%swap3A_722, %swap3A_723] {strides = array<i32>} : memref<128x128xf32, #tpu.memory_space<vmem>>, vector<16xf32>,
          tpu.vector_store %arg13[%swap3A_722, %swap3A_723], %mul3A_721 {strides = array<i32>} : memref<128x128xf32, #tpu.memory_space<vmem>>, vector<16xf32>,
          %get3A_725 = arith.index_cast %add3A_673 : i32 to index
          %get3A_726 = arith.constant 112 : index
          %get3A_727 = tpu.vector_load %arg13[%get3A_725, %get3A_726] {strides = array<i32>} : memref<128x128xf32, #tpu.memory_space<vmem>>, vector<16xf32>,
          %mul3A_728 = arith.mulf %get3A_727, %gather3A_675 : vector<16xf32>
          %swap3A_729 = arith.index_cast %add3A_673 : i32 to index
          %swap3A_730 = arith.constant 112 : index
          %swap3A_731 = tpu.vector_load %arg13[%swap3A_729, %swap3A_730] {strides = array<i32>} : memref<128x128xf32, #tpu.memory_space<vmem>>, vector<16xf32>,
          tpu.vector_store %arg13[%swap3A_729, %swap3A_730], %mul3A_728 {strides = array<i32>} : memref<128x128xf32, #tpu.memory_space<vmem>>, vector<16xf32>,
          %mul3A_732 = arith.constant 8 : i32
          %mul3A_733 = arith.muli %scan3A_359, %mul3A_732 : i32
          %add3A_734 = arith.constant 6 : i32
          %add3A_735 = arith.addi %mul3A_733, %add3A_734 : i32
          %broadcast_in_dim3A_736 = vector.broadcast %add3A_735 : i32 to vector<16xi32>
          %gather3A_737 = tpu.vector_load_idx %arg15[%broadcast_in_dim3A_736] : memref<128xf32, #tpu.memory_space<vmem>>[vector<16xi32>], vector<16xf32>,
          %get3A_738 = arith.index_cast %add3A_735 : i32 to index
          %get3A_739 = arith.constant 0 : index
          %get3A_740 = tpu.vector_load %arg13[%get3A_738, %get3A_739] {strides = array<i32>} : memref<128x128xf32, #tpu.memory_space<vmem>>, vector<16xf32>,
          %mul3A_741 = arith.mulf %get3A_740, %gather3A_737 : vector<16xf32>
          %swap3A_742 = arith.index_cast %add3A_735 : i32 to index
          %swap3A_743 = arith.constant 0 : index
          %swap3A_744 = tpu.vector_load %arg13[%swap3A_742, %swap3A_743] {strides = array<i32>} : memref<128x128xf32, #tpu.memory_space<vmem>>, vector<16xf32>,
          tpu.vector_store %arg13[%swap3A_742, %swap3A_743], %mul3A_741 {strides = array<i32>} : memref<128x128xf32, #tpu.memory_space<vmem>>, vector<16xf32>,
          %get3A_745 = arith.index_cast %add3A_735 : i32 to index
          %get3A_746 = arith.constant 16 : index
          %get3A_747 = tpu.vector_load %arg13[%get3A_745, %get3A_746] {strides = array<i32>} : memref<128x128xf32, #tpu.memory_space<vmem>>, vector<16xf32>,
          %mul3A_748 = arith.mulf %get3A_747, %gather3A_737 : vector<16xf32>
          %swap3A_749 = arith.index_cast %add3A_735 : i32 to index
          %swap3A_750 = arith.constant 16 : index
          %swap3A_751 = tpu.vector_load %arg13[%swap3A_749, %swap3A_750] {strides = array<i32>} : memref<128x128xf32, #tpu.memory_space<vmem>>, vector<16xf32>,
          tpu.vector_store %arg13[%swap3A_749, %swap3A_750], %mul3A_748 {strides = array<i32>} : memref<128x128xf32, #tpu.memory_space<vmem>>, vector<16xf32>,
          %get3A_752 = arith.index_cast %add3A_735 : i32 to index
          %get3A_753 = arith.constant 32 : index
          %get3A_754 = tpu.vector_load %arg13[%get3A_752, %get3A_753] {strides = array<i32>} : memref<128x128xf32, #tpu.memory_space<vmem>>, vector<16xf32>,
          %mul3A_755 = arith.mulf %get3A_754, %gather3A_737 : vector<16xf32>
          %swap3A_756 = arith.index_cast %add3A_735 : i32 to index
          %swap3A_757 = arith.constant 32 : index
          %swap3A_758 = tpu.vector_load %arg13[%swap3A_756, %swap3A_757] {strides = array<i32>} : memref<128x128xf32, #tpu.memory_space<vmem>>, vector<16xf32>,
          tpu.vector_store %arg13[%swap3A_756, %swap3A_757], %mul3A_755 {strides = array<i32>} : memref<128x128xf32, #tpu.memory_space<vmem>>, vector<16xf32>,
          %get3A_759 = arith.index_cast %add3A_735 : i32 to index
          %get3A_760 = arith.constant 48 : index
          %get3A_761 = tpu.vector_load %arg13[%get3A_759, %get3A_760] {strides = array<i32>} : memref<128x128xf32, #tpu.memory_space<vmem>>, vector<16xf32>,
          %mul3A_762 = arith.mulf %get3A_761, %gather3A_737 : vector<16xf32>
          %swap3A_763 = arith.index_cast %add3A_735 : i32 to index
          %swap3A_764 = arith.constant 48 : index
          %swap3A_765 = tpu.vector_load %arg13[%swap3A_763, %swap3A_764] {strides = array<i32>} : memref<128x128xf32, #tpu.memory_space<vmem>>, vector<16xf32>,
          tpu.vector_store %arg13[%swap3A_763, %swap3A_764], %mul3A_762 {strides = array<i32>} : memref<128x128xf32, #tpu.memory_space<vmem>>, vector<16xf32>,
          %get3A_766 = arith.index_cast %add3A_735 : i32 to index
          %get3A_767 = arith.constant 64 : index
          %get3A_768 = tpu.vector_load %arg13[%get3A_766, %get3A_767] {strides = array<i32>} : memref<128x128xf32, #tpu.memory_space<vmem>>, vector<16xf32>,
          %mul3A_769 = arith.mulf %get3A_768, %gather3A_737 : vector<16xf32>
          %swap3A_770 = arith.index_cast %add3A_735 : i32 to index
          %swap3A_771 = arith.constant 64 : index
          %swap3A_772 = tpu.vector_load %arg13[%swap3A_770, %swap3A_771] {strides = array<i32>} : memref<128x128xf32, #tpu.memory_space<vmem>>, vector<16xf32>,
          tpu.vector_store %arg13[%swap3A_770, %swap3A_771], %mul3A_769 {strides = array<i32>} : memref<128x128xf32, #tpu.memory_space<vmem>>, vector<16xf32>,
          %get3A_773 = arith.index_cast %add3A_735 : i32 to index
          %get3A_774 = arith.constant 80 : index
          %get3A_775 = tpu.vector_load %arg13[%get3A_773, %get3A_774] {strides = array<i32>} : memref<128x128xf32, #tpu.memory_space<vmem>>, vector<16xf32>,
          %mul3A_776 = arith.mulf %get3A_775, %gather3A_737 : vector<16xf32>
          %swap3A_777 = arith.index_cast %add3A_735 : i32 to index
          %swap3A_778 = arith.constant 80 : index
          %swap3A_779 = tpu.vector_load %arg13[%swap3A_777, %swap3A_778] {strides = array<i32>} : memref<128x128xf32, #tpu.memory_space<vmem>>, vector<16xf32>,
          tpu.vector_store %arg13[%swap3A_777, %swap3A_778], %mul3A_776 {strides = array<i32>} : memref<128x128xf32, #tpu.memory_space<vmem>>, vector<16xf32>,
          %get3A_780 = arith.index_cast %add3A_735 : i32 to index
          %get3A_781 = arith.constant 96 : index
          %get3A_782 = tpu.vector_load %arg13[%get3A_780, %get3A_781] {strides = array<i32>} : memref<128x128xf32, #tpu.memory_space<vmem>>, vector<16xf32>,
          %mul3A_783 = arith.mulf %get3A_782, %gather3A_737 : vector<16xf32>
          %swap3A_784 = arith.index_cast %add3A_735 : i32 to index
          %swap3A_785 = arith.constant 96 : index
          %swap3A_786 = tpu.vector_load %arg13[%swap3A_784, %swap3A_785] {strides = array<i32>} : memref<128x128xf32, #tpu.memory_space<vmem>>, vector<16xf32>,
          tpu.vector_store %arg13[%swap3A_784, %swap3A_785], %mul3A_783 {strides = array<i32>} : memref<128x128xf32, #tpu.memory_space<vmem>>, vector<16xf32>,
          %get3A_787 = arith.index_cast %add3A_735 : i32 to index
          %get3A_788 = arith.constant 112 : index
          %get3A_789 = tpu.vector_load %arg13[%get3A_787, %get3A_788] {strides = array<i32>} : memref<128x128xf32, #tpu.memory_space<vmem>>, vector<16xf32>,
          %mul3A_790 = arith.mulf %get3A_789, %gather3A_737 : vector<16xf32>
          %swap3A_791 = arith.index_cast %add3A_735 : i32 to index
          %swap3A_792 = arith.constant 112 : index
          %swap3A_793 = tpu.vector_load %arg13[%swap3A_791, %swap3A_792] {strides = array<i32>} : memref<128x128xf32, #tpu.memory_space<vmem>>, vector<16xf32>,
          tpu.vector_store %arg13[%swap3A_791, %swap3A_792], %mul3A_790 {strides = array<i32>} : memref<128x128xf32, #tpu.memory_space<vmem>>, vector<16xf32>,
          %mul3A_794 = arith.constant 8 : i32
          %mul3A_795 = arith.muli %scan3A_359, %mul3A_794 : i32
          %add3A_796 = arith.constant 7 : i32
          %add3A_797 = arith.addi %mul3A_795, %add3A_796 : i32
          %broadcast_in_dim3A_798 = vector.broadcast %add3A_797 : i32 to vector<16xi32>
          %gather3A_799 = tpu.vector_load_idx %arg15[%broadcast_in_dim3A_798] : memref<128xf32, #tpu.memory_space<vmem>>[vector<16xi32>], vector<16xf32>,
          %get3A_800 = arith.index_cast %add3A_797 : i32 to index
          %get3A_801 = arith.constant 0 : index
          %get3A_802 = tpu.vector_load %arg13[%get3A_800, %get3A_801] {strides = array<i32>} : memref<128x128xf32, #tpu.memory_space<vmem>>, vector<16xf32>,
          %mul3A_803 = arith.mulf %get3A_802, %gather3A_799 : vector<16xf32>
          %swap3A_804 = arith.index_cast %add3A_797 : i32 to index
          %swap3A_805 = arith.constant 0 : index
          %swap3A_806 = tpu.vector_load %arg13[%swap3A_804, %swap3A_805] {strides = array<i32>} : memref<128x128xf32, #tpu.memory_space<vmem>>, vector<16xf32>,
          tpu.vector_store %arg13[%swap3A_804, %swap3A_805], %mul3A_803 {strides = array<i32>} : memref<128x128xf32, #tpu.memory_space<vmem>>, vector<16xf32>,
          %get3A_807 = arith.index_cast %add3A_797 : i32 to index
          %get3A_808 = arith.constant 16 : index
          %get3A_809 = tpu.vector_load %arg13[%get3A_807, %get3A_808] {strides = array<i32>} : memref<128x128xf32, #tpu.memory_space<vmem>>, vector<16xf32>,
          %mul3A_810 = arith.mulf %get3A_809, %gather3A_799 : vector<16xf32>
          %swap3A_811 = arith.index_cast %add3A_797 : i32 to index
          %swap3A_812 = arith.constant 16 : index
          %swap3A_813 = tpu.vector_load %arg13[%swap3A_811, %swap3A_812] {strides = array<i32>} : memref<128x128xf32, #tpu.memory_space<vmem>>, vector<16xf32>,
          tpu.vector_store %arg13[%swap3A_811, %swap3A_812], %mul3A_810 {strides = array<i32>} : memref<128x128xf32, #tpu.memory_space<vmem>>, vector<16xf32>,
          %get3A_814 = arith.index_cast %add3A_797 : i32 to index
          %get3A_815 = arith.constant 32 : index
          %get3A_816 = tpu.vector_load %arg13[%get3A_814, %get3A_815] {strides = array<i32>} : memref<128x128xf32, #tpu.memory_space<vmem>>, vector<16xf32>,
          %mul3A_817 = arith.mulf %get3A_816, %gather3A_799 : vector<16xf32>
          %swap3A_818 = arith.index_cast %add3A_797 : i32 to index
          %swap3A_819 = arith.constant 32 : index
          %swap3A_820 = tpu.vector_load %arg13[%swap3A_818, %swap3A_819] {strides = array<i32>} : memref<128x128xf32, #tpu.memory_space<vmem>>, vector<16xf32>,
          tpu.vector_store %arg13[%swap3A_818, %swap3A_819], %mul3A_817 {strides = array<i32>} : memref<128x128xf32, #tpu.memory_space<vmem>>, vector<16xf32>,
          %get3A_821 = arith.index_cast %add3A_797 : i32 to index
          %get3A_822 = arith.constant 48 : index
          %get3A_823 = tpu.vector_load %arg13[%get3A_821, %get3A_822] {strides = array<i32>} : memref<128x128xf32, #tpu.memory_space<vmem>>, vector<16xf32>,
          %mul3A_824 = arith.mulf %get3A_823, %gather3A_799 : vector<16xf32>
          %swap3A_825 = arith.index_cast %add3A_797 : i32 to index
          %swap3A_826 = arith.constant 48 : index
          %swap3A_827 = tpu.vector_load %arg13[%swap3A_825, %swap3A_826] {strides = array<i32>} : memref<128x128xf32, #tpu.memory_space<vmem>>, vector<16xf32>,
          tpu.vector_store %arg13[%swap3A_825, %swap3A_826], %mul3A_824 {strides = array<i32>} : memref<128x128xf32, #tpu.memory_space<vmem>>, vector<16xf32>,
          %get3A_828 = arith.index_cast %add3A_797 : i32 to index
          %get3A_829 = arith.constant 64 : index
          %get3A_830 = tpu.vector_load %arg13[%get3A_828, %get3A_829] {strides = array<i32>} : memref<128x128xf32, #tpu.memory_space<vmem>>, vector<16xf32>,
          %mul3A_831 = arith.mulf %get3A_830, %gather3A_799 : vector<16xf32>
          %swap3A_832 = arith.index_cast %add3A_797 : i32 to index
          %swap3A_833 = arith.constant 64 : index
          %swap3A_834 = tpu.vector_load %arg13[%swap3A_832, %swap3A_833] {strides = array<i32>} : memref<128x128xf32, #tpu.memory_space<vmem>>, vector<16xf32>,
          tpu.vector_store %arg13[%swap3A_832, %swap3A_833], %mul3A_831 {strides = array<i32>} : memref<128x128xf32, #tpu.memory_space<vmem>>, vector<16xf32>,
          %get3A_835 = arith.index_cast %add3A_797 : i32 to index
          %get3A_836 = arith.constant 80 : index
          %get3A_837 = tpu.vector_load %arg13[%get3A_835, %get3A_836] {strides = array<i32>} : memref<128x128xf32, #tpu.memory_space<vmem>>, vector<16xf32>,
          %mul3A_838 = arith.mulf %get3A_837, %gather3A_799 : vector<16xf32>
          %swap3A_839 = arith.index_cast %add3A_797 : i32 to index
          %swap3A_840 = arith.constant 80 : index
          %swap3A_841 = tpu.vector_load %arg13[%swap3A_839, %swap3A_840] {strides = array<i32>} : memref<128x128xf32, #tpu.memory_space<vmem>>, vector<16xf32>,
          tpu.vector_store %arg13[%swap3A_839, %swap3A_840], %mul3A_838 {strides = array<i32>} : memref<128x128xf32, #tpu.memory_space<vmem>>, vector<16xf32>,
          %get3A_842 = arith.index_cast %add3A_797 : i32 to index
          %get3A_843 = arith.constant 96 : index
          %get3A_844 = tpu.vector_load %arg13[%get3A_842, %get3A_843] {strides = array<i32>} : memref<128x128xf32, #tpu.memory_space<vmem>>, vector<16xf32>,
          %mul3A_845 = arith.mulf %get3A_844, %gather3A_799 : vector<16xf32>
          %swap3A_846 = arith.index_cast %add3A_797 : i32 to index
          %swap3A_847 = arith.constant 96 : index
          %swap3A_848 = tpu.vector_load %arg13[%swap3A_846, %swap3A_847] {strides = array<i32>} : memref<128x128xf32, #tpu.memory_space<vmem>>, vector<16xf32>,
          tpu.vector_store %arg13[%swap3A_846, %swap3A_847], %mul3A_845 {strides = array<i32>} : memref<128x128xf32, #tpu.memory_space<vmem>>, vector<16xf32>,
          %get3A_849 = arith.index_cast %add3A_797 : i32 to index
          %get3A_850 = arith.constant 112 : index
          %get3A_851 = tpu.vector_load %arg13[%get3A_849, %get3A_850] {strides = array<i32>} : memref<128x128xf32, #tpu.memory_space<vmem>>, vector<16xf32>,
          %mul3A_852 = arith.mulf %get3A_851, %gather3A_799 : vector<16xf32>
          %swap3A_853 = arith.index_cast %add3A_797 : i32 to index
          %swap3A_854 = arith.constant 112 : index
          %swap3A_855 = tpu.vector_load %arg13[%swap3A_853, %swap3A_854] {strides = array<i32>} : memref<128x128xf32, #tpu.memory_space<vmem>>, vector<16xf32>,
          tpu.vector_store %arg13[%swap3A_853, %swap3A_854], %mul3A_852 {strides = array<i32>} : memref<128x128xf32, #tpu.memory_space<vmem>>, vector<16xf32>,
          %scan3A_856 = arith.constant 0 : i32
          scf.yield %scan3A_856 : i32
        }
        %scan3A_265 = arith.constant 16 : i32
        %dma_start3A_266 = arith.constant 0 : i32
        %dma_start3A_267 = tpu.memref_slice %arg10[%mul3A_209, %dma_start3A_266] : memref<16x128xi32, #tpu.memory_space<vmem>> -> memref<1x128xi32, #tpu.memory_space<vmem>>
        %dma_start3A_268 = tpu.memref_squeeze %dma_start3A_267 : memref<1x128xi32, #tpu.memory_space<vmem>> -> memref<128xi32, #tpu.memory_space<vmem>>
        %dma_start3A_269 = arith.constant 0 : i32
        %dma_start3A_270 = arith.constant 0 : i32
        %dma_start3A_271 = tpu.memref_slice %arg8[%dma_start3A_269, %dma_start3A_270] : memref<10000x128xf32, #tpu.memory_space<vmem_shared>> -> memref<10000x128xf32, #tpu.memory_space<vmem_shared>>
        tpu.enqueue_indirect_dma source(%arg13 : memref<128x128xf32, #tpu.memory_space<vmem>>) target(%dma_start3A_271 : memref<10000x128xf32, #tpu.memory_space<vmem_shared>>) offsets(%dma_start3A_268 : memref<128xi32, #tpu.memory_space<vmem>>) semaphore(%arg19 : memref<!tpu.dma_semaphore, #tpu.memory_space<semaphore_mem>>) {add = true}
        %dma_wait3A_272 = arith.constant 0 : i32
        %dma_wait3A_273 = tpu.memref_slice %arg11[%add3A_213, %dma_wait3A_272] : memref<16x128xi32, #tpu.memory_space<vmem>> -> memref<1x128xi32, #tpu.memory_space<vmem>>
        %dma_wait3A_274 = tpu.memref_squeeze %dma_wait3A_273 : memref<1x128xi32, #tpu.memory_space<vmem>> -> memref<128xi32, #tpu.memory_space<vmem>>
        %dma_wait3A_275 = arith.constant 0 : i32
        %dma_wait3A_276 = arith.constant 0 : i32
        %dma_wait3A_277 = tpu.memref_slice %arg2[%dma_wait3A_275, %dma_wait3A_276] : memref<10000x128xf32, #tpu.memory_space<hbm>> -> memref<10000x128xf32, #tpu.memory_space<hbm>>
        tpu.wait_indirect_dma semaphore(%arg18 : memref<!tpu.dma_semaphore, #tpu.memory_space<semaphore_mem>>) src(%dma_wait3A_277 : memref<10000x128xf32, #tpu.memory_space<hbm>>) dst(%arg14 : memref<128x128xf32, #tpu.memory_space<vmem>>)
        %get3A_278 = arith.index_cast %add3A_213 : i32 to index
        %get3A_279 = arith.constant 0 : index
        %get3A_280 = tpu.vector_load %arg12[%get3A_278, %get3A_279] {strides = array<i32>} : memref<16x128xf32, #tpu.memory_space<vmem>>, vector<16xf32>,
        %swap3A_281 = arith.constant 0 : index
        %swap3A_282 = tpu.vector_load %arg15[%swap3A_281] {strides = array<i32>} : memref<128xf32, #tpu.memory_space<vmem>>, vector<16xf32>,
        tpu.vector_store %arg15[%swap3A_281], %get3A_280 {strides = array<i32>} : memref<128xf32, #tpu.memory_space<vmem>>, vector<16xf32>,
        %get3A_283 = arith.index_cast %add3A_213 : i32 to index
        %get3A_284 = arith.constant 16 : index
        %get3A_285 = tpu.vector_load %arg12[%get3A_283, %get3A_284] {strides = array<i32>} : memref<16x128xf32, #tpu.memory_space<vmem>>, vector<16xf32>,
        %swap3A_286 = arith.constant 16 : index
        %swap3A_287 = tpu.vector_load %arg15[%swap3A_286] {strides = array<i32>} : memref<128xf32, #tpu.memory_space<vmem>>, vector<16xf32>,
        tpu.vector_store %arg15[%swap3A_286], %get3A_285 {strides = array<i32>} : memref<128xf32, #tpu.memory_space<vmem>>, vector<16xf32>,
        %get3A_288 = arith.index_cast %add3A_213 : i32 to index
        %get3A_289 = arith.constant 32 : index
        %get3A_290 = tpu.vector_load %arg12[%get3A_288, %get3A_289] {strides = array<i32>} : memref<16x128xf32, #tpu.memory_space<vmem>>, vector<16xf32>,
        %swap3A_291 = arith.constant 32 : index
        %swap3A_292 = tpu.vector_load %arg15[%swap3A_291] {strides = array<i32>} : memref<128xf32, #tpu.memory_space<vmem>>, vector<16xf32>,
        tpu.vector_store %arg15[%swap3A_291], %get3A_290 {strides = array<i32>} : memref<128xf32, #tpu.memory_space<vmem>>, vector<16xf32>,
        %get3A_293 = arith.index_cast %add3A_213 : i32 to index
        %get3A_294 = arith.constant 48 : index
        %get3A_295 = tpu.vector_load %arg12[%get3A_293, %get3A_294] {strides = array<i32>} : memref<16x128xf32, #tpu.memory_space<vmem>>, vector<16xf32>,
        %swap3A_296 = arith.constant 48 : index
        %swap3A_297 = tpu.vector_load %arg15[%swap3A_296] {strides = array<i32>} : memref<128xf32, #tpu.memory_space<vmem>>, vector<16xf32>,
        tpu.vector_store %arg15[%swap3A_296], %get3A_295 {strides = array<i32>} : memref<128xf32, #tpu.memory_space<vmem>>, vector<16xf32>,
        %get3A_298 = arith.index_cast %add3A_213 : i32 to index
        %get3A_299 = arith.constant 64 : index
        %get3A_300 = tpu.vector_load %arg12[%get3A_298, %get3A_299] {strides = array<i32>} : memref<16x128xf32, #tpu.memory_space<vmem>>, vector<16xf32>,
        %swap3A_301 = arith.constant 64 : index
        %swap3A_302 = tpu.vector_load %arg15[%swap3A_301] {strides = array<i32>} : memref<128xf32, #tpu.memory_space<vmem>>, vector<16xf32>,
        tpu.vector_store %arg15[%swap3A_301], %get3A_300 {strides = array<i32>} : memref<128xf32, #tpu.memory_space<vmem>>, vector<16xf32>,
        %get3A_303 = arith.index_cast %add3A_213 : i32 to index
        %get3A_304 = arith.constant 80 : index
        %get3A_305 = tpu.vector_load %arg12[%get3A_303, %get3A_304] {strides = array<i32>} : memref<16x128xf32, #tpu.memory_space<vmem>>, vector<16xf32>,
        %swap3A_306 = arith.constant 80 : index
        %swap3A_307 = tpu.vector_load %arg15[%swap3A_306] {strides = array<i32>} : memref<128xf32, #tpu.memory_space<vmem>>, vector<16xf32>,
        tpu.vector_store %arg15[%swap3A_306], %get3A_305 {strides = array<i32>} : memref<128xf32, #tpu.memory_space<vmem>>, vector<16xf32>,
        %get3A_308 = arith.index_cast %add3A_213 : i32 to index
        %get3A_309 = arith.constant 96 : index
        %get3A_310 = tpu.vector_load %arg12[%get3A_308, %get3A_309] {strides = array<i32>} : memref<16x128xf32, #tpu.memory_space<vmem>>, vector<16xf32>,
        %swap3A_311 = arith.constant 96 : index
        %swap3A_312 = tpu.vector_load %arg15[%swap3A_311] {strides = array<i32>} : memref<128xf32, #tpu.memory_space<vmem>>, vector<16xf32>,
        tpu.vector_store %arg15[%swap3A_311], %get3A_310 {strides = array<i32>} : memref<128xf32, #tpu.memory_space<vmem>>, vector<16xf32>,
        %get3A_313 = arith.index_cast %add3A_213 : i32 to index
        %get3A_314 = arith.constant 112 : index
        %get3A_315 = tpu.vector_load %arg12[%get3A_313, %get3A_314] {strides = array<i32>} : memref<16x128xf32, #tpu.memory_space<vmem>>, vector<16xf32>,
        %swap3A_316 = arith.constant 112 : index
        %swap3A_317 = tpu.vector_load %arg15[%swap3A_316] {strides = array<i32>} : memref<128xf32, #tpu.memory_space<vmem>>, vector<16xf32>,
        tpu.vector_store %arg15[%swap3A_316], %get3A_315 {strides = array<i32>} : memref<128xf32, #tpu.memory_space<vmem>>, vector<16xf32>,
        %scan3A_318 = arith.constant 0 : i32
        %scan3A_319 = arith.constant 0 : i32
        %scan3A_320 = arith.constant 16 : i32
        %scan3A_321 = arith.addi %scan3A_319, %scan3A_320 : i32
        %scan3A_322 = arith.constant 1 : i32
        %scan3A_323 = scf.for %scan3A_359 = %scan3A_319 to %scan3A_321 step %scan3A_322 iter_args(%scan3A_360 = %scan3A_318) -> (i32)  : i32 {
          %mul3A_361 = arith.constant 8 : i32
          %mul3A_362 = arith.muli %scan3A_359, %mul3A_361 : i32
          %add3A_363 = arith.constant 0 : i32
          %add3A_364 = arith.addi %mul3A_362, %add3A_363 : i32
          %broadcast_in_dim3A_365 = vector.broadcast %add3A_364 : i32 to vector<16xi32>
          %gather3A = tpu.vector_load_idx %arg15[%broadcast_in_dim3A_365] : memref<128xf32, #tpu.memory_space<vmem>>[vector<16xi32>], vector<16xf32>,
          %get3A_366 = arith.index_cast %add3A_364 : i32 to index
          %get3A_367 = arith.constant 0 : index
          %get3A_368 = tpu.vector_load %arg14[%get3A_366, %get3A_367] {strides = array<i32>} : memref<128x128xf32, #tpu.memory_space<vmem>>, vector<16xf32>,
          %mul3A_369 = arith.mulf %get3A_368, %gather3A : vector<16xf32>
          %swap3A_370 = arith.index_cast %add3A_364 : i32 to index
          %swap3A_371 = arith.constant 0 : index
          %swap3A_372 = tpu.vector_load %arg14[%swap3A_370, %swap3A_371] {strides = array<i32>} : memref<128x128xf32, #tpu.memory_space<vmem>>, vector<16xf32>,
          tpu.vector_store %arg14[%swap3A_370, %swap3A_371], %mul3A_369 {strides = array<i32>} : memref<128x128xf32, #tpu.memory_space<vmem>>, vector<16xf32>,
          %get3A_373 = arith.index_cast %add3A_364 : i32 to index
          %get3A_374 = arith.constant 16 : index
          %get3A_375 = tpu.vector_load %arg14[%get3A_373, %get3A_374] {strides = array<i32>} : memref<128x128xf32, #tpu.memory_space<vmem>>, vector<16xf32>,
          %mul3A_376 = arith.mulf %get3A_375, %gather3A : vector<16xf32>
          %swap3A_377 = arith.index_cast %add3A_364 : i32 to index
          %swap3A_378 = arith.constant 16 : index
          %swap3A_379 = tpu.vector_load %arg14[%swap3A_377, %swap3A_378] {strides = array<i32>} : memref<128x128xf32, #tpu.memory_space<vmem>>, vector<16xf32>,
          tpu.vector_store %arg14[%swap3A_377, %swap3A_378], %mul3A_376 {strides = array<i32>} : memref<128x128xf32, #tpu.memory_space<vmem>>, vector<16xf32>,
          %get3A_380 = arith.index_cast %add3A_364 : i32 to index
          %get3A_381 = arith.constant 32 : index
          %get3A_382 = tpu.vector_load %arg14[%get3A_380, %get3A_381] {strides = array<i32>} : memref<128x128xf32, #tpu.memory_space<vmem>>, vector<16xf32>,
          %mul3A_383 = arith.mulf %get3A_382, %gather3A : vector<16xf32>
          %swap3A_384 = arith.index_cast %add3A_364 : i32 to index
          %swap3A_385 = arith.constant 32 : index
          %swap3A_386 = tpu.vector_load %arg14[%swap3A_384, %swap3A_385] {strides = array<i32>} : memref<128x128xf32, #tpu.memory_space<vmem>>, vector<16xf32>,
          tpu.vector_store %arg14[%swap3A_384, %swap3A_385], %mul3A_383 {strides = array<i32>} : memref<128x128xf32, #tpu.memory_space<vmem>>, vector<16xf32>,
          %get3A_387 = arith.index_cast %add3A_364 : i32 to index
          %get3A_388 = arith.constant 48 : index
          %get3A_389 = tpu.vector_load %arg14[%get3A_387, %get3A_388] {strides = array<i32>} : memref<128x128xf32, #tpu.memory_space<vmem>>, vector<16xf32>,
          %mul3A_390 = arith.mulf %get3A_389, %gather3A : vector<16xf32>
          %swap3A_391 = arith.index_cast %add3A_364 : i32 to index
          %swap3A_392 = arith.constant 48 : index
          %swap3A_393 = tpu.vector_load %arg14[%swap3A_391, %swap3A_392] {strides = array<i32>} : memref<128x128xf32, #tpu.memory_space<vmem>>, vector<16xf32>,
          tpu.vector_store %arg14[%swap3A_391, %swap3A_392], %mul3A_390 {strides = array<i32>} : memref<128x128xf32, #tpu.memory_space<vmem>>, vector<16xf32>,
          %get3A_394 = arith.index_cast %add3A_364 : i32 to index
          %get3A_395 = arith.constant 64 : index
          %get3A_396 = tpu.vector_load %arg14[%get3A_394, %get3A_395] {strides = array<i32>} : memref<128x128xf32, #tpu.memory_space<vmem>>, vector<16xf32>,
          %mul3A_397 = arith.mulf %get3A_396, %gather3A : vector<16xf32>
          %swap3A_398 = arith.index_cast %add3A_364 : i32 to index
          %swap3A_399 = arith.constant 64 : index
          %swap3A_400 = tpu.vector_load %arg14[%swap3A_398, %swap3A_399] {strides = array<i32>} : memref<128x128xf32, #tpu.memory_space<vmem>>, vector<16xf32>,
          tpu.vector_store %arg14[%swap3A_398, %swap3A_399], %mul3A_397 {strides = array<i32>} : memref<128x128xf32, #tpu.memory_space<vmem>>, vector<16xf32>,
          %get3A_401 = arith.index_cast %add3A_364 : i32 to index
          %get3A_402 = arith.constant 80 : index
          %get3A_403 = tpu.vector_load %arg14[%get3A_401, %get3A_402] {strides = array<i32>} : memref<128x128xf32, #tpu.memory_space<vmem>>, vector<16xf32>,
          %mul3A_404 = arith.mulf %get3A_403, %gather3A : vector<16xf32>
          %swap3A_405 = arith.index_cast %add3A_364 : i32 to index
          %swap3A_406 = arith.constant 80 : index
          %swap3A_407 = tpu.vector_load %arg14[%swap3A_405, %swap3A_406] {strides = array<i32>} : memref<128x128xf32, #tpu.memory_space<vmem>>, vector<16xf32>,
          tpu.vector_store %arg14[%swap3A_405, %swap3A_406], %mul3A_404 {strides = array<i32>} : memref<128x128xf32, #tpu.memory_space<vmem>>, vector<16xf32>,
          %get3A_408 = arith.index_cast %add3A_364 : i32 to index
          %get3A_409 = arith.constant 96 : index
          %get3A_410 = tpu.vector_load %arg14[%get3A_408, %get3A_409] {strides = array<i32>} : memref<128x128xf32, #tpu.memory_space<vmem>>, vector<16xf32>,
          %mul3A_411 = arith.mulf %get3A_410, %gather3A : vector<16xf32>
          %swap3A_412 = arith.index_cast %add3A_364 : i32 to index
          %swap3A_413 = arith.constant 96 : index
          %swap3A_414 = tpu.vector_load %arg14[%swap3A_412, %swap3A_413] {strides = array<i32>} : memref<128x128xf32, #tpu.memory_space<vmem>>, vector<16xf32>,
          tpu.vector_store %arg14[%swap3A_412, %swap3A_413], %mul3A_411 {strides = array<i32>} : memref<128x128xf32, #tpu.memory_space<vmem>>, vector<16xf32>,
          %get3A_415 = arith.index_cast %add3A_364 : i32 to index
          %get3A_416 = arith.constant 112 : index
          %get3A_417 = tpu.vector_load %arg14[%get3A_415, %get3A_416] {strides = array<i32>} : memref<128x128xf32, #tpu.memory_space<vmem>>, vector<16xf32>,
          %mul3A_418 = arith.mulf %get3A_417, %gather3A : vector<16xf32>
          %swap3A_419 = arith.index_cast %add3A_364 : i32 to index
          %swap3A_420 = arith.constant 112 : index
          %swap3A_421 = tpu.vector_load %arg14[%swap3A_419, %swap3A_420] {strides = array<i32>} : memref<128x128xf32, #tpu.memory_space<vmem>>, vector<16xf32>,
          tpu.vector_store %arg14[%swap3A_419, %swap3A_420], %mul3A_418 {strides = array<i32>} : memref<128x128xf32, #tpu.memory_space<vmem>>, vector<16xf32>,
          %mul3A_422 = arith.constant 8 : i32
          %mul3A_423 = arith.muli %scan3A_359, %mul3A_422 : i32
          %add3A_424 = arith.constant 1 : i32
          %add3A_425 = arith.addi %mul3A_423, %add3A_424 : i32
          %broadcast_in_dim3A_426 = vector.broadcast %add3A_425 : i32 to vector<16xi32>
          %gather3A_427 = tpu.vector_load_idx %arg15[%broadcast_in_dim3A_426] : memref<128xf32, #tpu.memory_space<vmem>>[vector<16xi32>], vector<16xf32>,
          %get3A_428 = arith.index_cast %add3A_425 : i32 to index
          %get3A_429 = arith.constant 0 : index
          %get3A_430 = tpu.vector_load %arg14[%get3A_428, %get3A_429] {strides = array<i32>} : memref<128x128xf32, #tpu.memory_space<vmem>>, vector<16xf32>,
          %mul3A_431 = arith.mulf %get3A_430, %gather3A_427 : vector<16xf32>
          %swap3A_432 = arith.index_cast %add3A_425 : i32 to index
          %swap3A_433 = arith.constant 0 : index
          %swap3A_434 = tpu.vector_load %arg14[%swap3A_432, %swap3A_433] {strides = array<i32>} : memref<128x128xf32, #tpu.memory_space<vmem>>, vector<16xf32>,
          tpu.vector_store %arg14[%swap3A_432, %swap3A_433], %mul3A_431 {strides = array<i32>} : memref<128x128xf32, #tpu.memory_space<vmem>>, vector<16xf32>,
          %get3A_435 = arith.index_cast %add3A_425 : i32 to index
          %get3A_436 = arith.constant 16 : index
          %get3A_437 = tpu.vector_load %arg14[%get3A_435, %get3A_436] {strides = array<i32>} : memref<128x128xf32, #tpu.memory_space<vmem>>, vector<16xf32>,
          %mul3A_438 = arith.mulf %get3A_437, %gather3A_427 : vector<16xf32>
          %swap3A_439 = arith.index_cast %add3A_425 : i32 to index
          %swap3A_440 = arith.constant 16 : index
          %swap3A_441 = tpu.vector_load %arg14[%swap3A_439, %swap3A_440] {strides = array<i32>} : memref<128x128xf32, #tpu.memory_space<vmem>>, vector<16xf32>,
          tpu.vector_store %arg14[%swap3A_439, %swap3A_440], %mul3A_438 {strides = array<i32>} : memref<128x128xf32, #tpu.memory_space<vmem>>, vector<16xf32>,
          %get3A_442 = arith.index_cast %add3A_425 : i32 to index
          %get3A_443 = arith.constant 32 : index
          %get3A_444 = tpu.vector_load %arg14[%get3A_442, %get3A_443] {strides = array<i32>} : memref<128x128xf32, #tpu.memory_space<vmem>>, vector<16xf32>,
          %mul3A_445 = arith.mulf %get3A_444, %gather3A_427 : vector<16xf32>
          %swap3A_446 = arith.index_cast %add3A_425 : i32 to index
          %swap3A_447 = arith.constant 32 : index
          %swap3A_448 = tpu.vector_load %arg14[%swap3A_446, %swap3A_447] {strides = array<i32>} : memref<128x128xf32, #tpu.memory_space<vmem>>, vector<16xf32>,
          tpu.vector_store %arg14[%swap3A_446, %swap3A_447], %mul3A_445 {strides = array<i32>} : memref<128x128xf32, #tpu.memory_space<vmem>>, vector<16xf32>,
          %get3A_449 = arith.index_cast %add3A_425 : i32 to index
          %get3A_450 = arith.constant 48 : index
          %get3A_451 = tpu.vector_load %arg14[%get3A_449, %get3A_450] {strides = array<i32>} : memref<128x128xf32, #tpu.memory_space<vmem>>, vector<16xf32>,
          %mul3A_452 = arith.mulf %get3A_451, %gather3A_427 : vector<16xf32>
          %swap3A_453 = arith.index_cast %add3A_425 : i32 to index
          %swap3A_454 = arith.constant 48 : index
          %swap3A_455 = tpu.vector_load %arg14[%swap3A_453, %swap3A_454] {strides = array<i32>} : memref<128x128xf32, #tpu.memory_space<vmem>>, vector<16xf32>,
          tpu.vector_store %arg14[%swap3A_453, %swap3A_454], %mul3A_452 {strides = array<i32>} : memref<128x128xf32, #tpu.memory_space<vmem>>, vector<16xf32>,
          %get3A_456 = arith.index_cast %add3A_425 : i32 to index
          %get3A_457 = arith.constant 64 : index
          %get3A_458 = tpu.vector_load %arg14[%get3A_456, %get3A_457] {strides = array<i32>} : memref<128x128xf32, #tpu.memory_space<vmem>>, vector<16xf32>,
          %mul3A_459 = arith.mulf %get3A_458, %gather3A_427 : vector<16xf32>
          %swap3A_460 = arith.index_cast %add3A_425 : i32 to index
          %swap3A_461 = arith.constant 64 : index
          %swap3A_462 = tpu.vector_load %arg14[%swap3A_460, %swap3A_461] {strides = array<i32>} : memref<128x128xf32, #tpu.memory_space<vmem>>, vector<16xf32>,
          tpu.vector_store %arg14[%swap3A_460, %swap3A_461], %mul3A_459 {strides = array<i32>} : memref<128x128xf32, #tpu.memory_space<vmem>>, vector<16xf32>,
          %get3A_463 = arith.index_cast %add3A_425 : i32 to index
          %get3A_464 = arith.constant 80 : index
          %get3A_465 = tpu.vector_load %arg14[%get3A_463, %get3A_464] {strides = array<i32>} : memref<128x128xf32, #tpu.memory_space<vmem>>, vector<16xf32>,
          %mul3A_466 = arith.mulf %get3A_465, %gather3A_427 : vector<16xf32>
          %swap3A_467 = arith.index_cast %add3A_425 : i32 to index
          %swap3A_468 = arith.constant 80 : index
          %swap3A_469 = tpu.vector_load %arg14[%swap3A_467, %swap3A_468] {strides = array<i32>} : memref<128x128xf32, #tpu.memory_space<vmem>>, vector<16xf32>,
          tpu.vector_store %arg14[%swap3A_467, %swap3A_468], %mul3A_466 {strides = array<i32>} : memref<128x128xf32, #tpu.memory_space<vmem>>, vector<16xf32>,
          %get3A_470 = arith.index_cast %add3A_425 : i32 to index
          %get3A_471 = arith.constant 96 : index
          %get3A_472 = tpu.vector_load %arg14[%get3A_470, %get3A_471] {strides = array<i32>} : memref<128x128xf32, #tpu.memory_space<vmem>>, vector<16xf32>,
          %mul3A_473 = arith.mulf %get3A_472, %gather3A_427 : vector<16xf32>
          %swap3A_474 = arith.index_cast %add3A_425 : i32 to index
          %swap3A_475 = arith.constant 96 : index
          %swap3A_476 = tpu.vector_load %arg14[%swap3A_474, %swap3A_475] {strides = array<i32>} : memref<128x128xf32, #tpu.memory_space<vmem>>, vector<16xf32>,
          tpu.vector_store %arg14[%swap3A_474, %swap3A_475], %mul3A_473 {strides = array<i32>} : memref<128x128xf32, #tpu.memory_space<vmem>>, vector<16xf32>,
          %get3A_477 = arith.index_cast %add3A_425 : i32 to index
          %get3A_478 = arith.constant 112 : index
          %get3A_479 = tpu.vector_load %arg14[%get3A_477, %get3A_478] {strides = array<i32>} : memref<128x128xf32, #tpu.memory_space<vmem>>, vector<16xf32>,
          %mul3A_480 = arith.mulf %get3A_479, %gather3A_427 : vector<16xf32>
          %swap3A_481 = arith.index_cast %add3A_425 : i32 to index
          %swap3A_482 = arith.constant 112 : index
          %swap3A_483 = tpu.vector_load %arg14[%swap3A_481, %swap3A_482] {strides = array<i32>} : memref<128x128xf32, #tpu.memory_space<vmem>>, vector<16xf32>,
          tpu.vector_store %arg14[%swap3A_481, %swap3A_482], %mul3A_480 {strides = array<i32>} : memref<128x128xf32, #tpu.memory_space<vmem>>, vector<16xf32>,
          %mul3A_484 = arith.constant 8 : i32
          %mul3A_485 = arith.muli %scan3A_359, %mul3A_484 : i32
          %add3A_486 = arith.constant 2 : i32
          %add3A_487 = arith.addi %mul3A_485, %add3A_486 : i32
          %broadcast_in_dim3A_488 = vector.broadcast %add3A_487 : i32 to vector<16xi32>
          %gather3A_489 = tpu.vector_load_idx %arg15[%broadcast_in_dim3A_488] : memref<128xf32, #tpu.memory_space<vmem>>[vector<16xi32>], vector<16xf32>,
          %get3A_490 = arith.index_cast %add3A_487 : i32 to index
          %get3A_491 = arith.constant 0 : index
          %get3A_492 = tpu.vector_load %arg14[%get3A_490, %get3A_491] {strides = array<i32>} : memref<128x128xf32, #tpu.memory_space<vmem>>, vector<16xf32>,
          %mul3A_493 = arith.mulf %get3A_492, %gather3A_489 : vector<16xf32>
          %swap3A_494 = arith.index_cast %add3A_487 : i32 to index
          %swap3A_495 = arith.constant 0 : index
          %swap3A_496 = tpu.vector_load %arg14[%swap3A_494, %swap3A_495] {strides = array<i32>} : memref<128x128xf32, #tpu.memory_space<vmem>>, vector<16xf32>,
          tpu.vector_store %arg14[%swap3A_494, %swap3A_495], %mul3A_493 {strides = array<i32>} : memref<128x128xf32, #tpu.memory_space<vmem>>, vector<16xf32>,
          %get3A_497 = arith.index_cast %add3A_487 : i32 to index
          %get3A_498 = arith.constant 16 : index
          %get3A_499 = tpu.vector_load %arg14[%get3A_497, %get3A_498] {strides = array<i32>} : memref<128x128xf32, #tpu.memory_space<vmem>>, vector<16xf32>,
          %mul3A_500 = arith.mulf %get3A_499, %gather3A_489 : vector<16xf32>
          %swap3A_501 = arith.index_cast %add3A_487 : i32 to index
          %swap3A_502 = arith.constant 16 : index
          %swap3A_503 = tpu.vector_load %arg14[%swap3A_501, %swap3A_502] {strides = array<i32>} : memref<128x128xf32, #tpu.memory_space<vmem>>, vector<16xf32>,
          tpu.vector_store %arg14[%swap3A_501, %swap3A_502], %mul3A_500 {strides = array<i32>} : memref<128x128xf32, #tpu.memory_space<vmem>>, vector<16xf32>,
          %get3A_504 = arith.index_cast %add3A_487 : i32 to index
          %get3A_505 = arith.constant 32 : index
          %get3A_506 = tpu.vector_load %arg14[%get3A_504, %get3A_505] {strides = array<i32>} : memref<128x128xf32, #tpu.memory_space<vmem>>, vector<16xf32>,
          %mul3A_507 = arith.mulf %get3A_506, %gather3A_489 : vector<16xf32>
          %swap3A_508 = arith.index_cast %add3A_487 : i32 to index
          %swap3A_509 = arith.constant 32 : index
          %swap3A_510 = tpu.vector_load %arg14[%swap3A_508, %swap3A_509] {strides = array<i32>} : memref<128x128xf32, #tpu.memory_space<vmem>>, vector<16xf32>,
          tpu.vector_store %arg14[%swap3A_508, %swap3A_509], %mul3A_507 {strides = array<i32>} : memref<128x128xf32, #tpu.memory_space<vmem>>, vector<16xf32>,
          %get3A_511 = arith.index_cast %add3A_487 : i32 to index
          %get3A_512 = arith.constant 48 : index
          %get3A_513 = tpu.vector_load %arg14[%get3A_511, %get3A_512] {strides = array<i32>} : memref<128x128xf32, #tpu.memory_space<vmem>>, vector<16xf32>,
          %mul3A_514 = arith.mulf %get3A_513, %gather3A_489 : vector<16xf32>
          %swap3A_515 = arith.index_cast %add3A_487 : i32 to index
          %swap3A_516 = arith.constant 48 : index
          %swap3A_517 = tpu.vector_load %arg14[%swap3A_515, %swap3A_516] {strides = array<i32>} : memref<128x128xf32, #tpu.memory_space<vmem>>, vector<16xf32>,
          tpu.vector_store %arg14[%swap3A_515, %swap3A_516], %mul3A_514 {strides = array<i32>} : memref<128x128xf32, #tpu.memory_space<vmem>>, vector<16xf32>,
          %get3A_518 = arith.index_cast %add3A_487 : i32 to index
          %get3A_519 = arith.constant 64 : index
          %get3A_520 = tpu.vector_load %arg14[%get3A_518, %get3A_519] {strides = array<i32>} : memref<128x128xf32, #tpu.memory_space<vmem>>, vector<16xf32>,
          %mul3A_521 = arith.mulf %get3A_520, %gather3A_489 : vector<16xf32>
          %swap3A_522 = arith.index_cast %add3A_487 : i32 to index
          %swap3A_523 = arith.constant 64 : index
          %swap3A_524 = tpu.vector_load %arg14[%swap3A_522, %swap3A_523] {strides = array<i32>} : memref<128x128xf32, #tpu.memory_space<vmem>>, vector<16xf32>,
          tpu.vector_store %arg14[%swap3A_522, %swap3A_523], %mul3A_521 {strides = array<i32>} : memref<128x128xf32, #tpu.memory_space<vmem>>, vector<16xf32>,
          %get3A_525 = arith.index_cast %add3A_487 : i32 to index
          %get3A_526 = arith.constant 80 : index
          %get3A_527 = tpu.vector_load %arg14[%get3A_525, %get3A_526] {strides = array<i32>} : memref<128x128xf32, #tpu.memory_space<vmem>>, vector<16xf32>,
          %mul3A_528 = arith.mulf %get3A_527, %gather3A_489 : vector<16xf32>
          %swap3A_529 = arith.index_cast %add3A_487 : i32 to index
          %swap3A_530 = arith.constant 80 : index
          %swap3A_531 = tpu.vector_load %arg14[%swap3A_529, %swap3A_530] {strides = array<i32>} : memref<128x128xf32, #tpu.memory_space<vmem>>, vector<16xf32>,
          tpu.vector_store %arg14[%swap3A_529, %swap3A_530], %mul3A_528 {strides = array<i32>} : memref<128x128xf32, #tpu.memory_space<vmem>>, vector<16xf32>,
          %get3A_532 = arith.index_cast %add3A_487 : i32 to index
          %get3A_533 = arith.constant 96 : index
          %get3A_534 = tpu.vector_load %arg14[%get3A_532, %get3A_533] {strides = array<i32>} : memref<128x128xf32, #tpu.memory_space<vmem>>, vector<16xf32>,
          %mul3A_535 = arith.mulf %get3A_534, %gather3A_489 : vector<16xf32>
          %swap3A_536 = arith.index_cast %add3A_487 : i32 to index
          %swap3A_537 = arith.constant 96 : index
          %swap3A_538 = tpu.vector_load %arg14[%swap3A_536, %swap3A_537] {strides = array<i32>} : memref<128x128xf32, #tpu.memory_space<vmem>>, vector<16xf32>,
          tpu.vector_store %arg14[%swap3A_536, %swap3A_537], %mul3A_535 {strides = array<i32>} : memref<128x128xf32, #tpu.memory_space<vmem>>, vector<16xf32>,
          %get3A_539 = arith.index_cast %add3A_487 : i32 to index
          %get3A_540 = arith.constant 112 : index
          %get3A_541 = tpu.vector_load %arg14[%get3A_539, %get3A_540] {strides = array<i32>} : memref<128x128xf32, #tpu.memory_space<vmem>>, vector<16xf32>,
          %mul3A_542 = arith.mulf %get3A_541, %gather3A_489 : vector<16xf32>
          %swap3A_543 = arith.index_cast %add3A_487 : i32 to index
          %swap3A_544 = arith.constant 112 : index
          %swap3A_545 = tpu.vector_load %arg14[%swap3A_543, %swap3A_544] {strides = array<i32>} : memref<128x128xf32, #tpu.memory_space<vmem>>, vector<16xf32>,
          tpu.vector_store %arg14[%swap3A_543, %swap3A_544], %mul3A_542 {strides = array<i32>} : memref<128x128xf32, #tpu.memory_space<vmem>>, vector<16xf32>,
          %mul3A_546 = arith.constant 8 : i32
          %mul3A_547 = arith.muli %scan3A_359, %mul3A_546 : i32
          %add3A_548 = arith.constant 3 : i32
          %add3A_549 = arith.addi %mul3A_547, %add3A_548 : i32
          %broadcast_in_dim3A_550 = vector.broadcast %add3A_549 : i32 to vector<16xi32>
          %gather3A_551 = tpu.vector_load_idx %arg15[%broadcast_in_dim3A_550] : memref<128xf32, #tpu.memory_space<vmem>>[vector<16xi32>], vector<16xf32>,
          %get3A_552 = arith.index_cast %add3A_549 : i32 to index
          %get3A_553 = arith.constant 0 : index
          %get3A_554 = tpu.vector_load %arg14[%get3A_552, %get3A_553] {strides = array<i32>} : memref<128x128xf32, #tpu.memory_space<vmem>>, vector<16xf32>,
          %mul3A_555 = arith.mulf %get3A_554, %gather3A_551 : vector<16xf32>
          %swap3A_556 = arith.index_cast %add3A_549 : i32 to index
          %swap3A_557 = arith.constant 0 : index
          %swap3A_558 = tpu.vector_load %arg14[%swap3A_556, %swap3A_557] {strides = array<i32>} : memref<128x128xf32, #tpu.memory_space<vmem>>, vector<16xf32>,
          tpu.vector_store %arg14[%swap3A_556, %swap3A_557], %mul3A_555 {strides = array<i32>} : memref<128x128xf32, #tpu.memory_space<vmem>>, vector<16xf32>,
          %get3A_559 = arith.index_cast %add3A_549 : i32 to index
          %get3A_560 = arith.constant 16 : index
          %get3A_561 = tpu.vector_load %arg14[%get3A_559, %get3A_560] {strides = array<i32>} : memref<128x128xf32, #tpu.memory_space<vmem>>, vector<16xf32>,
          %mul3A_562 = arith.mulf %get3A_561, %gather3A_551 : vector<16xf32>
          %swap3A_563 = arith.index_cast %add3A_549 : i32 to index
          %swap3A_564 = arith.constant 16 : index
          %swap3A_565 = tpu.vector_load %arg14[%swap3A_563, %swap3A_564] {strides = array<i32>} : memref<128x128xf32, #tpu.memory_space<vmem>>, vector<16xf32>,
          tpu.vector_store %arg14[%swap3A_563, %swap3A_564], %mul3A_562 {strides = array<i32>} : memref<128x128xf32, #tpu.memory_space<vmem>>, vector<16xf32>,
          %get3A_566 = arith.index_cast %add3A_549 : i32 to index
          %get3A_567 = arith.constant 32 : index
          %get3A_568 = tpu.vector_load %arg14[%get3A_566, %get3A_567] {strides = array<i32>} : memref<128x128xf32, #tpu.memory_space<vmem>>, vector<16xf32>,
          %mul3A_569 = arith.mulf %get3A_568, %gather3A_551 : vector<16xf32>
          %swap3A_570 = arith.index_cast %add3A_549 : i32 to index
          %swap3A_571 = arith.constant 32 : index
          %swap3A_572 = tpu.vector_load %arg14[%swap3A_570, %swap3A_571] {strides = array<i32>} : memref<128x128xf32, #tpu.memory_space<vmem>>, vector<16xf32>,
          tpu.vector_store %arg14[%swap3A_570, %swap3A_571], %mul3A_569 {strides = array<i32>} : memref<128x128xf32, #tpu.memory_space<vmem>>, vector<16xf32>,
          %get3A_573 = arith.index_cast %add3A_549 : i32 to index
          %get3A_574 = arith.constant 48 : index
          %get3A_575 = tpu.vector_load %arg14[%get3A_573, %get3A_574] {strides = array<i32>} : memref<128x128xf32, #tpu.memory_space<vmem>>, vector<16xf32>,
          %mul3A_576 = arith.mulf %get3A_575, %gather3A_551 : vector<16xf32>
          %swap3A_577 = arith.index_cast %add3A_549 : i32 to index
          %swap3A_578 = arith.constant 48 : index
          %swap3A_579 = tpu.vector_load %arg14[%swap3A_577, %swap3A_578] {strides = array<i32>} : memref<128x128xf32, #tpu.memory_space<vmem>>, vector<16xf32>,
          tpu.vector_store %arg14[%swap3A_577, %swap3A_578], %mul3A_576 {strides = array<i32>} : memref<128x128xf32, #tpu.memory_space<vmem>>, vector<16xf32>,
          %get3A_580 = arith.index_cast %add3A_549 : i32 to index
          %get3A_581 = arith.constant 64 : index
          %get3A_582 = tpu.vector_load %arg14[%get3A_580, %get3A_581] {strides = array<i32>} : memref<128x128xf32, #tpu.memory_space<vmem>>, vector<16xf32>,
          %mul3A_583 = arith.mulf %get3A_582, %gather3A_551 : vector<16xf32>
          %swap3A_584 = arith.index_cast %add3A_549 : i32 to index
          %swap3A_585 = arith.constant 64 : index
          %swap3A_586 = tpu.vector_load %arg14[%swap3A_584, %swap3A_585] {strides = array<i32>} : memref<128x128xf32, #tpu.memory_space<vmem>>, vector<16xf32>,
          tpu.vector_store %arg14[%swap3A_584, %swap3A_585], %mul3A_583 {strides = array<i32>} : memref<128x128xf32, #tpu.memory_space<vmem>>, vector<16xf32>,
          %get3A_587 = arith.index_cast %add3A_549 : i32 to index
          %get3A_588 = arith.constant 80 : index
          %get3A_589 = tpu.vector_load %arg14[%get3A_587, %get3A_588] {strides = array<i32>} : memref<128x128xf32, #tpu.memory_space<vmem>>, vector<16xf32>,
          %mul3A_590 = arith.mulf %get3A_589, %gather3A_551 : vector<16xf32>
          %swap3A_591 = arith.index_cast %add3A_549 : i32 to index
          %swap3A_592 = arith.constant 80 : index
          %swap3A_593 = tpu.vector_load %arg14[%swap3A_591, %swap3A_592] {strides = array<i32>} : memref<128x128xf32, #tpu.memory_space<vmem>>, vector<16xf32>,
          tpu.vector_store %arg14[%swap3A_591, %swap3A_592], %mul3A_590 {strides = array<i32>} : memref<128x128xf32, #tpu.memory_space<vmem>>, vector<16xf32>,
          %get3A_594 = arith.index_cast %add3A_549 : i32 to index
          %get3A_595 = arith.constant 96 : index
          %get3A_596 = tpu.vector_load %arg14[%get3A_594, %get3A_595] {strides = array<i32>} : memref<128x128xf32, #tpu.memory_space<vmem>>, vector<16xf32>,
          %mul3A_597 = arith.mulf %get3A_596, %gather3A_551 : vector<16xf32>
          %swap3A_598 = arith.index_cast %add3A_549 : i32 to index
          %swap3A_599 = arith.constant 96 : index
          %swap3A_600 = tpu.vector_load %arg14[%swap3A_598, %swap3A_599] {strides = array<i32>} : memref<128x128xf32, #tpu.memory_space<vmem>>, vector<16xf32>,
          tpu.vector_store %arg14[%swap3A_598, %swap3A_599], %mul3A_597 {strides = array<i32>} : memref<128x128xf32, #tpu.memory_space<vmem>>, vector<16xf32>,
          %get3A_601 = arith.index_cast %add3A_549 : i32 to index
          %get3A_602 = arith.constant 112 : index
          %get3A_603 = tpu.vector_load %arg14[%get3A_601, %get3A_602] {strides = array<i32>} : memref<128x128xf32, #tpu.memory_space<vmem>>, vector<16xf32>,
          %mul3A_604 = arith.mulf %get3A_603, %gather3A_551 : vector<16xf32>
          %swap3A_605 = arith.index_cast %add3A_549 : i32 to index
          %swap3A_606 = arith.constant 112 : index
          %swap3A_607 = tpu.vector_load %arg14[%swap3A_605, %swap3A_606] {strides = array<i32>} : memref<128x128xf32, #tpu.memory_space<vmem>>, vector<16xf32>,
          tpu.vector_store %arg14[%swap3A_605, %swap3A_606], %mul3A_604 {strides = array<i32>} : memref<128x128xf32, #tpu.memory_space<vmem>>, vector<16xf32>,
          %mul3A_608 = arith.constant 8 : i32
          %mul3A_609 = arith.muli %scan3A_359, %mul3A_608 : i32
          %add3A_610 = arith.constant 4 : i32
          %add3A_611 = arith.addi %mul3A_609, %add3A_610 : i32
          %broadcast_in_dim3A_612 = vector.broadcast %add3A_611 : i32 to vector<16xi32>
          %gather3A_613 = tpu.vector_load_idx %arg15[%broadcast_in_dim3A_612] : memref<128xf32, #tpu.memory_space<vmem>>[vector<16xi32>], vector<16xf32>,
          %get3A_614 = arith.index_cast %add3A_611 : i32 to index
          %get3A_615 = arith.constant 0 : index
          %get3A_616 = tpu.vector_load %arg14[%get3A_614, %get3A_615] {strides = array<i32>} : memref<128x128xf32, #tpu.memory_space<vmem>>, vector<16xf32>,
          %mul3A_617 = arith.mulf %get3A_616, %gather3A_613 : vector<16xf32>
          %swap3A_618 = arith.index_cast %add3A_611 : i32 to index
          %swap3A_619 = arith.constant 0 : index
          %swap3A_620 = tpu.vector_load %arg14[%swap3A_618, %swap3A_619] {strides = array<i32>} : memref<128x128xf32, #tpu.memory_space<vmem>>, vector<16xf32>,
          tpu.vector_store %arg14[%swap3A_618, %swap3A_619], %mul3A_617 {strides = array<i32>} : memref<128x128xf32, #tpu.memory_space<vmem>>, vector<16xf32>,
          %get3A_621 = arith.index_cast %add3A_611 : i32 to index
          %get3A_622 = arith.constant 16 : index
          %get3A_623 = tpu.vector_load %arg14[%get3A_621, %get3A_622] {strides = array<i32>} : memref<128x128xf32, #tpu.memory_space<vmem>>, vector<16xf32>,
          %mul3A_624 = arith.mulf %get3A_623, %gather3A_613 : vector<16xf32>
          %swap3A_625 = arith.index_cast %add3A_611 : i32 to index
          %swap3A_626 = arith.constant 16 : index
          %swap3A_627 = tpu.vector_load %arg14[%swap3A_625, %swap3A_626] {strides = array<i32>} : memref<128x128xf32, #tpu.memory_space<vmem>>, vector<16xf32>,
          tpu.vector_store %arg14[%swap3A_625, %swap3A_626], %mul3A_624 {strides = array<i32>} : memref<128x128xf32, #tpu.memory_space<vmem>>, vector<16xf32>,
          %get3A_628 = arith.index_cast %add3A_611 : i32 to index
          %get3A_629 = arith.constant 32 : index
          %get3A_630 = tpu.vector_load %arg14[%get3A_628, %get3A_629] {strides = array<i32>} : memref<128x128xf32, #tpu.memory_space<vmem>>, vector<16xf32>,
          %mul3A_631 = arith.mulf %get3A_630, %gather3A_613 : vector<16xf32>
          %swap3A_632 = arith.index_cast %add3A_611 : i32 to index
          %swap3A_633 = arith.constant 32 : index
          %swap3A_634 = tpu.vector_load %arg14[%swap3A_632, %swap3A_633] {strides = array<i32>} : memref<128x128xf32, #tpu.memory_space<vmem>>, vector<16xf32>,
          tpu.vector_store %arg14[%swap3A_632, %swap3A_633], %mul3A_631 {strides = array<i32>} : memref<128x128xf32, #tpu.memory_space<vmem>>, vector<16xf32>,
          %get3A_635 = arith.index_cast %add3A_611 : i32 to index
          %get3A_636 = arith.constant 48 : index
          %get3A_637 = tpu.vector_load %arg14[%get3A_635, %get3A_636] {strides = array<i32>} : memref<128x128xf32, #tpu.memory_space<vmem>>, vector<16xf32>,
          %mul3A_638 = arith.mulf %get3A_637, %gather3A_613 : vector<16xf32>
          %swap3A_639 = arith.index_cast %add3A_611 : i32 to index
          %swap3A_640 = arith.constant 48 : index
          %swap3A_641 = tpu.vector_load %arg14[%swap3A_639, %swap3A_640] {strides = array<i32>} : memref<128x128xf32, #tpu.memory_space<vmem>>, vector<16xf32>,
          tpu.vector_store %arg14[%swap3A_639, %swap3A_640], %mul3A_638 {strides = array<i32>} : memref<128x128xf32, #tpu.memory_space<vmem>>, vector<16xf32>,
          %get3A_642 = arith.index_cast %add3A_611 : i32 to index
          %get3A_643 = arith.constant 64 : index
          %get3A_644 = tpu.vector_load %arg14[%get3A_642, %get3A_643] {strides = array<i32>} : memref<128x128xf32, #tpu.memory_space<vmem>>, vector<16xf32>,
          %mul3A_645 = arith.mulf %get3A_644, %gather3A_613 : vector<16xf32>
          %swap3A_646 = arith.index_cast %add3A_611 : i32 to index
          %swap3A_647 = arith.constant 64 : index
          %swap3A_648 = tpu.vector_load %arg14[%swap3A_646, %swap3A_647] {strides = array<i32>} : memref<128x128xf32, #tpu.memory_space<vmem>>, vector<16xf32>,
          tpu.vector_store %arg14[%swap3A_646, %swap3A_647], %mul3A_645 {strides = array<i32>} : memref<128x128xf32, #tpu.memory_space<vmem>>, vector<16xf32>,
          %get3A_649 = arith.index_cast %add3A_611 : i32 to index
          %get3A_650 = arith.constant 80 : index
          %get3A_651 = tpu.vector_load %arg14[%get3A_649, %get3A_650] {strides = array<i32>} : memref<128x128xf32, #tpu.memory_space<vmem>>, vector<16xf32>,
          %mul3A_652 = arith.mulf %get3A_651, %gather3A_613 : vector<16xf32>
          %swap3A_653 = arith.index_cast %add3A_611 : i32 to index
          %swap3A_654 = arith.constant 80 : index
          %swap3A_655 = tpu.vector_load %arg14[%swap3A_653, %swap3A_654] {strides = array<i32>} : memref<128x128xf32, #tpu.memory_space<vmem>>, vector<16xf32>,
          tpu.vector_store %arg14[%swap3A_653, %swap3A_654], %mul3A_652 {strides = array<i32>} : memref<128x128xf32, #tpu.memory_space<vmem>>, vector<16xf32>,
          %get3A_656 = arith.index_cast %add3A_611 : i32 to index
          %get3A_657 = arith.constant 96 : index
          %get3A_658 = tpu.vector_load %arg14[%get3A_656, %get3A_657] {strides = array<i32>} : memref<128x128xf32, #tpu.memory_space<vmem>>, vector<16xf32>,
          %mul3A_659 = arith.mulf %get3A_658, %gather3A_613 : vector<16xf32>
          %swap3A_660 = arith.index_cast %add3A_611 : i32 to index
          %swap3A_661 = arith.constant 96 : index
          %swap3A_662 = tpu.vector_load %arg14[%swap3A_660, %swap3A_661] {strides = array<i32>} : memref<128x128xf32, #tpu.memory_space<vmem>>, vector<16xf32>,
          tpu.vector_store %arg14[%swap3A_660, %swap3A_661], %mul3A_659 {strides = array<i32>} : memref<128x128xf32, #tpu.memory_space<vmem>>, vector<16xf32>,
          %get3A_663 = arith.index_cast %add3A_611 : i32 to index
          %get3A_664 = arith.constant 112 : index
          %get3A_665 = tpu.vector_load %arg14[%get3A_663, %get3A_664] {strides = array<i32>} : memref<128x128xf32, #tpu.memory_space<vmem>>, vector<16xf32>,
          %mul3A_666 = arith.mulf %get3A_665, %gather3A_613 : vector<16xf32>
          %swap3A_667 = arith.index_cast %add3A_611 : i32 to index
          %swap3A_668 = arith.constant 112 : index
          %swap3A_669 = tpu.vector_load %arg14[%swap3A_667, %swap3A_668] {strides = array<i32>} : memref<128x128xf32, #tpu.memory_space<vmem>>, vector<16xf32>,
          tpu.vector_store %arg14[%swap3A_667, %swap3A_668], %mul3A_666 {strides = array<i32>} : memref<128x128xf32, #tpu.memory_space<vmem>>, vector<16xf32>,
          %mul3A_670 = arith.constant 8 : i32
          %mul3A_671 = arith.muli %scan3A_359, %mul3A_670 : i32
          %add3A_672 = arith.constant 5 : i32
          %add3A_673 = arith.addi %mul3A_671, %add3A_672 : i32
          %broadcast_in_dim3A_674 = vector.broadcast %add3A_673 : i32 to vector<16xi32>
          %gather3A_675 = tpu.vector_load_idx %arg15[%broadcast_in_dim3A_674] : memref<128xf32, #tpu.memory_space<vmem>>[vector<16xi32>], vector<16xf32>,
          %get3A_676 = arith.index_cast %add3A_673 : i32 to index
          %get3A_677 = arith.constant 0 : index
          %get3A_678 = tpu.vector_load %arg14[%get3A_676, %get3A_677] {strides = array<i32>} : memref<128x128xf32, #tpu.memory_space<vmem>>, vector<16xf32>,
          %mul3A_679 = arith.mulf %get3A_678, %gather3A_675 : vector<16xf32>
          %swap3A_680 = arith.index_cast %add3A_673 : i32 to index
          %swap3A_681 = arith.constant 0 : index
          %swap3A_682 = tpu.vector_load %arg14[%swap3A_680, %swap3A_681] {strides = array<i32>} : memref<128x128xf32, #tpu.memory_space<vmem>>, vector<16xf32>,
          tpu.vector_store %arg14[%swap3A_680, %swap3A_681], %mul3A_679 {strides = array<i32>} : memref<128x128xf32, #tpu.memory_space<vmem>>, vector<16xf32>,
          %get3A_683 = arith.index_cast %add3A_673 : i32 to index
          %get3A_684 = arith.constant 16 : index
          %get3A_685 = tpu.vector_load %arg14[%get3A_683, %get3A_684] {strides = array<i32>} : memref<128x128xf32, #tpu.memory_space<vmem>>, vector<16xf32>,
          %mul3A_686 = arith.mulf %get3A_685, %gather3A_675 : vector<16xf32>
          %swap3A_687 = arith.index_cast %add3A_673 : i32 to index
          %swap3A_688 = arith.constant 16 : index
          %swap3A_689 = tpu.vector_load %arg14[%swap3A_687, %swap3A_688] {strides = array<i32>} : memref<128x128xf32, #tpu.memory_space<vmem>>, vector<16xf32>,
          tpu.vector_store %arg14[%swap3A_687, %swap3A_688], %mul3A_686 {strides = array<i32>} : memref<128x128xf32, #tpu.memory_space<vmem>>, vector<16xf32>,
          %get3A_690 = arith.index_cast %add3A_673 : i32 to index
          %get3A_691 = arith.constant 32 : index
          %get3A_692 = tpu.vector_load %arg14[%get3A_690, %get3A_691] {strides = array<i32>} : memref<128x128xf32, #tpu.memory_space<vmem>>, vector<16xf32>,
          %mul3A_693 = arith.mulf %get3A_692, %gather3A_675 : vector<16xf32>
          %swap3A_694 = arith.index_cast %add3A_673 : i32 to index
          %swap3A_695 = arith.constant 32 : index
          %swap3A_696 = tpu.vector_load %arg14[%swap3A_694, %swap3A_695] {strides = array<i32>} : memref<128x128xf32, #tpu.memory_space<vmem>>, vector<16xf32>,
          tpu.vector_store %arg14[%swap3A_694, %swap3A_695], %mul3A_693 {strides = array<i32>} : memref<128x128xf32, #tpu.memory_space<vmem>>, vector<16xf32>,
          %get3A_697 = arith.index_cast %add3A_673 : i32 to index
          %get3A_698 = arith.constant 48 : index
          %get3A_699 = tpu.vector_load %arg14[%get3A_697, %get3A_698] {strides = array<i32>} : memref<128x128xf32, #tpu.memory_space<vmem>>, vector<16xf32>,
          %mul3A_700 = arith.mulf %get3A_699, %gather3A_675 : vector<16xf32>
          %swap3A_701 = arith.index_cast %add3A_673 : i32 to index
          %swap3A_702 = arith.constant 48 : index
          %swap3A_703 = tpu.vector_load %arg14[%swap3A_701, %swap3A_702] {strides = array<i32>} : memref<128x128xf32, #tpu.memory_space<vmem>>, vector<16xf32>,
          tpu.vector_store %arg14[%swap3A_701, %swap3A_702], %mul3A_700 {strides = array<i32>} : memref<128x128xf32, #tpu.memory_space<vmem>>, vector<16xf32>,
          %get3A_704 = arith.index_cast %add3A_673 : i32 to index
          %get3A_705 = arith.constant 64 : index
          %get3A_706 = tpu.vector_load %arg14[%get3A_704, %get3A_705] {strides = array<i32>} : memref<128x128xf32, #tpu.memory_space<vmem>>, vector<16xf32>,
          %mul3A_707 = arith.mulf %get3A_706, %gather3A_675 : vector<16xf32>
          %swap3A_708 = arith.index_cast %add3A_673 : i32 to index
          %swap3A_709 = arith.constant 64 : index
          %swap3A_710 = tpu.vector_load %arg14[%swap3A_708, %swap3A_709] {strides = array<i32>} : memref<128x128xf32, #tpu.memory_space<vmem>>, vector<16xf32>,
          tpu.vector_store %arg14[%swap3A_708, %swap3A_709], %mul3A_707 {strides = array<i32>} : memref<128x128xf32, #tpu.memory_space<vmem>>, vector<16xf32>,
          %get3A_711 = arith.index_cast %add3A_673 : i32 to index
          %get3A_712 = arith.constant 80 : index
          %get3A_713 = tpu.vector_load %arg14[%get3A_711, %get3A_712] {strides = array<i32>} : memref<128x128xf32, #tpu.memory_space<vmem>>, vector<16xf32>,
          %mul3A_714 = arith.mulf %get3A_713, %gather3A_675 : vector<16xf32>
          %swap3A_715 = arith.index_cast %add3A_673 : i32 to index
          %swap3A_716 = arith.constant 80 : index
          %swap3A_717 = tpu.vector_load %arg14[%swap3A_715, %swap3A_716] {strides = array<i32>} : memref<128x128xf32, #tpu.memory_space<vmem>>, vector<16xf32>,
          tpu.vector_store %arg14[%swap3A_715, %swap3A_716], %mul3A_714 {strides = array<i32>} : memref<128x128xf32, #tpu.memory_space<vmem>>, vector<16xf32>,
          %get3A_718 = arith.index_cast %add3A_673 : i32 to index
          %get3A_719 = arith.constant 96 : index
          %get3A_720 = tpu.vector_load %arg14[%get3A_718, %get3A_719] {strides = array<i32>} : memref<128x128xf32, #tpu.memory_space<vmem>>, vector<16xf32>,
          %mul3A_721 = arith.mulf %get3A_720, %gather3A_675 : vector<16xf32>
          %swap3A_722 = arith.index_cast %add3A_673 : i32 to index
          %swap3A_723 = arith.constant 96 : index
          %swap3A_724 = tpu.vector_load %arg14[%swap3A_722, %swap3A_723] {strides = array<i32>} : memref<128x128xf32, #tpu.memory_space<vmem>>, vector<16xf32>,
          tpu.vector_store %arg14[%swap3A_722, %swap3A_723], %mul3A_721 {strides = array<i32>} : memref<128x128xf32, #tpu.memory_space<vmem>>, vector<16xf32>,
          %get3A_725 = arith.index_cast %add3A_673 : i32 to index
          %get3A_726 = arith.constant 112 : index
          %get3A_727 = tpu.vector_load %arg14[%get3A_725, %get3A_726] {strides = array<i32>} : memref<128x128xf32, #tpu.memory_space<vmem>>, vector<16xf32>,
          %mul3A_728 = arith.mulf %get3A_727, %gather3A_675 : vector<16xf32>
          %swap3A_729 = arith.index_cast %add3A_673 : i32 to index
          %swap3A_730 = arith.constant 112 : index
          %swap3A_731 = tpu.vector_load %arg14[%swap3A_729, %swap3A_730] {strides = array<i32>} : memref<128x128xf32, #tpu.memory_space<vmem>>, vector<16xf32>,
          tpu.vector_store %arg14[%swap3A_729, %swap3A_730], %mul3A_728 {strides = array<i32>} : memref<128x128xf32, #tpu.memory_space<vmem>>, vector<16xf32>,
          %mul3A_732 = arith.constant 8 : i32
          %mul3A_733 = arith.muli %scan3A_359, %mul3A_732 : i32
          %add3A_734 = arith.constant 6 : i32
          %add3A_735 = arith.addi %mul3A_733, %add3A_734 : i32
          %broadcast_in_dim3A_736 = vector.broadcast %add3A_735 : i32 to vector<16xi32>
          %gather3A_737 = tpu.vector_load_idx %arg15[%broadcast_in_dim3A_736] : memref<128xf32, #tpu.memory_space<vmem>>[vector<16xi32>], vector<16xf32>,
          %get3A_738 = arith.index_cast %add3A_735 : i32 to index
          %get3A_739 = arith.constant 0 : index
          %get3A_740 = tpu.vector_load %arg14[%get3A_738, %get3A_739] {strides = array<i32>} : memref<128x128xf32, #tpu.memory_space<vmem>>, vector<16xf32>,
          %mul3A_741 = arith.mulf %get3A_740, %gather3A_737 : vector<16xf32>
          %swap3A_742 = arith.index_cast %add3A_735 : i32 to index
          %swap3A_743 = arith.constant 0 : index
          %swap3A_744 = tpu.vector_load %arg14[%swap3A_742, %swap3A_743] {strides = array<i32>} : memref<128x128xf32, #tpu.memory_space<vmem>>, vector<16xf32>,
          tpu.vector_store %arg14[%swap3A_742, %swap3A_743], %mul3A_741 {strides = array<i32>} : memref<128x128xf32, #tpu.memory_space<vmem>>, vector<16xf32>,
          %get3A_745 = arith.index_cast %add3A_735 : i32 to index
          %get3A_746 = arith.constant 16 : index
          %get3A_747 = tpu.vector_load %arg14[%get3A_745, %get3A_746] {strides = array<i32>} : memref<128x128xf32, #tpu.memory_space<vmem>>, vector<16xf32>,
          %mul3A_748 = arith.mulf %get3A_747, %gather3A_737 : vector<16xf32>
          %swap3A_749 = arith.index_cast %add3A_735 : i32 to index
          %swap3A_750 = arith.constant 16 : index
          %swap3A_751 = tpu.vector_load %arg14[%swap3A_749, %swap3A_750] {strides = array<i32>} : memref<128x128xf32, #tpu.memory_space<vmem>>, vector<16xf32>,
          tpu.vector_store %arg14[%swap3A_749, %swap3A_750], %mul3A_748 {strides = array<i32>} : memref<128x128xf32, #tpu.memory_space<vmem>>, vector<16xf32>,
          %get3A_752 = arith.index_cast %add3A_735 : i32 to index
          %get3A_753 = arith.constant 32 : index
          %get3A_754 = tpu.vector_load %arg14[%get3A_752, %get3A_753] {strides = array<i32>} : memref<128x128xf32, #tpu.memory_space<vmem>>, vector<16xf32>,
          %mul3A_755 = arith.mulf %get3A_754, %gather3A_737 : vector<16xf32>
          %swap3A_756 = arith.index_cast %add3A_735 : i32 to index
          %swap3A_757 = arith.constant 32 : index
          %swap3A_758 = tpu.vector_load %arg14[%swap3A_756, %swap3A_757] {strides = array<i32>} : memref<128x128xf32, #tpu.memory_space<vmem>>, vector<16xf32>,
          tpu.vector_store %arg14[%swap3A_756, %swap3A_757], %mul3A_755 {strides = array<i32>} : memref<128x128xf32, #tpu.memory_space<vmem>>, vector<16xf32>,
          %get3A_759 = arith.index_cast %add3A_735 : i32 to index
          %get3A_760 = arith.constant 48 : index
          %get3A_761 = tpu.vector_load %arg14[%get3A_759, %get3A_760] {strides = array<i32>} : memref<128x128xf32, #tpu.memory_space<vmem>>, vector<16xf32>,
          %mul3A_762 = arith.mulf %get3A_761, %gather3A_737 : vector<16xf32>
          %swap3A_763 = arith.index_cast %add3A_735 : i32 to index
          %swap3A_764 = arith.constant 48 : index
          %swap3A_765 = tpu.vector_load %arg14[%swap3A_763, %swap3A_764] {strides = array<i32>} : memref<128x128xf32, #tpu.memory_space<vmem>>, vector<16xf32>,
          tpu.vector_store %arg14[%swap3A_763, %swap3A_764], %mul3A_762 {strides = array<i32>} : memref<128x128xf32, #tpu.memory_space<vmem>>, vector<16xf32>,
          %get3A_766 = arith.index_cast %add3A_735 : i32 to index
          %get3A_767 = arith.constant 64 : index
          %get3A_768 = tpu.vector_load %arg14[%get3A_766, %get3A_767] {strides = array<i32>} : memref<128x128xf32, #tpu.memory_space<vmem>>, vector<16xf32>,
          %mul3A_769 = arith.mulf %get3A_768, %gather3A_737 : vector<16xf32>
          %swap3A_770 = arith.index_cast %add3A_735 : i32 to index
          %swap3A_771 = arith.constant 64 : index
          %swap3A_772 = tpu.vector_load %arg14[%swap3A_770, %swap3A_771] {strides = array<i32>} : memref<128x128xf32, #tpu.memory_space<vmem>>, vector<16xf32>,
          tpu.vector_store %arg14[%swap3A_770, %swap3A_771], %mul3A_769 {strides = array<i32>} : memref<128x128xf32, #tpu.memory_space<vmem>>, vector<16xf32>,
          %get3A_773 = arith.index_cast %add3A_735 : i32 to index
          %get3A_774 = arith.constant 80 : index
          %get3A_775 = tpu.vector_load %arg14[%get3A_773, %get3A_774] {strides = array<i32>} : memref<128x128xf32, #tpu.memory_space<vmem>>, vector<16xf32>,
          %mul3A_776 = arith.mulf %get3A_775, %gather3A_737 : vector<16xf32>
          %swap3A_777 = arith.index_cast %add3A_735 : i32 to index
          %swap3A_778 = arith.constant 80 : index
          %swap3A_779 = tpu.vector_load %arg14[%swap3A_777, %swap3A_778] {strides = array<i32>} : memref<128x128xf32, #tpu.memory_space<vmem>>, vector<16xf32>,
          tpu.vector_store %arg14[%swap3A_777, %swap3A_778], %mul3A_776 {strides = array<i32>} : memref<128x128xf32, #tpu.memory_space<vmem>>, vector<16xf32>,
          %get3A_780 = arith.index_cast %add3A_735 : i32 to index
          %get3A_781 = arith.constant 96 : index
          %get3A_782 = tpu.vector_load %arg14[%get3A_780, %get3A_781] {strides = array<i32>} : memref<128x128xf32, #tpu.memory_space<vmem>>, vector<16xf32>,
          %mul3A_783 = arith.mulf %get3A_782, %gather3A_737 : vector<16xf32>
          %swap3A_784 = arith.index_cast %add3A_735 : i32 to index
          %swap3A_785 = arith.constant 96 : index
          %swap3A_786 = tpu.vector_load %arg14[%swap3A_784, %swap3A_785] {strides = array<i32>} : memref<128x128xf32, #tpu.memory_space<vmem>>, vector<16xf32>,
          tpu.vector_store %arg14[%swap3A_784, %swap3A_785], %mul3A_783 {strides = array<i32>} : memref<128x128xf32, #tpu.memory_space<vmem>>, vector<16xf32>,
          %get3A_787 = arith.index_cast %add3A_735 : i32 to index
          %get3A_788 = arith.constant 112 : index
          %get3A_789 = tpu.vector_load %arg14[%get3A_787, %get3A_788] {strides = array<i32>} : memref<128x128xf32, #tpu.memory_space<vmem>>, vector<16xf32>,
          %mul3A_790 = arith.mulf %get3A_789, %gather3A_737 : vector<16xf32>
          %swap3A_791 = arith.index_cast %add3A_735 : i32 to index
          %swap3A_792 = arith.constant 112 : index
          %swap3A_793 = tpu.vector_load %arg14[%swap3A_791, %swap3A_792] {strides = array<i32>} : memref<128x128xf32, #tpu.memory_space<vmem>>, vector<16xf32>,
          tpu.vector_store %arg14[%swap3A_791, %swap3A_792], %mul3A_790 {strides = array<i32>} : memref<128x128xf32, #tpu.memory_space<vmem>>, vector<16xf32>,
          %mul3A_794 = arith.constant 8 : i32
          %mul3A_795 = arith.muli %scan3A_359, %mul3A_794 : i32
          %add3A_796 = arith.constant 7 : i32
          %add3A_797 = arith.addi %mul3A_795, %add3A_796 : i32
          %broadcast_in_dim3A_798 = vector.broadcast %add3A_797 : i32 to vector<16xi32>
          %gather3A_799 = tpu.vector_load_idx %arg15[%broadcast_in_dim3A_798] : memref<128xf32, #tpu.memory_space<vmem>>[vector<16xi32>], vector<16xf32>,
          %get3A_800 = arith.index_cast %add3A_797 : i32 to index
          %get3A_801 = arith.constant 0 : index
          %get3A_802 = tpu.vector_load %arg14[%get3A_800, %get3A_801] {strides = array<i32>} : memref<128x128xf32, #tpu.memory_space<vmem>>, vector<16xf32>,
          %mul3A_803 = arith.mulf %get3A_802, %gather3A_799 : vector<16xf32>
          %swap3A_804 = arith.index_cast %add3A_797 : i32 to index
          %swap3A_805 = arith.constant 0 : index
          %swap3A_806 = tpu.vector_load %arg14[%swap3A_804, %swap3A_805] {strides = array<i32>} : memref<128x128xf32, #tpu.memory_space<vmem>>, vector<16xf32>,
          tpu.vector_store %arg14[%swap3A_804, %swap3A_805], %mul3A_803 {strides = array<i32>} : memref<128x128xf32, #tpu.memory_space<vmem>>, vector<16xf32>,
          %get3A_807 = arith.index_cast %add3A_797 : i32 to index
          %get3A_808 = arith.constant 16 : index
          %get3A_809 = tpu.vector_load %arg14[%get3A_807, %get3A_808] {strides = array<i32>} : memref<128x128xf32, #tpu.memory_space<vmem>>, vector<16xf32>,
          %mul3A_810 = arith.mulf %get3A_809, %gather3A_799 : vector<16xf32>
          %swap3A_811 = arith.index_cast %add3A_797 : i32 to index
          %swap3A_812 = arith.constant 16 : index
          %swap3A_813 = tpu.vector_load %arg14[%swap3A_811, %swap3A_812] {strides = array<i32>} : memref<128x128xf32, #tpu.memory_space<vmem>>, vector<16xf32>,
          tpu.vector_store %arg14[%swap3A_811, %swap3A_812], %mul3A_810 {strides = array<i32>} : memref<128x128xf32, #tpu.memory_space<vmem>>, vector<16xf32>,
          %get3A_814 = arith.index_cast %add3A_797 : i32 to index
          %get3A_815 = arith.constant 32 : index
          %get3A_816 = tpu.vector_load %arg14[%get3A_814, %get3A_815] {strides = array<i32>} : memref<128x128xf32, #tpu.memory_space<vmem>>, vector<16xf32>,
          %mul3A_817 = arith.mulf %get3A_816, %gather3A_799 : vector<16xf32>
          %swap3A_818 = arith.index_cast %add3A_797 : i32 to index
          %swap3A_819 = arith.constant 32 : index
          %swap3A_820 = tpu.vector_load %arg14[%swap3A_818, %swap3A_819] {strides = array<i32>} : memref<128x128xf32, #tpu.memory_space<vmem>>, vector<16xf32>,
          tpu.vector_store %arg14[%swap3A_818, %swap3A_819], %mul3A_817 {strides = array<i32>} : memref<128x128xf32, #tpu.memory_space<vmem>>, vector<16xf32>,
          %get3A_821 = arith.index_cast %add3A_797 : i32 to index
          %get3A_822 = arith.constant 48 : index
          %get3A_823 = tpu.vector_load %arg14[%get3A_821, %get3A_822] {strides = array<i32>} : memref<128x128xf32, #tpu.memory_space<vmem>>, vector<16xf32>,
          %mul3A_824 = arith.mulf %get3A_823, %gather3A_799 : vector<16xf32>
          %swap3A_825 = arith.index_cast %add3A_797 : i32 to index
          %swap3A_826 = arith.constant 48 : index
          %swap3A_827 = tpu.vector_load %arg14[%swap3A_825, %swap3A_826] {strides = array<i32>} : memref<128x128xf32, #tpu.memory_space<vmem>>, vector<16xf32>,
          tpu.vector_store %arg14[%swap3A_825, %swap3A_826], %mul3A_824 {strides = array<i32>} : memref<128x128xf32, #tpu.memory_space<vmem>>, vector<16xf32>,
          %get3A_828 = arith.index_cast %add3A_797 : i32 to index
          %get3A_829 = arith.constant 64 : index
          %get3A_830 = tpu.vector_load %arg14[%get3A_828, %get3A_829] {strides = array<i32>} : memref<128x128xf32, #tpu.memory_space<vmem>>, vector<16xf32>,
          %mul3A_831 = arith.mulf %get3A_830, %gather3A_799 : vector<16xf32>
          %swap3A_832 = arith.index_cast %add3A_797 : i32 to index
          %swap3A_833 = arith.constant 64 : index
          %swap3A_834 = tpu.vector_load %arg14[%swap3A_832, %swap3A_833] {strides = array<i32>} : memref<128x128xf32, #tpu.memory_space<vmem>>, vector<16xf32>,
          tpu.vector_store %arg14[%swap3A_832, %swap3A_833], %mul3A_831 {strides = array<i32>} : memref<128x128xf32, #tpu.memory_space<vmem>>, vector<16xf32>,
          %get3A_835 = arith.index_cast %add3A_797 : i32 to index
          %get3A_836 = arith.constant 80 : index
          %get3A_837 = tpu.vector_load %arg14[%get3A_835, %get3A_836] {strides = array<i32>} : memref<128x128xf32, #tpu.memory_space<vmem>>, vector<16xf32>,
          %mul3A_838 = arith.mulf %get3A_837, %gather3A_799 : vector<16xf32>
          %swap3A_839 = arith.index_cast %add3A_797 : i32 to index
          %swap3A_840 = arith.constant 80 : index
          %swap3A_841 = tpu.vector_load %arg14[%swap3A_839, %swap3A_840] {strides = array<i32>} : memref<128x128xf32, #tpu.memory_space<vmem>>, vector<16xf32>,
          tpu.vector_store %arg14[%swap3A_839, %swap3A_840], %mul3A_838 {strides = array<i32>} : memref<128x128xf32, #tpu.memory_space<vmem>>, vector<16xf32>,
          %get3A_842 = arith.index_cast %add3A_797 : i32 to index
          %get3A_843 = arith.constant 96 : index
          %get3A_844 = tpu.vector_load %arg14[%get3A_842, %get3A_843] {strides = array<i32>} : memref<128x128xf32, #tpu.memory_space<vmem>>, vector<16xf32>,
          %mul3A_845 = arith.mulf %get3A_844, %gather3A_799 : vector<16xf32>
          %swap3A_846 = arith.index_cast %add3A_797 : i32 to index
          %swap3A_847 = arith.constant 96 : index
          %swap3A_848 = tpu.vector_load %arg14[%swap3A_846, %swap3A_847] {strides = array<i32>} : memref<128x128xf32, #tpu.memory_space<vmem>>, vector<16xf32>,
          tpu.vector_store %arg14[%swap3A_846, %swap3A_847], %mul3A_845 {strides = array<i32>} : memref<128x128xf32, #tpu.memory_space<vmem>>, vector<16xf32>,
          %get3A_849 = arith.index_cast %add3A_797 : i32 to index
          %get3A_850 = arith.constant 112 : index
          %get3A_851 = tpu.vector_load %arg14[%get3A_849, %get3A_850] {strides = array<i32>} : memref<128x128xf32, #tpu.memory_space<vmem>>, vector<16xf32>,
          %mul3A_852 = arith.mulf %get3A_851, %gather3A_799 : vector<16xf32>
          %swap3A_853 = arith.index_cast %add3A_797 : i32 to index
          %swap3A_854 = arith.constant 112 : index
          %swap3A_855 = tpu.vector_load %arg14[%swap3A_853, %swap3A_854] {strides = array<i32>} : memref<128x128xf32, #tpu.memory_space<vmem>>, vector<16xf32>,
          tpu.vector_store %arg14[%swap3A_853, %swap3A_854], %mul3A_852 {strides = array<i32>} : memref<128x128xf32, #tpu.memory_space<vmem>>, vector<16xf32>,
          %scan3A_856 = arith.constant 0 : i32
          scf.yield %scan3A_856 : i32
        }
        %scan3A_324 = arith.constant 16 : i32
        %dma_wait3A_325 = arith.constant 0 : i32
        %dma_wait3A_326 = tpu.memref_slice %arg10[%mul3A_209, %dma_wait3A_325] : memref<16x128xi32, #tpu.memory_space<vmem>> -> memref<1x128xi32, #tpu.memory_space<vmem>>
        %dma_wait3A_327 = tpu.memref_squeeze %dma_wait3A_326 : memref<1x128xi32, #tpu.memory_space<vmem>> -> memref<128xi32, #tpu.memory_space<vmem>>
        %dma_wait3A_328 = arith.constant 0 : i32
        %dma_wait3A_329 = arith.constant 0 : i32
        %dma_wait3A_330 = tpu.memref_slice %arg8[%dma_wait3A_328, %dma_wait3A_329] : memref<10000x128xf32, #tpu.memory_space<vmem_shared>> -> memref<10000x128xf32, #tpu.memory_space<vmem_shared>>
        tpu.wait_indirect_dma semaphore(%arg19 : memref<!tpu.dma_semaphore, #tpu.memory_space<semaphore_mem>>) src(%arg13 : memref<128x128xf32, #tpu.memory_space<vmem>>) dst(%dma_wait3A_330 : memref<10000x128xf32, #tpu.memory_space<vmem_shared>>)
        %add3A_331 = arith.constant 1 : i32
        %add3A_332 = arith.addi %add3A_213, %add3A_331 : i32
        %min3A = arith.constant 15 : i32
        %min3A_333 = arith.minsi %add3A_332, %min3A : i32
        %dma_start3A_334 = arith.constant 0 : i32
        %dma_start3A_335 = tpu.memref_slice %arg11[%min3A_333, %dma_start3A_334] : memref<16x128xi32, #tpu.memory_space<vmem>> -> memref<1x128xi32, #tpu.memory_space<vmem>>
        %dma_start3A_336 = tpu.memref_squeeze %dma_start3A_335 : memref<1x128xi32, #tpu.memory_space<vmem>> -> memref<128xi32, #tpu.memory_space<vmem>>
        %dma_start3A_337 = arith.constant 0 : i32
        %dma_start3A_338 = arith.constant 0 : i32
        %dma_start3A_339 = tpu.memref_slice %arg2[%dma_start3A_337, %dma_start3A_338] : memref<10000x128xf32, #tpu.memory_space<hbm>> -> memref<10000x128xf32, #tpu.memory_space<hbm>>
        tpu.enqueue_indirect_dma source(%dma_start3A_339 : memref<10000x128xf32, #tpu.memory_space<hbm>>) target(%arg13 : memref<128x128xf32, #tpu.memory_space<vmem>>) offsets(%dma_start3A_336 : memref<128xi32, #tpu.memory_space<vmem>>) semaphore(%arg17 : memref<!tpu.dma_semaphore, #tpu.memory_space<semaphore_mem>>)
        %dma_start3A_340 = arith.constant 0 : i32
        %dma_start3A_341 = tpu.memref_slice %arg10[%add3A_213, %dma_start3A_340] : memref<16x128xi32, #tpu.memory_space<vmem>> -> memref<1x128xi32, #tpu.memory_space<vmem>>
        %dma_start3A_342 = tpu.memref_squeeze %dma_start3A_341 : memref<1x128xi32, #tpu.memory_space<vmem>> -> memref<128xi32, #tpu.memory_space<vmem>>
        %dma_start3A_343 = arith.constant 0 : i32
        %dma_start3A_344 = arith.constant 0 : i32
        %dma_start3A_345 = tpu.memref_slice %arg8[%dma_start3A_343, %dma_start3A_344] : memref<10000x128xf32, #tpu.memory_space<vmem_shared>> -> memref<10000x128xf32, #tpu.memory_space<vmem_shared>>
        tpu.enqueue_indirect_dma source(%arg14 : memref<128x128xf32, #tpu.memory_space<vmem>>) target(%dma_start3A_345 : memref<10000x128xf32, #tpu.memory_space<vmem_shared>>) offsets(%dma_start3A_342 : memref<128xi32, #tpu.memory_space<vmem>>) semaphore(%arg20 : memref<!tpu.dma_semaphore, #tpu.memory_space<semaphore_mem>>) {add = true}
        %dma_wait3A_346 = arith.constant 0 : i32
        %dma_wait3A_347 = tpu.memref_slice %arg11[%min3A_333, %dma_wait3A_346] : memref<16x128xi32, #tpu.memory_space<vmem>> -> memref<1x128xi32, #tpu.memory_space<vmem>>
        %dma_wait3A_348 = tpu.memref_squeeze %dma_wait3A_347 : memref<1x128xi32, #tpu.memory_space<vmem>> -> memref<128xi32, #tpu.memory_space<vmem>>
        %dma_wait3A_349 = arith.constant 0 : i32
        %dma_wait3A_350 = arith.constant 0 : i32
        %dma_wait3A_351 = tpu.memref_slice %arg2[%dma_wait3A_349, %dma_wait3A_350] : memref<10000x128xf32, #tpu.memory_space<hbm>> -> memref<10000x128xf32, #tpu.memory_space<hbm>>
        tpu.wait_indirect_dma semaphore(%arg17 : memref<!tpu.dma_semaphore, #tpu.memory_space<semaphore_mem>>) src(%dma_wait3A_351 : memref<10000x128xf32, #tpu.memory_space<hbm>>) dst(%arg13 : memref<128x128xf32, #tpu.memory_space<vmem>>)
        %dma_wait3A_352 = arith.constant 0 : i32
        %dma_wait3A_353 = tpu.memref_slice %arg10[%add3A_213, %dma_wait3A_352] : memref<16x128xi32, #tpu.memory_space<vmem>> -> memref<1x128xi32, #tpu.memory_space<vmem>>
        %dma_wait3A_354 = tpu.memref_squeeze %dma_wait3A_353 : memref<1x128xi32, #tpu.memory_space<vmem>> -> memref<128xi32, #tpu.memory_space<vmem>>
        %dma_wait3A_355 = arith.constant 0 : i32
        %dma_wait3A_356 = arith.constant 0 : i32
        %dma_wait3A_357 = tpu.memref_slice %arg8[%dma_wait3A_355, %dma_wait3A_356] : memref<10000x128xf32, #tpu.memory_space<vmem_shared>> -> memref<10000x128xf32, #tpu.memory_space<vmem_shared>>
        tpu.wait_indirect_dma semaphore(%arg20 : memref<!tpu.dma_semaphore, #tpu.memory_space<semaphore_mem>>) src(%arg14 : memref<128x128xf32, #tpu.memory_space<vmem>>) dst(%dma_wait3A_357 : memref<10000x128xf32, #tpu.memory_space<vmem_shared>>)
        %scan3A_358 = arith.constant 0 : i32
        scf.yield %scan3A_358 : i32
      }
      %scan3A_204 = arith.constant 8 : i32
      %scan3A_205 = arith.constant 0 : i32
      scf.yield %scan3A_205 : i32
    }
    %scan3A_160 = arith.constant 5 : i32
    %barrier3A_161 = arith.constant 0 : index
    tpu.barrier barrier_id(%barrier3A_161)
    %lt3A_162 = arith.constant 15 : i32
    %lt3A_163 = arith.cmpi slt, %arg1, %lt3A_162 : i32
    %convert_element_type3A_164 = arith.extui %lt3A_163 : i1 to i32
    %cond3A_165 = arith.constant 0 : i32
    %cond3A_166 = arith.cmpi ne, %convert_element_type3A_164, %cond3A_165 : i32
    scf.if %cond3A_166 {
      "tpu.region"() ({
        %run_scoped3A = tpu.sem_alloc : memref<!tpu.dma_semaphore, #tpu.memory_space<semaphore_mem>>
        %dma_start3A_172 = arith.constant 0 : i32
        %dma_start3A_173 = tpu.memref_slice %arg6[%arg0, %mul3A_88, %dma_start3A_172] : memref<2x10000x128xf32, #tpu.memory_space<hbm>> -> memref<1x632x128xf32, #tpu.memory_space<hbm>>
        %dma_start3A_174 = tpu.memref_squeeze %dma_start3A_173 : memref<1x632x128xf32, #tpu.memory_space<hbm>> -> memref<632x128xf32, #tpu.memory_space<hbm>>
        %dma_start3A_175 = arith.constant 0 : i32
        %dma_start3A_176 = tpu.memref_slice %arg8[%mul3A_88, %dma_start3A_175] : memref<10000x128xf32, #tpu.memory_space<vmem_shared>> -> memref<632x128xf32, #tpu.memory_space<vmem_shared>>
        tpu.enqueue_dma source(%dma_start3A_176 : memref<632x128xf32, #tpu.memory_space<vmem_shared>>) target(%dma_start3A_174 : memref<632x128xf32, #tpu.memory_space<hbm>>) target_semaphore(%run_scoped3A : memref<!tpu.dma_semaphore, #tpu.memory_space<semaphore_mem>>)
        %dma_wait3A_177 = arith.constant 0 : i32
        %dma_wait3A_178 = tpu.memref_slice %arg6[%arg0, %mul3A_88, %dma_wait3A_177] : memref<2x10000x128xf32, #tpu.memory_space<hbm>> -> memref<1x632x128xf32, #tpu.memory_space<hbm>>
        %dma_wait3A_179 = tpu.memref_squeeze %dma_wait3A_178 : memref<1x632x128xf32, #tpu.memory_space<hbm>> -> memref<632x128xf32, #tpu.memory_space<hbm>>
        %dma_wait3A_180 = arith.constant 0 : i32
        %dma_wait3A_181 = tpu.memref_slice %arg8[%mul3A_88, %dma_wait3A_180] : memref<10000x128xf32, #tpu.memory_space<vmem_shared>> -> memref<632x128xf32, #tpu.memory_space<vmem_shared>>
        tpu.wait_dma2 semaphore(%run_scoped3A : memref<!tpu.dma_semaphore, #tpu.memory_space<semaphore_mem>>) src(%dma_wait3A_181 : memref<632x128xf32, #tpu.memory_space<vmem_shared>>) dst(%dma_wait3A_179 : memref<632x128xf32, #tpu.memory_space<hbm>>)
        tpu.yield
      }) : () -> ()
    } else {
    }
    %eq3A_167 = arith.constant 15 : i32
    %eq3A_168 = arith.cmpi eq, %arg1, %eq3A_167 : i32
    %convert_element_type3A_169 = arith.extui %eq3A_168 : i1 to i32
    %cond3A_170 = arith.constant 0 : i32
    %cond3A_171 = arith.cmpi ne, %convert_element_type3A_169, %cond3A_170 : i32
    scf.if %cond3A_171 {
      "tpu.region"() ({
        %run_scoped3A = tpu.sem_alloc : memref<!tpu.dma_semaphore, #tpu.memory_space<semaphore_mem>>
        %dma_start3A_172 = arith.constant 0 : i32
        %dma_start3A_173 = tpu.memref_slice %arg6[%arg0, %mul3A_88, %dma_start3A_172] : memref<2x10000x128xf32, #tpu.memory_space<hbm>> -> memref<1x520x128xf32, #tpu.memory_space<hbm>>
        %dma_start3A_174 = tpu.memref_squeeze %dma_start3A_173 : memref<1x520x128xf32, #tpu.memory_space<hbm>> -> memref<520x128xf32, #tpu.memory_space<hbm>>
        %dma_start3A_175 = arith.constant 0 : i32
        %dma_start3A_176 = tpu.memref_slice %arg8[%mul3A_88, %dma_start3A_175] : memref<10000x128xf32, #tpu.memory_space<vmem_shared>> -> memref<520x128xf32, #tpu.memory_space<vmem_shared>>
        tpu.enqueue_dma source(%dma_start3A_176 : memref<520x128xf32, #tpu.memory_space<vmem_shared>>) target(%dma_start3A_174 : memref<520x128xf32, #tpu.memory_space<hbm>>) target_semaphore(%run_scoped3A : memref<!tpu.dma_semaphore, #tpu.memory_space<semaphore_mem>>)
        %dma_wait3A_177 = arith.constant 0 : i32
        %dma_wait3A_178 = tpu.memref_slice %arg6[%arg0, %mul3A_88, %dma_wait3A_177] : memref<2x10000x128xf32, #tpu.memory_space<hbm>> -> memref<1x520x128xf32, #tpu.memory_space<hbm>>
        %dma_wait3A_179 = tpu.memref_squeeze %dma_wait3A_178 : memref<1x520x128xf32, #tpu.memory_space<hbm>> -> memref<520x128xf32, #tpu.memory_space<hbm>>
        %dma_wait3A_180 = arith.constant 0 : i32
        %dma_wait3A_181 = tpu.memref_slice %arg8[%mul3A_88, %dma_wait3A_180] : memref<10000x128xf32, #tpu.memory_space<vmem_shared>> -> memref<520x128xf32, #tpu.memory_space<vmem_shared>>
        tpu.wait_dma2 semaphore(%run_scoped3A : memref<!tpu.dma_semaphore, #tpu.memory_space<semaphore_mem>>) src(%dma_wait3A_181 : memref<520x128xf32, #tpu.memory_space<vmem_shared>>) dst(%dma_wait3A_179 : memref<520x128xf32, #tpu.memory_space<hbm>>)
        tpu.yield
      }) : () -> ()
    } else {
    }
    return
  }
}

module attributes {stable_mosaic.version = 14 : i64} {
  func.func @_tc_combine_kernel(%arg0: i32, %arg1: memref<2000x128xf32, #tpu.memory_space<vmem>>, %arg2: memref<2x2000x128xf32, #tpu.memory_space<vmem>>, %arg3: memref<4x128x128xf32, #tpu.memory_space<vmem>>, %arg4: memref<1x128xf32, #tpu.memory_space<vmem>>, %arg5: memref<2000x128xf32, #tpu.memory_space<vmem>>) attributes {dimension_semantics = [#tpu.dimension_semantics<arbitrary>], iteration_bounds = array<i64: 5>, scalar_prefetch = 0 : i64, scratch_operands = 0 : i64, tpu.core_type = #tpu.core_type<tc>, window_params = [{transform_indices = @transform_0, window_bounds = array<i64: 2000, 128>}, {transform_indices = @transform_1, window_bounds = array<i64: 2, 2000, 128>}, {pipeline_mode = #tpu.pipeline_mode<synchronous>, transform_indices = @transform_2, window_bounds = array<i64: 4, 128, 128>}, {pipeline_mode = #tpu.pipeline_mode<synchronous>, transform_indices = @transform_3, window_bounds = array<i64: 1, 128>}, {transform_indices = @transform_4, window_bounds = array<i64: 2000, 128>}]} {
    %get3A = arith.constant 1 : index
    %get3A_0 = arith.constant 0 : index
    %get3A_1 = arith.constant 0 : index
    %get3A_2 = vector.load %arg3[%get3A, %get3A_0, %get3A_1] : memref<4x128x128xf32, #tpu.memory_space<vmem>>, vector<1x128x128xf32>
    %get3A_3 = vector.shape_cast %get3A_2 : vector<1x128x128xf32> to vector<128x128xf32>
    %get3A_4 = arith.constant 2 : index
    %get3A_5 = arith.constant 0 : index
    %get3A_6 = arith.constant 0 : index
    %get3A_7 = vector.load %arg3[%get3A_4, %get3A_5, %get3A_6] : memref<4x128x128xf32, #tpu.memory_space<vmem>>, vector<1x128x128xf32>
    %get3A_8 = vector.shape_cast %get3A_7 : vector<1x128x128xf32> to vector<128x128xf32>
    %mul3A = arith.constant 2.000000e+00 : f32
    %mul3A_9 = vector.broadcast %mul3A : f32 to vector<128x128xf32>
    %mul3A_10 = arith.mulf %mul3A_9, %get3A_8 : vector<128x128xf32>
    %add3A = arith.addf %get3A_3, %mul3A_10 : vector<128x128xf32>
    %get3A_11 = arith.constant 3 : index
    %get3A_12 = arith.constant 0 : index
    %get3A_13 = arith.constant 0 : index
    %get3A_14 = vector.load %arg3[%get3A_11, %get3A_12, %get3A_13] : memref<4x128x128xf32, #tpu.memory_space<vmem>>, vector<1x128x128xf32>
    %get3A_15 = vector.shape_cast %get3A_14 : vector<1x128x128xf32> to vector<128x128xf32>
    %add3A_16 = arith.addf %add3A, %get3A_15 : vector<128x128xf32>
    %get3A_17 = arith.constant 0 : index
    %get3A_18 = arith.constant 0 : index
    %get3A_19 = arith.constant 0 : index
    %get3A_20 = vector.load %arg3[%get3A_17, %get3A_18, %get3A_19] : memref<4x128x128xf32, #tpu.memory_space<vmem>>, vector<1x128x128xf32>
    %get3A_21 = vector.shape_cast %get3A_20 : vector<1x128x128xf32> to vector<128x128xf32>
    %get3A_22 = arith.constant 2 : index
    %get3A_23 = arith.constant 0 : index
    %get3A_24 = arith.constant 0 : index
    %get3A_25 = vector.load %arg3[%get3A_22, %get3A_23, %get3A_24] : memref<4x128x128xf32, #tpu.memory_space<vmem>>, vector<1x128x128xf32>
    %get3A_26 = vector.shape_cast %get3A_25 : vector<1x128x128xf32> to vector<128x128xf32>
    %sub3A = arith.subf %get3A_21, %get3A_26 : vector<128x128xf32>
    %mul3A_27 = arith.constant 1.000000e-01 : f32
    %mul3A_28 = vector.broadcast %mul3A_27 : f32 to vector<128x128xf32>
    %mul3A_29 = arith.mulf %mul3A_28, %add3A_16 : vector<128x128xf32>
    %sub3A_30 = arith.subf %sub3A, %mul3A_29 : vector<128x128xf32>
    %get3A_31 = arith.constant 0 : index
    %get3A_32 = arith.constant 0 : index
    %get3A_33 = arith.constant 0 : index
    %get3A_34 = vector.load %arg2[%get3A_31, %get3A_32, %get3A_33] : memref<2x2000x128xf32, #tpu.memory_space<vmem>>, vector<1x2000x128xf32>
    %get3A_35 = vector.shape_cast %get3A_34 : vector<1x2000x128xf32> to vector<2000x128xf32>
    %get3A_36 = arith.constant 1 : index
    %get3A_37 = arith.constant 0 : index
    %get3A_38 = arith.constant 0 : index
    %get3A_39 = vector.load %arg2[%get3A_36, %get3A_37, %get3A_38] : memref<2x2000x128xf32, #tpu.memory_space<vmem>>, vector<1x2000x128xf32>
    %get3A_40 = vector.shape_cast %get3A_39 : vector<1x2000x128xf32> to vector<2000x128xf32>
    %add3A_41 = arith.addf %get3A_35, %get3A_40 : vector<2000x128xf32>
    %get3A_42 = arith.constant 0 : index
    %get3A_43 = arith.constant 0 : index
    %get3A_44 = vector.load %arg1[%get3A_42, %get3A_43] : memref<2000x128xf32, #tpu.memory_space<vmem>>, vector<2000x128xf32>
    %dot_general3A = arith.constant dense<0.000000e+00> : vector<2000x128xf32>
    %dot_general3A_45 = tpu.matmul %get3A_44, %sub3A_30, %dot_general3A {dimension_numbers = #tpu.dot_dimension_numbers<[1], [0], [0], [1], [0, 0, 1, 1], [], []>, transpose_lhs_hint = false} : vector<2000x128xf32>, vector<128x128xf32>, vector<2000x128xf32> -> vector<2000x128xf32>
    %dot_general3A_46 = arith.constant dense<0.000000e+00> : vector<2000x128xf32>
    %dot_general3A_47 = tpu.matmul %add3A_41, %add3A_16, %dot_general3A_46 {dimension_numbers = #tpu.dot_dimension_numbers<[1], [0], [0], [1], [0, 0, 1, 1], [], []>, transpose_lhs_hint = false} : vector<2000x128xf32>, vector<128x128xf32>, vector<2000x128xf32> -> vector<2000x128xf32>
    %add3A_48 = arith.addf %dot_general3A_45, %dot_general3A_47 : vector<2000x128xf32>
    %get3A_49 = arith.constant 0 : index
    %get3A_50 = arith.constant 0 : index
    %get3A_51 = vector.load %arg4[%get3A_49, %get3A_50] : memref<1x128xf32, #tpu.memory_space<vmem>>, vector<1x128xf32>
    %add3A_52 = vector.broadcast %get3A_51 : vector<1x128xf32> to vector<2000x128xf32>
    %add3A_53 = arith.addf %add3A_48, %add3A_52 : vector<2000x128xf32>
    %swap3A = arith.constant 0 : index
    %swap3A_54 = arith.constant 0 : index
    %swap3A_55 = vector.load %arg5[%swap3A, %swap3A_54] : memref<2000x128xf32, #tpu.memory_space<vmem>>, vector<2000x128xf32>
    tpu.vector_store %arg5[%swap3A, %swap3A_54], %add3A_53 {strides = array<i32>} : memref<2000x128xf32, #tpu.memory_space<vmem>>, vector<2000x128xf32>,
    return
  }
  func.func @transform_0(%arg0: i32) -> (i32, i32) {
    %c0_i32 = arith.constant 0 : i32
    %c0_i32_0 = arith.constant 0 : i32
    return %arg0, %c0_i32 : i32, i32
  }
  func.func @transform_1(%arg0: i32) -> (i32, i32, i32) {
    %c0_i32 = arith.constant 0 : i32
    %c0_i32_0 = arith.constant 0 : i32
    %c0_i32_1 = arith.constant 0 : i32
    return %c0_i32, %arg0, %c0_i32_0 : i32, i32, i32
  }
  func.func @transform_2(%arg0: i32) -> (i32, i32, i32) {
    %c0_i32 = arith.constant 0 : i32
    %c0_i32_0 = arith.constant 0 : i32
    %c0_i32_1 = arith.constant 0 : i32
    %c0_i32_2 = arith.constant 0 : i32
    return %c0_i32, %c0_i32_0, %c0_i32_1 : i32, i32, i32
  }
  func.func @transform_3(%arg0: i32) -> (i32, i32) {
    %c0_i32 = arith.constant 0 : i32
    %c0_i32_0 = arith.constant 0 : i32
    %c0_i32_1 = arith.constant 0 : i32
    return %c0_i32, %c0_i32_0 : i32, i32
  }
  func.func @transform_4(%arg0: i32) -> (i32, i32) {
    %c0_i32 = arith.constant 0 : i32
    %c0_i32_0 = arith.constant 0 : i32
    return %arg0, %c0_i32 : i32, i32
  }
}

</mosaic_0001>

<sc_bundles>
// kernel: kernel.4.cloned.1.call-start
scs
__scs_entry_jumppad:
0x0: {  	(pc) =	sbr.rel $0x88, $3  }
0x1: {  	(tag) =	ssettag $0x0;
	lr =	simm.s32 $0x1  }
0x2: {  	[smem:$0x3F9C] =	sst lr;
	_ =	strace $0xD0000000  }
0x3: {  	_ = 	snop  }
0x4: {  	_ = 	snop  }
0x5: {  	_ = 	snop  }
0x6: {  	_ = 	snop  }
0x7: {  	_ = 	snop  }
__scs_overlays_trampoline_lowered:
0x8: {  	[smem:$0x3FAB] =	sst s0  }
0x9: {  	[smem:$0x3FAC] =	sst s1  }
0xa: {  	[smem:$0x3FAD] =	sst s2  }
0xb: {  	[smem:$0x3FAE] =	sst s3  }
0xc: {  	[smem:$0x3FAF] =	sst s4  }
0xd: {  	[smem:$0x3FB0] =	sst s5  }
0xe: {  	[smem:$0x3FB1] =	sst s6  }
0xf: {  	[smem:$0x3FB2] =	sst s7  }
0x10: {  	[smem:$0x3FB3] =	sst s8  }
0x11: {  	[smem:$0x3FB4] =	sst s9;
	s0 =	simm.s32 @!p0 $0x0  }
0x12: {  	s1 =	sld [smem:$0x3F9A];
	s0 =	simm.s32 @p0 $0x1  }
0x13: {  	[smem:$0x3FB5] =	sst s0;
	s0 =	simm.s32 @!p1 $0x0  }
0x14: {  	s2 =	sld [smem:$0x3F99];
	s0 =	simm.s32 @p1 $0x1  }
0x15: {  	[smem:$0x3FB6] =	sst s0;
	s0 =	simm.s32 @!p2 $0x0  }
0x16: {  	s3 =	sld [smem:$0x3FDB];
	s0 =	simm.s32 @p2 $0x1  }
0x17: {  	s4 =	simm.s32 $0x1BF5;
	[smem:$0x3FB8] =	sst s0  }
0x18: {  	s0 =	sld [smem:$0x3F9B];
	_ =	swait.ge [sflag:s4], $0x0  }
0x19: {  	s7 =	sld [smem:$0x3F9C]  }
0x1a: {  	s8 =	sadd.s32 $0xFFFFE003, lr  }
0x1b: {  	s9 =	sadd.s32 $0xFFFFFEF7, lr;
	s5 =	simm.s32 $0xFFFFFFFF;
	p2 =	slt.u32 s8, $0xFFFFF086  }
0x1c: {  	p1 =	slt.u32 s9, $0xF7A;
	s5 =	simm.s32 @!p2 $0x0  }
0x1d: {  	s5 =	simm.s32 @p1 $0x1;
	p0 =	seq.s32 s7, s2  }
0x1e: {  	s7 =	smul.u32 @!p0 $0xF7A, s2;
	p2 =	seq.s32 @!p0 s5, $0x0  }
0x1f: {  	s9 =	smul.u32 $0xF7A, s1;
	s8 =	simm.s32 @!p0 $0x1BF5;
	p2 =	por !p2, p0  }
0x20: {  	[sflag:s8] =	ssyncset.s32 @!p0 $0xFFFFF086;
	s6 =	sadd.s32 @!p0 s3, s7;
	s7 =	simm.s32 @!p0 $0x108  }
0x21: {  	s3 =	sadd.s32 s3, s9;
	s6 =	sadd.s32 @!p0 $0x88, s6;
	s7 =	simm.s32 @p2 $0x1082  }
0x22: {  	[simem:s7], [sflag:s8] =	dma.local @!p0 [hbm:s6], $0xF7A  }
0x23: {  	s9 =	sor.u32 $0xD0000000, s2;
	s6 =	simm.s32 $0x108;
	_ =	swait.ge @!p0 [sflag:s8], $0x0  }
0x24: {  	s3 =	sadd.s32 $0x88, s3;
	s6 =	simm.s32 @!p1 $0x1082;
	[sflag:s4] =	ssyncset.s32 $0xFFFFF086  }
0x25: {  	[simem:s6], [sflag:s4] =	dma.local [hbm:s3], $0xF7A  }
0x26: {  	[smem:$0x3F9C] =	sst s1;
	(tag) =	ssettag s2;
	_ =	strace s9  }
0x27: {  	s1 =	sld [smem:$0x3FAC]  }
0x28: {  	s2 =	sld [smem:$0x3FAD]  }
0x29: {  	s4 =	sld [smem:$0x3FAF]  }
0x2a: {  	p0 =	seq.s32 s5, $0x0;
	s5 =	sld [smem:$0x3FB0]  }
0x2b: {  	s6 =	sld [smem:$0x3FB1]  }
0x2c: {  	s7 =	sld [smem:$0x3FB2]  }
0x2d: {  	s3 =	simm.s32 $0x108;
	s8 =	sld [smem:$0x3FB3]  }
0x2e: {  	s3 =	simm.s32 @!p0 $0x1082;
	s9 =	sld [smem:$0x3FB4]  }
0x2f: {  	lr =	sadd.s32 s0, s3;
	s0 =	sld [smem:$0x3FAB]  }
0x30: {  	s3 =	sld [smem:$0x3FAE]  }
0x31: {  	[smem:$0x3FB7] =	sst s10  }
0x32: {  	s10 =	sld [smem:$0x3FB5];
	_ =	sdelay $0x3  }
0x33: {  	p0 =	seq.s32 s10, $0x1;
	s10 =	sld [smem:$0x3FB7];
	_ =	sdelay $0x3  }
0x34: {  	[smem:$0x3FB7] =	sst s10  }
0x35: {  	s10 =	sld [smem:$0x3FB6];
	_ =	sdelay $0x3  }
0x36: {  	p1 =	seq.s32 s10, $0x1;
	s10 =	sld [smem:$0x3FB7];
	_ =	sdelay $0x3  }
0x37: {  	[smem:$0x3FB7] =	sst s10  }
0x38: {  	s10 =	sld [smem:$0x3FB8]  }
0x39: {  	_ = 	snop;
	(pc) =	sbr.ind lr, $3  }
0x3a: {  	_ = 	snop  }
0x3b: {  	_ = 	snop  }
0x3c: {  	p2 =	seq.s32 s10, $0x1;
	s10 =	sld [smem:$0x3FB7]  }
0x3d: {  	_ =	shalt  }
0x3e: {  	_ =	shalt  }
0x3f: {  	_ =	shalt  }
0x40: {  	_ =	shalt  }
0x41: {  	_ =	shalt  }
0x42: {  	_ =	shalt  }
0x43: {  	_ =	shalt  }
0x44: {  	_ =	shalt  }
0x45: {  	_ =	shalt  }
0x46: {  	_ =	shalt  }
0x47: {  	_ =	shalt  }
0x48: {  	_ =	shalt  }
0x49: {  	_ =	shalt  }
0x4a: {  	_ =	shalt  }
0x4b: {  	_ =	shalt  }
0x4c: {  	_ =	shalt  }
0x4d: {  	_ =	shalt  }
0x4e: {  	_ =	shalt  }
0x4f: {  	_ =	shalt  }
0x50: {  	_ =	shalt  }
0x51: {  	_ =	shalt  }
0x52: {  	_ =	shalt  }
0x53: {  	_ =	shalt  }
0x54: {  	_ =	shalt  }
0x55: {  	_ =	shalt  }
0x56: {  	_ =	shalt  }
0x57: {  	_ =	shalt  }
0x58: {  	_ =	shalt  }
0x59: {  	_ =	shalt  }
0x5a: {  	_ =	shalt  }
0x5b: {  	_ =	shalt  }
0x5c: {  	_ =	shalt  }
0x5d: {  	_ =	shalt  }
0x5e: {  	_ =	shalt  }
0x5f: {  	_ =	shalt  }
0x60: {  	_ =	shalt  }
0x61: {  	_ =	shalt  }
0x62: {  	_ =	shalt  }
0x63: {  	_ =	shalt  }
0x64: {  	_ =	shalt  }
0x65: {  	_ =	shalt  }
0x66: {  	_ =	shalt  }
0x67: {  	_ =	shalt  }
0x68: {  	_ =	shalt  }
0x69: {  	_ =	shalt  }
0x6a: {  	_ =	shalt  }
0x6b: {  	_ =	shalt  }
0x6c: {  	_ =	shalt  }
0x6d: {  	_ =	shalt  }
0x6e: {  	_ =	shalt  }
0x6f: {  	_ =	shalt  }
0x70: {  	_ =	shalt  }
0x71: {  	_ =	shalt  }
0x72: {  	_ =	shalt  }
0x73: {  	_ =	shalt  }
0x74: {  	_ =	shalt  }
0x75: {  	_ =	shalt  }
0x76: {  	_ =	shalt  }
0x77: {  	_ =	shalt  }
0x78: {  	_ =	shalt  }
0x79: {  	_ =	shalt  }
0x7a: {  	_ =	shalt  }
0x7b: {  	_ =	shalt  }
0x7c: {  	_ =	shalt  }
0x7d: {  	_ =	shalt  }
0x7e: {  	_ =	shalt  }
0x7f: {  	_ =	shalt  }
0x80: {  	_ =	shalt  }
0x81: {  	_ =	shalt  }
0x82: {  	_ =	shalt  }
0x83: {  	_ =	shalt  }
0x84: {  	_ =	shalt  }
0x85: {  	_ =	shalt  }
0x86: {  	_ =	shalt  }
0x87: {  	_ =	shalt  }
.Lfunc_end0:
.L_simem_size_0:
called_computation_lowered:
.L_overlay_start_0:
0x88: {  	s2 =	sld [smem:$0x3FD9]  }
0x89: {  	s3 =	sld [smem:$0x3FFE];
	_ =	sdelay $0x1  }
0x8a: {  	s1 =	srdreg.scid  }
0x8b: {  	s0 =	sand.u32 $0x1, s1  }
0x8c: {  	s17 =	sshll.u32 s0, $0xA;
	s2 =	sadd.s32 s3, s2  }
0x8d: {  	s2 =	sadd.s32 s2, s17  }
0x8e: {  	[smem:$0x3FC3] =	sst s2  }
0x8f: {  	_ = 	snop  }
0x90: {  	s2 =	sld [smem:$0x3FC9]  }
0x91: {  	s18 =	sld [smem:$0x3FD0];
	(tm) =	ssettm $0x1  }
0x92: {  	s4 =	sld [smem:$0x3FFB];
	_ =	sdelay $0x3  }
0x93: {  	_ =	strace s4  }
0x94: {  	s4 =	sld [smem:$0x3FFC];
	_ =	sdelay $0x3  }
0x95: {  	_ =	strace s4  }
0x96: {  	s4 =	sld [smem:$0x3FFD];
	_ =	sdelay $0x3  }
0x97: {  	_ =	strace s4  }
0x98: {  	_ =	strace $0x8FFFFFFF  }
0x99: {  	s19 =	sld [smem:$0x3FDB];
	_ =	sdelay $0x1  }
0x9a: {  	s5 =	simm.s32 $_scs_section_size  }
0x9b: {  	s6 =	simm.s32 $_size__tile_overlayer_lowered;
	s7 =	simm.s32 $_tile_overlayer_lowered  }
0x9c: {  	s22 =	simm.s32 $0x1BFF;
	s21 =	sshll.u32 s7, $0x1;
	s4 =	sadd.s32 s5, s19  }
0x9d: {  	s8 =	simm.s32 $0x0;
	s20 =	sshll.u32 s6, $0x1;
	s6 =	sadd.s32 s21, s4  }
0x9e: {  	[timem:s8], [sflag:s22] =	dma.local [hbm:s6], s20  }
0x9f: {  	_ =	swait.ge [sflag:s22], s20  }
0xa0: {  	s5 =	ssub.s32 $0x0, s20;
	[sflag:s22] =	ssyncset.done $0x0  }
0xa1: {  	[sflag:s22] =	ssyncadd.s32 s5;
	_ =	sdelay $0x1  }
0xa2: {  	s23 =	simm.s32 $0x1B8B  }
0xa3: {  	_ =	swait.ge [sflag:s23], $0x1  }
0xa4: {  	[sflag:s23] =	ssyncset.done $0x0  }
0xa5: {  	s25 =	simm.s32 $0x1B8E;
	s24 =	sld [smem:$0x3FFE];
	[sflag:s23] =	ssyncadd.s32 $0xFFFFFFFF  }
0xa6: {  	s26 =	simm.s32 $execute0_lowered;
	[smem:$0x3FD2] =	sst s25  }
0xa7: {  	s6 =	sshll.u32 s26, $0x1;
	_ =	strace $0x80000046;
	[dreg:$0x1] =	wrdreg $0xFFFFFFFF  }
0xa8: {  	s28 =	simm.s32 $_size_execute0_lowered;
	s4 =	sadd.s32 s4, s6;
	[dreg:$0x0] =	wrdreg $0x0  }
0xa9: {  	s6 =	sshll.u32 s28, $0x1;
	[dreg:$0x2] =	wrdreg s4  }
0xaa: {  	[dreg:$0x3] =	wrdreg s6  }
0xab: {  	[dreg:$0x4] =	wrdreg $0xC0  }
0xac: {  	_ =	task [dreg:s8], $0x5FFFF  }
0xad: {  	[dreg:$0x1] =	wrdreg $0xFFFFFFFF  }
0xae: {  	[dreg:$0x0] =	wrdreg $0x60  }
0xaf: {  	[dreg:$0x2] =	wrdreg s2  }
0xb0: {  	[dreg:$0x3] =	wrdreg s24  }
0xb1: {  	[dreg:$0x4] =	wrdreg s18  }
0xb2: {  	[dreg:$0x5] =	wrdreg $0x2780  }
0xb3: {  	[dreg:$0x6] =	wrdreg $0x0  }
0xb4: {  	[dreg:$0x7] =	wrdreg $0x9  }
0xb5: {  	_ =	task.clear_ibuf [dreg:s8], $0x8FFFF;
	_ =	strace $0x90000046  }
0xb6: {  	s29 =	simm.s32 $0x9;
	_ =	strace $0x80000048  }
0xb7: {  	_ =	swait.ge [sflag:s29], $0x1  }
0xb8: {  	[sflag:s29] =	ssyncadd.s32 $0xFFFFFFFF  }
0xb9: {  	_ =	strace $0x90000048  }
0xba: {  	_ =	sfence  }
0xbb: {  	s30 =	sld [smem:$0x0];
	_ =	sdelay $0x2  }
0xbc: {  	s31 =	sshll.u32 s1, $0xD;
	s1 =	sshrl.u32 s1, $0x2  }
0xbd: {  	s3 =	sand.u32 $0x4000, s31;
	s1 =	sadd.s32 s1, s30  }
0xbe: {  	s0 =	sor.u32 s3, s0;
	s1 =	sshll.u32 s1, $0x11  }
0xbf: {  	s0 =	sor.u32 s1, s0  }
0xc0: {  	s0 =	sadd.s32 $0x8F2B, s0  }
0xc1: {  	[sflag:s0] =	ssyncadd.remote.s32 $0x1  }
0xc2: {  	_ =	sfence.sel $0xFFFF  }
0xc3: {  	[dreg:$0x0] =	wrdreg $0xFFFFFFFF;
	(pc) =	sbr.abs _section_cstart, $3  }
0xc4: {  	[dreg:$0x1] =	wrdreg $0xFFFFFFFF  }
0xc5: {  	_ =	task.clear_ibuf [dreg:s8], $0x2FFFF;
	_ =	strace $0x9FFFFFFF  }
0xc6: {  	(tm) =	ssettm $0x7FFFFFFF  }
0xc7: {  	_ =	shalt  }
tec
execute0_lowered:
.L_overlay_start_1:
0x0: {  	(tag) =	ssettag $0x1  }
0x1: {  	s1 =	rddreg [dreg:$0x0]  }
0x2: {  	s0 =	rddreg [dreg:$0x1]  }
0x3: {  	s3 =	rddreg [dreg:$0x3]  }
0x4: {  	s4 =	rddreg [dreg:$0x4];
	s5 =	simm.s32 $0x0  }
0x5: {  	s18 =	simm.s32 $0x162F8;
	[smem:$0x7FF] =	sst s5  }
0x6: {  	s19 =	simm.s32 $0x172F8;
	_ =	strace $0x80000047;
	[dreg:$0x7] =	wrdreg s18  }
0x7: {  	s2 =	srdreg.scid;
	s20 =	simm.s32 $0x16378;
	[dreg:$0x8] =	wrdreg s19  }
0x8: {  	s14 =	stileid.u32;
	s21 =	simm.s32 $0x17378;
	[dreg:$0x9] =	wrdreg s20  }
0x9: {  	s23 =	simm.s32 $0x163F8;
	s25 =	simm.s32 $0x173F8;
	[dreg:$0xa] =	wrdreg s21  }
0xa: {  	s29 =	simm.s32 $0x16278;
	s30 =	simm.s32 $0x17278;
	[dreg:$0xb] =	wrdreg s23  }
0xb: {  	s7 =	sadd.s32 $0xAE00, s0;
	[dreg:$0xc] =	wrdreg s25;
	s18 =	sadd.s32 $0x130400, s3  }
0xc: {  	s6 =	sand.u32 $0x1, s2;
	s20 =	sadd.s32 $0x134400, s3;
	[smem:$0x7F2] =	sst s18  }
0xd: {  	s12 =	smul.u32 $0x14, s14;
	s19 =	simm.s32 $0x174F8;
	[smem:$0x7F3] =	sst s20  }
0xe: {  	s8 =	sadd.s32 $0xE00, s0;
	s21 =	simm.s32 $0x16578;
	[dreg:$0x10] =	wrdreg s19  }
0xf: {  	s9 =	smul.u32 $0x9E0, s14;
	s17 =	sor.u32 $0x2, s12;
	[dreg:$0x11] =	wrdreg s21  }
0x10: {  	s11 =	sshll.u32 s14, $0x1;
	s12 =	sadd.s32 $0x12C400, s3;
	[dreg:$0x6] =	wrdreg s17  }
0x11: {  	s13 =	sadd.s32 $0x14E00, s0;
	s18 =	simm.s32 $0x16778;
	[smem:$0x7F1] =	sst s12  }
0x12: {  	s2 =	ssub.s32 $0x2, s6;
	s19 =	simm.s32 $0x17778;
	[dreg:$0x17] =	wrdreg s18  }
0x13: {  	s10 =	sshrl.u32 s2, $0x1;
	s20 =	simm.s32 $0x167F8;
	[dreg:$0x18] =	wrdreg s19  }
0x14: {  	s9 =	sshrl.u32 s9, $0x2;
	s21 =	simm.s32 $0x177F8;
	[dreg:$0x19] =	wrdreg s20  }
0x15: {  	s0 =	ssub.s32 s2, s10;
	s9 =	sadd.s32 s9, s4;
	[dreg:$0x1a] =	wrdreg s21  }
0x16: {  	s2 =	sor.u32 s6, s11;
	s11 =	simm.s32 $0x17478;
	[dreg:$0x1b] =	wrdreg s9  }
0x17: {  	s16 =	smul.u32 $0x4F000, s14;
	s17 =	simm.s32 $0x164F8;
	[dreg:$0xe] =	wrdreg s11  }
0x18: {  	s31 =	simm.s32 $0x1;
	s12 =	simm.s32 $0x166F8;
	[dreg:$0xf] =	wrdreg s17  }
0x19: {  	s10 =	sshrl.u32 s16, $0x2;
	s16 =	sadd.s32 $0x128400, s3;
	[dreg:$0x15] =	wrdreg s12  }
0x1a: {  	s28 =	simm.s32 $0x17A78;
	s17 =	simm.s32 $0x176F8;
	[smem:$0x7FC] =	sst s16  }
0x1b: {  	s15 =	sadd.s32 s10, s3;
	s3 =	sadd.s32 $0x138400, s3;
	[dreg:$0x16] =	wrdreg s17  }
0x1c: {  	s23 =	smul.u32 $0x13C00, s14;
	s0 =	smax.u32 s0, $0x1;
	[smem:$0x7F5] =	sst s3  }
0x1d: {  	p0 =	seq.s32 s14, $0xF;
	s25 =	smul.u32 $0xA00, s14;
	[smem:$0x7F7] =	sst s0  }
0x1e: {  	s6 =	smul.u32 $0x138800, s6;
	s10 =	sadd.s32 $0x4000, s15;
	[dreg:$0x1c] =	wrdreg s15  }
0x1f: {  	s18 =	simm.s32 $0x17878;
	s22 =	sadd.s32 $0x8000, s15;
	[dreg:$0x1d] =	wrdreg s10  }
0x20: {  	s20 =	simm.s32 $0x178F8;
	s24 =	sadd.s32 $0xC000, s15;
	[dreg:$0x1e] =	wrdreg s22  }
0x21: {  	s19 =	smul.u32 $0x2800, s2;
	s26 =	sadd.s32 $0x10000, s15;
	[dreg:$0x1f] =	wrdreg s24  }
0x22: {  	s21 =	simm.s32 $0x4;
	s11 =	simm.s32 $0x80;
	[smem:$0x7F0] =	sst s26  }
0x23: {  	s12 =	simm.s32 $0x3;
	s10 =	simm.s32 $0x16478;
	[smem:$0x7FD] =	sst s19  }
0x24: {  	s9 =	simm.s32 $0x0;
	s22 =	simm.s32 $0x17578;
	[dreg:$0xd] =	wrdreg s10  }
0x25: {  	s0 =	simm.s32 $0x16678;
	s24 =	simm.s32 $0x165F8;
	[dreg:$0x12] =	wrdreg s22  }
0x26: {  	s26 =	simm.s32 $0x175F8;
	[dreg:$0x13] =	wrdreg s24;
	s10 =	sadd.s32 s23, s6  }
0x27: {  	[dreg:$0x14] =	wrdreg s26;
	s6 =	sshrl.u32 s6, $0x3;
	s23 =	sadd.s32 s8, s25  }
0x28: {  	s22 =	sadd.s32 s7, s25;
	s10 =	sshrl.u32 s10, $0x3;
	[smem:$0x7F8] =	sst s23  }
0x29: {  	s6 =	sadd.s32 s13, s6;
	s25 =	sadd.s32 $0x80, s23;
	[smem:$0x7FA] =	sst s22  }
0x2a: {  	s26 =	sadd.s32 $0x80, s22;
	s23 =	simm.s32 $0x16978;
	s22 =	simm.s32 $0x13AF8  }
0x2b: {  	s10 =	sadd.s32 s13, s10;
	s24 =	sadd.s32 $0x25080, s6;
	[smem:$0x7F9] =	sst s25  }
0x2c: {  	[smem:$0x7FB] =	sst s26;
	s6 =	simm.s32 $0x17678;
	s13 =	simm.s32 $0x2  }
0x2d: {  	s25 =	simm.s32 $0x16878;
	s26 =	simm.s32 $0x1BA78;
	[smem:$0x7F4] =	sst s10  }
0x2e: {  	v0 =	vimm.f32 $0.0e+00;
	[smem:$0x7F6] =	sst s24;
	s24 =	simm.s32 $0x168F8;
	s10 =	simm.s32 $0x1FA78  }
.LBB2_1:
0x2f: {  	[tilespmem:$0x1FAF8] =	vst v0  }
0x30: {  	[tilespmem:$0x1FB08] =	vst v0  }
0x31: {  	[tilespmem:$0x1FB18] =	vst v0  }
0x32: {  	[tilespmem:$0x1FB28] =	vst v0  }
0x33: {  	[tilespmem:$0x1FB38] =	vst v0  }
0x34: {  	[tilespmem:$0x1FB48] =	vst v0  }
0x35: {  	[tilespmem:$0x1FB58] =	vst v0  }
0x36: {  	[tilespmem:$0x1FB68] =	vst v0  }
0x37: {  	[tilespmem:$0x1FB78] =	vst v0  }
0x38: {  	[tilespmem:$0x1FB88] =	vst v0  }
0x39: {  	[tilespmem:$0x1FB98] =	vst v0  }
0x3a: {  	[tilespmem:$0x1FBA8] =	vst v0  }
0x3b: {  	[tilespmem:$0x1FBB8] =	vst v0  }
0x3c: {  	[tilespmem:$0x1FBC8] =	vst v0  }
0x3d: {  	[tilespmem:$0x1FBD8] =	vst v0  }
0x3e: {  	[tilespmem:$0x1FBE8] =	vst v0  }
0x3f: {  	[tilespmem:$0x1FBF8] =	vst v0  }
0x40: {  	[tilespmem:$0x1FC08] =	vst v0  }
0x41: {  	[tilespmem:$0x1FC18] =	vst v0  }
0x42: {  	[tilespmem:$0x1FC28] =	vst v0  }
0x43: {  	[tilespmem:$0x1FC38] =	vst v0  }
0x44: {  	[tilespmem:$0x1FC48] =	vst v0  }
0x45: {  	[tilespmem:$0x1FC58] =	vst v0  }
0x46: {  	[tilespmem:$0x1FC68] =	vst v0  }
0x47: {  	[tilespmem:$0x1FC78] =	vst v0  }
0x48: {  	[tilespmem:$0x1FC88] =	vst v0  }
0x49: {  	[tilespmem:$0x1FC98] =	vst v0  }
0x4a: {  	[tilespmem:$0x1FCA8] =	vst v0  }
0x4b: {  	[tilespmem:$0x1FCB8] =	vst v0  }
0x4c: {  	[tilespmem:$0x1FCC8] =	vst v0  }
0x4d: {  	[tilespmem:$0x1FCD8] =	vst v0  }
0x4e: {  	[tilespmem:$0x1FCE8] =	vst v0  }
0x4f: {  	[tilespmem:$0x1FCF8] =	vst v0  }
0x50: {  	[tilespmem:$0x1FD08] =	vst v0  }
0x51: {  	[tilespmem:$0x1FD18] =	vst v0  }
0x52: {  	[tilespmem:$0x1FD28] =	vst v0  }
0x53: {  	[tilespmem:$0x1FD38] =	vst v0  }
0x54: {  	[tilespmem:$0x1FD48] =	vst v0  }
0x55: {  	[tilespmem:$0x1FD58] =	vst v0  }
0x56: {  	[smem:$0x7EF] =	sst s9;
	[tilespmem:$0x1FD68] =	vst v0;
	s2 =	simm.s32 $0x0;
	s9 =	simm.s32 $0x200  }
.LBB2_2:
0x57: {  	p1 =	sne.s32 s9, $0xFE00;
	[tilespmem:s2+$0x17AE8] =	vst v0  }
0x58: {  	[tilespmem:s2+$0x17A78] =	vst v0  }
0x59: {  	[tilespmem:s2+$0x17A88] =	vst v0  }
.Ltmp0:
0x5a: {  	[tilespmem:s2+$0x17A98] =	vst v0;
	(pc) =	sbr.rel @p1 .LBB2_2-.Ltmp0, $4  }
0x5b: {  	[tilespmem:s2+$0x17AA8] =	vst v0  }
0x5c: {  	[tilespmem:s2+$0x17AB8] =	vst v0  }
0x5d: {  	[tilespmem:s2+$0x17AC8] =	vst v0  }
0x5e: {  	[tilespmem:s2+$0x17AD8] =	vst v0;
	s2 =	sshra.s32 s9, $0x2;
	s9 =	sadd.s32 $0x200, s9  }
0x5f: {  	[tilespmem:s2+$0x17AE8] =	vst v0  }
0x60: {  	[tilespmem:s2+$0x17A78] =	vst v0  }
0x61: {  	[tilespmem:s2+$0x17A88] =	vst v0  }
0x62: {  	[tilespmem:s2+$0x17A98] =	vst v0  }
0x63: {  	[tilespmem:s2+$0x17AA8] =	vst v0  }
0x64: {  	[tilespmem:s2+$0x17AB8] =	vst v0  }
0x65: {  	[tilespmem:s2+$0x17AC8] =	vst v0  }
0x66: {  	[tilespmem:s2+$0x17AD8] =	vst v0;
	s2 =	simm.s32 @p0 $0x1FAF8;
	s3 =	rddreg [dreg:$0x1b]  }
0x67: {  	[spmem:s3] =	stream.linear.scatter @p0 [tilespmem:s2], [sflag:$0x5], $0x208, $0x38;
	[tilespmem:$0x1FD78] =	vst v63  }
0x68: {  	s2 =	simm.s32 @p0 $0x5  }
0x69: {  	_ =	swait.ge @p0 [sflag:s2], $0x208  }
0x6a: {  	[sflag:s2] =	ssyncset.done @p0 $0x0  }
0x6b: {  	s9 =	simm.s32 @p0 $0x17A78;
	[sflag:s2] =	ssyncadd.s32 @p0 $0xFFFFFDF8  }
0x6c: {  	[spmem:s16] =	stream.linear.scatter @p0 [tilespmem:s9], [sflag:$0x5], $0x4000, $0x38;
	[tilespmem:$0x1FD78] =	vst v63  }
0x6d: {  	_ =	swait.ge @p0 [sflag:s2], $0x4000  }
0x6e: {  	s14 =	sld [smem:$0x7F1]  }
0x6f: {  	[sflag:s2] =	ssyncset.done @p0 $0x0  }
0x70: {  	[sflag:s2] =	ssyncadd.s32 @p0 $0xFFFFC000  }
0x71: {  	[spmem:s14] =	stream.linear.scatter @p0 [tilespmem:s9], [sflag:$0x5], $0x4000, $0x38;
	[tilespmem:$0x1FD78] =	vst v63  }
0x72: {  	_ =	swait.ge @p0 [sflag:s2], $0x4000  }
0x73: {  	s14 =	sld [smem:$0x7F2]  }
0x74: {  	[sflag:s2] =	ssyncset.done @p0 $0x0  }
0x75: {  	[sflag:s2] =	ssyncadd.s32 @p0 $0xFFFFC000  }
0x76: {  	[spmem:s14] =	stream.linear.scatter @p0 [tilespmem:s9], [sflag:$0x5], $0x4000, $0x38;
	[tilespmem:$0x1FD78] =	vst v63  }
0x77: {  	_ =	swait.ge @p0 [sflag:s2], $0x4000  }
0x78: {  	s14 =	sld [smem:$0x7F3]  }
0x79: {  	[sflag:s2] =	ssyncset.done @p0 $0x0  }
0x7a: {  	[sflag:s2] =	ssyncadd.s32 @p0 $0xFFFFC000  }
0x7b: {  	[spmem:s14] =	stream.linear.scatter @p0 [tilespmem:s9], [sflag:$0x5], $0x4000, $0x38;
	[tilespmem:$0x1FD78] =	vst v63  }
0x7c: {  	_ =	swait.ge @p0 [sflag:s2], $0x4000  }
0x7d: {  	s14 =	sld [smem:$0x7F5]  }
0x7e: {  	[sflag:s2] =	ssyncset.done @p0 $0x0  }
0x7f: {  	[sflag:s2] =	ssyncadd.s32 @p0 $0xFFFFC000  }
0x80: {  	[spmem:s14] =	stream.linear.scatter @p0 [tilespmem:s9], [sflag:$0x5], $0x400, $0x38;
	[tilespmem:$0x1FD78] =	vst v63  }
0x81: {  	_ =	swait.ge @p0 [sflag:s2], $0x400  }
0x82: {  	[sflag:s2] =	ssyncset.done @p0 $0x0  }
0x83: {  	[sflag:s2] =	ssyncadd.s32 @p0 $0xFFFFFC00;
	s2 =	simm.s32 @!p0 $0x1FAF8  }
0x84: {  	[spmem:s3] =	stream.linear.scatter @!p0 [tilespmem:s2], [sflag:$0x5], $0x278, $0x38;
	[tilespmem:$0x1FD78] =	vst v63  }
0x85: {  	s2 =	simm.s32 @!p0 $0x5  }
0x86: {  	_ =	swait.ge @!p0 [sflag:s2], $0x278  }
0x87: {  	[sflag:s2] =	ssyncset.done @!p0 $0x0  }
0x88: {  	s9 =	simm.s32 @!p0 $0x17A78;
	[sflag:s2] =	ssyncadd.s32 @!p0 $0xFFFFFD88  }
0x89: {  	[spmem:s15] =	stream.linear.scatter @!p0 [tilespmem:s9], [sflag:$0x5], $0x4000, $0x38;
	[tilespmem:$0x1FD78] =	vst v63  }
0x8a: {  	_ =	swait.ge @!p0 [sflag:s2], $0x4000  }
0x8b: {  	[sflag:s2] =	ssyncset.done @!p0 $0x0  }
0x8c: {  	s3 =	rddreg [dreg:$0x1d];
	[sflag:s2] =	ssyncadd.s32 @!p0 $0xFFFFC000  }
0x8d: {  	[spmem:s3] =	stream.linear.scatter @!p0 [tilespmem:s9], [sflag:$0x5], $0x4000, $0x38;
	[tilespmem:$0x1FD78] =	vst v63  }
0x8e: {  	_ =	swait.ge @!p0 [sflag:s2], $0x4000  }
0x8f: {  	[sflag:s2] =	ssyncset.done @!p0 $0x0  }
0x90: {  	s3 =	rddreg [dreg:$0x1e];
	[sflag:s2] =	ssyncadd.s32 @!p0 $0xFFFFC000  }
0x91: {  	[spmem:s3] =	stream.linear.scatter @!p0 [tilespmem:s9], [sflag:$0x5], $0x4000, $0x38;
	[tilespmem:$0x1FD78] =	vst v63  }
0x92: {  	_ =	swait.ge @!p0 [sflag:s2], $0x4000  }
0x93: {  	[sflag:s2] =	ssyncset.done @!p0 $0x0  }
0x94: {  	s3 =	rddreg [dreg:$0x1f];
	[sflag:s2] =	ssyncadd.s32 @!p0 $0xFFFFC000  }
0x95: {  	[spmem:s3] =	stream.linear.scatter @!p0 [tilespmem:s9], [sflag:$0x5], $0x4000, $0x38;
	[tilespmem:$0x1FD78] =	vst v63  }
0x96: {  	_ =	swait.ge @!p0 [sflag:s2], $0x4000  }
0x97: {  	s3 =	sld [smem:$0x7F0]  }
0x98: {  	[sflag:s2] =	ssyncset.done @!p0 $0x0  }
0x99: {  	[sflag:s2] =	ssyncadd.s32 @!p0 $0xFFFFC000  }
0x9a: {  	[spmem:s3] =	stream.linear.scatter @!p0 [tilespmem:s9], [sflag:$0x5], $0x3C00, $0x38;
	[tilespmem:$0x1FD78] =	vst v63  }
0x9b: {  	_ =	swait.ge @!p0 [sflag:s2], $0x3C00  }
0x9c: {  	[sflag:s2] =	ssyncset.done @!p0 $0x0  }
0x9d: {  	[sflag:s2] =	ssyncadd.s32 @!p0 $0xFFFFC400  }
0x9e: {  	[bflag:$0x0] =	sbarrier.arrive $0xFFFF  }
0x9f: {  	s9 =	sld [smem:$0x7FA];
	_ =	sdelay $0x1  }
0xa0: {  	s2 =	simm.s32 $0x0;
	s14 =	sld [smem:$0x7F8]  }
0xa1: {  	[tilespmem:s29], [sflag:$0x1] =	stream.linear.gather [hbm4b:s9+s2], $0x400, $0x38;
	[tilespmem:$0x1FD78] =	vst v63  }
0xa2: {  	_ = 	snop  }
0xa3: {  	[tilespmem:s30], [sflag:$0x1] =	stream.linear.gather [hbm4b:s14+s2], $0x400, $0x38;
	[tilespmem:$0x1FD78] =	vst v63  }
0xa4: {  	_ =	swait.ge [sflag:s31], $0x400  }
0xa5: {  	[sflag:s31] =	ssyncset.done $0x0  }
0xa6: {  	[sflag:s31] =	ssyncadd.s32 $0xFFFFFC00  }
0xa7: {  	_ =	swait.ge [sflag:s31], $0x400  }
0xa8: {  	s17 =	sld [smem:$0x7FB]  }
0xa9: {  	[sflag:s31] =	ssyncset.done $0x0;
	s9 =	rddreg [dreg:$0x9]  }
0xaa: {  	s3 =	sld [smem:$0x7F9];
	[sflag:s31] =	ssyncadd.s32 $0xFFFFFC00  }
0xab: {  	[tilespmem:s0], [sflag:$0x2] =	stream.linear.gather [hbm4b:s17+s5], $0x400, $0x38;
	[tilespmem:$0x1FD78] =	vst v63  }
0xac: {  	s15 =	rddreg [dreg:$0x7]  }
0xad: {  	[tilespmem:s6], [sflag:$0x2] =	stream.linear.gather [hbm4b:s3+s5], $0x400, $0x38;
	[tilespmem:$0x1FD78] =	vst v63  }
0xae: {  	s19 =	rddreg [dreg:$0x8]  }
0xaf: {  	[spmem:s4] =	stream.indirect.scatter.add.f32 [tilespmem:s30], [sflag:$0x3], $0x1, s29, s11, $0xb8;
	[tilespmem:$0x1FD78] =	vst v63  }
0xb0: {  	s16 =	rddreg [dreg:$0xa]  }
0xb1: {  	[spmem:s4] =	stream.indirect.scatter.add.f32 [tilespmem:s19], [sflag:$0x3], $0x1, s15, s11, $0xb8;
	[tilespmem:$0x1FD78] =	vst v63  }
0xb2: {  	s15 =	rddreg [dreg:$0xb]  }
0xb3: {  	s19 =	rddreg [dreg:$0xc]  }
0xb4: {  	[spmem:s4] =	stream.indirect.scatter.add.f32 [tilespmem:s16], [sflag:$0x3], $0x1, s9, s11, $0xb8;
	[tilespmem:$0x1FD78] =	vst v63  }
0xb5: {  	s9 =	rddreg [dreg:$0xe]  }
0xb6: {  	s16 =	rddreg [dreg:$0xd]  }
0xb7: {  	[spmem:s4] =	stream.indirect.scatter.add.f32 [tilespmem:s19], [sflag:$0x3], $0x1, s15, s11, $0xb8;
	[tilespmem:$0x1FD78] =	vst v63  }
0xb8: {  	s15 =	rddreg [dreg:$0x10]  }
0xb9: {  	s19 =	rddreg [dreg:$0xf]  }
0xba: {  	[spmem:s4] =	stream.indirect.scatter.add.f32 [tilespmem:s9], [sflag:$0x3], $0x1, s16, s11, $0xb8;
	[tilespmem:$0x1FD78] =	vst v63  }
0xbb: {  	s9 =	rddreg [dreg:$0x12]  }
0xbc: {  	s16 =	rddreg [dreg:$0x11]  }
0xbd: {  	[spmem:s4] =	stream.indirect.scatter.add.f32 [tilespmem:s15], [sflag:$0x3], $0x1, s19, s11, $0xb8;
	[tilespmem:$0x1FD78] =	vst v63  }
0xbe: {  	s15 =	rddreg [dreg:$0x14]  }
0xbf: {  	[spmem:s4] =	stream.indirect.scatter.add.f32 [tilespmem:s9], [sflag:$0x3], $0x1, s16, s11, $0xb8;
	[tilespmem:$0x1FD78] =	vst v63  }
0xc0: {  	s19 =	rddreg [dreg:$0x13]  }
0xc1: {  	[spmem:s4] =	stream.indirect.scatter.add.f32 [tilespmem:s15], [sflag:$0x3], $0x1, s19, s11, $0xb8;
	[tilespmem:$0x1FD78] =	vst v63  }
0xc2: {  	_ =	swait.ge [sflag:s12], $0x80  }
0xc3: {  	[sflag:s12] =	ssyncset.done $0x0  }
0xc4: {  	[sflag:s12] =	ssyncadd.s32 $0xFFFFFF80  }
0xc5: {  	_ =	swait.ge [sflag:s12], $0x80  }
0xc6: {  	[sflag:s12] =	ssyncset.done $0x0  }
0xc7: {  	[sflag:s12] =	ssyncadd.s32 $0xFFFFFF80  }
0xc8: {  	_ =	swait.ge [sflag:s12], $0x80  }
0xc9: {  	[sflag:s12] =	ssyncset.done $0x0  }
0xca: {  	[sflag:s12] =	ssyncadd.s32 $0xFFFFFF80  }
0xcb: {  	_ =	swait.ge [sflag:s12], $0x80  }
0xcc: {  	[sflag:s12] =	ssyncset.done $0x0  }
0xcd: {  	[sflag:s12] =	ssyncadd.s32 $0xFFFFFF80  }
0xce: {  	_ =	swait.ge [sflag:s12], $0x80  }
0xcf: {  	[sflag:s12] =	ssyncset.done $0x0  }
0xd0: {  	[sflag:s12] =	ssyncadd.s32 $0xFFFFFF80  }
0xd1: {  	_ =	swait.ge [sflag:s12], $0x80  }
0xd2: {  	[sflag:s12] =	ssyncset.done $0x0  }
0xd3: {  	[sflag:s12] =	ssyncadd.s32 $0xFFFFFF80  }
0xd4: {  	_ =	swait.ge [sflag:s12], $0x80  }
0xd5: {  	[sflag:s12] =	ssyncset.done $0x0  }
0xd6: {  	[sflag:s12] =	ssyncadd.s32 $0xFFFFFF80  }
0xd7: {  	_ =	swait.ge [sflag:s12], $0x80  }
0xd8: {  	[sflag:s12] =	ssyncset.done $0x0  }
0xd9: {  	[sflag:s12] =	ssyncadd.s32 $0xFFFFFF80  }
0xda: {  	_ =	swait.ge [sflag:s13], $0x400  }
0xdb: {  	[sflag:s13] =	ssyncset.done $0x0  }
0xdc: {  	[sflag:s13] =	ssyncadd.s32 $0xFFFFFC00  }
0xdd: {  	_ =	swait.ge [sflag:s13], $0x400  }
0xde: {  	s2 =	smin.u32 s2, $0x11;
	s14 =	rddreg [dreg:$0x6]  }
0xdf: {  	s2 =	sadd.s32 s2, s14  }
0xe0: {  	[sflag:s13] =	ssyncset.done $0x0;
	s2 =	sshll.u32 s2, $0x7  }
0xe1: {  	s9 =	rddreg [dreg:$0x18];
	[sflag:s13] =	ssyncadd.s32 $0xFFFFFC00;
	s15 =	sadd.s32 s7, s2  }
0xe2: {  	[tilespmem:s29], [sflag:$0x1] =	stream.linear.gather [hbm4b:s15+s5], $0x400, $0x38;
	[tilespmem:$0x1FD78] =	vst v63  }
0xe3: {  	s16 =	rddreg [dreg:$0x16];
	s2 =	sadd.s32 s8, s2  }
0xe4: {  	[tilespmem:s30], [sflag:$0x1] =	stream.linear.gather [hbm4b:s2+s5], $0x400, $0x38;
	[tilespmem:$0x1FD78] =	vst v63  }
0xe5: {  	s19 =	rddreg [dreg:$0x15]  }
0xe6: {  	[spmem:s4] =	stream.indirect.scatter.add.f32 [tilespmem:s6], [sflag:$0x4], $0x1, s0, s11, $0xb8;
	[tilespmem:$0x1FD78] =	vst v63  }
0xe7: {  	s15 =	rddreg [dreg:$0x17]  }
0xe8: {  	[spmem:s4] =	stream.indirect.scatter.add.f32 [tilespmem:s16], [sflag:$0x4], $0x1, s19, s11, $0xb8;
	[tilespmem:$0x1FD78] =	vst v63  }
0xe9: {  	s16 =	rddreg [dreg:$0x1a]  }
0xea: {  	[spmem:s4] =	stream.indirect.scatter.add.f32 [tilespmem:s9], [sflag:$0x4], $0x1, s15, s11, $0xb8;
	[tilespmem:$0x1FD78] =	vst v63  }
0xeb: {  	s19 =	rddreg [dreg:$0x19]  }
0xec: {  	[spmem:s4] =	stream.indirect.scatter.add.f32 [tilespmem:s16], [sflag:$0x4], $0x1, s19, s11, $0xb8;
	[tilespmem:$0x1FD78] =	vst v63  }
0xed: {  	_ = 	snop  }
0xee: {  	[spmem:s4] =	stream.indirect.scatter.add.f32 [tilespmem:s18], [sflag:$0x4], $0x1, s25, s11, $0xb8;
	[tilespmem:$0x1FD78] =	vst v63  }
0xef: {  	_ = 	snop  }
0xf0: {  	[spmem:s4] =	stream.indirect.scatter.add.f32 [tilespmem:s20], [sflag:$0x4], $0x1, s24, s11, $0xb8;
	[tilespmem:$0x1FD78] =	vst v63  }
0xf1: {  	s20 =	simm.s32 $0x17978  }
0xf2: {  	[spmem:s4] =	stream.indirect.scatter.add.f32 [tilespmem:s20], [sflag:$0x4], $0x1, s23, s11, $0xb8;
	[tilespmem:$0x1FD78] =	vst v63  }
0xf3: {  	s25 =	simm.s32 $0x179F8;
	s24 =	simm.s32 $0x169F8  }
0xf4: {  	[spmem:s4] =	stream.indirect.scatter.add.f32 [tilespmem:s25], [sflag:$0x4], $0x1, s24, s11, $0xb8;
	[tilespmem:$0x1FD78] =	vst v63  }
0xf5: {  	_ =	swait.ge [sflag:s21], $0x80  }
0xf6: {  	[sflag:s21] =	ssyncset.done $0x0  }
0xf7: {  	[sflag:s21] =	ssyncadd.s32 $0xFFFFFF80  }
0xf8: {  	_ =	swait.ge [sflag:s21], $0x80  }
0xf9: {  	[sflag:s21] =	ssyncset.done $0x0  }
0xfa: {  	[sflag:s21] =	ssyncadd.s32 $0xFFFFFF80  }
0xfb: {  	_ =	swait.ge [sflag:s21], $0x80  }
0xfc: {  	[sflag:s21] =	ssyncset.done $0x0  }
0xfd: {  	[sflag:s21] =	ssyncadd.s32 $0xFFFFFF80  }
0xfe: {  	_ =	swait.ge [sflag:s21], $0x80  }
0xff: {  	[sflag:s21] =	ssyncset.done $0x0  }
0x100: {  	[sflag:s21] =	ssyncadd.s32 $0xFFFFFF80  }
0x101: {  	_ =	swait.ge [sflag:s21], $0x80  }
0x102: {  	[sflag:s21] =	ssyncset.done $0x0  }
0x103: {  	[sflag:s21] =	ssyncadd.s32 $0xFFFFFF80  }
0x104: {  	_ =	swait.ge [sflag:s21], $0x80  }
0x105: {  	[sflag:s21] =	ssyncset.done $0x0  }
0x106: {  	[sflag:s21] =	ssyncadd.s32 $0xFFFFFF80  }
0x107: {  	_ =	swait.ge [sflag:s21], $0x80  }
0x108: {  	[sflag:s21] =	ssyncset.done $0x0  }
0x109: {  	[sflag:s21] =	ssyncadd.s32 $0xFFFFFF80  }
0x10a: {  	_ =	swait.ge [sflag:s21], $0x80  }
0x10b: {  	[sflag:s21] =	ssyncset.done $0x0  }
0x10c: {  	[sflag:s21] =	ssyncadd.s32 $0xFFFFFF80  }
0x10d: {  	_ =	swait.ge [sflag:s31], $0x400  }
0x10e: {  	[sflag:s31] =	ssyncset.done $0x0  }
0x10f: {  	s14 =	smov.u32 s3;
	[sflag:s31] =	ssyncadd.s32 $0xFFFFFC00  }
0x110: {  	s2 =	simm.s32 $0x2;
	s9 =	sadd.s32 $0x100, s17;
	_ =	swait.ge [sflag:s31], $0x400  }
.LBB2_4:
0x111: {  	s16 =	rddreg [dreg:$0x12]  }
0x112: {  	s17 =	rddreg [dreg:$0xb]  }
0x113: {  	s18 =	rddreg [dreg:$0x9]  }
0x114: {  	[sflag:s31] =	ssyncset.done $0x0;
	s23 =	rddreg [dreg:$0x7]  }
0x115: {  	s19 =	rddreg [dreg:$0xa];
	[sflag:s31] =	ssyncadd.s32 $0xFFFFFC00  }
0x116: {  	[tilespmem:s0], [sflag:$0x2] =	stream.linear.gather [hbm4b:s9+s5], $0x400, $0x38;
	[tilespmem:$0x1FD78] =	vst v63  }
0x117: {  	s14 =	sadd.s32 $0x100, s14;
	s20 =	rddreg [dreg:$0x8]  }
0x118: {  	[tilespmem:s6], [sflag:$0x2] =	stream.linear.gather [hbm4b:s14+s5], $0x400, $0x38;
	[tilespmem:$0x1FD78] =	vst v63  }
0x119: {  	s24 =	rddreg [dreg:$0x14]  }
0x11a: {  	[spmem:s4] =	stream.indirect.scatter.add.f32 [tilespmem:s30], [sflag:$0x3], $0x1, s29, s11, $0xb8;
	[tilespmem:$0x1FD78] =	vst v63  }
0x11b: {  	s25 =	rddreg [dreg:$0x10]  }
0x11c: {  	[spmem:s4] =	stream.indirect.scatter.add.f32 [tilespmem:s20], [sflag:$0x3], $0x1, s23, s11, $0xb8;
	[tilespmem:$0x1FD78] =	vst v63  }
0x11d: {  	s3 =	rddreg [dreg:$0xc]  }
0x11e: {  	[spmem:s4] =	stream.indirect.scatter.add.f32 [tilespmem:s19], [sflag:$0x3], $0x1, s18, s11, $0xb8;
	[tilespmem:$0x1FD78] =	vst v63  }
0x11f: {  	s20 =	rddreg [dreg:$0xe]  }
0x120: {  	[spmem:s4] =	stream.indirect.scatter.add.f32 [tilespmem:s3], [sflag:$0x3], $0x1, s17, s11, $0xb8;
	[tilespmem:$0x1FD78] =	vst v63  }
0x121: {  	s19 =	rddreg [dreg:$0xd]  }
0x122: {  	[spmem:s4] =	stream.indirect.scatter.add.f32 [tilespmem:s20], [sflag:$0x3], $0x1, s19, s11, $0xb8;
	[tilespmem:$0x1FD78] =	vst v63  }
0x123: {  	s17 =	rddreg [dreg:$0xf]  }
0x124: {  	[spmem:s4] =	stream.indirect.scatter.add.f32 [tilespmem:s25], [sflag:$0x3], $0x1, s17, s11, $0xb8;
	[tilespmem:$0x1FD78] =	vst v63  }
0x125: {  	s18 =	rddreg [dreg:$0x11]  }
0x126: {  	[spmem:s4] =	stream.indirect.scatter.add.f32 [tilespmem:s16], [sflag:$0x3], $0x1, s18, s11, $0xb8;
	[tilespmem:$0x1FD78] =	vst v63  }
0x127: {  	s19 =	rddreg [dreg:$0x13]  }
0x128: {  	[spmem:s4] =	stream.indirect.scatter.add.f32 [tilespmem:s24], [sflag:$0x3], $0x1, s19, s11, $0xb8;
	[tilespmem:$0x1FD78] =	vst v63  }
0x129: {  	_ =	swait.ge [sflag:s12], $0x80  }
0x12a: {  	[sflag:s12] =	ssyncset.done $0x0  }
0x12b: {  	[sflag:s12] =	ssyncadd.s32 $0xFFFFFF80  }
0x12c: {  	_ =	swait.ge [sflag:s12], $0x80  }
0x12d: {  	[sflag:s12] =	ssyncset.done $0x0  }
0x12e: {  	[sflag:s12] =	ssyncadd.s32 $0xFFFFFF80  }
0x12f: {  	_ =	swait.ge [sflag:s12], $0x80  }
0x130: {  	[sflag:s12] =	ssyncset.done $0x0  }
0x131: {  	[sflag:s12] =	ssyncadd.s32 $0xFFFFFF80  }
0x132: {  	_ =	swait.ge [sflag:s12], $0x80  }
0x133: {  	[sflag:s12] =	ssyncset.done $0x0  }
0x134: {  	[sflag:s12] =	ssyncadd.s32 $0xFFFFFF80  }
0x135: {  	_ =	swait.ge [sflag:s12], $0x80  }
0x136: {  	[sflag:s12] =	ssyncset.done $0x0  }
0x137: {  	[sflag:s12] =	ssyncadd.s32 $0xFFFFFF80  }
0x138: {  	_ =	swait.ge [sflag:s12], $0x80  }
0x139: {  	[sflag:s12] =	ssyncset.done $0x0  }
0x13a: {  	[sflag:s12] =	ssyncadd.s32 $0xFFFFFF80  }
0x13b: {  	_ =	swait.ge [sflag:s12], $0x80  }
0x13c: {  	[sflag:s12] =	ssyncset.done $0x0  }
0x13d: {  	[sflag:s12] =	ssyncadd.s32 $0xFFFFFF80  }
0x13e: {  	_ =	swait.ge [sflag:s12], $0x80  }
0x13f: {  	[sflag:s12] =	ssyncset.done $0x0  }
0x140: {  	[sflag:s12] =	ssyncadd.s32 $0xFFFFFF80  }
0x141: {  	_ =	swait.ge [sflag:s13], $0x400  }
0x142: {  	[sflag:s13] =	ssyncset.done $0x0  }
0x143: {  	[sflag:s13] =	ssyncadd.s32 $0xFFFFFC00  }
0x144: {  	s15 =	smov.u32 s2;
	_ =	swait.ge [sflag:s13], $0x400  }
0x145: {  	s15 =	smin.u32 s15, $0x11;
	s18 =	rddreg [dreg:$0x6]  }
0x146: {  	s3 =	sadd.s32 s15, s18  }
0x147: {  	[sflag:s13] =	ssyncset.done $0x0;
	s3 =	sshll.u32 s3, $0x7  }
0x148: {  	s16 =	rddreg [dreg:$0x18];
	[sflag:s13] =	ssyncadd.s32 $0xFFFFFC00;
	s19 =	sadd.s32 s7, s3  }
0x149: {  	[tilespmem:s29], [sflag:$0x1] =	stream.linear.gather [hbm4b:s19+s5], $0x400, $0x38;
	[tilespmem:$0x1FD78] =	vst v63  }
0x14a: {  	s24 =	rddreg [dreg:$0x15];
	s3 =	sadd.s32 s8, s3  }
0x14b: {  	[tilespmem:s30], [sflag:$0x1] =	stream.linear.gather [hbm4b:s3+s5], $0x400, $0x38;
	[tilespmem:$0x1FD78] =	vst v63  }
0x14c: {  	s15 =	rddreg [dreg:$0x1a]  }
0x14d: {  	[spmem:s4] =	stream.indirect.scatter.add.f32 [tilespmem:s6], [sflag:$0x4], $0x1, s0, s11, $0xb8;
	[tilespmem:$0x1FD78] =	vst v63  }
0x14e: {  	s18 =	rddreg [dreg:$0x16]  }
0x14f: {  	[spmem:s4] =	stream.indirect.scatter.add.f32 [tilespmem:s18], [sflag:$0x4], $0x1, s24, s11, $0xb8;
	[tilespmem:$0x1FD78] =	vst v63  }
0x150: {  	s3 =	rddreg [dreg:$0x17]  }
0x151: {  	[spmem:s4] =	stream.indirect.scatter.add.f32 [tilespmem:s16], [sflag:$0x4], $0x1, s3, s11, $0xb8;
	[tilespmem:$0x1FD78] =	vst v63  }
0x152: {  	s19 =	rddreg [dreg:$0x19]  }
0x153: {  	[spmem:s4] =	stream.indirect.scatter.add.f32 [tilespmem:s15], [sflag:$0x4], $0x1, s19, s11, $0xb8;
	[tilespmem:$0x1FD78] =	vst v63  }
0x154: {  	s25 =	simm.s32 $0x16878;
	s24 =	simm.s32 $0x17878  }
0x155: {  	[spmem:s4] =	stream.indirect.scatter.add.f32 [tilespmem:s24], [sflag:$0x4], $0x1, s25, s11, $0xb8;
	[tilespmem:$0x1FD78] =	vst v63  }
0x156: {  	s20 =	simm.s32 $0x178F8;
	s19 =	simm.s32 $0x168F8  }
0x157: {  	[spmem:s4] =	stream.indirect.scatter.add.f32 [tilespmem:s20], [sflag:$0x4], $0x1, s19, s11, $0xb8;
	[tilespmem:$0x1FD78] =	vst v63  }
0x158: {  	s23 =	simm.s32 $0x16978;
	s18 =	simm.s32 $0x17978  }
0x159: {  	[spmem:s4] =	stream.indirect.scatter.add.f32 [tilespmem:s18], [sflag:$0x4], $0x1, s23, s11, $0xb8;
	[tilespmem:$0x1FD78] =	vst v63  }
0x15a: {  	s24 =	simm.s32 $0x169F8;
	s23 =	simm.s32 $0x179F8  }
0x15b: {  	[spmem:s4] =	stream.indirect.scatter.add.f32 [tilespmem:s23], [sflag:$0x4], $0x1, s24, s11, $0xb8;
	[tilespmem:$0x1FD78] =	vst v63  }
0x15c: {  	_ =	swait.ge [sflag:s21], $0x80  }
0x15d: {  	[sflag:s21] =	ssyncset.done $0x0  }
0x15e: {  	[sflag:s21] =	ssyncadd.s32 $0xFFFFFF80  }
0x15f: {  	_ =	swait.ge [sflag:s21], $0x80  }
0x160: {  	[sflag:s21] =	ssyncset.done $0x0  }
0x161: {  	[sflag:s21] =	ssyncadd.s32 $0xFFFFFF80  }
0x162: {  	_ =	swait.ge [sflag:s21], $0x80  }
0x163: {  	[sflag:s21] =	ssyncset.done $0x0  }
0x164: {  	[sflag:s21] =	ssyncadd.s32 $0xFFFFFF80  }
0x165: {  	_ =	swait.ge [sflag:s21], $0x80  }
0x166: {  	[sflag:s21] =	ssyncset.done $0x0  }
0x167: {  	[sflag:s21] =	ssyncadd.s32 $0xFFFFFF80  }
0x168: {  	_ =	swait.ge [sflag:s21], $0x80  }
0x169: {  	[sflag:s21] =	ssyncset.done $0x0  }
0x16a: {  	[sflag:s21] =	ssyncadd.s32 $0xFFFFFF80  }
0x16b: {  	_ =	swait.ge [sflag:s21], $0x80  }
0x16c: {  	[sflag:s21] =	ssyncset.done $0x0  }
0x16d: {  	[sflag:s21] =	ssyncadd.s32 $0xFFFFFF80  }
0x16e: {  	_ =	swait.ge [sflag:s21], $0x80  }
0x16f: {  	[sflag:s21] =	ssyncset.done $0x0  }
0x170: {  	[sflag:s21] =	ssyncadd.s32 $0xFFFFFF80  }
0x171: {  	_ =	swait.ge [sflag:s21], $0x80  }
0x172: {  	p1 =	sne.s32 s2, $0x12;
	[sflag:s21] =	ssyncset.done $0x0  }
.Ltmp1:
0x173: {  	[sflag:s21] =	ssyncadd.s32 $0xFFFFFF80;
	(pc) =	sbr.rel @p1 .LBB2_4-.Ltmp1, $4  }
0x174: {  	_ =	swait.ge [sflag:s31], $0x400  }
0x175: {  	[sflag:s31] =	ssyncset.done $0x0  }
0x176: {  	[sflag:s31] =	ssyncadd.s32 $0xFFFFFC00  }
0x177: {  	s2 =	sadd.s32 $0x2, s2;
	s9 =	sadd.s32 $0x100, s9;
	_ =	swait.ge [sflag:s31], $0x400  }
0x178: {  	[sflag:s31] =	ssyncset.done $0x0  }
0x179: {  	[sflag:s31] =	ssyncadd.s32 $0xFFFFFC00  }
0x17a: {  	s2 =	simm.s32 $0x5;
	[bflag:$0x0] =	sbarrier.arrive $0xFFFF  }
0x17b: {  	[tilespmem:s22], [sflag:$0x5] =	stream.linear.gather [spmem:s4], $0x2780, $0x38;
	[tilespmem:$0x1FD78] =	vst v63  }
0x17c: {  	_ =	swait.ge [sflag:s2], $0x2780  }
0x17d: {  	s3 =	simm.s32 $0x0;
	[sflag:s2] =	ssyncset.done $0x0  }
0x17e: {  	s9 =	simm.s32 $0x40;
	[sflag:s2] =	ssyncadd.s32 $0xFFFFD880;
	s2 =	simm.s32 $0x0  }
.LBB2_6:
0x17f: {  	p1 =	sne.s32 s9, $0x9C00;
	v1 =	vld [tilespmem:s2+$0x13AF8];
	_ =	sdelay $0x4  }
0x180: {  	v2 =	vshra.s32 v1, $0x1;
	v3 =	vmul.f32 $5.000000000e-01, v1  }
0x181: {  	v2 =	vsub.s32 $0x5F3759DF, v2  }
0x182: {  	v4 =	vmul.f32 v2, v3;
	_ =	sdelay $0x1  }
0x183: {  	v4 =	vmul.f32 v2, v4;
	_ =	sdelay $0x1  }
0x184: {  	v4 =	vsub.f32 $1.500000000e+00, v4;
	_ =	sdelay $0x1  }
0x185: {  	v2 =	vmul.f32 v2, v4;
	_ =	sdelay $0x1  }
0x186: {  	v4 =	vmul.f32 v2, v3;
	_ =	sdelay $0x1  }
0x187: {  	v4 =	vmul.f32 v4, v2;
	_ =	sdelay $0x1  }
0x188: {  	v4 =	vsub.f32 $1.500000000e+00, v4;
	_ =	sdelay $0x1  }
0x189: {  	v2 =	vmul.f32 v4, v2;
	_ =	sdelay $0x1  }
0x18a: {  	v3 =	vmul.f32 v2, v3;
	_ =	sdelay $0x1  }
0x18b: {  	v3 =	vmul.f32 v3, v2;
	_ =	sdelay $0x1  }
0x18c: {  	v3 =	vsub.f32 $1.500000000e+00, v3  }
.Ltmp2:
0x18d: {  	(pc) =	sbr.rel @p1 .LBB2_6-.Ltmp2, $4  }
0x18e: {  	v2 =	vmul.f32 v3, v2  }
0x18f: {  	vm0 =	vgt.f32 v1, $0.0e+00  }
0x190: {  	v1 =	vnsel vm0, $0x0, v2  }
0x191: {  	[tilespmem:s2+$0x13AF8] =	vst v1;
	s2 =	sshra.s32 s9, $0x2;
	s9 =	sadd.s32 $0x40, s9  }
0x192: {  	v1 =	vld [tilespmem:s2+$0x13AF8];
	_ =	sdelay $0x4  }
0x193: {  	v2 =	vshra.s32 v1, $0x1;
	v3 =	vmul.f32 $5.000000000e-01, v1  }
0x194: {  	v2 =	vsub.s32 $0x5F3759DF, v2  }
0x195: {  	v4 =	vmul.f32 v2, v3;
	_ =	sdelay $0x1  }
0x196: {  	v4 =	vmul.f32 v2, v4;
	_ =	sdelay $0x1  }
0x197: {  	v4 =	vsub.f32 $1.500000000e+00, v4;
	_ =	sdelay $0x1  }
0x198: {  	v2 =	vmul.f32 v2, v4;
	_ =	sdelay $0x1  }
0x199: {  	v4 =	vmul.f32 v2, v3;
	_ =	sdelay $0x1  }
0x19a: {  	v4 =	vmul.f32 v4, v2;
	_ =	sdelay $0x1  }
0x19b: {  	v4 =	vsub.f32 $1.500000000e+00, v4;
	_ =	sdelay $0x1  }
0x19c: {  	v2 =	vmul.f32 v4, v2;
	_ =	sdelay $0x1  }
0x19d: {  	v3 =	vmul.f32 v2, v3;
	_ =	sdelay $0x1  }
0x19e: {  	v3 =	vmul.f32 v3, v2;
	_ =	sdelay $0x1  }
0x19f: {  	v3 =	vsub.f32 $1.500000000e+00, v3;
	_ =	sdelay $0x1  }
0x1a0: {  	v2 =	vmul.f32 v3, v2  }
0x1a1: {  	vm0 =	vgt.f32 v1, $0.0e+00  }
0x1a2: {  	s20 =	rddreg [dreg:$0x3];
	v1 =	vnsel vm0, $0x0, v2  }
0x1a3: {  	s19 =	sld [smem:$0x7FD];
	[tilespmem:s2+$0x13AF8] =	vst v1  }
.LBB2_8:
0x1a4: {  	_ = 	snop  }
0x1a5: {  	s2 =	sshll.u32 s3, $0xB  }
0x1a6: {  	s2 =	sadd.s32 s19, s2  }
0x1a7: {  	s2 =	sshrl.u32 s2, $0x3  }
0x1a8: {  	s9 =	simm.s32 $0x0;
	s14 =	simm.s32 $0x5;
	s18 =	sadd.s32 s7, s2  }
0x1a9: {  	[tilespmem:s29], [sflag:$0x5] =	stream.linear.gather [hbm4b:s18+s9], $0x800, $0x38;
	[tilespmem:$0x1FD78] =	vst v63  }
0x1aa: {  	_ =	swait.ge [sflag:s14], $0x800  }
0x1ab: {  	[sflag:s14] =	ssyncset.done $0x0  }
0x1ac: {  	[sflag:s14] =	ssyncadd.s32 $0xFFFFF800  }
0x1ad: {  	s23 =	rddreg [dreg:$0x2]  }
0x1ae: {  	s24 =	smov.u32 s3;
	s15 =	simm.s32 $0x16A78;
	s3 =	sadd.s32 s23, s2  }
0x1af: {  	[tilespmem:s15], [sflag:$0x5] =	stream.linear.gather [hbm4b:s3+s9], $0x800, $0x38;
	[tilespmem:$0x1FD78] =	vst v63  }
0x1b0: {  	_ =	swait.ge [sflag:s14], $0x800  }
0x1b1: {  	[sflag:s14] =	ssyncset.done $0x0  }
0x1b2: {  	s2 =	sadd.s32 s8, s2;
	[sflag:s14] =	ssyncadd.s32 $0xFFFFF800  }
0x1b3: {  	[tilespmem:s30], [sflag:$0x5] =	stream.linear.gather [hbm4b:s2+s9], $0x800, $0x38;
	[tilespmem:$0x1FD78] =	vst v63  }
0x1b4: {  	_ =	swait.ge [sflag:s14], $0x800  }
0x1b5: {  	[sflag:s14] =	ssyncset.done $0x0  }
0x1b6: {  	s2 =	simm.s32 $0x0;
	[sflag:s14] =	ssyncadd.s32 $0xFFFFF800  }
0x1b7: {  	v1 =	vld [tilespmem:s2+$0x16278];
	_ =	sdelay $0x3  }
0x1b8: {  	v2 =	vld [tilespmem:s2+$0x16A78];
	_ =	sdelay $0x3  }
0x1b9: {  	v1 =	vld.idx.msk [tilespmem:v1+s22+$0x0], $0xffff;
	_ =	sdelay $0x1  }
0x1ba: {  	v3 =	vld [tilespmem:s2+$0x17278]  }
0x1bb: {  	v4 =	vld [tilespmem:s2+$0x16288]  }
0x1bc: {  	v2 =	vld.idx.msk [tilespmem:v2+s22+$0x0], $0xffff  }
0x1bd: {  	v1 =	vmul.f32 $-2.000000000e+00, v1;
	_ =	sdelay $0x1  }
0x1be: {  	v1 =	vmul.f32 v3, v1  }
0x1bf: {  	v3 =	vld [tilespmem:s2+$0x16A88]  }
0x1c0: {  	v1 =	vmul.f32 v1, v2;
	_ =	sdelay $0x1  }
0x1c1: {  	[tilespmem:s2+$0x17278] =	vst v1  }
0x1c2: {  	v1 =	vld.idx.msk [tilespmem:v4+s22+$0x0], $0xffff;
	_ =	sdelay $0x1  }
0x1c3: {  	v2 =	vld [tilespmem:s2+$0x17288]  }
0x1c4: {  	v4 =	vld [tilespmem:s2+$0x16298]  }
0x1c5: {  	v3 =	vld.idx.msk [tilespmem:v3+s22+$0x0], $0xffff  }
0x1c6: {  	v1 =	vmul.f32 $-2.000000000e+00, v1;
	_ =	sdelay $0x1  }
0x1c7: {  	v1 =	vmul.f32 v2, v1  }
0x1c8: {  	v2 =	vld [tilespmem:s2+$0x16A98]  }
0x1c9: {  	v1 =	vmul.f32 v1, v3;
	_ =	sdelay $0x1  }
0x1ca: {  	[tilespmem:s2+$0x17288] =	vst v1  }
0x1cb: {  	v1 =	vld.idx.msk [tilespmem:v4+s22+$0x0], $0xffff;
	_ =	sdelay $0x1  }
0x1cc: {  	v3 =	vld [tilespmem:s2+$0x17298]  }
0x1cd: {  	v4 =	vld [tilespmem:s2+$0x162A8]  }
0x1ce: {  	v2 =	vld.idx.msk [tilespmem:v2+s22+$0x0], $0xffff  }
0x1cf: {  	v1 =	vmul.f32 $-2.000000000e+00, v1;
	_ =	sdelay $0x1  }
0x1d0: {  	v1 =	vmul.f32 v3, v1  }
0x1d1: {  	v3 =	vld [tilespmem:s2+$0x16AA8]  }
0x1d2: {  	v1 =	vmul.f32 v1, v2;
	_ =	sdelay $0x1  }
0x1d3: {  	[tilespmem:s2+$0x17298] =	vst v1  }
0x1d4: {  	v1 =	vld.idx.msk [tilespmem:v4+s22+$0x0], $0xffff;
	_ =	sdelay $0x1  }
0x1d5: {  	v2 =	vld [tilespmem:s2+$0x172A8]  }
0x1d6: {  	v4 =	vld [tilespmem:s2+$0x162B8]  }
0x1d7: {  	v3 =	vld.idx.msk [tilespmem:v3+s22+$0x0], $0xffff  }
0x1d8: {  	v1 =	vmul.f32 $-2.000000000e+00, v1;
	_ =	sdelay $0x1  }
0x1d9: {  	v1 =	vmul.f32 v2, v1  }
0x1da: {  	v2 =	vld [tilespmem:s2+$0x16AB8]  }
0x1db: {  	v1 =	vmul.f32 v1, v3;
	_ =	sdelay $0x1  }
0x1dc: {  	[tilespmem:s2+$0x172A8] =	vst v1  }
0x1dd: {  	v1 =	vld.idx.msk [tilespmem:v4+s22+$0x0], $0xffff;
	_ =	sdelay $0x1  }
0x1de: {  	v3 =	vld [tilespmem:s2+$0x172B8]  }
0x1df: {  	v4 =	vld [tilespmem:s2+$0x162C8]  }
0x1e0: {  	v2 =	vld.idx.msk [tilespmem:v2+s22+$0x0], $0xffff  }
0x1e1: {  	v1 =	vmul.f32 $-2.000000000e+00, v1;
	_ =	sdelay $0x1  }
0x1e2: {  	v5 =	vld [tilespmem:s2+$0x16AC8];
	v1 =	vmul.f32 v3, v1;
	_ =	sdelay $0x1  }
0x1e3: {  	v1 =	vmul.f32 v1, v2;
	_ =	sdelay $0x1  }
0x1e4: {  	[tilespmem:s2+$0x172B8] =	vst v1  }
0x1e5: {  	v1 =	vld.idx.msk [tilespmem:v4+s22+$0x0], $0xffff;
	_ =	sdelay $0x1  }
0x1e6: {  	v2 =	vld [tilespmem:s2+$0x172C8]  }
0x1e7: {  	v3 =	vld.idx.msk [tilespmem:v5+s22+$0x0], $0xffff  }
0x1e8: {  	v4 =	vld [tilespmem:s2+$0x162D8]  }
0x1e9: {  	v1 =	vmul.f32 $-2.000000000e+00, v1;
	_ =	sdelay $0x1  }
0x1ea: {  	v5 =	vld [tilespmem:s2+$0x16AD8];
	v1 =	vmul.f32 v2, v1;
	_ =	sdelay $0x1  }
0x1eb: {  	v1 =	vmul.f32 v1, v3;
	_ =	sdelay $0x1  }
0x1ec: {  	[tilespmem:s2+$0x172C8] =	vst v1  }
0x1ed: {  	v1 =	vld.idx.msk [tilespmem:v4+s22+$0x0], $0xffff;
	_ =	sdelay $0x1  }
0x1ee: {  	v2 =	vld [tilespmem:s2+$0x172D8]  }
0x1ef: {  	v3 =	vld.idx.msk [tilespmem:v5+s22+$0x0], $0xffff  }
0x1f0: {  	v4 =	vld [tilespmem:s2+$0x162E8]  }
0x1f1: {  	v1 =	vmul.f32 $-2.000000000e+00, v1;
	_ =	sdelay $0x1  }
0x1f2: {  	v1 =	vmul.f32 v2, v1;
	v2 =	vld [tilespmem:s2+$0x16AE8];
	_ =	sdelay $0x1  }
0x1f3: {  	v1 =	vmul.f32 v1, v3;
	_ =	sdelay $0x1  }
0x1f4: {  	[tilespmem:s2+$0x172D8] =	vst v1  }
0x1f5: {  	v1 =	vld.idx.msk [tilespmem:v4+s22+$0x0], $0xffff;
	_ =	sdelay $0x1  }
0x1f6: {  	v3 =	vld [tilespmem:s2+$0x172E8]  }
0x1f7: {  	s15 =	simm.s32 $0x80;
	v4 =	vld.idx.msk [tilespmem:v2+s22+$0x0], $0xffff  }
0x1f8: {  	v2 =	vld [tilespmem:s15+$0x16278]  }
0x1f9: {  	v1 =	vmul.f32 $-2.000000000e+00, v1;
	_ =	sdelay $0x1  }
0x1fa: {  	v3 =	vmul.f32 v3, v1  }
0x1fb: {  	v1 =	vld [tilespmem:s15+$0x16A78]  }
0x1fc: {  	s9 =	simm.s32 $0x400;
	v3 =	vmul.f32 v3, v4  }
.LBB2_9:
0x1fd: {  	_ = 	snop  }
0x1fe: {  	p1 =	sne.s32 s9, $0x1E00;
	s14 =	smov.u32 s9;
	s9 =	sadd.s32 $0x200, s9;
	[tilespmem:s2+$0x172E8] =	vst v3  }
0x1ff: {  	s2 =	smov.u32 s15;
	v2 =	vld.idx.msk [tilespmem:v2+s22+$0x0], $0xffff;
	_ =	sdelay $0x2  }
0x200: {  	v3 =	vld [tilespmem:s2+$0x17278]  }
0x201: {  	v1 =	vld.idx.msk [tilespmem:v1+s22+$0x0], $0xffff  }
0x202: {  	v4 =	vld [tilespmem:s2+$0x16288]  }
0x203: {  	v2 =	vmul.f32 $-2.000000000e+00, v2;
	_ =	sdelay $0x1  }
0x204: {  	v2 =	vmul.f32 v3, v2  }
0x205: {  	v3 =	vld [tilespmem:s2+$0x16A88]  }
0x206: {  	v1 =	vmul.f32 v2, v1;
	_ =	sdelay $0x1  }
0x207: {  	[tilespmem:s2+$0x17278] =	vst v1  }
0x208: {  	v1 =	vld.idx.msk [tilespmem:v4+s22+$0x0], $0xffff;
	_ =	sdelay $0x2  }
0x209: {  	v2 =	vld [tilespmem:s2+$0x17288]  }
0x20a: {  	v3 =	vld.idx.msk [tilespmem:v3+s22+$0x0], $0xffff  }
0x20b: {  	v4 =	vld [tilespmem:s2+$0x16298]  }
0x20c: {  	v1 =	vmul.f32 $-2.000000000e+00, v1;
	_ =	sdelay $0x1  }
0x20d: {  	v1 =	vmul.f32 v2, v1  }
0x20e: {  	v2 =	vld [tilespmem:s2+$0x16A98]  }
0x20f: {  	v1 =	vmul.f32 v1, v3;
	_ =	sdelay $0x1  }
0x210: {  	[tilespmem:s2+$0x17288] =	vst v1  }
0x211: {  	v1 =	vld.idx.msk [tilespmem:v4+s22+$0x0], $0xffff;
	_ =	sdelay $0x2  }
0x212: {  	v3 =	vld [tilespmem:s2+$0x17298]  }
0x213: {  	v2 =	vld.idx.msk [tilespmem:v2+s22+$0x0], $0xffff  }
0x214: {  	v4 =	vld [tilespmem:s2+$0x162A8]  }
0x215: {  	v1 =	vmul.f32 $-2.000000000e+00, v1;
	_ =	sdelay $0x1  }
0x216: {  	v1 =	vmul.f32 v3, v1  }
0x217: {  	v3 =	vld [tilespmem:s2+$0x16AA8]  }
0x218: {  	v1 =	vmul.f32 v1, v2;
	_ =	sdelay $0x1  }
0x219: {  	[tilespmem:s2+$0x17298] =	vst v1  }
0x21a: {  	v1 =	vld.idx.msk [tilespmem:v4+s22+$0x0], $0xffff;
	_ =	sdelay $0x2  }
0x21b: {  	v2 =	vld [tilespmem:s2+$0x172A8]  }
0x21c: {  	v3 =	vld.idx.msk [tilespmem:v3+s22+$0x0], $0xffff  }
0x21d: {  	v4 =	vld [tilespmem:s2+$0x162B8]  }
0x21e: {  	v1 =	vmul.f32 $-2.000000000e+00, v1;
	_ =	sdelay $0x1  }
0x21f: {  	v1 =	vmul.f32 v2, v1  }
0x220: {  	v2 =	vld [tilespmem:s2+$0x16AB8]  }
0x221: {  	v1 =	vmul.f32 v1, v3;
	_ =	sdelay $0x1  }
0x222: {  	[tilespmem:s2+$0x172A8] =	vst v1  }
0x223: {  	v1 =	vld.idx.msk [tilespmem:v4+s22+$0x0], $0xffff;
	_ =	sdelay $0x2  }
0x224: {  	v3 =	vld [tilespmem:s2+$0x172B8]  }
0x225: {  	v2 =	vld.idx.msk [tilespmem:v2+s22+$0x0], $0xffff  }
0x226: {  	v4 =	vld [tilespmem:s2+$0x162C8]  }
0x227: {  	v1 =	vmul.f32 $-2.000000000e+00, v1;
	v5 =	vld [tilespmem:s2+$0x16AC8];
	_ =	sdelay $0x1  }
0x228: {  	v1 =	vmul.f32 v3, v1;
	_ =	sdelay $0x1  }
0x229: {  	v1 =	vmul.f32 v1, v2;
	_ =	sdelay $0x1  }
0x22a: {  	[tilespmem:s2+$0x172B8] =	vst v1  }
0x22b: {  	v1 =	vld.idx.msk [tilespmem:v4+s22+$0x0], $0xffff  }
0x22c: {  	v2 =	vld.idx.msk [tilespmem:v5+s22+$0x0], $0xffff;
	_ =	sdelay $0x1  }
0x22d: {  	v3 =	vld [tilespmem:s2+$0x172C8];
	_ =	sdelay $0x1  }
0x22e: {  	v4 =	vld [tilespmem:s2+$0x162D8]  }
0x22f: {  	v1 =	vmul.f32 $-2.000000000e+00, v1;
	v5 =	vld [tilespmem:s2+$0x16AD8];
	_ =	sdelay $0x1  }
0x230: {  	v1 =	vmul.f32 v3, v1;
	_ =	sdelay $0x1  }
0x231: {  	v1 =	vmul.f32 v1, v2;
	_ =	sdelay $0x1  }
0x232: {  	[tilespmem:s2+$0x172C8] =	vst v1  }
0x233: {  	v1 =	vld.idx.msk [tilespmem:v4+s22+$0x0], $0xffff  }
0x234: {  	v2 =	vld.idx.msk [tilespmem:v5+s22+$0x0], $0xffff;
	_ =	sdelay $0x1  }
0x235: {  	v3 =	vld [tilespmem:s2+$0x172D8];
	_ =	sdelay $0x1  }
0x236: {  	v4 =	vld [tilespmem:s2+$0x162E8]  }
0x237: {  	v1 =	vmul.f32 $-2.000000000e+00, v1;
	v5 =	vld [tilespmem:s2+$0x16AE8];
	_ =	sdelay $0x1  }
0x238: {  	v1 =	vmul.f32 v3, v1;
	_ =	sdelay $0x1  }
0x239: {  	v1 =	vmul.f32 v1, v2;
	_ =	sdelay $0x1  }
0x23a: {  	[tilespmem:s2+$0x172D8] =	vst v1  }
0x23b: {  	v3 =	vld.idx.msk [tilespmem:v4+s22+$0x0], $0xffff  }
0x23c: {  	v4 =	vld.idx.msk [tilespmem:v5+s22+$0x0], $0xffff;
	_ =	sdelay $0x1  }
0x23d: {  	v5 =	vld [tilespmem:s2+$0x172E8]  }
0x23e: {  	s15 =	sshra.s32 s14, $0x2  }
0x23f: {  	v2 =	vld [tilespmem:s15+$0x16278]  }
.Ltmp3:
0x240: {  	v3 =	vmul.f32 $-2.000000000e+00, v3;
	v1 =	vld [tilespmem:s15+$0x16A78];
	(pc) =	sbr.rel @p1 .LBB2_9-.Ltmp3, $3  }
0x241: {  	_ = 	snop  }
0x242: {  	v3 =	vmul.f32 v5, v3;
	_ =	sdelay $0x1  }
0x243: {  	v3 =	vmul.f32 v3, v4  }
0x244: {  	_ =	sdelay $0x2  }
0x245: {  	[tilespmem:s2+$0x172E8] =	vst v3  }
0x246: {  	v2 =	vld.idx.msk [tilespmem:v2+s22+$0x0], $0xffff;
	_ =	sdelay $0x1  }
0x247: {  	v3 =	vld [tilespmem:s15+$0x17278]  }
0x248: {  	v1 =	vld.idx.msk [tilespmem:v1+s22+$0x0], $0xffff  }
0x249: {  	v4 =	vld [tilespmem:s15+$0x16288]  }
0x24a: {  	v2 =	vmul.f32 $-2.000000000e+00, v2;
	_ =	sdelay $0x1  }
0x24b: {  	v2 =	vmul.f32 v3, v2  }
0x24c: {  	v3 =	vld [tilespmem:s15+$0x16A88]  }
0x24d: {  	v1 =	vmul.f32 v2, v1;
	_ =	sdelay $0x1  }
0x24e: {  	[tilespmem:s15+$0x17278] =	vst v1  }
0x24f: {  	v1 =	vld.idx.msk [tilespmem:v4+s22+$0x0], $0xffff;
	_ =	sdelay $0x1  }
0x250: {  	v2 =	vld [tilespmem:s15+$0x17288]  }
0x251: {  	v57 =	vld [tilespmem:s15+$0x16298]  }
0x252: {  	v3 =	vld.idx.msk [tilespmem:v3+s22+$0x0], $0xffff  }
0x253: {  	v1 =	vmul.f32 $-2.000000000e+00, v1;
	_ =	sdelay $0x1  }
0x254: {  	v1 =	vmul.f32 v2, v1  }
0x255: {  	v2 =	vld [tilespmem:s15+$0x16A98]  }
0x256: {  	v1 =	vmul.f32 v1, v3;
	_ =	sdelay $0x1  }
0x257: {  	[tilespmem:s15+$0x17288] =	vst v1  }
0x258: {  	v1 =	vld.idx.msk [tilespmem:v57+s22+$0x0], $0xffff;
	_ =	sdelay $0x1  }
0x259: {  	v3 =	vld [tilespmem:s15+$0x17298]  }
0x25a: {  	v58 =	vld [tilespmem:s15+$0x162A8]  }
0x25b: {  	v2 =	vld.idx.msk [tilespmem:v2+s22+$0x0], $0xffff  }
0x25c: {  	v1 =	vmul.f32 $-2.000000000e+00, v1;
	_ =	sdelay $0x1  }
0x25d: {  	v1 =	vmul.f32 v3, v1  }
0x25e: {  	v3 =	vld [tilespmem:s15+$0x16AA8]  }
0x25f: {  	v1 =	vmul.f32 v1, v2;
	_ =	sdelay $0x1  }
0x260: {  	[tilespmem:s15+$0x17298] =	vst v1  }
0x261: {  	v1 =	vld.idx.msk [tilespmem:v58+s22+$0x0], $0xffff;
	_ =	sdelay $0x1  }
0x262: {  	v2 =	vld [tilespmem:s15+$0x172A8]  }
0x263: {  	v59 =	vld [tilespmem:s15+$0x162B8]  }
0x264: {  	v3 =	vld.idx.msk [tilespmem:v3+s22+$0x0], $0xffff  }
0x265: {  	v1 =	vmul.f32 $-2.000000000e+00, v1;
	_ =	sdelay $0x1  }
0x266: {  	v1 =	vmul.f32 v2, v1  }
0x267: {  	v2 =	vld [tilespmem:s15+$0x16AB8]  }
0x268: {  	v1 =	vmul.f32 v1, v3;
	_ =	sdelay $0x1  }
0x269: {  	[tilespmem:s15+$0x172A8] =	vst v1  }
0x26a: {  	v1 =	vld.idx.msk [tilespmem:v59+s22+$0x0], $0xffff;
	_ =	sdelay $0x1  }
0x26b: {  	v3 =	vld [tilespmem:s15+$0x172B8]  }
0x26c: {  	v60 =	vld [tilespmem:s15+$0x162C8]  }
0x26d: {  	v2 =	vld.idx.msk [tilespmem:v2+s22+$0x0], $0xffff  }
0x26e: {  	v1 =	vmul.f32 $-2.000000000e+00, v1;
	_ =	sdelay $0x1  }
0x26f: {  	v1 =	vmul.f32 v3, v1  }
0x270: {  	v5 =	vld [tilespmem:s15+$0x16AC8]  }
0x271: {  	v1 =	vmul.f32 v1, v2;
	_ =	sdelay $0x1  }
0x272: {  	[tilespmem:s15+$0x172B8] =	vst v1  }
0x273: {  	v1 =	vld.idx.msk [tilespmem:v60+s22+$0x0], $0xffff;
	_ =	sdelay $0x1  }
0x274: {  	v2 =	vld [tilespmem:s15+$0x172C8]  }
0x275: {  	v61 =	vld [tilespmem:s15+$0x162D8]  }
0x276: {  	v3 =	vld.idx.msk [tilespmem:v5+s22+$0x0], $0xffff  }
0x277: {  	v1 =	vmul.f32 $-2.000000000e+00, v1;
	_ =	sdelay $0x1  }
0x278: {  	v1 =	vmul.f32 v2, v1  }
0x279: {  	v62 =	vld [tilespmem:s15+$0x16AD8]  }
0x27a: {  	v1 =	vmul.f32 v1, v3;
	_ =	sdelay $0x1  }
0x27b: {  	[tilespmem:s15+$0x172C8] =	vst v1  }
0x27c: {  	v1 =	vld.idx.msk [tilespmem:v61+s22+$0x0], $0xffff;
	_ =	sdelay $0x1  }
0x27d: {  	v2 =	vld [tilespmem:s15+$0x172D8]  }
0x27e: {  	v63 =	vld [tilespmem:s15+$0x162E8]  }
0x27f: {  	v3 =	vld.idx.msk [tilespmem:v62+s22+$0x0], $0xffff  }
0x280: {  	v1 =	vmul.f32 $-2.000000000e+00, v1;
	_ =	sdelay $0x1  }
0x281: {  	v1 =	vmul.f32 v2, v1  }
0x282: {  	v2 =	vld [tilespmem:s15+$0x16AE8]  }
0x283: {  	v1 =	vmul.f32 v1, v3;
	_ =	sdelay $0x1  }
0x284: {  	[tilespmem:s15+$0x172D8] =	vst v1  }
0x285: {  	v1 =	vld.idx.msk [tilespmem:v63+s22+$0x0], $0xffff;
	_ =	sdelay $0x1  }
0x286: {  	v3 =	vld [tilespmem:s15+$0x172E8];
	_ =	sdelay $0x1  }
0x287: {  	v2 =	vld.idx.msk [tilespmem:v2+s22+$0x0], $0xffff  }
0x288: {  	v1 =	vmul.f32 $-2.000000000e+00, v1;
	_ =	sdelay $0x1  }
0x289: {  	v1 =	vmul.f32 v3, v1;
	_ =	sdelay $0x1  }
0x28a: {  	v1 =	vmul.f32 v1, v2;
	_ =	sdelay $0x1  }
0x28b: {  	s23 =	simm.s32 $0x16A78;
	[tilespmem:s15+$0x172E8] =	vst v1  }
0x28c: {  	[tilespmem:s28], [sflag:$0x1] =	stream.indirect.gather [hbm4b:s1+s11], $0x80, s23, s11, $0xb8;
	[tilespmem:$0x1FD78] =	vst v63  }
0x28d: {  	_ =	swait.ge [sflag:s31], $0x4000  }
0x28e: {  	[sflag:s31] =	ssyncset.done $0x0  }
0x28f: {  	s23 =	simm.s32 $0x0;
	[sflag:s31] =	ssyncadd.s32 $0xFFFFC000  }
.LBB2_11:
0x290: {  	s9 =	sshll.u32 s23, $0x8  }
0x291: {  	s2 =	sadd.s32 $0x16AF8, s9  }
0x292: {  	[tilespmem:s26], [sflag:$0x2] =	stream.indirect.gather [hbm4b:s1+s11], $0x80, s2, s11, $0xb8;
	[tilespmem:$0x1FD78] =	vst v63  }
0x293: {  	v1 =	vld [tilespmem:s9+$0x17278];
	_ =	sdelay $0x4  }
0x294: {  	[tilespmem:$0x1FA78] =	vst v1  }
0x295: {  	v1 =	vld [tilespmem:s9+$0x17288];
	_ =	sdelay $0x4  }
0x296: {  	[tilespmem:$0x1FA88] =	vst v1  }
0x297: {  	v1 =	vld [tilespmem:s9+$0x17298];
	_ =	sdelay $0x4  }
0x298: {  	[tilespmem:$0x1FA98] =	vst v1  }
0x299: {  	v1 =	vld [tilespmem:s9+$0x172A8];
	_ =	sdelay $0x4  }
0x29a: {  	[tilespmem:$0x1FAA8] =	vst v1  }
0x29b: {  	v1 =	vld [tilespmem:s9+$0x172B8];
	_ =	sdelay $0x4  }
0x29c: {  	[tilespmem:$0x1FAB8] =	vst v1  }
0x29d: {  	v1 =	vld [tilespmem:s9+$0x172C8];
	_ =	sdelay $0x4  }
0x29e: {  	[tilespmem:$0x1FAC8] =	vst v1  }
0x29f: {  	v1 =	vld [tilespmem:s9+$0x172D8];
	_ =	sdelay $0x3  }
0x2a0: {  	s15 =	simm.s32 $0x0  }
0x2a1: {  	v2 =	vmov s15;
	[tilespmem:$0x1FAD8] =	vst v1  }
0x2a2: {  	v2 =	vand.u32 $0xFFFFFFF8, v2;
	v1 =	vld [tilespmem:s9+$0x172E8]  }
0x2a3: {  	v2 =	vbroadcast v2, $0x0;
	_ =	sdelay $0x3  }
0x2a4: {  	s2 =	simm.s32 $0x17C78;
	[tilespmem:$0x1FAE8] =	vst v1  }
0x2a5: {  	v3 =	vld [tilespmem:s2+$0xFFFFFE70]  }
0x2a6: {  	v2 =	vld.idx.msk [tilespmem:v2+s10+$0x0], $0xffff  }
0x2a7: {  	v4 =	vld [tilespmem:s2+$0xFFFFFE00]  }
0x2a8: {  	v5 =	vld [tilespmem:s2+$0xFFFFFE20]  }
0x2a9: {  	v6 =	vld [tilespmem:s2+$0xFFFFFE30]  }
0x2aa: {  	v1 =	vld [tilespmem:s2+$0xFFFFFE50]  }
0x2ab: {  	v8 =	vld [tilespmem:s2+$0xFFFFFE10];
	v3 =	vmul.f32 v3, v2  }
0x2ac: {  	s3 =	simm.s32 $0x1;
	v7 =	vld [tilespmem:s2+$0xFFFFFE60];
	v4 =	vmul.f32 v4, v2  }
0x2ad: {  	v9 =	vld [tilespmem:s2+$0xFFFFFE40];
	v5 =	vmul.f32 v5, v2;
	[tilespmem:s2+$0xFFFFFE70] =	vst v3;
	v3 =	vmov s3  }
0x2ae: {  	v6 =	vmul.f32 v6, v2;
	[tilespmem:s2+$0xFFFFFE00] =	vst v4;
	v3 =	vand.u32 $0xFFFFFFF9, v3  }
0x2af: {  	v1 =	vmul.f32 v1, v2;
	[tilespmem:s2+$0xFFFFFE20] =	vst v5;
	v3 =	vbroadcast v3, $0x0  }
0x2b0: {  	v4 =	vmul.f32 v8, v2;
	[tilespmem:s2+$0xFFFFFE30] =	vst v6  }
0x2b1: {  	v5 =	vmul.f32 v7, v2;
	[tilespmem:s2+$0xFFFFFE50] =	vst v1  }
0x2b2: {  	v1 =	vmul.f32 v9, v2;
	[tilespmem:s2+$0xFFFFFE10] =	vst v4  }
0x2b3: {  	[tilespmem:s2+$0xFFFFFE60] =	vst v5  }
0x2b4: {  	[tilespmem:s2+$0xFFFFFE40] =	vst v1  }
0x2b5: {  	v1 =	vld.idx.msk [tilespmem:v3+s10+$0x0], $0xffff  }
0x2b6: {  	v3 =	vld [tilespmem:s2+$0xFFFFFE90]  }
0x2b7: {  	v4 =	vld [tilespmem:s2+$0xFFFFFEC0]  }
0x2b8: {  	v5 =	vld [tilespmem:s2+$0xFFFFFE80]  }
0x2b9: {  	v6 =	vld [tilespmem:s2+$0xFFFFFED0]  }
0x2ba: {  	v2 =	vld [tilespmem:s2+$0xFFFFFEF0]  }
0x2bb: {  	v7 =	vld [tilespmem:s2+$0xFFFFFEE0];
	v3 =	vmul.f32 v3, v1  }
0x2bc: {  	s16 =	simm.s32 $0x2;
	v8 =	vld [tilespmem:s2+$0xFFFFFEB0];
	v4 =	vmul.f32 v4, v1  }
0x2bd: {  	v9 =	vld [tilespmem:s2+$0xFFFFFEA0];
	v5 =	vmul.f32 v5, v1;
	[tilespmem:s2+$0xFFFFFE90] =	vst v3;
	v3 =	vmov s16  }
0x2be: {  	v6 =	vmul.f32 v6, v1;
	[tilespmem:s2+$0xFFFFFEC0] =	vst v4;
	v3 =	vand.u32 $0xFFFFFFFA, v3  }
0x2bf: {  	v2 =	vmul.f32 v2, v1;
	[tilespmem:s2+$0xFFFFFE80] =	vst v5;
	v3 =	vbroadcast v3, $0x0  }
0x2c0: {  	v4 =	vmul.f32 v7, v1;
	[tilespmem:s2+$0xFFFFFED0] =	vst v6  }
0x2c1: {  	v5 =	vmul.f32 v8, v1;
	[tilespmem:s2+$0xFFFFFEF0] =	vst v2  }
0x2c2: {  	v1 =	vmul.f32 v9, v1;
	[tilespmem:s2+$0xFFFFFEE0] =	vst v4  }
0x2c3: {  	[tilespmem:s2+$0xFFFFFEB0] =	vst v5  }
0x2c4: {  	v2 =	vld [tilespmem:s2+$0xFFFFFF00];
	[tilespmem:s2+$0xFFFFFEA0] =	vst v1  }
0x2c5: {  	v1 =	vld.idx.msk [tilespmem:v3+s10+$0x0], $0xffff  }
0x2c6: {  	v3 =	vld [tilespmem:s2+$0xFFFFFF60]  }
0x2c7: {  	v4 =	vld [tilespmem:s2+$0xFFFFFF10]  }
0x2c8: {  	v5 =	vld [tilespmem:s2+$0xFFFFFF50]  }
0x2c9: {  	v6 =	vld [tilespmem:s2+$0xFFFFFF70]  }
0x2ca: {  	v7 =	vld [tilespmem:s2+$0xFFFFFF20];
	v2 =	vmul.f32 v2, v1  }
0x2cb: {  	s17 =	simm.s32 $0x3;
	v8 =	vld [tilespmem:s2+$0xFFFFFF30];
	v3 =	vmul.f32 v3, v1  }
0x2cc: {  	v9 =	vld [tilespmem:s2+$0xFFFFFF40];
	v4 =	vmul.f32 v4, v1;
	[tilespmem:s2+$0xFFFFFF00] =	vst v2;
	v2 =	vmov s17  }
0x2cd: {  	v5 =	vmul.f32 v5, v1;
	[tilespmem:s2+$0xFFFFFF60] =	vst v3;
	v2 =	vand.u32 $0xFFFFFFFB, v2  }
0x2ce: {  	v3 =	vmul.f32 v6, v1;
	[tilespmem:s2+$0xFFFFFF10] =	vst v4;
	v2 =	vbroadcast v2, $0x0  }
0x2cf: {  	v4 =	vmul.f32 v7, v1;
	[tilespmem:s2+$0xFFFFFF50] =	vst v5  }
0x2d0: {  	v5 =	vmul.f32 v8, v1;
	[tilespmem:s2+$0xFFFFFF70] =	vst v3  }
0x2d1: {  	v1 =	vmul.f32 v9, v1;
	[tilespmem:s2+$0xFFFFFF20] =	vst v4  }
0x2d2: {  	[tilespmem:s2+$0xFFFFFF30] =	vst v5  }
0x2d3: {  	[tilespmem:s2+$0xFFFFFF40] =	vst v1  }
0x2d4: {  	v1 =	vld.idx.msk [tilespmem:v2+s10+$0x0], $0xffff  }
0x2d5: {  	v2 =	vld [tilespmem:s2+$0xFFFFFFB0]  }
0x2d6: {  	v4 =	vld [tilespmem:s2+$0xFFFFFFE0]  }
0x2d7: {  	v5 =	vld [tilespmem:s2+$0xFFFFFF80]  }
0x2d8: {  	v6 =	vld [tilespmem:s2+$0xFFFFFFD0]  }
0x2d9: {  	v3 =	vld [tilespmem:s2+$0xFFFFFFF0]  }
0x2da: {  	v8 =	vld [tilespmem:s2+$0xFFFFFFA0];
	v2 =	vmul.f32 v2, v1  }
0x2db: {  	s18 =	simm.s32 $0x4;
	v7 =	vld [tilespmem:s2+$0xFFFFFF90];
	v4 =	vmul.f32 v4, v1  }
0x2dc: {  	v9 =	vld [tilespmem:s2+$0xFFFFFFC0];
	v5 =	vmul.f32 v5, v1;
	[tilespmem:s2+$0xFFFFFFB0] =	vst v2;
	v2 =	vmov s18  }
0x2dd: {  	v6 =	vmul.f32 v6, v1;
	[tilespmem:s2+$0xFFFFFFE0] =	vst v4;
	v2 =	vand.u32 $0xFFFFFFFC, v2  }
0x2de: {  	v3 =	vmul.f32 v3, v1;
	[tilespmem:s2+$0xFFFFFF80] =	vst v5;
	v2 =	vbroadcast v2, $0x0  }
0x2df: {  	v10 =	vld [tilespmem:s2+$0x40];
	v4 =	vmul.f32 v8, v1;
	[tilespmem:s2+$0xFFFFFFD0] =	vst v6  }
0x2e0: {  	v5 =	vmul.f32 v7, v1;
	[tilespmem:s2+$0xFFFFFFF0] =	vst v3;
	v8 =	vld [tilespmem:s2+$0x0]  }
0x2e1: {  	v3 =	vmul.f32 v9, v1;
	v1 =	vld [tilespmem:s2+$0x70];
	[tilespmem:s2+$0xFFFFFFA0] =	vst v4  }
0x2e2: {  	v7 =	vld [tilespmem:s2+$0x20];
	[tilespmem:s2+$0xFFFFFF90] =	vst v5  }
0x2e3: {  	v6 =	vld [tilespmem:s2+$0x30];
	[tilespmem:s2+$0xFFFFFFC0] =	vst v3  }
0x2e4: {  	v2 =	vld.idx.msk [tilespmem:v2+s10+$0x0], $0xffff  }
0x2e5: {  	v3 =	vld [tilespmem:s2+$0x50]  }
0x2e6: {  	v4 =	vld [tilespmem:s2+$0x10]  }
0x2e7: {  	v5 =	vld [tilespmem:s2+$0x60]  }
0x2e8: {  	s14 =	simm.s32 $0x17C78  }
0x2e9: {  	s15 =	sor.u32 $0x80, s9;
	s16 =	simm.s32 $0x7;
	s17 =	simm.s32 $0xF;
	v9 =	vmul.f32 v8, v2;
	v8 =	vmul.f32 v10, v2  }
.LBB2_12:
0x2ea: {  	p1 =	sne.s32 s17, $0x7F;
	v7 =	vmul.f32 v7, v2;
	v6 =	vmul.f32 v6, v2;
	s3 =	sadd.s32 $0xFFFFFFFE, s16;
	s2 =	sadd.s32 $0x400, s2  }
0x2eb: {  	v3 =	vmul.f32 v3, v2;
	s18 =	smov.u32 s17;
	s17 =	sadd.s32 $0x8, s17;
	[tilespmem:s14+$0x0] =	vst v9;
	v4 =	vmul.f32 v4, v2;
	v9 =	vmov s3  }
0x2ec: {  	v1 =	vmul.f32 v1, v2;
	[tilespmem:s14+$0x40] =	vst v8;
	v5 =	vmul.f32 v5, v2;
	v2 =	vand.u32 $0xFFFFFFFD, v9  }
0x2ed: {  	[tilespmem:s14+$0x20] =	vst v7;
	v2 =	vbroadcast v2, $0x0  }
0x2ee: {  	[tilespmem:s14+$0x50] =	vst v3  }
0x2ef: {  	[tilespmem:s14+$0x70] =	vst v1;
	v1 =	vld [tilespmem:s14+$0xA0]  }
0x2f0: {  	[tilespmem:s14+$0x30] =	vst v6;
	v3 =	vld [tilespmem:s14+$0x80]  }
0x2f1: {  	[tilespmem:s14+$0x60] =	vst v5;
	v5 =	vld [tilespmem:s14+$0xD0]  }
0x2f2: {  	[tilespmem:s14+$0x10] =	vst v4;
	v4 =	vld [tilespmem:s14+$0xF0]  }
0x2f3: {  	v2 =	vld.idx.msk [tilespmem:v2+s10+$0x0], $0xffff  }
0x2f4: {  	v6 =	vld [tilespmem:s14+$0xC0]  }
0x2f5: {  	v7 =	vld [tilespmem:s14+$0xB0]  }
0x2f6: {  	v8 =	vld [tilespmem:s14+$0x90]  }
0x2f7: {  	v9 =	vld [tilespmem:s14+$0xE0];
	_ =	sdelay $0x1  }
0x2f8: {  	v3 =	vmul.f32 v3, v2;
	v6 =	vmul.f32 v6, v2  }
0x2f9: {  	s3 =	sadd.s32 $0xFFFFFFFF, s16;
	v1 =	vmul.f32 v1, v2;
	v7 =	vmul.f32 v7, v2  }
0x2fa: {  	v5 =	vmul.f32 v5, v2;
	[tilespmem:s14+$0x80] =	vst v3;
	v3 =	vmul.f32 v8, v2;
	v8 =	vmov s3  }
0x2fb: {  	[tilespmem:s14+$0xA0] =	vst v1;
	v1 =	vmul.f32 v9, v2;
	v2 =	vmul.f32 v4, v2;
	v4 =	vand.u32 $0xFFFFFFFE, v8  }
0x2fc: {  	[tilespmem:s14+$0xD0] =	vst v5;
	v4 =	vbroadcast v4, $0x0  }
0x2fd: {  	[tilespmem:s14+$0xC0] =	vst v6  }
0x2fe: {  	[tilespmem:s14+$0xF0] =	vst v2;
	v2 =	vld [tilespmem:s14+$0x120]  }
0x2ff: {  	[tilespmem:s14+$0xB0] =	vst v7;
	v5 =	vld [tilespmem:s14+$0x100]  }
0x300: {  	[tilespmem:s14+$0x90] =	vst v3;
	v3 =	vld [tilespmem:s14+$0x140]  }
0x301: {  	[tilespmem:s14+$0xE0] =	vst v1;
	v1 =	vld [tilespmem:s14+$0x130]  }
0x302: {  	v4 =	vld.idx.msk [tilespmem:v4+s10+$0x0], $0xffff  }
0x303: {  	v6 =	vld [tilespmem:s14+$0x110]  }
0x304: {  	v7 =	vld [tilespmem:s14+$0x160]  }
0x305: {  	v8 =	vld [tilespmem:s14+$0x150]  }
0x306: {  	v9 =	vld [tilespmem:s14+$0x170];
	_ =	sdelay $0x1  }
0x307: {  	v5 =	vmul.f32 v5, v4;
	v6 =	vmul.f32 v6, v4  }
0x308: {  	v2 =	vmul.f32 v2, v4;
	v1 =	vmul.f32 v1, v4  }
0x309: {  	v3 =	vmul.f32 v3, v4;
	[tilespmem:s14+$0x100] =	vst v5;
	v5 =	vmul.f32 v8, v4  }
0x30a: {  	[tilespmem:s14+$0x120] =	vst v2;
	v2 =	vmul.f32 v7, v4;
	v4 =	vmul.f32 v9, v4  }
0x30b: {  	[tilespmem:s14+$0x130] =	vst v1  }
0x30c: {  	v1 =	vmov s16;
	s16 =	smov.u32 s18;
	[tilespmem:s14+$0x140] =	vst v3  }
0x30d: {  	[tilespmem:s14+$0x160] =	vst v2;
	v2 =	vld [tilespmem:s14+$0x180]  }
0x30e: {  	[tilespmem:s14+$0x110] =	vst v6;
	v3 =	vld [tilespmem:s14+$0x1A0]  }
0x30f: {  	[tilespmem:s14+$0x150] =	vst v5;
	v5 =	vld [tilespmem:s14+$0x1F0]  }
0x310: {  	[tilespmem:s14+$0x170] =	vst v4;
	v4 =	vld [tilespmem:s14+$0x1D0]  }
0x311: {  	v1 =	vld.idx.msk [tilespmem:v1+s10+$0x0], $0xffff  }
0x312: {  	v6 =	vld [tilespmem:s14+$0x190]  }
0x313: {  	v7 =	vld [tilespmem:s14+$0x1B0]  }
0x314: {  	v8 =	vld [tilespmem:s14+$0x1C0]  }
0x315: {  	v9 =	vld [tilespmem:s14+$0x1E0];
	_ =	sdelay $0x1  }
0x316: {  	v2 =	vmul.f32 v2, v1;
	v6 =	vmul.f32 v6, v1  }
0x317: {  	s3 =	sadd.s32 $0xFFFFFFF9, s16;
	v3 =	vmul.f32 v3, v1;
	v7 =	vmul.f32 v7, v1  }
0x318: {  	v10 =	vmov s3;
	v4 =	vmul.f32 v4, v1;
	[tilespmem:s14+$0x180] =	vst v2;
	v2 =	vmul.f32 v8, v1  }
0x319: {  	v8 =	vand.u32 $0xFFFFFFF8, v10;
	[tilespmem:s14+$0x190] =	vst v6;
	v6 =	vmul.f32 v9, v1;
	v1 =	vmul.f32 v5, v1  }
0x31a: {  	v5 =	vbroadcast v8, $0x0;
	[tilespmem:s14+$0x1A0] =	vst v3  }
0x31b: {  	[tilespmem:s14+$0x1F0] =	vst v1  }
0x31c: {  	v1 =	vld [tilespmem:s2+$0xFFFFFE50];
	[tilespmem:s14+$0x1D0] =	vst v4  }
0x31d: {  	v3 =	vld [tilespmem:s2+$0xFFFFFE30];
	[tilespmem:s14+$0x1B0] =	vst v7  }
0x31e: {  	v4 =	vld [tilespmem:s2+$0xFFFFFE60];
	[tilespmem:s14+$0x1E0] =	vst v6  }
0x31f: {  	v6 =	vld [tilespmem:s2+$0xFFFFFE70];
	[tilespmem:s14+$0x1C0] =	vst v2;
	s14 =	smov.u32 s2  }
0x320: {  	v2 =	vld.idx.msk [tilespmem:v5+s10+$0x0], $0xffff  }
0x321: {  	v5 =	vld [tilespmem:s2+$0xFFFFFE00]  }
0x322: {  	v7 =	vld [tilespmem:s2+$0xFFFFFE20]  }
0x323: {  	v8 =	vld [tilespmem:s2+$0xFFFFFE10]  }
0x324: {  	v9 =	vld [tilespmem:s2+$0xFFFFFE40];
	_ =	sdelay $0x1  }
0x325: {  	v6 =	vmul.f32 v6, v2;
	v5 =	vmul.f32 v5, v2  }
0x326: {  	s3 =	sadd.s32 $0xFFFFFFFA, s16;
	v4 =	vmul.f32 v4, v2;
	v7 =	vmul.f32 v7, v2  }
0x327: {  	v3 =	vmul.f32 v3, v2;
	v8 =	vmul.f32 v8, v2;
	[tilespmem:s2+$0xFFFFFE70] =	vst v6;
	v6 =	vmov s3  }
0x328: {  	v1 =	vmul.f32 v1, v2;
	[tilespmem:s2+$0xFFFFFE00] =	vst v5;
	v5 =	vmul.f32 v9, v2;
	v2 =	vand.u32 $0xFFFFFFF9, v6  }
0x329: {  	[tilespmem:s2+$0xFFFFFE20] =	vst v7;
	v2 =	vbroadcast v2, $0x0  }
0x32a: {  	[tilespmem:s2+$0xFFFFFE30] =	vst v3  }
0x32b: {  	[tilespmem:s2+$0xFFFFFE50] =	vst v1;
	v1 =	vld [tilespmem:s2+$0xFFFFFEF0]  }
0x32c: {  	[tilespmem:s2+$0xFFFFFE10] =	vst v8;
	v3 =	vld [tilespmem:s2+$0xFFFFFED0]  }
0x32d: {  	[tilespmem:s2+$0xFFFFFE60] =	vst v4;
	v4 =	vld [tilespmem:s2+$0xFFFFFEB0]  }
0x32e: {  	[tilespmem:s2+$0xFFFFFE40] =	vst v5;
	v5 =	vld [tilespmem:s2+$0xFFFFFEC0]  }
0x32f: {  	v2 =	vld.idx.msk [tilespmem:v2+s10+$0x0], $0xffff  }
0x330: {  	v6 =	vld [tilespmem:s2+$0xFFFFFE90]  }
0x331: {  	v7 =	vld [tilespmem:s2+$0xFFFFFE80]  }
0x332: {  	v8 =	vld [tilespmem:s2+$0xFFFFFEA0]  }
0x333: {  	v9 =	vld [tilespmem:s2+$0xFFFFFEE0];
	_ =	sdelay $0x1  }
0x334: {  	v5 =	vmul.f32 v5, v2;
	v6 =	vmul.f32 v6, v2  }
0x335: {  	s3 =	sadd.s32 $0xFFFFFFFB, s16;
	v4 =	vmul.f32 v4, v2;
	v7 =	vmul.f32 v7, v2  }
0x336: {  	v3 =	vmul.f32 v3, v2;
	[tilespmem:s2+$0xFFFFFE90] =	vst v6;
	v6 =	vmul.f32 v8, v2;
	v8 =	vmov s3  }
0x337: {  	v1 =	vmul.f32 v1, v2;
	[tilespmem:s2+$0xFFFFFEC0] =	vst v5;
	v5 =	vmul.f32 v9, v2;
	v2 =	vand.u32 $0xFFFFFFFA, v8  }
0x338: {  	[tilespmem:s2+$0xFFFFFE80] =	vst v7;
	v2 =	vbroadcast v2, $0x0  }
0x339: {  	[tilespmem:s2+$0xFFFFFED0] =	vst v3  }
0x33a: {  	[tilespmem:s2+$0xFFFFFEE0] =	vst v5;
	v3 =	vld [tilespmem:s2+$0xFFFFFF70]  }
0x33b: {  	[tilespmem:s2+$0xFFFFFEB0] =	vst v4;
	v4 =	vld [tilespmem:s2+$0xFFFFFF50]  }
0x33c: {  	[tilespmem:s2+$0xFFFFFEF0] =	vst v1;
	v1 =	vld [tilespmem:s2+$0xFFFFFF20]  }
0x33d: {  	[tilespmem:s2+$0xFFFFFEA0] =	vst v6;
	v5 =	vld [tilespmem:s2+$0xFFFFFF60]  }
0x33e: {  	v2 =	vld.idx.msk [tilespmem:v2+s10+$0x0], $0xffff  }
0x33f: {  	v6 =	vld [tilespmem:s2+$0xFFFFFF00]  }
0x340: {  	v7 =	vld [tilespmem:s2+$0xFFFFFF10]  }
0x341: {  	v8 =	vld [tilespmem:s2+$0xFFFFFF40]  }
0x342: {  	v9 =	vld [tilespmem:s2+$0xFFFFFF30];
	_ =	sdelay $0x1  }
0x343: {  	v5 =	vmul.f32 v5, v2;
	v6 =	vmul.f32 v6, v2  }
0x344: {  	s3 =	sadd.s32 $0xFFFFFFFC, s16;
	v1 =	vmul.f32 v1, v2;
	v7 =	vmul.f32 v7, v2  }
0x345: {  	v4 =	vmul.f32 v4, v2;
	[tilespmem:s2+$0xFFFFFF00] =	vst v6;
	v6 =	vmul.f32 v8, v2;
	v8 =	vmov s3  }
0x346: {  	v9 =	vmul.f32 v9, v2;
	[tilespmem:s2+$0xFFFFFF60] =	vst v5;
	v2 =	vmul.f32 v3, v2;
	v3 =	vand.u32 $0xFFFFFFFB, v8  }
0x347: {  	[tilespmem:s2+$0xFFFFFF10] =	vst v7;
	v3 =	vbroadcast v3, $0x0  }
0x348: {  	[tilespmem:s2+$0xFFFFFF50] =	vst v4  }
0x349: {  	[tilespmem:s2+$0xFFFFFF70] =	vst v2;
	v2 =	vld [tilespmem:s2+$0xFFFFFFF0]  }
0x34a: {  	[tilespmem:s2+$0xFFFFFF20] =	vst v1;
	v1 =	vld [tilespmem:s2+$0xFFFFFFD0]  }
0x34b: {  	[tilespmem:s2+$0xFFFFFF30] =	vst v9;
	v4 =	vld [tilespmem:s2+$0xFFFFFF90]  }
0x34c: {  	[tilespmem:s2+$0xFFFFFF40] =	vst v6;
	v5 =	vld [tilespmem:s2+$0xFFFFFFE0]  }
0x34d: {  	v3 =	vld.idx.msk [tilespmem:v3+s10+$0x0], $0xffff  }
0x34e: {  	v6 =	vld [tilespmem:s2+$0xFFFFFFB0]  }
0x34f: {  	v7 =	vld [tilespmem:s2+$0xFFFFFF80]  }
0x350: {  	v8 =	vld [tilespmem:s2+$0xFFFFFFC0]  }
0x351: {  	v9 =	vld [tilespmem:s2+$0xFFFFFFA0];
	_ =	sdelay $0x1  }
0x352: {  	v5 =	vmul.f32 v5, v3;
	v6 =	vmul.f32 v6, v3  }
0x353: {  	s3 =	sadd.s32 $0xFFFFFFFD, s16;
	v4 =	vmul.f32 v4, v3;
	v7 =	vmul.f32 v7, v3  }
0x354: {  	v1 =	vmul.f32 v1, v3;
	[tilespmem:s2+$0xFFFFFFB0] =	vst v6;
	v6 =	vmul.f32 v8, v3;
	v8 =	vmov s3  }
0x355: {  	v2 =	vmul.f32 v2, v3;
	v9 =	vmul.f32 v9, v3;
	[tilespmem:s2+$0xFFFFFFE0] =	vst v5;
	v3 =	vand.u32 $0xFFFFFFFC, v8  }
0x356: {  	[tilespmem:s2+$0xFFFFFF80] =	vst v7;
	v5 =	vbroadcast v3, $0x0  }
0x357: {  	[tilespmem:s2+$0xFFFFFFD0] =	vst v1  }
0x358: {  	[tilespmem:s2+$0xFFFFFFF0] =	vst v2;
	v8 =	vld [tilespmem:s2+$0x0]  }
0x359: {  	[tilespmem:s2+$0xFFFFFFA0] =	vst v9;
	v1 =	vld [tilespmem:s2+$0x70]  }
0x35a: {  	[tilespmem:s2+$0xFFFFFF90] =	vst v4;
	v3 =	vld [tilespmem:s2+$0x50]  }
0x35b: {  	[tilespmem:s2+$0xFFFFFFC0] =	vst v6;
	v7 =	vld [tilespmem:s2+$0x20]  }
0x35c: {  	v2 =	vld.idx.msk [tilespmem:v5+s10+$0x0], $0xffff  }
0x35d: {  	v10 =	vld [tilespmem:s2+$0x40]  }
.Ltmp4:
0x35e: {  	v6 =	vld [tilespmem:s2+$0x30];
	(pc) =	sbr.rel @p1 .LBB2_12-.Ltmp4, $3  }
0x35f: {  	v4 =	vld [tilespmem:s2+$0x10]  }
0x360: {  	v5 =	vld [tilespmem:s2+$0x60];
	_ =	sdelay $0x1  }
0x361: {  	v9 =	vmul.f32 v8, v2;
	v8 =	vmul.f32 v10, v2  }
0x362: {  	s2 =	sadd.s32 $0xFFFFFFFE, s16  }
0x363: {  	v7 =	vmul.f32 v7, v2;
	[tilespmem:s14+$0x0] =	vst v9;
	v9 =	vmov s2  }
0x364: {  	v3 =	vmul.f32 v3, v2;
	[tilespmem:s14+$0x40] =	vst v8;
	v8 =	vand.u32 $0xFFFFFFFD, v9  }
0x365: {  	v1 =	vmul.f32 v1, v2;
	[tilespmem:s14+$0x20] =	vst v7;
	v7 =	vbroadcast v8, $0x0  }
0x366: {  	v6 =	vmul.f32 v6, v2;
	[tilespmem:s14+$0x50] =	vst v3  }
0x367: {  	v3 =	vmul.f32 v5, v2;
	[tilespmem:s14+$0x70] =	vst v1  }
0x368: {  	v1 =	vmul.f32 v4, v2;
	[tilespmem:s14+$0x30] =	vst v6  }
0x369: {  	[tilespmem:s14+$0x60] =	vst v3  }
0x36a: {  	v2 =	vld [tilespmem:s14+$0x80];
	[tilespmem:s14+$0x10] =	vst v1  }
0x36b: {  	v1 =	vld.idx.msk [tilespmem:v7+s10+$0x0], $0xffff  }
0x36c: {  	v3 =	vld [tilespmem:s14+$0xA0]  }
0x36d: {  	v5 =	vld [tilespmem:s14+$0xC0]  }
0x36e: {  	v4 =	vld [tilespmem:s14+$0xD0];
	_ =	sdelay $0x1  }
0x36f: {  	v8 =	vld [tilespmem:s14+$0x90];
	v2 =	vmul.f32 v2, v1  }
0x370: {  	v6 =	vld [tilespmem:s14+$0xF0];
	v3 =	vmul.f32 v3, v1  }
0x371: {  	s18 =	sadd.s32 $0xFFFFFFFF, s16;
	v7 =	vld [tilespmem:s14+$0xB0];
	v5 =	vmul.f32 v5, v1;
	[tilespmem:s14+$0x80] =	vst v2  }
0x372: {  	v9 =	vld [tilespmem:s14+$0xE0];
	v2 =	vmul.f32 v4, v1;
	v4 =	vmov s18;
	[tilespmem:s14+$0xA0] =	vst v3  }
0x373: {  	[tilespmem:s14+$0xC0] =	vst v5;
	v3 =	vand.u32 $0xFFFFFFFE, v4  }
0x374: {  	v5 =	vmul.f32 v8, v1;
	[tilespmem:s14+$0xD0] =	vst v2;
	v2 =	vbroadcast v3, $0x0  }
0x375: {  	v4 =	vmul.f32 v6, v1  }
0x376: {  	v3 =	vmul.f32 v7, v1;
	[tilespmem:s14+$0x90] =	vst v5  }
0x377: {  	v1 =	vmul.f32 v9, v1;
	[tilespmem:s14+$0xF0] =	vst v4  }
0x378: {  	[tilespmem:s14+$0xB0] =	vst v3  }
0x379: {  	v3 =	vld [tilespmem:s14+$0x100];
	[tilespmem:s14+$0xE0] =	vst v1  }
0x37a: {  	v1 =	vld.idx.msk [tilespmem:v2+s10+$0x0], $0xffff  }
0x37b: {  	v2 =	vld [tilespmem:s14+$0x120]  }
0x37c: {  	v4 =	vld [tilespmem:s14+$0x130]  }
0x37d: {  	v5 =	vld [tilespmem:s14+$0x140]  }
0x37e: {  	v6 =	vld [tilespmem:s14+$0x160]  }
0x37f: {  	v7 =	vld [tilespmem:s14+$0x110];
	v3 =	vmul.f32 v3, v1  }
0x380: {  	v8 =	vld [tilespmem:s14+$0x150];
	v2 =	vmul.f32 v2, v1  }
0x381: {  	v9 =	vld [tilespmem:s14+$0x170];
	v4 =	vmul.f32 v4, v1;
	[tilespmem:s14+$0x100] =	vst v3  }
0x382: {  	v3 =	vmul.f32 v5, v1;
	[tilespmem:s14+$0x120] =	vst v2  }
0x383: {  	v2 =	vmul.f32 v6, v1;
	[tilespmem:s14+$0x130] =	vst v4  }
0x384: {  	v4 =	vmul.f32 v7, v1;
	[tilespmem:s14+$0x140] =	vst v3;
	v3 =	vmov s16  }
0x385: {  	v5 =	vmul.f32 v8, v1;
	[tilespmem:s14+$0x160] =	vst v2  }
0x386: {  	v1 =	vmul.f32 v9, v1;
	[tilespmem:s14+$0x110] =	vst v4  }
0x387: {  	[tilespmem:s14+$0x150] =	vst v5  }
0x388: {  	v2 =	vld [tilespmem:s14+$0x180];
	[tilespmem:s14+$0x170] =	vst v1  }
0x389: {  	v1 =	vld.idx.msk [tilespmem:v3+s10+$0x0], $0xffff  }
0x38a: {  	v3 =	vld [tilespmem:s14+$0x190]  }
0x38b: {  	v4 =	vld [tilespmem:s14+$0x1A0]  }
0x38c: {  	v5 =	vld [tilespmem:s14+$0x1F0]  }
0x38d: {  	v6 =	vld [tilespmem:s14+$0x1D0]  }
0x38e: {  	v7 =	vld [tilespmem:s14+$0x1B0];
	v2 =	vmul.f32 v2, v1  }
0x38f: {  	v8 =	vld [tilespmem:s14+$0x1E0];
	v3 =	vmul.f32 v3, v1  }
0x390: {  	v9 =	vld [tilespmem:s14+$0x1C0];
	v4 =	vmul.f32 v4, v1;
	[tilespmem:s14+$0x180] =	vst v2  }
0x391: {  	[tilespmem:s14+$0x190] =	vst v3;
	v2 =	vmul.f32 v5, v1  }
0x392: {  	v3 =	vmul.f32 v6, v1;
	[tilespmem:s14+$0x1A0] =	vst v4  }
0x393: {  	v4 =	vmul.f32 v7, v1;
	[tilespmem:s14+$0x1F0] =	vst v2  }
0x394: {  	v2 =	vmul.f32 v8, v1;
	[tilespmem:s14+$0x1D0] =	vst v3  }
0x395: {  	v1 =	vmul.f32 v9, v1;
	[tilespmem:s14+$0x1B0] =	vst v4  }
0x396: {  	[tilespmem:s14+$0x1E0] =	vst v2  }
0x397: {  	s3 =	sadd.s32 $0x16278, s9;
	[tilespmem:s14+$0x1C0] =	vst v1  }
0x398: {  	[spmem:s20] =	stream.indirect.scatter.add.f32 [tilespmem:s28], [sflag:$0x3], $0x80, s3, s11, $0xb8;
	[tilespmem:$0x1FD78] =	vst v63  }
0x399: {  	_ =	swait.ge [sflag:s13], $0x4000  }
0x39a: {  	[sflag:s13] =	ssyncset.done $0x0  }
0x39b: {  	[sflag:s13] =	ssyncadd.s32 $0xFFFFC000  }
0x39c: {  	v1 =	vld [tilespmem:s15+$0x17278];
	_ =	sdelay $0x4  }
0x39d: {  	[tilespmem:$0x1FA78] =	vst v1  }
0x39e: {  	v1 =	vld [tilespmem:s9+$0x17308];
	_ =	sdelay $0x4  }
0x39f: {  	[tilespmem:$0x1FA88] =	vst v1  }
0x3a0: {  	v1 =	vld [tilespmem:s9+$0x17318];
	_ =	sdelay $0x4  }
0x3a1: {  	[tilespmem:$0x1FA98] =	vst v1  }
0x3a2: {  	v1 =	vld [tilespmem:s9+$0x17328];
	_ =	sdelay $0x4  }
0x3a3: {  	[tilespmem:$0x1FAA8] =	vst v1  }
0x3a4: {  	v1 =	vld [tilespmem:s9+$0x17338];
	_ =	sdelay $0x4  }
0x3a5: {  	[tilespmem:$0x1FAB8] =	vst v1  }
0x3a6: {  	v1 =	vld [tilespmem:s9+$0x17348];
	_ =	sdelay $0x4  }
0x3a7: {  	[tilespmem:$0x1FAC8] =	vst v1  }
0x3a8: {  	v1 =	vld [tilespmem:s9+$0x17358];
	_ =	sdelay $0x3  }
0x3a9: {  	s14 =	simm.s32 $0x0  }
0x3aa: {  	v2 =	vmov s14;
	[tilespmem:$0x1FAD8] =	vst v1  }
0x3ab: {  	v2 =	vand.u32 $0xFFFFFFF8, v2;
	v1 =	vld [tilespmem:s9+$0x17368]  }
0x3ac: {  	v2 =	vbroadcast v2, $0x0;
	_ =	sdelay $0x3  }
0x3ad: {  	s2 =	simm.s32 $0x1BC78;
	[tilespmem:$0x1FAE8] =	vst v1  }
0x3ae: {  	v3 =	vld [tilespmem:s2+$0xFFFFFE70]  }
0x3af: {  	v2 =	vld.idx.msk [tilespmem:v2+s10+$0x0], $0xffff  }
0x3b0: {  	v4 =	vld [tilespmem:s2+$0xFFFFFE00]  }
0x3b1: {  	v5 =	vld [tilespmem:s2+$0xFFFFFE20]  }
0x3b2: {  	v6 =	vld [tilespmem:s2+$0xFFFFFE30]  }
0x3b3: {  	v1 =	vld [tilespmem:s2+$0xFFFFFE50]  }
0x3b4: {  	v8 =	vld [tilespmem:s2+$0xFFFFFE10];
	v3 =	vmul.f32 v3, v2  }
0x3b5: {  	s3 =	simm.s32 $0x1;
	v7 =	vld [tilespmem:s2+$0xFFFFFE60];
	v4 =	vmul.f32 v4, v2  }
0x3b6: {  	v9 =	vld [tilespmem:s2+$0xFFFFFE40];
	v5 =	vmul.f32 v5, v2;
	[tilespmem:s2+$0xFFFFFE70] =	vst v3;
	v3 =	vmov s3  }
0x3b7: {  	v6 =	vmul.f32 v6, v2;
	[tilespmem:s2+$0xFFFFFE00] =	vst v4;
	v3 =	vand.u32 $0xFFFFFFF9, v3  }
0x3b8: {  	v1 =	vmul.f32 v1, v2;
	[tilespmem:s2+$0xFFFFFE20] =	vst v5;
	v3 =	vbroadcast v3, $0x0  }
0x3b9: {  	v4 =	vmul.f32 v8, v2;
	[tilespmem:s2+$0xFFFFFE30] =	vst v6  }
0x3ba: {  	v5 =	vmul.f32 v7, v2;
	[tilespmem:s2+$0xFFFFFE50] =	vst v1  }
0x3bb: {  	v1 =	vmul.f32 v9, v2;
	[tilespmem:s2+$0xFFFFFE10] =	vst v4  }
0x3bc: {  	[tilespmem:s2+$0xFFFFFE60] =	vst v5  }
0x3bd: {  	[tilespmem:s2+$0xFFFFFE40] =	vst v1  }
0x3be: {  	v1 =	vld.idx.msk [tilespmem:v3+s10+$0x0], $0xffff  }
0x3bf: {  	v3 =	vld [tilespmem:s2+$0xFFFFFE90]  }
0x3c0: {  	v4 =	vld [tilespmem:s2+$0xFFFFFEC0]  }
0x3c1: {  	v5 =	vld [tilespmem:s2+$0xFFFFFE80]  }
0x3c2: {  	v6 =	vld [tilespmem:s2+$0xFFFFFED0]  }
0x3c3: {  	v2 =	vld [tilespmem:s2+$0xFFFFFEF0]  }
0x3c4: {  	v7 =	vld [tilespmem:s2+$0xFFFFFEE0];
	v3 =	vmul.f32 v3, v1  }
0x3c5: {  	s16 =	simm.s32 $0x2;
	v8 =	vld [tilespmem:s2+$0xFFFFFEB0];
	v4 =	vmul.f32 v4, v1  }
0x3c6: {  	v9 =	vld [tilespmem:s2+$0xFFFFFEA0];
	v5 =	vmul.f32 v5, v1;
	[tilespmem:s2+$0xFFFFFE90] =	vst v3;
	v3 =	vmov s16  }
0x3c7: {  	v6 =	vmul.f32 v6, v1;
	[tilespmem:s2+$0xFFFFFEC0] =	vst v4;
	v3 =	vand.u32 $0xFFFFFFFA, v3  }
0x3c8: {  	v2 =	vmul.f32 v2, v1;
	[tilespmem:s2+$0xFFFFFE80] =	vst v5;
	v3 =	vbroadcast v3, $0x0  }
0x3c9: {  	v4 =	vmul.f32 v7, v1;
	[tilespmem:s2+$0xFFFFFED0] =	vst v6  }
0x3ca: {  	v5 =	vmul.f32 v8, v1;
	[tilespmem:s2+$0xFFFFFEF0] =	vst v2  }
0x3cb: {  	v1 =	vmul.f32 v9, v1;
	[tilespmem:s2+$0xFFFFFEE0] =	vst v4  }
0x3cc: {  	[tilespmem:s2+$0xFFFFFEB0] =	vst v5  }
0x3cd: {  	v2 =	vld [tilespmem:s2+$0xFFFFFF00];
	[tilespmem:s2+$0xFFFFFEA0] =	vst v1  }
0x3ce: {  	v1 =	vld.idx.msk [tilespmem:v3+s10+$0x0], $0xffff  }
0x3cf: {  	v3 =	vld [tilespmem:s2+$0xFFFFFF60]  }
0x3d0: {  	v4 =	vld [tilespmem:s2+$0xFFFFFF10]  }
0x3d1: {  	v5 =	vld [tilespmem:s2+$0xFFFFFF50]  }
0x3d2: {  	v6 =	vld [tilespmem:s2+$0xFFFFFF70]  }
0x3d3: {  	v7 =	vld [tilespmem:s2+$0xFFFFFF20];
	v2 =	vmul.f32 v2, v1  }
0x3d4: {  	s17 =	simm.s32 $0x3;
	v8 =	vld [tilespmem:s2+$0xFFFFFF30];
	v3 =	vmul.f32 v3, v1  }
0x3d5: {  	v9 =	vld [tilespmem:s2+$0xFFFFFF40];
	v4 =	vmul.f32 v4, v1;
	[tilespmem:s2+$0xFFFFFF00] =	vst v2;
	v2 =	vmov s17  }
0x3d6: {  	v5 =	vmul.f32 v5, v1;
	[tilespmem:s2+$0xFFFFFF60] =	vst v3;
	v2 =	vand.u32 $0xFFFFFFFB, v2  }
0x3d7: {  	v3 =	vmul.f32 v6, v1;
	[tilespmem:s2+$0xFFFFFF10] =	vst v4;
	v2 =	vbroadcast v2, $0x0  }
0x3d8: {  	v4 =	vmul.f32 v7, v1;
	[tilespmem:s2+$0xFFFFFF50] =	vst v5  }
0x3d9: {  	v5 =	vmul.f32 v8, v1;
	[tilespmem:s2+$0xFFFFFF70] =	vst v3  }
0x3da: {  	v1 =	vmul.f32 v9, v1;
	[tilespmem:s2+$0xFFFFFF20] =	vst v4  }
0x3db: {  	[tilespmem:s2+$0xFFFFFF30] =	vst v5  }
0x3dc: {  	[tilespmem:s2+$0xFFFFFF40] =	vst v1  }
0x3dd: {  	v1 =	vld.idx.msk [tilespmem:v2+s10+$0x0], $0xffff  }
0x3de: {  	v2 =	vld [tilespmem:s2+$0xFFFFFFB0]  }
0x3df: {  	v4 =	vld [tilespmem:s2+$0xFFFFFFE0]  }
0x3e0: {  	v5 =	vld [tilespmem:s2+$0xFFFFFF80]  }
0x3e1: {  	v6 =	vld [tilespmem:s2+$0xFFFFFFD0]  }
0x3e2: {  	v3 =	vld [tilespmem:s2+$0xFFFFFFF0]  }
0x3e3: {  	v8 =	vld [tilespmem:s2+$0xFFFFFFA0];
	v2 =	vmul.f32 v2, v1  }
0x3e4: {  	s18 =	simm.s32 $0x4;
	v7 =	vld [tilespmem:s2+$0xFFFFFF90];
	v4 =	vmul.f32 v4, v1  }
0x3e5: {  	v9 =	vld [tilespmem:s2+$0xFFFFFFC0];
	v5 =	vmul.f32 v5, v1;
	[tilespmem:s2+$0xFFFFFFB0] =	vst v2;
	v2 =	vmov s18  }
0x3e6: {  	v6 =	vmul.f32 v6, v1;
	[tilespmem:s2+$0xFFFFFFE0] =	vst v4;
	v2 =	vand.u32 $0xFFFFFFFC, v2  }
0x3e7: {  	v3 =	vmul.f32 v3, v1;
	[tilespmem:s2+$0xFFFFFF80] =	vst v5;
	v2 =	vbroadcast v2, $0x0  }
0x3e8: {  	v10 =	vld [tilespmem:s2+$0x40];
	v4 =	vmul.f32 v8, v1;
	[tilespmem:s2+$0xFFFFFFD0] =	vst v6  }
0x3e9: {  	v5 =	vmul.f32 v7, v1;
	[tilespmem:s2+$0xFFFFFFF0] =	vst v3;
	v8 =	vld [tilespmem:s2+$0x0]  }
0x3ea: {  	v3 =	vmul.f32 v9, v1;
	v1 =	vld [tilespmem:s2+$0x70];
	[tilespmem:s2+$0xFFFFFFA0] =	vst v4  }
0x3eb: {  	v7 =	vld [tilespmem:s2+$0x20];
	[tilespmem:s2+$0xFFFFFF90] =	vst v5  }
0x3ec: {  	v6 =	vld [tilespmem:s2+$0x30];
	[tilespmem:s2+$0xFFFFFFC0] =	vst v3  }
0x3ed: {  	v2 =	vld.idx.msk [tilespmem:v2+s10+$0x0], $0xffff  }
0x3ee: {  	v3 =	vld [tilespmem:s2+$0x50]  }
0x3ef: {  	v4 =	vld [tilespmem:s2+$0x10]  }
0x3f0: {  	v5 =	vld [tilespmem:s2+$0x60];
	_ =	sdelay $0x1  }
0x3f1: {  	s14 =	simm.s32 $0x7;
	s9 =	simm.s32 $0x1BC78;
	s16 =	simm.s32 $0xF;
	v9 =	vmul.f32 v8, v2;
	v8 =	vmul.f32 v10, v2  }
.LBB2_14:
0x3f2: {  	p1 =	sne.s32 s16, $0x7F;
	v7 =	vmul.f32 v7, v2;
	v6 =	vmul.f32 v6, v2;
	s3 =	sadd.s32 $0xFFFFFFFE, s14;
	s2 =	sadd.s32 $0x400, s2  }
0x3f3: {  	v3 =	vmul.f32 v3, v2;
	s17 =	smov.u32 s16;
	s16 =	sadd.s32 $0x8, s16;
	[tilespmem:s9+$0x0] =	vst v9;
	v4 =	vmul.f32 v4, v2;
	v9 =	vmov s3  }
0x3f4: {  	v1 =	vmul.f32 v1, v2;
	[tilespmem:s9+$0x40] =	vst v8;
	v5 =	vmul.f32 v5, v2;
	v2 =	vand.u32 $0xFFFFFFFD, v9  }
0x3f5: {  	[tilespmem:s9+$0x20] =	vst v7;
	v2 =	vbroadcast v2, $0x0  }
0x3f6: {  	[tilespmem:s9+$0x50] =	vst v3  }
0x3f7: {  	[tilespmem:s9+$0x70] =	vst v1;
	v1 =	vld [tilespmem:s9+$0xA0]  }
0x3f8: {  	[tilespmem:s9+$0x30] =	vst v6;
	v3 =	vld [tilespmem:s9+$0x80]  }
0x3f9: {  	[tilespmem:s9+$0x60] =	vst v5;
	v5 =	vld [tilespmem:s9+$0xD0]  }
0x3fa: {  	[tilespmem:s9+$0x10] =	vst v4;
	v4 =	vld [tilespmem:s9+$0xF0]  }
0x3fb: {  	v2 =	vld.idx.msk [tilespmem:v2+s10+$0x0], $0xffff  }
0x3fc: {  	v6 =	vld [tilespmem:s9+$0xC0]  }
0x3fd: {  	v7 =	vld [tilespmem:s9+$0xB0]  }
0x3fe: {  	v8 =	vld [tilespmem:s9+$0x90]  }
0x3ff: {  	v9 =	vld [tilespmem:s9+$0xE0];
	_ =	sdelay $0x1  }
0x400: {  	v3 =	vmul.f32 v3, v2;
	v6 =	vmul.f32 v6, v2  }
0x401: {  	s3 =	sadd.s32 $0xFFFFFFFF, s14;
	v1 =	vmul.f32 v1, v2;
	v7 =	vmul.f32 v7, v2  }
0x402: {  	v5 =	vmul.f32 v5, v2;
	[tilespmem:s9+$0x80] =	vst v3;
	v3 =	vmul.f32 v8, v2;
	v8 =	vmov s3  }
0x403: {  	[tilespmem:s9+$0xA0] =	vst v1;
	v1 =	vmul.f32 v9, v2;
	v2 =	vmul.f32 v4, v2;
	v4 =	vand.u32 $0xFFFFFFFE, v8  }
0x404: {  	[tilespmem:s9+$0xD0] =	vst v5;
	v4 =	vbroadcast v4, $0x0  }
0x405: {  	[tilespmem:s9+$0xC0] =	vst v6  }
0x406: {  	[tilespmem:s9+$0xF0] =	vst v2;
	v2 =	vld [tilespmem:s9+$0x120]  }
0x407: {  	[tilespmem:s9+$0xB0] =	vst v7;
	v5 =	vld [tilespmem:s9+$0x100]  }
0x408: {  	[tilespmem:s9+$0x90] =	vst v3;
	v3 =	vld [tilespmem:s9+$0x140]  }
0x409: {  	[tilespmem:s9+$0xE0] =	vst v1;
	v1 =	vld [tilespmem:s9+$0x130]  }
0x40a: {  	v4 =	vld.idx.msk [tilespmem:v4+s10+$0x0], $0xffff  }
0x40b: {  	v6 =	vld [tilespmem:s9+$0x110]  }
0x40c: {  	v7 =	vld [tilespmem:s9+$0x160]  }
0x40d: {  	v8 =	vld [tilespmem:s9+$0x150]  }
0x40e: {  	v9 =	vld [tilespmem:s9+$0x170];
	_ =	sdelay $0x1  }
0x40f: {  	v5 =	vmul.f32 v5, v4;
	v6 =	vmul.f32 v6, v4  }
0x410: {  	v2 =	vmul.f32 v2, v4;
	v1 =	vmul.f32 v1, v4  }
0x411: {  	v3 =	vmul.f32 v3, v4;
	[tilespmem:s9+$0x100] =	vst v5;
	v5 =	vmul.f32 v8, v4  }
0x412: {  	[tilespmem:s9+$0x120] =	vst v2;
	v2 =	vmul.f32 v7, v4;
	v4 =	vmul.f32 v9, v4  }
0x413: {  	[tilespmem:s9+$0x130] =	vst v1  }
0x414: {  	v1 =	vmov s14;
	s14 =	smov.u32 s17;
	[tilespmem:s9+$0x140] =	vst v3  }
0x415: {  	[tilespmem:s9+$0x160] =	vst v2;
	v2 =	vld [tilespmem:s9+$0x180]  }
0x416: {  	[tilespmem:s9+$0x110] =	vst v6;
	v3 =	vld [tilespmem:s9+$0x1A0]  }
0x417: {  	[tilespmem:s9+$0x150] =	vst v5;
	v5 =	vld [tilespmem:s9+$0x1F0]  }
0x418: {  	[tilespmem:s9+$0x170] =	vst v4;
	v4 =	vld [tilespmem:s9+$0x1D0]  }
0x419: {  	v1 =	vld.idx.msk [tilespmem:v1+s10+$0x0], $0xffff  }
0x41a: {  	v6 =	vld [tilespmem:s9+$0x190]  }
0x41b: {  	v7 =	vld [tilespmem:s9+$0x1B0]  }
0x41c: {  	v8 =	vld [tilespmem:s9+$0x1C0]  }
0x41d: {  	v9 =	vld [tilespmem:s9+$0x1E0];
	_ =	sdelay $0x1  }
0x41e: {  	v2 =	vmul.f32 v2, v1;
	v6 =	vmul.f32 v6, v1  }
0x41f: {  	s3 =	sadd.s32 $0xFFFFFFF9, s14;
	v3 =	vmul.f32 v3, v1;
	v7 =	vmul.f32 v7, v1  }
0x420: {  	v10 =	vmov s3;
	v4 =	vmul.f32 v4, v1;
	[tilespmem:s9+$0x180] =	vst v2;
	v2 =	vmul.f32 v8, v1  }
0x421: {  	v8 =	vand.u32 $0xFFFFFFF8, v10;
	[tilespmem:s9+$0x190] =	vst v6;
	v6 =	vmul.f32 v9, v1;
	v1 =	vmul.f32 v5, v1  }
0x422: {  	v5 =	vbroadcast v8, $0x0;
	[tilespmem:s9+$0x1A0] =	vst v3  }
0x423: {  	[tilespmem:s9+$0x1F0] =	vst v1  }
0x424: {  	v1 =	vld [tilespmem:s2+$0xFFFFFE50];
	[tilespmem:s9+$0x1D0] =	vst v4  }
0x425: {  	v3 =	vld [tilespmem:s2+$0xFFFFFE30];
	[tilespmem:s9+$0x1B0] =	vst v7  }
0x426: {  	v4 =	vld [tilespmem:s2+$0xFFFFFE60];
	[tilespmem:s9+$0x1E0] =	vst v6  }
0x427: {  	v6 =	vld [tilespmem:s2+$0xFFFFFE70];
	[tilespmem:s9+$0x1C0] =	vst v2;
	s9 =	smov.u32 s2  }
0x428: {  	v2 =	vld.idx.msk [tilespmem:v5+s10+$0x0], $0xffff  }
0x429: {  	v5 =	vld [tilespmem:s2+$0xFFFFFE00]  }
0x42a: {  	v7 =	vld [tilespmem:s2+$0xFFFFFE20]  }
0x42b: {  	v8 =	vld [tilespmem:s2+$0xFFFFFE10]  }
0x42c: {  	v9 =	vld [tilespmem:s2+$0xFFFFFE40];
	_ =	sdelay $0x1  }
0x42d: {  	v6 =	vmul.f32 v6, v2;
	v5 =	vmul.f32 v5, v2  }
0x42e: {  	s3 =	sadd.s32 $0xFFFFFFFA, s14;
	v4 =	vmul.f32 v4, v2;
	v7 =	vmul.f32 v7, v2  }
0x42f: {  	v3 =	vmul.f32 v3, v2;
	v8 =	vmul.f32 v8, v2;
	[tilespmem:s2+$0xFFFFFE70] =	vst v6;
	v6 =	vmov s3  }
0x430: {  	v1 =	vmul.f32 v1, v2;
	[tilespmem:s2+$0xFFFFFE00] =	vst v5;
	v5 =	vmul.f32 v9, v2;
	v2 =	vand.u32 $0xFFFFFFF9, v6  }
0x431: {  	[tilespmem:s2+$0xFFFFFE20] =	vst v7;
	v2 =	vbroadcast v2, $0x0  }
0x432: {  	[tilespmem:s2+$0xFFFFFE30] =	vst v3  }
0x433: {  	[tilespmem:s2+$0xFFFFFE50] =	vst v1;
	v1 =	vld [tilespmem:s2+$0xFFFFFEF0]  }
0x434: {  	[tilespmem:s2+$0xFFFFFE10] =	vst v8;
	v3 =	vld [tilespmem:s2+$0xFFFFFED0]  }
0x435: {  	[tilespmem:s2+$0xFFFFFE60] =	vst v4;
	v4 =	vld [tilespmem:s2+$0xFFFFFEB0]  }
0x436: {  	[tilespmem:s2+$0xFFFFFE40] =	vst v5;
	v5 =	vld [tilespmem:s2+$0xFFFFFEC0]  }
0x437: {  	v2 =	vld.idx.msk [tilespmem:v2+s10+$0x0], $0xffff  }
0x438: {  	v6 =	vld [tilespmem:s2+$0xFFFFFE90]  }
0x439: {  	v7 =	vld [tilespmem:s2+$0xFFFFFE80]  }
0x43a: {  	v8 =	vld [tilespmem:s2+$0xFFFFFEA0]  }
0x43b: {  	v9 =	vld [tilespmem:s2+$0xFFFFFEE0];
	_ =	sdelay $0x1  }
0x43c: {  	v5 =	vmul.f32 v5, v2;
	v6 =	vmul.f32 v6, v2  }
0x43d: {  	s3 =	sadd.s32 $0xFFFFFFFB, s14;
	v4 =	vmul.f32 v4, v2;
	v7 =	vmul.f32 v7, v2  }
0x43e: {  	v3 =	vmul.f32 v3, v2;
	[tilespmem:s2+$0xFFFFFE90] =	vst v6;
	v6 =	vmul.f32 v8, v2;
	v8 =	vmov s3  }
0x43f: {  	v1 =	vmul.f32 v1, v2;
	[tilespmem:s2+$0xFFFFFEC0] =	vst v5;
	v5 =	vmul.f32 v9, v2;
	v2 =	vand.u32 $0xFFFFFFFA, v8  }
0x440: {  	[tilespmem:s2+$0xFFFFFE80] =	vst v7;
	v2 =	vbroadcast v2, $0x0  }
0x441: {  	[tilespmem:s2+$0xFFFFFED0] =	vst v3  }
0x442: {  	[tilespmem:s2+$0xFFFFFEE0] =	vst v5;
	v3 =	vld [tilespmem:s2+$0xFFFFFF70]  }
0x443: {  	[tilespmem:s2+$0xFFFFFEB0] =	vst v4;
	v4 =	vld [tilespmem:s2+$0xFFFFFF50]  }
0x444: {  	[tilespmem:s2+$0xFFFFFEF0] =	vst v1;
	v1 =	vld [tilespmem:s2+$0xFFFFFF20]  }
0x445: {  	[tilespmem:s2+$0xFFFFFEA0] =	vst v6;
	v5 =	vld [tilespmem:s2+$0xFFFFFF60]  }
0x446: {  	v2 =	vld.idx.msk [tilespmem:v2+s10+$0x0], $0xffff  }
0x447: {  	v6 =	vld [tilespmem:s2+$0xFFFFFF00]  }
0x448: {  	v7 =	vld [tilespmem:s2+$0xFFFFFF10]  }
0x449: {  	v8 =	vld [tilespmem:s2+$0xFFFFFF40]  }
0x44a: {  	v9 =	vld [tilespmem:s2+$0xFFFFFF30];
	_ =	sdelay $0x1  }
0x44b: {  	v5 =	vmul.f32 v5, v2;
	v6 =	vmul.f32 v6, v2  }
0x44c: {  	s3 =	sadd.s32 $0xFFFFFFFC, s14;
	v1 =	vmul.f32 v1, v2;
	v7 =	vmul.f32 v7, v2  }
0x44d: {  	v4 =	vmul.f32 v4, v2;
	[tilespmem:s2+$0xFFFFFF00] =	vst v6;
	v6 =	vmul.f32 v8, v2;
	v8 =	vmov s3  }
0x44e: {  	v9 =	vmul.f32 v9, v2;
	[tilespmem:s2+$0xFFFFFF60] =	vst v5;
	v2 =	vmul.f32 v3, v2;
	v3 =	vand.u32 $0xFFFFFFFB, v8  }
0x44f: {  	[tilespmem:s2+$0xFFFFFF10] =	vst v7;
	v3 =	vbroadcast v3, $0x0  }
0x450: {  	[tilespmem:s2+$0xFFFFFF50] =	vst v4  }
0x451: {  	[tilespmem:s2+$0xFFFFFF70] =	vst v2;
	v2 =	vld [tilespmem:s2+$0xFFFFFFF0]  }
0x452: {  	[tilespmem:s2+$0xFFFFFF20] =	vst v1;
	v1 =	vld [tilespmem:s2+$0xFFFFFFD0]  }
0x453: {  	[tilespmem:s2+$0xFFFFFF30] =	vst v9;
	v4 =	vld [tilespmem:s2+$0xFFFFFF90]  }
0x454: {  	[tilespmem:s2+$0xFFFFFF40] =	vst v6;
	v5 =	vld [tilespmem:s2+$0xFFFFFFE0]  }
0x455: {  	v3 =	vld.idx.msk [tilespmem:v3+s10+$0x0], $0xffff  }
0x456: {  	v6 =	vld [tilespmem:s2+$0xFFFFFFB0]  }
0x457: {  	v7 =	vld [tilespmem:s2+$0xFFFFFF80]  }
0x458: {  	v8 =	vld [tilespmem:s2+$0xFFFFFFC0]  }
0x459: {  	v9 =	vld [tilespmem:s2+$0xFFFFFFA0];
	_ =	sdelay $0x1  }
0x45a: {  	v5 =	vmul.f32 v5, v3;
	v6 =	vmul.f32 v6, v3  }
0x45b: {  	s3 =	sadd.s32 $0xFFFFFFFD, s14;
	v4 =	vmul.f32 v4, v3;
	v7 =	vmul.f32 v7, v3  }
0x45c: {  	v1 =	vmul.f32 v1, v3;
	[tilespmem:s2+$0xFFFFFFB0] =	vst v6;
	v6 =	vmul.f32 v8, v3;
	v8 =	vmov s3  }
0x45d: {  	v2 =	vmul.f32 v2, v3;
	v9 =	vmul.f32 v9, v3;
	[tilespmem:s2+$0xFFFFFFE0] =	vst v5;
	v3 =	vand.u32 $0xFFFFFFFC, v8  }
0x45e: {  	[tilespmem:s2+$0xFFFFFF80] =	vst v7;
	v5 =	vbroadcast v3, $0x0  }
0x45f: {  	[tilespmem:s2+$0xFFFFFFD0] =	vst v1  }
0x460: {  	[tilespmem:s2+$0xFFFFFFF0] =	vst v2;
	v8 =	vld [tilespmem:s2+$0x0]  }
0x461: {  	[tilespmem:s2+$0xFFFFFFA0] =	vst v9;
	v1 =	vld [tilespmem:s2+$0x70]  }
0x462: {  	[tilespmem:s2+$0xFFFFFF90] =	vst v4;
	v3 =	vld [tilespmem:s2+$0x50]  }
0x463: {  	[tilespmem:s2+$0xFFFFFFC0] =	vst v6;
	v7 =	vld [tilespmem:s2+$0x20]  }
0x464: {  	v2 =	vld.idx.msk [tilespmem:v5+s10+$0x0], $0xffff  }
0x465: {  	v10 =	vld [tilespmem:s2+$0x40]  }
.Ltmp5:
0x466: {  	v6 =	vld [tilespmem:s2+$0x30];
	(pc) =	sbr.rel @p1 .LBB2_14-.Ltmp5, $3  }
0x467: {  	v4 =	vld [tilespmem:s2+$0x10]  }
0x468: {  	v5 =	vld [tilespmem:s2+$0x60];
	_ =	sdelay $0x1  }
0x469: {  	v9 =	vmul.f32 v8, v2;
	v8 =	vmul.f32 v10, v2  }
0x46a: {  	s2 =	sadd.s32 $0xFFFFFFFE, s14  }
0x46b: {  	v7 =	vmul.f32 v7, v2;
	[tilespmem:s9+$0x0] =	vst v9;
	v37 =	vmov s2  }
0x46c: {  	v3 =	vmul.f32 v3, v2;
	[tilespmem:s9+$0x40] =	vst v8;
	v38 =	vand.u32 $0xFFFFFFFD, v37  }
0x46d: {  	v1 =	vmul.f32 v1, v2;
	[tilespmem:s9+$0x20] =	vst v7;
	v39 =	vbroadcast v38, $0x0  }
0x46e: {  	v6 =	vmul.f32 v6, v2;
	[tilespmem:s9+$0x50] =	vst v3  }
0x46f: {  	v3 =	vmul.f32 v5, v2;
	[tilespmem:s9+$0x70] =	vst v1  }
0x470: {  	v1 =	vmul.f32 v4, v2;
	[tilespmem:s9+$0x30] =	vst v6  }
0x471: {  	[tilespmem:s9+$0x60] =	vst v3  }
0x472: {  	v2 =	vld [tilespmem:s9+$0x80];
	[tilespmem:s9+$0x10] =	vst v1  }
0x473: {  	v1 =	vld.idx.msk [tilespmem:v39+s10+$0x0], $0xffff  }
0x474: {  	v3 =	vld [tilespmem:s9+$0xA0]  }
0x475: {  	v40 =	vld [tilespmem:s9+$0xD0]  }
0x476: {  	v41 =	vld [tilespmem:s9+$0xC0]  }
0x477: {  	v42 =	vld [tilespmem:s9+$0xF0]  }
0x478: {  	v44 =	vld [tilespmem:s9+$0x90];
	v2 =	vmul.f32 v2, v1  }
0x479: {  	v43 =	vld [tilespmem:s9+$0xB0];
	s16 =	sadd.s32 $0xFFFFFFFF, s14;
	v3 =	vmul.f32 v3, v1  }
0x47a: {  	v45 =	vld [tilespmem:s9+$0xE0];
	v46 =	vmov s16;
	[tilespmem:s9+$0x80] =	vst v2;
	v2 =	vmul.f32 v40, v1  }
0x47b: {  	v5 =	vmul.f32 v41, v1;
	[tilespmem:s9+$0xA0] =	vst v3;
	v3 =	vand.u32 $0xFFFFFFFE, v46  }
0x47c: {  	v47 =	vmul.f32 v42, v1;
	[tilespmem:s9+$0xD0] =	vst v2;
	v2 =	vbroadcast v3, $0x0  }
0x47d: {  	v48 =	vmul.f32 v44, v1;
	[tilespmem:s9+$0xC0] =	vst v5  }
0x47e: {  	[tilespmem:s9+$0xF0] =	vst v47;
	v3 =	vmul.f32 v43, v1  }
0x47f: {  	[tilespmem:s9+$0x90] =	vst v48;
	v1 =	vmul.f32 v45, v1  }
0x480: {  	[tilespmem:s9+$0xB0] =	vst v3  }
0x481: {  	v3 =	vld [tilespmem:s9+$0x100];
	[tilespmem:s9+$0xE0] =	vst v1  }
0x482: {  	v1 =	vld.idx.msk [tilespmem:v2+s10+$0x0], $0xffff  }
0x483: {  	v2 =	vld [tilespmem:s9+$0x120]  }
0x484: {  	v49 =	vld [tilespmem:s9+$0x130]  }
0x485: {  	v50 =	vld [tilespmem:s9+$0x140]  }
0x486: {  	v52 =	vld [tilespmem:s9+$0x110]  }
0x487: {  	v53 =	vld [tilespmem:s9+$0x150];
	v3 =	vmul.f32 v3, v1  }
0x488: {  	v51 =	vld [tilespmem:s9+$0x160];
	v2 =	vmul.f32 v2, v1  }
0x489: {  	v54 =	vld [tilespmem:s9+$0x170];
	v4 =	vmul.f32 v49, v1;
	[tilespmem:s9+$0x100] =	vst v3  }
0x48a: {  	v3 =	vmul.f32 v50, v1;
	[tilespmem:s9+$0x120] =	vst v2  }
0x48b: {  	v55 =	vmul.f32 v52, v1;
	[tilespmem:s9+$0x130] =	vst v4  }
0x48c: {  	v56 =	vmul.f32 v53, v1;
	[tilespmem:s9+$0x140] =	vst v3;
	v3 =	vmov s14  }
0x48d: {  	v2 =	vmul.f32 v51, v1;
	[tilespmem:s9+$0x110] =	vst v55  }
0x48e: {  	v1 =	vmul.f32 v54, v1;
	[tilespmem:s9+$0x150] =	vst v56  }
0x48f: {  	[tilespmem:s9+$0x160] =	vst v2  }
0x490: {  	v2 =	vld [tilespmem:s9+$0x180];
	[tilespmem:s9+$0x170] =	vst v1  }
0x491: {  	v1 =	vld.idx.msk [tilespmem:v3+s10+$0x0], $0xffff  }
0x492: {  	v3 =	vld [tilespmem:s9+$0x190]  }
0x493: {  	v57 =	vld [tilespmem:s9+$0x1A0]  }
0x494: {  	v60 =	vld [tilespmem:s9+$0x1B0]  }
0x495: {  	v58 =	vld [tilespmem:s9+$0x1F0]  }
0x496: {  	v59 =	vld [tilespmem:s9+$0x1D0];
	v2 =	vmul.f32 v2, v1  }
0x497: {  	v61 =	vld [tilespmem:s9+$0x1E0];
	v3 =	vmul.f32 v3, v1  }
0x498: {  	v62 =	vld [tilespmem:s9+$0x1C0];
	v4 =	vmul.f32 v57, v1;
	[tilespmem:s9+$0x180] =	vst v2  }
0x499: {  	v63 =	vmul.f32 v60, v1;
	[tilespmem:s9+$0x190] =	vst v3  }
0x49a: {  	v2 =	vmul.f32 v58, v1;
	[tilespmem:s9+$0x1A0] =	vst v4  }
0x49b: {  	v3 =	vmul.f32 v59, v1;
	[tilespmem:s9+$0x1B0] =	vst v63  }
0x49c: {  	[tilespmem:s9+$0x1F0] =	vst v2;
	v2 =	vmul.f32 v61, v1  }
0x49d: {  	[tilespmem:s9+$0x1D0] =	vst v3;
	v1 =	vmul.f32 v62, v1  }
0x49e: {  	[tilespmem:s9+$0x1E0] =	vst v2  }
0x49f: {  	s17 =	sshll.u32 s23, $0x1;
	[tilespmem:s9+$0x1C0] =	vst v1  }
0x4a0: {  	s2 =	smin.u32 s17, $0xD;
	_ =	swait.ge [sflag:s12], $0x4000  }
0x4a1: {  	s2 =	sshll.u32 s2, $0x7;
	[sflag:s12] =	ssyncset.done $0x0  }
0x4a2: {  	s2 =	sadd.s32 $0x16B78, s2;
	[sflag:s12] =	ssyncadd.s32 $0xFFFFC000  }
0x4a3: {  	[tilespmem:s28], [sflag:$0x1] =	stream.indirect.gather [hbm4b:s1+s11], $0x80, s2, s11, $0xb8;
	[tilespmem:$0x1FD78] =	vst v63  }
0x4a4: {  	s18 =	sadd.s32 $0x16278, s15;
	s23 =	sadd.s32 $0x1, s23  }
0x4a5: {  	[spmem:s20] =	stream.indirect.scatter.add.f32 [tilespmem:s26], [sflag:$0x4], $0x80, s18, s11, $0xb8;
	[tilespmem:$0x1FD78] =	vst v63  }
0x4a6: {  	p1 =	sne.s32 s23, $0x8;
	_ =	swait.ge [sflag:s31], $0x4000  }
.Ltmp6:
0x4a7: {  	[sflag:s31] =	ssyncset.done $0x0;
	(pc) =	sbr.rel @p1 .LBB2_11-.Ltmp6, $4  }
0x4a8: {  	[sflag:s31] =	ssyncadd.s32 $0xFFFFC000  }
0x4a9: {  	_ =	swait.ge [sflag:s21], $0x4000  }
0x4aa: {  	[sflag:s21] =	ssyncset.done $0x0  }
0x4ab: {  	[sflag:s21] =	ssyncadd.s32 $0xFFFFC000  }
0x4ac: {  	s3 =	sadd.s32 $0x1, s24  }
0x4ad: {  	p1 =	sne.s32 s3, $0x5  }
.Ltmp7:
0x4ae: {  	_ = 	snop;
	(pc) =	sbr.rel @p1 .LBB2_8-.Ltmp7, $1  }
0x4af: {  	_ =	sdelay $0x3  }
0x4b0: {  	[bflag:$0x0] =	sbarrier.arrive $0xFFFF  }
0x4b1: {  	s16 =	sld [smem:$0x7FC]  }
0x4b2: {  	s9 =	sld [smem:$0x7F6];
	_ =	sdelay $0x1  }
0x4b3: {  	s3 =	simm.s32 @p0 $0x1FC5;
	s2 =	sshrl.u32 @p0 s16, $0x3  }
0x4b4: {  	[hbm:s9], [sflag:s3] =	dma.local @p0 [spmem:s2], $0x2080  }
0x4b5: {  	s2 =	simm.s32 @p0 $0x5  }
0x4b6: {  	_ =	swait.ge @p0 [sflag:s2], $0x2080  }
0x4b7: {  	s3 =	stileid.u32;
	s9 =	sld [smem:$0x7F4]  }
0x4b8: {  	s3 =	sshll.u32 @!p0 s3, $0x6;
	[sflag:s2] =	ssyncset.done @p0 $0x0;
	s15 =	rddreg [dreg:$0x1c]  }
0x4b9: {  	[sflag:s2] =	ssyncadd.s32 @p0 $0xFFFFDF80;
	s2 =	sor.u32 @!p0 $0x1C05, s3;
	s3 =	sshrl.u32 @!p0 s15, $0x3  }
0x4ba: {  	[hbm:s9], [sflag:s2] =	dma.local @!p0 [spmem:s3], $0x2780  }
0x4bb: {  	s2 =	simm.s32 @!p0 $0x5  }
0x4bc: {  	_ =	swait.ge @!p0 [sflag:s2], $0x2780  }
0x4bd: {  	s23 =	sld [smem:$0x7EF]  }
0x4be: {  	s24 =	sld [smem:$0x7F7];
	_ =	sdelay $0x1  }
0x4bf: {  	s9 =	sadd.s32 $0x1, s23  }
0x4c0: {  	p1 =	sne.s32 s9, s24  }
.Ltmp8:
0x4c1: {  	_ = 	snop;
	(pc) =	sbr.rel @p1 .LBB2_1-.Ltmp8, $3  }
0x4c2: {  	_ =	sdelay $0x1  }
0x4c3: {  	s18 =	simm.s32 $0x17878;
	s20 =	simm.s32 $0x178F8;
	[sflag:s2] =	ssyncset.done @!p0 $0x0  }
0x4c4: {  	[sflag:s2] =	ssyncadd.s32 @!p0 $0xFFFFD880;
	s23 =	simm.s32 $0x16978;
	s24 =	simm.s32 $0x168F8  }
0x4c5: {  	_ =	sfence.sel $0x180000  }
0x4c6: {  	[bflag:$0x0] =	sbarrier.arrive $0xFFFF  }
0x4c7: {  	_ =	strace $0x90000047  }
0x4c8: {  	s0 =	stileid.u32;
	[bflag:$0x2] =	sbarrier.arrive $0xFFFF  }
0x4c9: {  	p0 =	sne.s32 s0, $0x0;
	s0 =	rddreg [dreg:$0x5]  }
0x4ca: {  	s0 =	sadd.s32 @!p0 $0x100000, s0  }
0x4cb: {  	[sflag:s0] =	ssyncadd.tile.s32 @!p0 $0x1;
	_ =	shalt  }
.Lfunc_end2:
_tile_overlayer_lowered:
.L_overlay_start_2:
0x4cc: {  	(tag) =	ssettag $0x2  }
0x4cd: {  	s0 =	rddreg [dreg:$0x0];
	s2 =	stileid.u32  }
0x4ce: {  	s1 =	rddreg [dreg:$0x1];
	p0 =	sne.s32 s2, $0x0  }
0x4cf: {  	s3 =	rddreg [dreg:$0x2];
	[bflag:$0x3] =	sbarrier.arrive $0xFFFF;
	s2 =	simm.s32 @!p0 $0x1C05  }
0x4d0: {  	[timem:s3], [sflag:s2] =	dma.local @!p0 [hbm:s0], s1  }
0x4d1: {  	s0 =	simm.s32 @!p0 $0x5  }
0x4d2: {  	_ =	swait.ge @!p0 [sflag:s0], s1  }
0x4d3: {  	s1 =	ssub.s32 @!p0 $0x0, s1;
	[sflag:s0] =	ssyncset.done @!p0 $0x0  }
0x4d4: {  	[sflag:s0] =	ssyncadd.s32 @!p0 s1  }
0x4d5: {  	[bflag:$0x3] =	sbarrier.arrive $0xFFFF  }
0x4d6: {  	_ =	shalt  }

</sc_bundles>
